<compile_context>
chip_gen: v7x
topology: tpu7x:2x2x1
jax: 0.10.2.dev20260603
libtpu: 0.0.44.dev20260713+nightly
codegen_flags: <defaults>
</compile_context>

<pallas_src>
import functools

import jax
import jax.numpy as jnp
from jax import lax
from jax.experimental import pallas as pl
from jax.experimental.pallas import tpu as pltpu
from jax.experimental.pallas import tpu_sc as plsc

NV = 10000
NE = 10000
NNZ = 320000
C = 128
HC = C // 2

NC = 2
NS = 16
NW = NC * NS
P = NNZ // NS
K1 = 80
NCH1 = P // K1
NBUF1 = 5
K2 = 125
NCH2 = P // K2
NBUF2 = 5
RPT = NE // NS
CW = 16

@functools.cache
def _mesh():
    return plsc.VectorSubcoreMesh(
        core_axis_name="c", subcore_axis_name="s",
        num_cores=NC, num_subcores=NS)


def _zero_rows(ref):
    rows, cols = ref.shape
    zrow = jnp.zeros((16,), jnp.float32)
    def body(r, carry):
        for c in range(cols // 16):
            ref[r, pl.ds(c * 16, 16)] = zrow
        return carry
    lax.fori_loop(0, rows, body, 0)


def _stripe_chunks(k):
    full = [(i * k, k) for i in range(RPT // k)]
    if RPT % k:
        full.append(((RPT // k) * k, RPT % k))
    return full


def _zero_stripe(acc, base, rows_v):
    for off, ln in _stripe_chunks(rows_v.shape[0]):
        pltpu.sync_copy(rows_v.at[pl.ds(0, ln)], acc.at[pl.ds(base + off, ln)])


def _copy_out_stripe(acc, base, rows_v, out_ref):
    for off, ln in _stripe_chunks(rows_v.shape[0]):
        pltpu.sync_copy(acc.at[pl.ds(base + off, ln)], rows_v.at[pl.ds(0, ln)])
        pltpu.sync_copy(rows_v.at[pl.ds(0, ln)], out_ref.at[pl.ds(off, ln)])


def _gs_pipeline(nch, table_c, gidx_v, sidx_v, bufs, gsems, ssems, acc,
                 hist_fn=None):
    nbuf = len(bufs)
    ngrp = nch // nbuf
    for j in range(nbuf):
        pltpu.async_copy(table_c.at[gidx_v.at[j]], bufs[j], gsems[j])

    def body(i, carry):
        for j in range(nbuf):
            c = nbuf * i + j
            pltpu.make_async_copy(
                table_c.at[gidx_v.at[c]], bufs[j], gsems[j]).wait()
            pltpu.async_copy(bufs[j], acc.at[sidx_v.at[c]], ssems[j],
                             add=True)
            if hist_fn is not None:
                hist_fn(c)

        @pl.when(i < ngrp - 1)
        def _():
            for j in range(nbuf):
                c = nbuf * i + j
                pltpu.make_async_copy(
                    bufs[j], acc.at[sidx_v.at[c]], ssems[j]).wait()
                pltpu.async_copy(table_c.at[gidx_v.at[c + nbuf]],
                                 bufs[j], gsems[j])
        return carry
    lax.fori_loop(0, ngrp, body, 0)

    for j in range(nbuf):
        c = nch - nbuf + j
        pltpu.make_async_copy(bufs[j], acc.at[sidx_v.at[c]], ssems[j]).wait()


def _hist_update(hist, idx_v, i):
    for j in range(K1 // 16):
        ids = idx_v[i, pl.ds(j * 16, 16)]
        cnts, last = plsc.scan_count(ids)
        plsc.addupdate_scatter(hist.at[0], [ids], cnts, mask=last)


def _sc_gs_counts_body(table, gidx, sidx,
                       out_sum, out_cnt_s, out_cnt_g,
                       gidx_v, sidx_v, b0, b1, b2, b3, b4, hist,
                       g0, g1, g2, g3, g4, s0, s1, s2, s3, s4,
                       acc):
    cid = lax.axis_index("c")
    sid = lax.axis_index("s")
    bufs = (b0, b1, b2, b3, b4)
    gsems = (g0, g1, g2, g3, g4)
    ssems = (s0, s1, s2, s3, s4)

    _zero_rows(b0)
    _zero_stripe(acc, sid * RPT, b0)
    zero16 = jnp.zeros((16,), jnp.int32)
    def zh(i, carry):
        hist[0, pl.ds(i * 16, 16)] = zero16
        return carry
    lax.fori_loop(0, NE // 16, zh, 0)
    pltpu.sync_copy(gidx.at[sid], gidx_v)
    pltpu.sync_copy(sidx.at[sid], sidx_v)
    plsc.subcore_barrier()

    def hist_fn(i):
        @pl.when(cid == 0)
        def _():
            _hist_update(hist, sidx_v, i)

        @pl.when(cid == 1)
        def _():
            _hist_update(hist, gidx_v, i)

    _gs_pipeline(NCH1, table.at[cid], gidx_v, sidx_v, bufs, gsems, ssems,
                 acc, hist_fn)

    plsc.subcore_barrier()
    _copy_out_stripe(acc, sid * RPT, b0, out_sum.at[cid, sid])

    @pl.when(cid == 0)
    def _():
        pltpu.sync_copy(hist, out_cnt_s.at[sid])

    @pl.when(cid == 1)
    def _():
        pltpu.sync_copy(hist, out_cnt_g.at[sid])


@functools.cache
def _sc_gs_counts():
    return pl.kernel(
        _sc_gs_counts_body,
        out_type=(
        jax.ShapeDtypeStruct((NC, NS, RPT, HC), jnp.float32),
        jax.ShapeDtypeStruct((NS, 1, NE), jnp.int32),
        jax.ShapeDtypeStruct((NS, 1, NV), jnp.int32),
    ),
    mesh=_mesh(),
    compiler_params=pltpu.CompilerParams(
        use_tc_tiling_on_sc=False, needs_layout_passes=False),
    scratch_types=(
        [pltpu.VMEM((NCH1, K1), jnp.int32)] * 2
        + [pltpu.VMEM((K1, HC), jnp.float32)] * NBUF1
        + [pltpu.VMEM((1, NE), jnp.int32)]
        + [pltpu.SemaphoreType.DMA] * (2 * NBUF1)
        + [pltpu.VMEM_SHARED((NV, HC), jnp.float32)]
    ),
)


def _sc_gs_body(table, gidx, sidx,
                out_sum,
                gidx_v, sidx_v, b0, b1, b2, b3, b4,
                g0, g1, g2, g3, g4, s0, s1, s2, s3, s4,
                acc):
    cid = lax.axis_index("c")
    sid = lax.axis_index("s")
    bufs = (b0, b1, b2, b3, b4)
    gsems = (g0, g1, g2, g3, g4)
    ssems = (s0, s1, s2, s3, s4)

    _zero_rows(b0)
    _zero_stripe(acc, sid * RPT, b0)
    pltpu.sync_copy(gidx.at[sid], gidx_v)
    pltpu.sync_copy(sidx.at[sid], sidx_v)
    plsc.subcore_barrier()

    _gs_pipeline(NCH2, table.at[cid], gidx_v, sidx_v, bufs, gsems, ssems,
                 acc)

    plsc.subcore_barrier()
    _copy_out_stripe(acc, sid * RPT, b0, out_sum.at[cid, sid])


@functools.cache
def _sc_gs():
    return pl.kernel(
        _sc_gs_body,
        out_type=jax.ShapeDtypeStruct((NC, NS, RPT, HC), jnp.float32),
    mesh=_mesh(),
    compiler_params=pltpu.CompilerParams(
        use_tc_tiling_on_sc=False, needs_layout_passes=False),
    scratch_types=(
        [pltpu.VMEM((NCH2, K2), jnp.int32)] * 2
        + [pltpu.VMEM((K2, HC), jnp.float32)] * NBUF2
        + [pltpu.SemaphoreType.DMA] * (2 * NBUF2)
        + [pltpu.VMEM_SHARED((NV, HC), jnp.float32)]
    ),
)


_BR = 2000


def _tc_linear_body(x_ref, w_ref, b_ref, o_ref):
    o_ref[0] = (
        jnp.dot(x_ref[...], w_ref[0], preferred_element_type=jnp.float32)
        + b_ref[0])


def _tc_linear(x, ws, bs):
    n = x.shape[0]
    return pl.pallas_call(
        _tc_linear_body,
        grid=(n // _BR, NC),
        in_specs=[
            pl.BlockSpec((_BR, C), lambda i, j: (i, 0)),
            pl.BlockSpec((1, C, HC), lambda i, j: (j, 0, 0)),
            pl.BlockSpec((1, 1, HC), lambda i, j: (j, 0, 0)),
        ],
        out_specs=pl.BlockSpec((1, _BR, HC), lambda i, j: (j, i, 0)),
        out_shape=jax.ShapeDtypeStruct((NC, n, HC), jnp.float32),
    )(x, ws, bs)


def _tc_count_sum_body(ce_ref, cv_ref, oe_ref, ov_ref):
    for c_ref, o_ref in ((ce_ref, oe_ref), (cv_ref, ov_ref)):
        tot = jnp.sum(c_ref[:, 0, :].astype(jnp.float32), axis=0)
        rec = 1.0 / jnp.maximum(tot.reshape(1, NE), 1.0)
        o_ref[...] = jnp.broadcast_to(jnp.transpose(rec), (NE, C))


def _tc_count_sum(ce, cv):
    return pl.pallas_call(
        _tc_count_sum_body,
        out_shape=(
            jax.ShapeDtypeStruct((NE, C), jnp.float32),
            jax.ShapeDtypeStruct((NV, C), jnp.float32),
        ),
    )(ce, cv)


def _tc_mean_relu_linear_body(s_ref, c_ref, w_ref, b_ref, o_ref):
    y = jnp.concatenate([s_ref[0], s_ref[1]], axis=1) * c_ref[...]
    y = jnp.maximum(y, 0.0)
    z = (jnp.dot(y, w_ref[...], preferred_element_type=jnp.float32)
         + b_ref[...])
    o_ref[...] = jnp.stack([z[:, :HC], z[:, HC:]])


def _tc_mean_relu_linear(s, c, w, b2):
    n = s.shape[1]
    return pl.pallas_call(
        _tc_mean_relu_linear_body,
        grid=(n // _BR,),
        in_specs=[
            pl.BlockSpec((NC, _BR, HC), lambda i: (0, i, 0)),
            pl.BlockSpec((_BR, C), lambda i: (i, 0)),
            pl.BlockSpec((C, C), lambda i: (0, 0)),
            pl.BlockSpec((1, C), lambda i: (0, 0)),
        ],
        out_specs=pl.BlockSpec((NC, _BR, HC), lambda i: (0, i, 0)),
        out_shape=jax.ShapeDtypeStruct((NC, n, HC), jnp.float32),
    )(s, c, w, b2)


def _tc_mean_relu_body(s_ref, c_ref, o_ref):
    y = jnp.concatenate([s_ref[0], s_ref[1]], axis=1) * c_ref[...]
    o_ref[...] = jnp.maximum(y, 0.0)


def _tc_mean_relu(s, c):
    n = s.shape[1]
    return pl.pallas_call(
        _tc_mean_relu_body,
        grid=(n // _BR,),
        in_specs=[
            pl.BlockSpec((NC, _BR, HC), lambda i: (0, i, 0)),
            pl.BlockSpec((_BR, C), lambda i: (i, 0)),
        ],
        out_specs=pl.BlockSpec((_BR, C), lambda i: (i, 0)),
        out_shape=jax.ShapeDtypeStruct((n, C), jnp.float32),
    )(s, c)


def kernel(X, Wv, bv, We, be, edge_index):
    v_idx = edge_index[0].astype(jnp.int32)
    e_idx = edge_index[1].astype(jnp.int32)
    v3a = v_idx.reshape(NS, NCH1, K1)
    e3a = e_idx.reshape(NS, NCH1, K1)
    v3b = v_idx.reshape(NS, NCH2, K2)
    e3b = e_idx.reshape(NS, NCH2, K2)

    wv_s = Wv.T.reshape(C, NC, HC).transpose(1, 0, 2)
    bv_s = bv.reshape(1, NC, HC).transpose(1, 0, 2)
    we_s = We.T.reshape(C, NC, HC).transpose(1, 0, 2)
    be_s = be.reshape(1, NC, HC).transpose(1, 0, 2)

    Xp = _tc_linear(X, wv_s, bv_s)
    ysum, cnt_e_p, cnt_v_p = _sc_gs_counts()(Xp, v3a, e3a)
    cnt_e, cnt_v = _tc_count_sum(cnt_e_p, cnt_v_p)
    Yp = _tc_mean_relu_linear(ysum.reshape(NC, NE, HC), cnt_e,
                              We.T, be.reshape(1, C))
    xsum = _sc_gs()(Yp, e3b, v3b).reshape(NC, NV, HC)
    return _tc_mean_relu(xsum, cnt_v)

# --- scband reference (transcript-rebuilt; emitter-appended) ---
"""Pipeline reference for scband-hnhnconv-18348100288551 (READ-ONLY COPY).

The authoritative reference and input builder live on the scoring server;
editing this copy changes nothing except your own understanding.
"""

import jax, jax.numpy as jnp
import numpy as np

NV = 10000      # number of vertices
NE = 10000      # number of hyperedges
NNZ = 320000    # incidence pairs
C_IN = 128
C_OUT = 128


def setup_inputs(seed: int = 0) -> dict:
    key = jax.random.key(seed)
    k1, k2, k3, k4, k5, k6 = jax.random.split(key, 6)
    X = jax.random.normal(k1, (NV, C_IN), dtype=jnp.float32)
    # edge_index[0] = vertex ids, edge_index[1] = hyperedge ids (hypergraph incidence pairs)
    edge_index = jax.random.randint(k2, (2, NNZ), 0, NV)
    # learned parameters (torch nn.Linear convention: W [out, in], y = x @ W.T + b)
    Wv = jax.random.normal(k3, (C_OUT, C_IN), dtype=jnp.float32) * (1.0 / np.sqrt(C_IN))
    bv = jax.random.normal(k4, (C_OUT,), dtype=jnp.float32) * 0.01
    We = jax.random.normal(k5, (C_OUT, C_OUT), dtype=jnp.float32) * (1.0 / np.sqrt(C_OUT))
    be = jax.random.normal(k6, (C_OUT,), dtype=jnp.float32) * 0.01
    return {"X": X, "Wv": Wv, "bv": bv, "We": We, "be": be, "edge_index": edge_index}


def _segment_mean(vals, seg_ids, num_segments):
    s = jax.ops.segment_sum(vals, seg_ids, num_segments=num_segments)
    cnt = jax.ops.segment_sum(jnp.ones((vals.shape[0],), dtype=vals.dtype), seg_ids, num_segments=num_segments)
    cnt = jnp.clip(cnt, 1.0, None)
    return s / cnt[:, None]


def reference(X, Wv, bv, We, be, edge_index):
    v_idx = edge_index[0]
    e_idx = edge_index[1]
    # theta_v2e
    Xp = X @ Wv.T + bv
    # hg.v2e(Xp, aggr='mean'): gather vertex features per incidence, mean-reduce into hyperedges
    msg_v2e = jnp.take(Xp, v_idx, axis=0)
    Y = jax.nn.relu(_segment_mean(msg_v2e, e_idx, NE))
    # theta_e2v
    Yp = Y @ We.T + be
    # hg.e2v(Yp, aggr='mean'): gather hyperedge features per incidence, mean-reduce into vertices
    msg_e2v = jnp.take(Yp, e_idx, axis=0)
    Xout = _segment_mean(msg_e2v, v_idx, NV)
    # not is_last: final activation (use_bn=False, drop_rate=0.0 -> dropout is identity)
    Xout = jax.nn.relu(Xout)
    return Xout

if __name__ == "__main__":
    import jax
    _d = setup_inputs()
    print(jax.jit(kernel)(*tuple(_d.values())))

</pallas_src>

<mosaic_0001>
#map = affine_map<(d0, d1) -> (0, 0, 0)>
#map1 = affine_map<(d0, d1) -> (0, 0, 0, 0)>
module attributes {stable_mosaic.version = 14 : i64} {
  func.func @_sc_gs_counts_body(%arg0: i32, %arg1: i32, %arg2: memref<2x10000x64xf32, #tpu.memory_space<hbm>>, %arg3: memref<16x250x80xi32, #tpu.memory_space<hbm>>, %arg4: memref<16x250x80xi32, #tpu.memory_space<hbm>>, %arg5: memref<2x16x625x64xf32, #tpu.memory_space<hbm>>, %arg6: memref<16x1x10000xi32, #tpu.memory_space<hbm>>, %arg7: memref<16x1x10000xi32, #tpu.memory_space<hbm>>, %arg8: memref<250x80xi32, #tpu.memory_space<vmem>>, %arg9: memref<250x80xi32, #tpu.memory_space<vmem>>, %arg10: memref<80x64xf32, #tpu.memory_space<vmem>>, %arg11: memref<80x64xf32, #tpu.memory_space<vmem>>, %arg12: memref<80x64xf32, #tpu.memory_space<vmem>>, %arg13: memref<80x64xf32, #tpu.memory_space<vmem>>, %arg14: memref<80x64xf32, #tpu.memory_space<vmem>>, %arg15: memref<1x10000xi32, #tpu.memory_space<vmem>>, %arg16: memref<!tpu.dma_semaphore, #tpu.memory_space<semaphore_mem>>, %arg17: memref<!tpu.dma_semaphore, #tpu.memory_space<semaphore_mem>>, %arg18: memref<!tpu.dma_semaphore, #tpu.memory_space<semaphore_mem>>, %arg19: memref<!tpu.dma_semaphore, #tpu.memory_space<semaphore_mem>>, %arg20: memref<!tpu.dma_semaphore, #tpu.memory_space<semaphore_mem>>, %arg21: memref<!tpu.dma_semaphore, #tpu.memory_space<semaphore_mem>>, %arg22: memref<!tpu.dma_semaphore, #tpu.memory_space<semaphore_mem>>, %arg23: memref<!tpu.dma_semaphore, #tpu.memory_space<semaphore_mem>>, %arg24: memref<!tpu.dma_semaphore, #tpu.memory_space<semaphore_mem>>, %arg25: memref<!tpu.dma_semaphore, #tpu.memory_space<semaphore_mem>>, %arg26: memref<10000x64xf32, #tpu.memory_space<vmem_shared>>) attributes {dimension_semantics = [#tpu.dimension_semantics<core_parallel>, #tpu.dimension_semantics<subcore_parallel>], iteration_bounds = array<i64: 2, 16>, scalar_prefetch = 0 : i64, scratch_operands = 19 : i64, tpu.core_type = #tpu.core_type<sc_vector_subcore>, window_params = [{transform_indices = #map}, {transform_indices = #map}, {transform_indices = #map}, {transform_indices = #map1}, {transform_indices = #map}, {transform_indices = #map}]} {
    %broadcast_in_dim3A = arith.constant 0.000000e+00 : f32
    %broadcast_in_dim3A_0 = vector.broadcast %broadcast_in_dim3A : f32 to vector<16xf32>
    %scan3A = arith.constant 0 : i32
    %scan3A_1 = arith.constant 0 : i32
    %scan3A_2 = arith.constant 80 : i32
    %scan3A_3 = arith.addi %scan3A_1, %scan3A_2 : i32
    %scan3A_4 = arith.constant 1 : i32
    scf.for %scan3A_150 = %scan3A_1 to %scan3A_3 step %scan3A_4  : i32 {
      %swap3A = arith.index_cast %scan3A_150 : i32 to index
      %swap3A_151 = arith.constant 0 : index
      %swap3A_152 = tpu.vector_load %arg10[%swap3A, %swap3A_151] {strides = array<i32>} : memref<80x64xf32, #tpu.memory_space<vmem>>, vector<16xf32>,
      tpu.vector_store %arg10[%swap3A, %swap3A_151], %broadcast_in_dim3A_0 {strides = array<i32>} : memref<80x64xf32, #tpu.memory_space<vmem>>, vector<16xf32>,
      %swap3A_153 = arith.index_cast %scan3A_150 : i32 to index
      %swap3A_154 = arith.constant 16 : index
      %swap3A_155 = tpu.vector_load %arg10[%swap3A_153, %swap3A_154] {strides = array<i32>} : memref<80x64xf32, #tpu.memory_space<vmem>>, vector<16xf32>,
      tpu.vector_store %arg10[%swap3A_153, %swap3A_154], %broadcast_in_dim3A_0 {strides = array<i32>} : memref<80x64xf32, #tpu.memory_space<vmem>>, vector<16xf32>,
      %swap3A_156 = arith.index_cast %scan3A_150 : i32 to index
      %swap3A_157 = arith.constant 32 : index
      %swap3A_158 = tpu.vector_load %arg10[%swap3A_156, %swap3A_157] {strides = array<i32>} : memref<80x64xf32, #tpu.memory_space<vmem>>, vector<16xf32>,
      tpu.vector_store %arg10[%swap3A_156, %swap3A_157], %broadcast_in_dim3A_0 {strides = array<i32>} : memref<80x64xf32, #tpu.memory_space<vmem>>, vector<16xf32>,
      %swap3A_159 = arith.index_cast %scan3A_150 : i32 to index
      %swap3A_160 = arith.constant 48 : index
      %swap3A_161 = tpu.vector_load %arg10[%swap3A_159, %swap3A_160] {strides = array<i32>} : memref<80x64xf32, #tpu.memory_space<vmem>>, vector<16xf32>,
      tpu.vector_store %arg10[%swap3A_159, %swap3A_160], %broadcast_in_dim3A_0 {strides = array<i32>} : memref<80x64xf32, #tpu.memory_space<vmem>>, vector<16xf32>,
    }
    %scan3A_5 = arith.constant 80 : i32
    %mul3A = arith.constant 625 : i32
    %mul3A_6 = arith.muli %arg1, %mul3A : i32
    %add3A = arith.constant 0 : i32
    %add3A_7 = arith.addi %mul3A_6, %add3A : i32
    "tpu.region"() ({
      %run_scoped3A = tpu.sem_alloc : memref<!tpu.dma_semaphore, #tpu.memory_space<semaphore_mem>>
      %dma_start3A_150 = arith.constant 0 : i32
      %dma_start3A_151 = arith.constant 0 : i32
      %dma_start3A_152 = tpu.memref_slice %arg10[%dma_start3A_150, %dma_start3A_151] : memref<80x64xf32, #tpu.memory_space<vmem>> -> memref<80x64xf32, #tpu.memory_space<vmem>>
      %dma_start3A_153 = arith.constant 0 : i32
      %dma_start3A_154 = tpu.memref_slice %arg26[%add3A_7, %dma_start3A_153] : memref<10000x64xf32, #tpu.memory_space<vmem_shared>> -> memref<80x64xf32, #tpu.memory_space<vmem_shared>>
      %dma_start3A_155 = arith.constant 0 : i32
      %dma_start3A_156 = tpu.memref_slice %arg26[%add3A_7, %dma_start3A_155] : memref<10000x64xf32, #tpu.memory_space<vmem_shared>> -> memref<80x64xf32, #tpu.memory_space<vmem_shared>>
      %dma_start3A_157 = arith.constant 0 : i32
      %dma_start3A_158 = arith.constant 0 : i32
      %dma_start3A_159 = tpu.memref_slice %arg10[%dma_start3A_157, %dma_start3A_158] : memref<80x64xf32, #tpu.memory_space<vmem>> -> memref<80x64xf32, #tpu.memory_space<vmem>>
      tpu.enqueue_dma source(%dma_start3A_159 : memref<80x64xf32, #tpu.memory_space<vmem>>) target(%dma_start3A_156 : memref<80x64xf32, #tpu.memory_space<vmem_shared>>) target_semaphore(%run_scoped3A : memref<!tpu.dma_semaphore, #tpu.memory_space<semaphore_mem>>)
      %dma_wait3A_160 = arith.constant 0 : i32
      %dma_wait3A_161 = arith.constant 0 : i32
      %dma_wait3A_162 = tpu.memref_slice %arg10[%dma_wait3A_160, %dma_wait3A_161] : memref<80x64xf32, #tpu.memory_space<vmem>> -> memref<80x64xf32, #tpu.memory_space<vmem>>
      %dma_wait3A_163 = arith.constant 0 : i32
      %dma_wait3A_164 = tpu.memref_slice %arg26[%add3A_7, %dma_wait3A_163] : memref<10000x64xf32, #tpu.memory_space<vmem_shared>> -> memref<80x64xf32, #tpu.memory_space<vmem_shared>>
      %dma_wait3A_165 = arith.constant 0 : i32
      %dma_wait3A_166 = tpu.memref_slice %arg26[%add3A_7, %dma_wait3A_165] : memref<10000x64xf32, #tpu.memory_space<vmem_shared>> -> memref<80x64xf32, #tpu.memory_space<vmem_shared>>
      %dma_wait3A_167 = arith.constant 0 : i32
      %dma_wait3A_168 = arith.constant 0 : i32
      %dma_wait3A_169 = tpu.memref_slice %arg10[%dma_wait3A_167, %dma_wait3A_168] : memref<80x64xf32, #tpu.memory_space<vmem>> -> memref<80x64xf32, #tpu.memory_space<vmem>>
      tpu.wait_dma2 semaphore(%run_scoped3A : memref<!tpu.dma_semaphore, #tpu.memory_space<semaphore_mem>>) src(%dma_wait3A_169 : memref<80x64xf32, #tpu.memory_space<vmem>>) dst(%dma_wait3A_166 : memref<80x64xf32, #tpu.memory_space<vmem_shared>>)
      tpu.yield
    }) : () -> ()
    %add3A_8 = arith.constant 80 : i32
    %add3A_9 = arith.addi %mul3A_6, %add3A_8 : i32
    "tpu.region"() ({
      %run_scoped3A = tpu.sem_alloc : memref<!tpu.dma_semaphore, #tpu.memory_space<semaphore_mem>>
      %dma_start3A_150 = arith.constant 0 : i32
      %dma_start3A_151 = arith.constant 0 : i32
      %dma_start3A_152 = tpu.memref_slice %arg10[%dma_start3A_150, %dma_start3A_151] : memref<80x64xf32, #tpu.memory_space<vmem>> -> memref<80x64xf32, #tpu.memory_space<vmem>>
      %dma_start3A_153 = arith.constant 0 : i32
      %dma_start3A_154 = tpu.memref_slice %arg26[%add3A_9, %dma_start3A_153] : memref<10000x64xf32, #tpu.memory_space<vmem_shared>> -> memref<80x64xf32, #tpu.memory_space<vmem_shared>>
      %dma_start3A_155 = arith.constant 0 : i32
      %dma_start3A_156 = tpu.memref_slice %arg26[%add3A_9, %dma_start3A_155] : memref<10000x64xf32, #tpu.memory_space<vmem_shared>> -> memref<80x64xf32, #tpu.memory_space<vmem_shared>>
      %dma_start3A_157 = arith.constant 0 : i32
      %dma_start3A_158 = arith.constant 0 : i32
      %dma_start3A_159 = tpu.memref_slice %arg10[%dma_start3A_157, %dma_start3A_158] : memref<80x64xf32, #tpu.memory_space<vmem>> -> memref<80x64xf32, #tpu.memory_space<vmem>>
      tpu.enqueue_dma source(%dma_start3A_159 : memref<80x64xf32, #tpu.memory_space<vmem>>) target(%dma_start3A_156 : memref<80x64xf32, #tpu.memory_space<vmem_shared>>) target_semaphore(%run_scoped3A : memref<!tpu.dma_semaphore, #tpu.memory_space<semaphore_mem>>)
      %dma_wait3A_160 = arith.constant 0 : i32
      %dma_wait3A_161 = arith.constant 0 : i32
      %dma_wait3A_162 = tpu.memref_slice %arg10[%dma_wait3A_160, %dma_wait3A_161] : memref<80x64xf32, #tpu.memory_space<vmem>> -> memref<80x64xf32, #tpu.memory_space<vmem>>
      %dma_wait3A_163 = arith.constant 0 : i32
      %dma_wait3A_164 = tpu.memref_slice %arg26[%add3A_9, %dma_wait3A_163] : memref<10000x64xf32, #tpu.memory_space<vmem_shared>> -> memref<80x64xf32, #tpu.memory_space<vmem_shared>>
      %dma_wait3A_165 = arith.constant 0 : i32
      %dma_wait3A_166 = tpu.memref_slice %arg26[%add3A_9, %dma_wait3A_165] : memref<10000x64xf32, #tpu.memory_space<vmem_shared>> -> memref<80x64xf32, #tpu.memory_space<vmem_shared>>
      %dma_wait3A_167 = arith.constant 0 : i32
      %dma_wait3A_168 = arith.constant 0 : i32
      %dma_wait3A_169 = tpu.memref_slice %arg10[%dma_wait3A_167, %dma_wait3A_168] : memref<80x64xf32, #tpu.memory_space<vmem>> -> memref<80x64xf32, #tpu.memory_space<vmem>>
      tpu.wait_dma2 semaphore(%run_scoped3A : memref<!tpu.dma_semaphore, #tpu.memory_space<semaphore_mem>>) src(%dma_wait3A_169 : memref<80x64xf32, #tpu.memory_space<vmem>>) dst(%dma_wait3A_166 : memref<80x64xf32, #tpu.memory_space<vmem_shared>>)
      tpu.yield
    }) : () -> ()
    %add3A_10 = arith.constant 160 : i32
    %add3A_11 = arith.addi %mul3A_6, %add3A_10 : i32
    "tpu.region"() ({
      %run_scoped3A = tpu.sem_alloc : memref<!tpu.dma_semaphore, #tpu.memory_space<semaphore_mem>>
      %dma_start3A_150 = arith.constant 0 : i32
      %dma_start3A_151 = arith.constant 0 : i32
      %dma_start3A_152 = tpu.memref_slice %arg10[%dma_start3A_150, %dma_start3A_151] : memref<80x64xf32, #tpu.memory_space<vmem>> -> memref<80x64xf32, #tpu.memory_space<vmem>>
      %dma_start3A_153 = arith.constant 0 : i32
      %dma_start3A_154 = tpu.memref_slice %arg26[%add3A_11, %dma_start3A_153] : memref<10000x64xf32, #tpu.memory_space<vmem_shared>> -> memref<80x64xf32, #tpu.memory_space<vmem_shared>>
      %dma_start3A_155 = arith.constant 0 : i32
      %dma_start3A_156 = tpu.memref_slice %arg26[%add3A_11, %dma_start3A_155] : memref<10000x64xf32, #tpu.memory_space<vmem_shared>> -> memref<80x64xf32, #tpu.memory_space<vmem_shared>>
      %dma_start3A_157 = arith.constant 0 : i32
      %dma_start3A_158 = arith.constant 0 : i32
      %dma_start3A_159 = tpu.memref_slice %arg10[%dma_start3A_157, %dma_start3A_158] : memref<80x64xf32, #tpu.memory_space<vmem>> -> memref<80x64xf32, #tpu.memory_space<vmem>>
      tpu.enqueue_dma source(%dma_start3A_159 : memref<80x64xf32, #tpu.memory_space<vmem>>) target(%dma_start3A_156 : memref<80x64xf32, #tpu.memory_space<vmem_shared>>) target_semaphore(%run_scoped3A : memref<!tpu.dma_semaphore, #tpu.memory_space<semaphore_mem>>)
      %dma_wait3A_160 = arith.constant 0 : i32
      %dma_wait3A_161 = arith.constant 0 : i32
      %dma_wait3A_162 = tpu.memref_slice %arg10[%dma_wait3A_160, %dma_wait3A_161] : memref<80x64xf32, #tpu.memory_space<vmem>> -> memref<80x64xf32, #tpu.memory_space<vmem>>
      %dma_wait3A_163 = arith.constant 0 : i32
      %dma_wait3A_164 = tpu.memref_slice %arg26[%add3A_11, %dma_wait3A_163] : memref<10000x64xf32, #tpu.memory_space<vmem_shared>> -> memref<80x64xf32, #tpu.memory_space<vmem_shared>>
      %dma_wait3A_165 = arith.constant 0 : i32
      %dma_wait3A_166 = tpu.memref_slice %arg26[%add3A_11, %dma_wait3A_165] : memref<10000x64xf32, #tpu.memory_space<vmem_shared>> -> memref<80x64xf32, #tpu.memory_space<vmem_shared>>
      %dma_wait3A_167 = arith.constant 0 : i32
      %dma_wait3A_168 = arith.constant 0 : i32
      %dma_wait3A_169 = tpu.memref_slice %arg10[%dma_wait3A_167, %dma_wait3A_168] : memref<80x64xf32, #tpu.memory_space<vmem>> -> memref<80x64xf32, #tpu.memory_space<vmem>>
      tpu.wait_dma2 semaphore(%run_scoped3A : memref<!tpu.dma_semaphore, #tpu.memory_space<semaphore_mem>>) src(%dma_wait3A_169 : memref<80x64xf32, #tpu.memory_space<vmem>>) dst(%dma_wait3A_166 : memref<80x64xf32, #tpu.memory_space<vmem_shared>>)
      tpu.yield
    }) : () -> ()
    %add3A_12 = arith.constant 240 : i32
    %add3A_13 = arith.addi %mul3A_6, %add3A_12 : i32
    "tpu.region"() ({
      %run_scoped3A = tpu.sem_alloc : memref<!tpu.dma_semaphore, #tpu.memory_space<semaphore_mem>>
      %dma_start3A_150 = arith.constant 0 : i32
      %dma_start3A_151 = arith.constant 0 : i32
      %dma_start3A_152 = tpu.memref_slice %arg10[%dma_start3A_150, %dma_start3A_151] : memref<80x64xf32, #tpu.memory_space<vmem>> -> memref<80x64xf32, #tpu.memory_space<vmem>>
      %dma_start3A_153 = arith.constant 0 : i32
      %dma_start3A_154 = tpu.memref_slice %arg26[%add3A_13, %dma_start3A_153] : memref<10000x64xf32, #tpu.memory_space<vmem_shared>> -> memref<80x64xf32, #tpu.memory_space<vmem_shared>>
      %dma_start3A_155 = arith.constant 0 : i32
      %dma_start3A_156 = tpu.memref_slice %arg26[%add3A_13, %dma_start3A_155] : memref<10000x64xf32, #tpu.memory_space<vmem_shared>> -> memref<80x64xf32, #tpu.memory_space<vmem_shared>>
      %dma_start3A_157 = arith.constant 0 : i32
      %dma_start3A_158 = arith.constant 0 : i32
      %dma_start3A_159 = tpu.memref_slice %arg10[%dma_start3A_157, %dma_start3A_158] : memref<80x64xf32, #tpu.memory_space<vmem>> -> memref<80x64xf32, #tpu.memory_space<vmem>>
      tpu.enqueue_dma source(%dma_start3A_159 : memref<80x64xf32, #tpu.memory_space<vmem>>) target(%dma_start3A_156 : memref<80x64xf32, #tpu.memory_space<vmem_shared>>) target_semaphore(%run_scoped3A : memref<!tpu.dma_semaphore, #tpu.memory_space<semaphore_mem>>)
      %dma_wait3A_160 = arith.constant 0 : i32
      %dma_wait3A_161 = arith.constant 0 : i32
      %dma_wait3A_162 = tpu.memref_slice %arg10[%dma_wait3A_160, %dma_wait3A_161] : memref<80x64xf32, #tpu.memory_space<vmem>> -> memref<80x64xf32, #tpu.memory_space<vmem>>
      %dma_wait3A_163 = arith.constant 0 : i32
      %dma_wait3A_164 = tpu.memref_slice %arg26[%add3A_13, %dma_wait3A_163] : memref<10000x64xf32, #tpu.memory_space<vmem_shared>> -> memref<80x64xf32, #tpu.memory_space<vmem_shared>>
      %dma_wait3A_165 = arith.constant 0 : i32
      %dma_wait3A_166 = tpu.memref_slice %arg26[%add3A_13, %dma_wait3A_165] : memref<10000x64xf32, #tpu.memory_space<vmem_shared>> -> memref<80x64xf32, #tpu.memory_space<vmem_shared>>
      %dma_wait3A_167 = arith.constant 0 : i32
      %dma_wait3A_168 = arith.constant 0 : i32
      %dma_wait3A_169 = tpu.memref_slice %arg10[%dma_wait3A_167, %dma_wait3A_168] : memref<80x64xf32, #tpu.memory_space<vmem>> -> memref<80x64xf32, #tpu.memory_space<vmem>>
      tpu.wait_dma2 semaphore(%run_scoped3A : memref<!tpu.dma_semaphore, #tpu.memory_space<semaphore_mem>>) src(%dma_wait3A_169 : memref<80x64xf32, #tpu.memory_space<vmem>>) dst(%dma_wait3A_166 : memref<80x64xf32, #tpu.memory_space<vmem_shared>>)
      tpu.yield
    }) : () -> ()
    %add3A_14 = arith.constant 320 : i32
    %add3A_15 = arith.addi %mul3A_6, %add3A_14 : i32
    "tpu.region"() ({
      %run_scoped3A = tpu.sem_alloc : memref<!tpu.dma_semaphore, #tpu.memory_space<semaphore_mem>>
      %dma_start3A_150 = arith.constant 0 : i32
      %dma_start3A_151 = arith.constant 0 : i32
      %dma_start3A_152 = tpu.memref_slice %arg10[%dma_start3A_150, %dma_start3A_151] : memref<80x64xf32, #tpu.memory_space<vmem>> -> memref<80x64xf32, #tpu.memory_space<vmem>>
      %dma_start3A_153 = arith.constant 0 : i32
      %dma_start3A_154 = tpu.memref_slice %arg26[%add3A_15, %dma_start3A_153] : memref<10000x64xf32, #tpu.memory_space<vmem_shared>> -> memref<80x64xf32, #tpu.memory_space<vmem_shared>>
      %dma_start3A_155 = arith.constant 0 : i32
      %dma_start3A_156 = tpu.memref_slice %arg26[%add3A_15, %dma_start3A_155] : memref<10000x64xf32, #tpu.memory_space<vmem_shared>> -> memref<80x64xf32, #tpu.memory_space<vmem_shared>>
      %dma_start3A_157 = arith.constant 0 : i32
      %dma_start3A_158 = arith.constant 0 : i32
      %dma_start3A_159 = tpu.memref_slice %arg10[%dma_start3A_157, %dma_start3A_158] : memref<80x64xf32, #tpu.memory_space<vmem>> -> memref<80x64xf32, #tpu.memory_space<vmem>>
      tpu.enqueue_dma source(%dma_start3A_159 : memref<80x64xf32, #tpu.memory_space<vmem>>) target(%dma_start3A_156 : memref<80x64xf32, #tpu.memory_space<vmem_shared>>) target_semaphore(%run_scoped3A : memref<!tpu.dma_semaphore, #tpu.memory_space<semaphore_mem>>)
      %dma_wait3A_160 = arith.constant 0 : i32
      %dma_wait3A_161 = arith.constant 0 : i32
      %dma_wait3A_162 = tpu.memref_slice %arg10[%dma_wait3A_160, %dma_wait3A_161] : memref<80x64xf32, #tpu.memory_space<vmem>> -> memref<80x64xf32, #tpu.memory_space<vmem>>
      %dma_wait3A_163 = arith.constant 0 : i32
      %dma_wait3A_164 = tpu.memref_slice %arg26[%add3A_15, %dma_wait3A_163] : memref<10000x64xf32, #tpu.memory_space<vmem_shared>> -> memref<80x64xf32, #tpu.memory_space<vmem_shared>>
      %dma_wait3A_165 = arith.constant 0 : i32
      %dma_wait3A_166 = tpu.memref_slice %arg26[%add3A_15, %dma_wait3A_165] : memref<10000x64xf32, #tpu.memory_space<vmem_shared>> -> memref<80x64xf32, #tpu.memory_space<vmem_shared>>
      %dma_wait3A_167 = arith.constant 0 : i32
      %dma_wait3A_168 = arith.constant 0 : i32
      %dma_wait3A_169 = tpu.memref_slice %arg10[%dma_wait3A_167, %dma_wait3A_168] : memref<80x64xf32, #tpu.memory_space<vmem>> -> memref<80x64xf32, #tpu.memory_space<vmem>>
      tpu.wait_dma2 semaphore(%run_scoped3A : memref<!tpu.dma_semaphore, #tpu.memory_space<semaphore_mem>>) src(%dma_wait3A_169 : memref<80x64xf32, #tpu.memory_space<vmem>>) dst(%dma_wait3A_166 : memref<80x64xf32, #tpu.memory_space<vmem_shared>>)
      tpu.yield
    }) : () -> ()
    %add3A_16 = arith.constant 400 : i32
    %add3A_17 = arith.addi %mul3A_6, %add3A_16 : i32
    "tpu.region"() ({
      %run_scoped3A = tpu.sem_alloc : memref<!tpu.dma_semaphore, #tpu.memory_space<semaphore_mem>>
      %dma_start3A_150 = arith.constant 0 : i32
      %dma_start3A_151 = arith.constant 0 : i32
      %dma_start3A_152 = tpu.memref_slice %arg10[%dma_start3A_150, %dma_start3A_151] : memref<80x64xf32, #tpu.memory_space<vmem>> -> memref<80x64xf32, #tpu.memory_space<vmem>>
      %dma_start3A_153 = arith.constant 0 : i32
      %dma_start3A_154 = tpu.memref_slice %arg26[%add3A_17, %dma_start3A_153] : memref<10000x64xf32, #tpu.memory_space<vmem_shared>> -> memref<80x64xf32, #tpu.memory_space<vmem_shared>>
      %dma_start3A_155 = arith.constant 0 : i32
      %dma_start3A_156 = tpu.memref_slice %arg26[%add3A_17, %dma_start3A_155] : memref<10000x64xf32, #tpu.memory_space<vmem_shared>> -> memref<80x64xf32, #tpu.memory_space<vmem_shared>>
      %dma_start3A_157 = arith.constant 0 : i32
      %dma_start3A_158 = arith.constant 0 : i32
      %dma_start3A_159 = tpu.memref_slice %arg10[%dma_start3A_157, %dma_start3A_158] : memref<80x64xf32, #tpu.memory_space<vmem>> -> memref<80x64xf32, #tpu.memory_space<vmem>>
      tpu.enqueue_dma source(%dma_start3A_159 : memref<80x64xf32, #tpu.memory_space<vmem>>) target(%dma_start3A_156 : memref<80x64xf32, #tpu.memory_space<vmem_shared>>) target_semaphore(%run_scoped3A : memref<!tpu.dma_semaphore, #tpu.memory_space<semaphore_mem>>)
      %dma_wait3A_160 = arith.constant 0 : i32
      %dma_wait3A_161 = arith.constant 0 : i32
      %dma_wait3A_162 = tpu.memref_slice %arg10[%dma_wait3A_160, %dma_wait3A_161] : memref<80x64xf32, #tpu.memory_space<vmem>> -> memref<80x64xf32, #tpu.memory_space<vmem>>
      %dma_wait3A_163 = arith.constant 0 : i32
      %dma_wait3A_164 = tpu.memref_slice %arg26[%add3A_17, %dma_wait3A_163] : memref<10000x64xf32, #tpu.memory_space<vmem_shared>> -> memref<80x64xf32, #tpu.memory_space<vmem_shared>>
      %dma_wait3A_165 = arith.constant 0 : i32
      %dma_wait3A_166 = tpu.memref_slice %arg26[%add3A_17, %dma_wait3A_165] : memref<10000x64xf32, #tpu.memory_space<vmem_shared>> -> memref<80x64xf32, #tpu.memory_space<vmem_shared>>
      %dma_wait3A_167 = arith.constant 0 : i32
      %dma_wait3A_168 = arith.constant 0 : i32
      %dma_wait3A_169 = tpu.memref_slice %arg10[%dma_wait3A_167, %dma_wait3A_168] : memref<80x64xf32, #tpu.memory_space<vmem>> -> memref<80x64xf32, #tpu.memory_space<vmem>>
      tpu.wait_dma2 semaphore(%run_scoped3A : memref<!tpu.dma_semaphore, #tpu.memory_space<semaphore_mem>>) src(%dma_wait3A_169 : memref<80x64xf32, #tpu.memory_space<vmem>>) dst(%dma_wait3A_166 : memref<80x64xf32, #tpu.memory_space<vmem_shared>>)
      tpu.yield
    }) : () -> ()
    %add3A_18 = arith.constant 480 : i32
    %add3A_19 = arith.addi %mul3A_6, %add3A_18 : i32
    "tpu.region"() ({
      %run_scoped3A = tpu.sem_alloc : memref<!tpu.dma_semaphore, #tpu.memory_space<semaphore_mem>>
      %dma_start3A_150 = arith.constant 0 : i32
      %dma_start3A_151 = arith.constant 0 : i32
      %dma_start3A_152 = tpu.memref_slice %arg10[%dma_start3A_150, %dma_start3A_151] : memref<80x64xf32, #tpu.memory_space<vmem>> -> memref<80x64xf32, #tpu.memory_space<vmem>>
      %dma_start3A_153 = arith.constant 0 : i32
      %dma_start3A_154 = tpu.memref_slice %arg26[%add3A_19, %dma_start3A_153] : memref<10000x64xf32, #tpu.memory_space<vmem_shared>> -> memref<80x64xf32, #tpu.memory_space<vmem_shared>>
      %dma_start3A_155 = arith.constant 0 : i32
      %dma_start3A_156 = tpu.memref_slice %arg26[%add3A_19, %dma_start3A_155] : memref<10000x64xf32, #tpu.memory_space<vmem_shared>> -> memref<80x64xf32, #tpu.memory_space<vmem_shared>>
      %dma_start3A_157 = arith.constant 0 : i32
      %dma_start3A_158 = arith.constant 0 : i32
      %dma_start3A_159 = tpu.memref_slice %arg10[%dma_start3A_157, %dma_start3A_158] : memref<80x64xf32, #tpu.memory_space<vmem>> -> memref<80x64xf32, #tpu.memory_space<vmem>>
      tpu.enqueue_dma source(%dma_start3A_159 : memref<80x64xf32, #tpu.memory_space<vmem>>) target(%dma_start3A_156 : memref<80x64xf32, #tpu.memory_space<vmem_shared>>) target_semaphore(%run_scoped3A : memref<!tpu.dma_semaphore, #tpu.memory_space<semaphore_mem>>)
      %dma_wait3A_160 = arith.constant 0 : i32
      %dma_wait3A_161 = arith.constant 0 : i32
      %dma_wait3A_162 = tpu.memref_slice %arg10[%dma_wait3A_160, %dma_wait3A_161] : memref<80x64xf32, #tpu.memory_space<vmem>> -> memref<80x64xf32, #tpu.memory_space<vmem>>
      %dma_wait3A_163 = arith.constant 0 : i32
      %dma_wait3A_164 = tpu.memref_slice %arg26[%add3A_19, %dma_wait3A_163] : memref<10000x64xf32, #tpu.memory_space<vmem_shared>> -> memref<80x64xf32, #tpu.memory_space<vmem_shared>>
      %dma_wait3A_165 = arith.constant 0 : i32
      %dma_wait3A_166 = tpu.memref_slice %arg26[%add3A_19, %dma_wait3A_165] : memref<10000x64xf32, #tpu.memory_space<vmem_shared>> -> memref<80x64xf32, #tpu.memory_space<vmem_shared>>
      %dma_wait3A_167 = arith.constant 0 : i32
      %dma_wait3A_168 = arith.constant 0 : i32
      %dma_wait3A_169 = tpu.memref_slice %arg10[%dma_wait3A_167, %dma_wait3A_168] : memref<80x64xf32, #tpu.memory_space<vmem>> -> memref<80x64xf32, #tpu.memory_space<vmem>>
      tpu.wait_dma2 semaphore(%run_scoped3A : memref<!tpu.dma_semaphore, #tpu.memory_space<semaphore_mem>>) src(%dma_wait3A_169 : memref<80x64xf32, #tpu.memory_space<vmem>>) dst(%dma_wait3A_166 : memref<80x64xf32, #tpu.memory_space<vmem_shared>>)
      tpu.yield
    }) : () -> ()
    %add3A_20 = arith.constant 560 : i32
    %add3A_21 = arith.addi %mul3A_6, %add3A_20 : i32
    "tpu.region"() ({
      %run_scoped3A = tpu.sem_alloc : memref<!tpu.dma_semaphore, #tpu.memory_space<semaphore_mem>>
      %dma_start3A_150 = arith.constant 0 : i32
      %dma_start3A_151 = arith.constant 0 : i32
      %dma_start3A_152 = tpu.memref_slice %arg10[%dma_start3A_150, %dma_start3A_151] : memref<80x64xf32, #tpu.memory_space<vmem>> -> memref<65x64xf32, #tpu.memory_space<vmem>>
      %dma_start3A_153 = arith.constant 0 : i32
      %dma_start3A_154 = tpu.memref_slice %arg26[%add3A_21, %dma_start3A_153] : memref<10000x64xf32, #tpu.memory_space<vmem_shared>> -> memref<65x64xf32, #tpu.memory_space<vmem_shared>>
      %dma_start3A_155 = arith.constant 0 : i32
      %dma_start3A_156 = tpu.memref_slice %arg26[%add3A_21, %dma_start3A_155] : memref<10000x64xf32, #tpu.memory_space<vmem_shared>> -> memref<65x64xf32, #tpu.memory_space<vmem_shared>>
      %dma_start3A_157 = arith.constant 0 : i32
      %dma_start3A_158 = arith.constant 0 : i32
      %dma_start3A_159 = tpu.memref_slice %arg10[%dma_start3A_157, %dma_start3A_158] : memref<80x64xf32, #tpu.memory_space<vmem>> -> memref<65x64xf32, #tpu.memory_space<vmem>>
      tpu.enqueue_dma source(%dma_start3A_159 : memref<65x64xf32, #tpu.memory_space<vmem>>) target(%dma_start3A_156 : memref<65x64xf32, #tpu.memory_space<vmem_shared>>) target_semaphore(%run_scoped3A : memref<!tpu.dma_semaphore, #tpu.memory_space<semaphore_mem>>)
      %dma_wait3A_160 = arith.constant 0 : i32
      %dma_wait3A_161 = arith.constant 0 : i32
      %dma_wait3A_162 = tpu.memref_slice %arg10[%dma_wait3A_160, %dma_wait3A_161] : memref<80x64xf32, #tpu.memory_space<vmem>> -> memref<65x64xf32, #tpu.memory_space<vmem>>
      %dma_wait3A_163 = arith.constant 0 : i32
      %dma_wait3A_164 = tpu.memref_slice %arg26[%add3A_21, %dma_wait3A_163] : memref<10000x64xf32, #tpu.memory_space<vmem_shared>> -> memref<65x64xf32, #tpu.memory_space<vmem_shared>>
      %dma_wait3A_165 = arith.constant 0 : i32
      %dma_wait3A_166 = tpu.memref_slice %arg26[%add3A_21, %dma_wait3A_165] : memref<10000x64xf32, #tpu.memory_space<vmem_shared>> -> memref<65x64xf32, #tpu.memory_space<vmem_shared>>
      %dma_wait3A_167 = arith.constant 0 : i32
      %dma_wait3A_168 = arith.constant 0 : i32
      %dma_wait3A_169 = tpu.memref_slice %arg10[%dma_wait3A_167, %dma_wait3A_168] : memref<80x64xf32, #tpu.memory_space<vmem>> -> memref<65x64xf32, #tpu.memory_space<vmem>>
      tpu.wait_dma2 semaphore(%run_scoped3A : memref<!tpu.dma_semaphore, #tpu.memory_space<semaphore_mem>>) src(%dma_wait3A_169 : memref<65x64xf32, #tpu.memory_space<vmem>>) dst(%dma_wait3A_166 : memref<65x64xf32, #tpu.memory_space<vmem_shared>>)
      tpu.yield
    }) : () -> ()
    %broadcast_in_dim3A_22 = arith.constant 0 : i32
    %broadcast_in_dim3A_23 = vector.broadcast %broadcast_in_dim3A_22 : i32 to vector<16xi32>
    %scan3A_24 = arith.constant 0 : i32
    %scan3A_25 = arith.constant 0 : i32
    %scan3A_26 = arith.constant 625 : i32
    %scan3A_27 = arith.addi %scan3A_25, %scan3A_26 : i32
    %scan3A_28 = arith.constant 1 : i32
    scf.for %scan3A_150 = %scan3A_25 to %scan3A_27 step %scan3A_28  : i32 {
      %mul3A_151 = arith.constant 16 : i32
      %mul3A_152 = arith.muli %scan3A_150, %mul3A_151 : i32
      %swap3A = arith.constant 0 : i32
      %swap3A_153 = arith.index_cast %swap3A : i32 to index
      %swap3A_154 = arith.index_cast %mul3A_152 : i32 to index
      %swap3A_155 = tpu.vector_load %arg15[%swap3A_153, %swap3A_154] {strides = array<i32>} : memref<1x10000xi32, #tpu.memory_space<vmem>>, vector<16xi32>,
      tpu.vector_store %arg15[%swap3A_153, %swap3A_154], %broadcast_in_dim3A_23 {strides = array<i32>} : memref<1x10000xi32, #tpu.memory_space<vmem>>, vector<16xi32>,
    }
    %scan3A_29 = arith.constant 625 : i32
    "tpu.region"() ({
      %run_scoped3A = tpu.sem_alloc : memref<!tpu.dma_semaphore, #tpu.memory_space<semaphore_mem>>
      %dma_start3A_150 = arith.constant 0 : i32
      %dma_start3A_151 = arith.constant 0 : i32
      %dma_start3A_152 = tpu.memref_slice %arg3[%arg1, %dma_start3A_150, %dma_start3A_151] : memref<16x250x80xi32, #tpu.memory_space<hbm>> -> memref<1x250x80xi32, #tpu.memory_space<hbm>>
      %dma_start3A_153 = tpu.memref_squeeze %dma_start3A_152 : memref<1x250x80xi32, #tpu.memory_space<hbm>> -> memref<250x80xi32, #tpu.memory_space<hbm>>
      %dma_start3A_154 = arith.constant 0 : i32
      %dma_start3A_155 = arith.constant 0 : i32
      %dma_start3A_156 = tpu.memref_slice %arg3[%arg1, %dma_start3A_154, %dma_start3A_155] : memref<16x250x80xi32, #tpu.memory_space<hbm>> -> memref<1x250x80xi32, #tpu.memory_space<hbm>>
      %dma_start3A_157 = tpu.memref_squeeze %dma_start3A_156 : memref<1x250x80xi32, #tpu.memory_space<hbm>> -> memref<250x80xi32, #tpu.memory_space<hbm>>
      tpu.enqueue_dma source(%dma_start3A_157 : memref<250x80xi32, #tpu.memory_space<hbm>>) target(%arg8 : memref<250x80xi32, #tpu.memory_space<vmem>>) target_semaphore(%run_scoped3A : memref<!tpu.dma_semaphore, #tpu.memory_space<semaphore_mem>>)
      %dma_wait3A_158 = arith.constant 0 : i32
      %dma_wait3A_159 = arith.constant 0 : i32
      %dma_wait3A_160 = tpu.memref_slice %arg3[%arg1, %dma_wait3A_158, %dma_wait3A_159] : memref<16x250x80xi32, #tpu.memory_space<hbm>> -> memref<1x250x80xi32, #tpu.memory_space<hbm>>
      %dma_wait3A_161 = tpu.memref_squeeze %dma_wait3A_160 : memref<1x250x80xi32, #tpu.memory_space<hbm>> -> memref<250x80xi32, #tpu.memory_space<hbm>>
      %dma_wait3A_162 = arith.constant 0 : i32
      %dma_wait3A_163 = arith.constant 0 : i32
      %dma_wait3A_164 = tpu.memref_slice %arg3[%arg1, %dma_wait3A_162, %dma_wait3A_163] : memref<16x250x80xi32, #tpu.memory_space<hbm>> -> memref<1x250x80xi32, #tpu.memory_space<hbm>>
      %dma_wait3A_165 = tpu.memref_squeeze %dma_wait3A_164 : memref<1x250x80xi32, #tpu.memory_space<hbm>> -> memref<250x80xi32, #tpu.memory_space<hbm>>
      tpu.wait_dma2 semaphore(%run_scoped3A : memref<!tpu.dma_semaphore, #tpu.memory_space<semaphore_mem>>) src(%dma_wait3A_165 : memref<250x80xi32, #tpu.memory_space<hbm>>) dst(%arg8 : memref<250x80xi32, #tpu.memory_space<vmem>>)
      tpu.yield
    }) : () -> ()
    "tpu.region"() ({
      %run_scoped3A = tpu.sem_alloc : memref<!tpu.dma_semaphore, #tpu.memory_space<semaphore_mem>>
      %dma_start3A_150 = arith.constant 0 : i32
      %dma_start3A_151 = arith.constant 0 : i32
      %dma_start3A_152 = tpu.memref_slice %arg4[%arg1, %dma_start3A_150, %dma_start3A_151] : memref<16x250x80xi32, #tpu.memory_space<hbm>> -> memref<1x250x80xi32, #tpu.memory_space<hbm>>
      %dma_start3A_153 = tpu.memref_squeeze %dma_start3A_152 : memref<1x250x80xi32, #tpu.memory_space<hbm>> -> memref<250x80xi32, #tpu.memory_space<hbm>>
      %dma_start3A_154 = arith.constant 0 : i32
      %dma_start3A_155 = arith.constant 0 : i32
      %dma_start3A_156 = tpu.memref_slice %arg4[%arg1, %dma_start3A_154, %dma_start3A_155] : memref<16x250x80xi32, #tpu.memory_space<hbm>> -> memref<1x250x80xi32, #tpu.memory_space<hbm>>
      %dma_start3A_157 = tpu.memref_squeeze %dma_start3A_156 : memref<1x250x80xi32, #tpu.memory_space<hbm>> -> memref<250x80xi32, #tpu.memory_space<hbm>>
      tpu.enqueue_dma source(%dma_start3A_157 : memref<250x80xi32, #tpu.memory_space<hbm>>) target(%arg9 : memref<250x80xi32, #tpu.memory_space<vmem>>) target_semaphore(%run_scoped3A : memref<!tpu.dma_semaphore, #tpu.memory_space<semaphore_mem>>)
      %dma_wait3A_158 = arith.constant 0 : i32
      %dma_wait3A_159 = arith.constant 0 : i32
      %dma_wait3A_160 = tpu.memref_slice %arg4[%arg1, %dma_wait3A_158, %dma_wait3A_159] : memref<16x250x80xi32, #tpu.memory_space<hbm>> -> memref<1x250x80xi32, #tpu.memory_space<hbm>>
      %dma_wait3A_161 = tpu.memref_squeeze %dma_wait3A_160 : memref<1x250x80xi32, #tpu.memory_space<hbm>> -> memref<250x80xi32, #tpu.memory_space<hbm>>
      %dma_wait3A_162 = arith.constant 0 : i32
      %dma_wait3A_163 = arith.constant 0 : i32
      %dma_wait3A_164 = tpu.memref_slice %arg4[%arg1, %dma_wait3A_162, %dma_wait3A_163] : memref<16x250x80xi32, #tpu.memory_space<hbm>> -> memref<1x250x80xi32, #tpu.memory_space<hbm>>
      %dma_wait3A_165 = tpu.memref_squeeze %dma_wait3A_164 : memref<1x250x80xi32, #tpu.memory_space<hbm>> -> memref<250x80xi32, #tpu.memory_space<hbm>>
      tpu.wait_dma2 semaphore(%run_scoped3A : memref<!tpu.dma_semaphore, #tpu.memory_space<semaphore_mem>>) src(%dma_wait3A_165 : memref<250x80xi32, #tpu.memory_space<hbm>>) dst(%arg9 : memref<250x80xi32, #tpu.memory_space<vmem>>)
      tpu.yield
    }) : () -> ()
    %barrier3A = arith.constant 0 : index
    tpu.barrier barrier_id(%barrier3A)
    %dma_start3A = arith.constant 0 : i32
    %dma_start3A_30 = arith.constant 0 : i32
    %dma_start3A_31 = tpu.memref_slice %arg8[%dma_start3A, %dma_start3A_30] : memref<250x80xi32, #tpu.memory_space<vmem>> -> memref<1x80xi32, #tpu.memory_space<vmem>>
    %dma_start3A_32 = tpu.memref_squeeze %dma_start3A_31 : memref<1x80xi32, #tpu.memory_space<vmem>> -> memref<80xi32, #tpu.memory_space<vmem>>
    %dma_start3A_33 = arith.constant 0 : i32
    %dma_start3A_34 = arith.constant 0 : i32
    %dma_start3A_35 = tpu.memref_slice %arg2[%arg0, %dma_start3A_33, %dma_start3A_34] : memref<2x10000x64xf32, #tpu.memory_space<hbm>> -> memref<1x10000x64xf32, #tpu.memory_space<hbm>>
    %dma_start3A_36 = tpu.memref_squeeze %dma_start3A_35 : memref<1x10000x64xf32, #tpu.memory_space<hbm>> -> memref<10000x64xf32, #tpu.memory_space<hbm>>
    %dma_start3A_37 = arith.constant 0 : i32
    %dma_start3A_38 = arith.constant 0 : i32
    %dma_start3A_39 = tpu.memref_slice %dma_start3A_36[%dma_start3A_37, %dma_start3A_38] : memref<10000x64xf32, #tpu.memory_space<hbm>> -> memref<10000x64xf32, #tpu.memory_space<hbm>>
    tpu.enqueue_indirect_dma source(%dma_start3A_39 : memref<10000x64xf32, #tpu.memory_space<hbm>>) target(%arg10 : memref<80x64xf32, #tpu.memory_space<vmem>>) offsets(%dma_start3A_32 : memref<80xi32, #tpu.memory_space<vmem>>) semaphore(%arg16 : memref<!tpu.dma_semaphore, #tpu.memory_space<semaphore_mem>>)
    %dma_start3A_40 = arith.constant 1 : i32
    %dma_start3A_41 = arith.constant 0 : i32
    %dma_start3A_42 = tpu.memref_slice %arg8[%dma_start3A_40, %dma_start3A_41] : memref<250x80xi32, #tpu.memory_space<vmem>> -> memref<1x80xi32, #tpu.memory_space<vmem>>
    %dma_start3A_43 = tpu.memref_squeeze %dma_start3A_42 : memref<1x80xi32, #tpu.memory_space<vmem>> -> memref<80xi32, #tpu.memory_space<vmem>>
    %dma_start3A_44 = arith.constant 0 : i32
    %dma_start3A_45 = arith.constant 0 : i32
    %dma_start3A_46 = tpu.memref_slice %arg2[%arg0, %dma_start3A_44, %dma_start3A_45] : memref<2x10000x64xf32, #tpu.memory_space<hbm>> -> memref<1x10000x64xf32, #tpu.memory_space<hbm>>
    %dma_start3A_47 = tpu.memref_squeeze %dma_start3A_46 : memref<1x10000x64xf32, #tpu.memory_space<hbm>> -> memref<10000x64xf32, #tpu.memory_space<hbm>>
    %dma_start3A_48 = arith.constant 0 : i32
    %dma_start3A_49 = arith.constant 0 : i32
    %dma_start3A_50 = tpu.memref_slice %dma_start3A_47[%dma_start3A_48, %dma_start3A_49] : memref<10000x64xf32, #tpu.memory_space<hbm>> -> memref<10000x64xf32, #tpu.memory_space<hbm>>
    tpu.enqueue_indirect_dma source(%dma_start3A_50 : memref<10000x64xf32, #tpu.memory_space<hbm>>) target(%arg11 : memref<80x64xf32, #tpu.memory_space<vmem>>) offsets(%dma_start3A_43 : memref<80xi32, #tpu.memory_space<vmem>>) semaphore(%arg17 : memref<!tpu.dma_semaphore, #tpu.memory_space<semaphore_mem>>)
    %dma_start3A_51 = arith.constant 2 : i32
    %dma_start3A_52 = arith.constant 0 : i32
    %dma_start3A_53 = tpu.memref_slice %arg8[%dma_start3A_51, %dma_start3A_52] : memref<250x80xi32, #tpu.memory_space<vmem>> -> memref<1x80xi32, #tpu.memory_space<vmem>>
    %dma_start3A_54 = tpu.memref_squeeze %dma_start3A_53 : memref<1x80xi32, #tpu.memory_space<vmem>> -> memref<80xi32, #tpu.memory_space<vmem>>
    %dma_start3A_55 = arith.constant 0 : i32
    %dma_start3A_56 = arith.constant 0 : i32
    %dma_start3A_57 = tpu.memref_slice %arg2[%arg0, %dma_start3A_55, %dma_start3A_56] : memref<2x10000x64xf32, #tpu.memory_space<hbm>> -> memref<1x10000x64xf32, #tpu.memory_space<hbm>>
    %dma_start3A_58 = tpu.memref_squeeze %dma_start3A_57 : memref<1x10000x64xf32, #tpu.memory_space<hbm>> -> memref<10000x64xf32, #tpu.memory_space<hbm>>
    %dma_start3A_59 = arith.constant 0 : i32
    %dma_start3A_60 = arith.constant 0 : i32
    %dma_start3A_61 = tpu.memref_slice %dma_start3A_58[%dma_start3A_59, %dma_start3A_60] : memref<10000x64xf32, #tpu.memory_space<hbm>> -> memref<10000x64xf32, #tpu.memory_space<hbm>>
    tpu.enqueue_indirect_dma source(%dma_start3A_61 : memref<10000x64xf32, #tpu.memory_space<hbm>>) target(%arg12 : memref<80x64xf32, #tpu.memory_space<vmem>>) offsets(%dma_start3A_54 : memref<80xi32, #tpu.memory_space<vmem>>) semaphore(%arg18 : memref<!tpu.dma_semaphore, #tpu.memory_space<semaphore_mem>>)
    %dma_start3A_62 = arith.constant 3 : i32
    %dma_start3A_63 = arith.constant 0 : i32
    %dma_start3A_64 = tpu.memref_slice %arg8[%dma_start3A_62, %dma_start3A_63] : memref<250x80xi32, #tpu.memory_space<vmem>> -> memref<1x80xi32, #tpu.memory_space<vmem>>
    %dma_start3A_65 = tpu.memref_squeeze %dma_start3A_64 : memref<1x80xi32, #tpu.memory_space<vmem>> -> memref<80xi32, #tpu.memory_space<vmem>>
    %dma_start3A_66 = arith.constant 0 : i32
    %dma_start3A_67 = arith.constant 0 : i32
    %dma_start3A_68 = tpu.memref_slice %arg2[%arg0, %dma_start3A_66, %dma_start3A_67] : memref<2x10000x64xf32, #tpu.memory_space<hbm>> -> memref<1x10000x64xf32, #tpu.memory_space<hbm>>
    %dma_start3A_69 = tpu.memref_squeeze %dma_start3A_68 : memref<1x10000x64xf32, #tpu.memory_space<hbm>> -> memref<10000x64xf32, #tpu.memory_space<hbm>>
    %dma_start3A_70 = arith.constant 0 : i32
    %dma_start3A_71 = arith.constant 0 : i32
    %dma_start3A_72 = tpu.memref_slice %dma_start3A_69[%dma_start3A_70, %dma_start3A_71] : memref<10000x64xf32, #tpu.memory_space<hbm>> -> memref<10000x64xf32, #tpu.memory_space<hbm>>
    tpu.enqueue_indirect_dma source(%dma_start3A_72 : memref<10000x64xf32, #tpu.memory_space<hbm>>) target(%arg13 : memref<80x64xf32, #tpu.memory_space<vmem>>) offsets(%dma_start3A_65 : memref<80xi32, #tpu.memory_space<vmem>>) semaphore(%arg19 : memref<!tpu.dma_semaphore, #tpu.memory_space<semaphore_mem>>)
    %dma_start3A_73 = arith.constant 4 : i32
    %dma_start3A_74 = arith.constant 0 : i32
    %dma_start3A_75 = tpu.memref_slice %arg8[%dma_start3A_73, %dma_start3A_74] : memref<250x80xi32, #tpu.memory_space<vmem>> -> memref<1x80xi32, #tpu.memory_space<vmem>>
    %dma_start3A_76 = tpu.memref_squeeze %dma_start3A_75 : memref<1x80xi32, #tpu.memory_space<vmem>> -> memref<80xi32, #tpu.memory_space<vmem>>
    %dma_start3A_77 = arith.constant 0 : i32
    %dma_start3A_78 = arith.constant 0 : i32
    %dma_start3A_79 = tpu.memref_slice %arg2[%arg0, %dma_start3A_77, %dma_start3A_78] : memref<2x10000x64xf32, #tpu.memory_space<hbm>> -> memref<1x10000x64xf32, #tpu.memory_space<hbm>>
    %dma_start3A_80 = tpu.memref_squeeze %dma_start3A_79 : memref<1x10000x64xf32, #tpu.memory_space<hbm>> -> memref<10000x64xf32, #tpu.memory_space<hbm>>
    %dma_start3A_81 = arith.constant 0 : i32
    %dma_start3A_82 = arith.constant 0 : i32
    %dma_start3A_83 = tpu.memref_slice %dma_start3A_80[%dma_start3A_81, %dma_start3A_82] : memref<10000x64xf32, #tpu.memory_space<hbm>> -> memref<10000x64xf32, #tpu.memory_space<hbm>>
    tpu.enqueue_indirect_dma source(%dma_start3A_83 : memref<10000x64xf32, #tpu.memory_space<hbm>>) target(%arg14 : memref<80x64xf32, #tpu.memory_space<vmem>>) offsets(%dma_start3A_76 : memref<80xi32, #tpu.memory_space<vmem>>) semaphore(%arg20 : memref<!tpu.dma_semaphore, #tpu.memory_space<semaphore_mem>>)
    %scan3A_84 = arith.constant 0 : i32
    %scan3A_85 = arith.constant 0 : i32
    %scan3A_86 = arith.constant 50 : i32
    %scan3A_87 = arith.addi %scan3A_85, %scan3A_86 : i32
    %scan3A_88 = arith.constant 1 : i32
    scf.for %scan3A_150 = %scan3A_85 to %scan3A_87 step %scan3A_88  : i32 {
      %mul3A_151 = arith.constant 5 : i32
      %mul3A_152 = arith.muli %mul3A_151, %scan3A_150 : i32
      %add3A_153 = arith.constant 0 : i32
      %add3A_154 = arith.addi %mul3A_152, %add3A_153 : i32
      %dma_wait3A_155 = arith.constant 0 : i32
      %dma_wait3A_156 = tpu.memref_slice %arg8[%add3A_154, %dma_wait3A_155] : memref<250x80xi32, #tpu.memory_space<vmem>> -> memref<1x80xi32, #tpu.memory_space<vmem>>
      %dma_wait3A_157 = tpu.memref_squeeze %dma_wait3A_156 : memref<1x80xi32, #tpu.memory_space<vmem>> -> memref<80xi32, #tpu.memory_space<vmem>>
      %dma_wait3A_158 = arith.constant 0 : i32
      %dma_wait3A_159 = arith.constant 0 : i32
      %dma_wait3A_160 = tpu.memref_slice %arg2[%arg0, %dma_wait3A_158, %dma_wait3A_159] : memref<2x10000x64xf32, #tpu.memory_space<hbm>> -> memref<1x10000x64xf32, #tpu.memory_space<hbm>>
      %dma_wait3A_161 = tpu.memref_squeeze %dma_wait3A_160 : memref<1x10000x64xf32, #tpu.memory_space<hbm>> -> memref<10000x64xf32, #tpu.memory_space<hbm>>
      %dma_wait3A_162 = arith.constant 0 : i32
      %dma_wait3A_163 = arith.constant 0 : i32
      %dma_wait3A_164 = tpu.memref_slice %dma_wait3A_161[%dma_wait3A_162, %dma_wait3A_163] : memref<10000x64xf32, #tpu.memory_space<hbm>> -> memref<10000x64xf32, #tpu.memory_space<hbm>>
      tpu.wait_indirect_dma semaphore(%arg16 : memref<!tpu.dma_semaphore, #tpu.memory_space<semaphore_mem>>) src(%dma_wait3A_164 : memref<10000x64xf32, #tpu.memory_space<hbm>>) dst(%arg10 : memref<80x64xf32, #tpu.memory_space<vmem>>)
      %dma_start3A_165 = arith.constant 0 : i32
      %dma_start3A_166 = tpu.memref_slice %arg9[%add3A_154, %dma_start3A_165] : memref<250x80xi32, #tpu.memory_space<vmem>> -> memref<1x80xi32, #tpu.memory_space<vmem>>
      %dma_start3A_167 = tpu.memref_squeeze %dma_start3A_166 : memref<1x80xi32, #tpu.memory_space<vmem>> -> memref<80xi32, #tpu.memory_space<vmem>>
      %dma_start3A_168 = arith.constant 0 : i32
      %dma_start3A_169 = arith.constant 0 : i32
      %dma_start3A_170 = tpu.memref_slice %arg26[%dma_start3A_168, %dma_start3A_169] : memref<10000x64xf32, #tpu.memory_space<vmem_shared>> -> memref<10000x64xf32, #tpu.memory_space<vmem_shared>>
      tpu.enqueue_indirect_dma source(%arg10 : memref<80x64xf32, #tpu.memory_space<vmem>>) target(%dma_start3A_170 : memref<10000x64xf32, #tpu.memory_space<vmem_shared>>) offsets(%dma_start3A_167 : memref<80xi32, #tpu.memory_space<vmem>>) semaphore(%arg21 : memref<!tpu.dma_semaphore, #tpu.memory_space<semaphore_mem>>) {add = true}
      %eq3A_171 = arith.constant 0 : i32
      %eq3A_172 = arith.cmpi eq, %arg0, %eq3A_171 : i32
      %convert_element_type3A_173 = arith.extui %eq3A_172 : i1 to i32
      %cond3A_174 = arith.constant 0 : i32
      %cond3A_175 = arith.cmpi ne, %convert_element_type3A_173, %cond3A_174 : i32
      scf.if %cond3A_175 {
        %get3A = arith.index_cast %add3A_154 : i32 to index
        %get3A_305 = arith.constant 0 : index
        %get3A_306 = tpu.vector_load %arg9[%get3A, %get3A_305] {strides = array<i32>} : memref<250x80xi32, #tpu.memory_space<vmem>>, vector<16xi32>,
        %broadcast_in_dim3A_307 = arith.constant true
        %broadcast_in_dim3A_308 = vector.broadcast %broadcast_in_dim3A_307 : i1 to vector<16xi1>
        %unique3A, %unique3A_309 = tpu.scan_count mask(%broadcast_in_dim3A_308 : vector<16xi1>) value(%get3A_306 : vector<16xi32>) : vector<16xi1>, vector<16xi32>
        %scatter3A = arith.constant 0 : i32
        %scatter3A_310 = arith.constant 0 : i32
        %scatter3A_311 = tpu.memref_slice %arg15[%scatter3A, %scatter3A_310] : memref<1x10000xi32, #tpu.memory_space<vmem>> -> memref<1x10000xi32, #tpu.memory_space<vmem>>
        %scatter3A_312 = tpu.memref_squeeze %scatter3A_311 : memref<1x10000xi32, #tpu.memory_space<vmem>> -> memref<10000xi32, #tpu.memory_space<vmem>>
        tpu.vector_store_idx %scatter3A_312[%get3A_306], %unique3A_309 masked %unique3A {add = true} : memref<10000xi32, #tpu.memory_space<vmem>>[vector<16xi32>], vector<16xi32>, vector<16xi1>
        %get3A_313 = arith.index_cast %add3A_154 : i32 to index
        %get3A_314 = arith.constant 16 : index
        %get3A_315 = tpu.vector_load %arg9[%get3A_313, %get3A_314] {strides = array<i32>} : memref<250x80xi32, #tpu.memory_space<vmem>>, vector<16xi32>,
        %broadcast_in_dim3A_316 = arith.constant true
        %broadcast_in_dim3A_317 = vector.broadcast %broadcast_in_dim3A_316 : i1 to vector<16xi1>
        %unique3A_318, %unique3A_319 = tpu.scan_count mask(%broadcast_in_dim3A_317 : vector<16xi1>) value(%get3A_315 : vector<16xi32>) : vector<16xi1>, vector<16xi32>
        %scatter3A_320 = arith.constant 0 : i32
        %scatter3A_321 = arith.constant 0 : i32
        %scatter3A_322 = tpu.memref_slice %arg15[%scatter3A_320, %scatter3A_321] : memref<1x10000xi32, #tpu.memory_space<vmem>> -> memref<1x10000xi32, #tpu.memory_space<vmem>>
        %scatter3A_323 = tpu.memref_squeeze %scatter3A_322 : memref<1x10000xi32, #tpu.memory_space<vmem>> -> memref<10000xi32, #tpu.memory_space<vmem>>
        tpu.vector_store_idx %scatter3A_323[%get3A_315], %unique3A_319 masked %unique3A_318 {add = true} : memref<10000xi32, #tpu.memory_space<vmem>>[vector<16xi32>], vector<16xi32>, vector<16xi1>
        %get3A_324 = arith.index_cast %add3A_154 : i32 to index
        %get3A_325 = arith.constant 32 : index
        %get3A_326 = tpu.vector_load %arg9[%get3A_324, %get3A_325] {strides = array<i32>} : memref<250x80xi32, #tpu.memory_space<vmem>>, vector<16xi32>,
        %broadcast_in_dim3A_327 = arith.constant true
        %broadcast_in_dim3A_328 = vector.broadcast %broadcast_in_dim3A_327 : i1 to vector<16xi1>
        %unique3A_329, %unique3A_330 = tpu.scan_count mask(%broadcast_in_dim3A_328 : vector<16xi1>) value(%get3A_326 : vector<16xi32>) : vector<16xi1>, vector<16xi32>
        %scatter3A_331 = arith.constant 0 : i32
        %scatter3A_332 = arith.constant 0 : i32
        %scatter3A_333 = tpu.memref_slice %arg15[%scatter3A_331, %scatter3A_332] : memref<1x10000xi32, #tpu.memory_space<vmem>> -> memref<1x10000xi32, #tpu.memory_space<vmem>>
        %scatter3A_334 = tpu.memref_squeeze %scatter3A_333 : memref<1x10000xi32, #tpu.memory_space<vmem>> -> memref<10000xi32, #tpu.memory_space<vmem>>
        tpu.vector_store_idx %scatter3A_334[%get3A_326], %unique3A_330 masked %unique3A_329 {add = true} : memref<10000xi32, #tpu.memory_space<vmem>>[vector<16xi32>], vector<16xi32>, vector<16xi1>
        %get3A_335 = arith.index_cast %add3A_154 : i32 to index
        %get3A_336 = arith.constant 48 : index
        %get3A_337 = tpu.vector_load %arg9[%get3A_335, %get3A_336] {strides = array<i32>} : memref<250x80xi32, #tpu.memory_space<vmem>>, vector<16xi32>,
        %broadcast_in_dim3A_338 = arith.constant true
        %broadcast_in_dim3A_339 = vector.broadcast %broadcast_in_dim3A_338 : i1 to vector<16xi1>
        %unique3A_340, %unique3A_341 = tpu.scan_count mask(%broadcast_in_dim3A_339 : vector<16xi1>) value(%get3A_337 : vector<16xi32>) : vector<16xi1>, vector<16xi32>
        %scatter3A_342 = arith.constant 0 : i32
        %scatter3A_343 = arith.constant 0 : i32
        %scatter3A_344 = tpu.memref_slice %arg15[%scatter3A_342, %scatter3A_343] : memref<1x10000xi32, #tpu.memory_space<vmem>> -> memref<1x10000xi32, #tpu.memory_space<vmem>>
        %scatter3A_345 = tpu.memref_squeeze %scatter3A_344 : memref<1x10000xi32, #tpu.memory_space<vmem>> -> memref<10000xi32, #tpu.memory_space<vmem>>
        tpu.vector_store_idx %scatter3A_345[%get3A_337], %unique3A_341 masked %unique3A_340 {add = true} : memref<10000xi32, #tpu.memory_space<vmem>>[vector<16xi32>], vector<16xi32>, vector<16xi1>
        %get3A_346 = arith.index_cast %add3A_154 : i32 to index
        %get3A_347 = arith.constant 64 : index
        %get3A_348 = tpu.vector_load %arg9[%get3A_346, %get3A_347] {strides = array<i32>} : memref<250x80xi32, #tpu.memory_space<vmem>>, vector<16xi32>,
        %broadcast_in_dim3A_349 = arith.constant true
        %broadcast_in_dim3A_350 = vector.broadcast %broadcast_in_dim3A_349 : i1 to vector<16xi1>
        %unique3A_351, %unique3A_352 = tpu.scan_count mask(%broadcast_in_dim3A_350 : vector<16xi1>) value(%get3A_348 : vector<16xi32>) : vector<16xi1>, vector<16xi32>
        %scatter3A_353 = arith.constant 0 : i32
        %scatter3A_354 = arith.constant 0 : i32
        %scatter3A_355 = tpu.memref_slice %arg15[%scatter3A_353, %scatter3A_354] : memref<1x10000xi32, #tpu.memory_space<vmem>> -> memref<1x10000xi32, #tpu.memory_space<vmem>>
        %scatter3A_356 = tpu.memref_squeeze %scatter3A_355 : memref<1x10000xi32, #tpu.memory_space<vmem>> -> memref<10000xi32, #tpu.memory_space<vmem>>
        tpu.vector_store_idx %scatter3A_356[%get3A_348], %unique3A_352 masked %unique3A_351 {add = true} : memref<10000xi32, #tpu.memory_space<vmem>>[vector<16xi32>], vector<16xi32>, vector<16xi1>
      } else {
      }
      %eq3A_176 = arith.constant 1 : i32
      %eq3A_177 = arith.cmpi eq, %arg0, %eq3A_176 : i32
      %convert_element_type3A_178 = arith.extui %eq3A_177 : i1 to i32
      %cond3A_179 = arith.constant 0 : i32
      %cond3A_180 = arith.cmpi ne, %convert_element_type3A_178, %cond3A_179 : i32
      scf.if %cond3A_180 {
        %get3A = arith.index_cast %add3A_154 : i32 to index
        %get3A_305 = arith.constant 0 : index
        %get3A_306 = tpu.vector_load %arg8[%get3A, %get3A_305] {strides = array<i32>} : memref<250x80xi32, #tpu.memory_space<vmem>>, vector<16xi32>,
        %broadcast_in_dim3A_307 = arith.constant true
        %broadcast_in_dim3A_308 = vector.broadcast %broadcast_in_dim3A_307 : i1 to vector<16xi1>
        %unique3A, %unique3A_309 = tpu.scan_count mask(%broadcast_in_dim3A_308 : vector<16xi1>) value(%get3A_306 : vector<16xi32>) : vector<16xi1>, vector<16xi32>
        %scatter3A = arith.constant 0 : i32
        %scatter3A_310 = arith.constant 0 : i32
        %scatter3A_311 = tpu.memref_slice %arg15[%scatter3A, %scatter3A_310] : memref<1x10000xi32, #tpu.memory_space<vmem>> -> memref<1x10000xi32, #tpu.memory_space<vmem>>
        %scatter3A_312 = tpu.memref_squeeze %scatter3A_311 : memref<1x10000xi32, #tpu.memory_space<vmem>> -> memref<10000xi32, #tpu.memory_space<vmem>>
        tpu.vector_store_idx %scatter3A_312[%get3A_306], %unique3A_309 masked %unique3A {add = true} : memref<10000xi32, #tpu.memory_space<vmem>>[vector<16xi32>], vector<16xi32>, vector<16xi1>
        %get3A_313 = arith.index_cast %add3A_154 : i32 to index
        %get3A_314 = arith.constant 16 : index
        %get3A_315 = tpu.vector_load %arg8[%get3A_313, %get3A_314] {strides = array<i32>} : memref<250x80xi32, #tpu.memory_space<vmem>>, vector<16xi32>,
        %broadcast_in_dim3A_316 = arith.constant true
        %broadcast_in_dim3A_317 = vector.broadcast %broadcast_in_dim3A_316 : i1 to vector<16xi1>
        %unique3A_318, %unique3A_319 = tpu.scan_count mask(%broadcast_in_dim3A_317 : vector<16xi1>) value(%get3A_315 : vector<16xi32>) : vector<16xi1>, vector<16xi32>
        %scatter3A_320 = arith.constant 0 : i32
        %scatter3A_321 = arith.constant 0 : i32
        %scatter3A_322 = tpu.memref_slice %arg15[%scatter3A_320, %scatter3A_321] : memref<1x10000xi32, #tpu.memory_space<vmem>> -> memref<1x10000xi32, #tpu.memory_space<vmem>>
        %scatter3A_323 = tpu.memref_squeeze %scatter3A_322 : memref<1x10000xi32, #tpu.memory_space<vmem>> -> memref<10000xi32, #tpu.memory_space<vmem>>
        tpu.vector_store_idx %scatter3A_323[%get3A_315], %unique3A_319 masked %unique3A_318 {add = true} : memref<10000xi32, #tpu.memory_space<vmem>>[vector<16xi32>], vector<16xi32>, vector<16xi1>
        %get3A_324 = arith.index_cast %add3A_154 : i32 to index
        %get3A_325 = arith.constant 32 : index
        %get3A_326 = tpu.vector_load %arg8[%get3A_324, %get3A_325] {strides = array<i32>} : memref<250x80xi32, #tpu.memory_space<vmem>>, vector<16xi32>,
        %broadcast_in_dim3A_327 = arith.constant true
        %broadcast_in_dim3A_328 = vector.broadcast %broadcast_in_dim3A_327 : i1 to vector<16xi1>
        %unique3A_329, %unique3A_330 = tpu.scan_count mask(%broadcast_in_dim3A_328 : vector<16xi1>) value(%get3A_326 : vector<16xi32>) : vector<16xi1>, vector<16xi32>
        %scatter3A_331 = arith.constant 0 : i32
        %scatter3A_332 = arith.constant 0 : i32
        %scatter3A_333 = tpu.memref_slice %arg15[%scatter3A_331, %scatter3A_332] : memref<1x10000xi32, #tpu.memory_space<vmem>> -> memref<1x10000xi32, #tpu.memory_space<vmem>>
        %scatter3A_334 = tpu.memref_squeeze %scatter3A_333 : memref<1x10000xi32, #tpu.memory_space<vmem>> -> memref<10000xi32, #tpu.memory_space<vmem>>
        tpu.vector_store_idx %scatter3A_334[%get3A_326], %unique3A_330 masked %unique3A_329 {add = true} : memref<10000xi32, #tpu.memory_space<vmem>>[vector<16xi32>], vector<16xi32>, vector<16xi1>
        %get3A_335 = arith.index_cast %add3A_154 : i32 to index
        %get3A_336 = arith.constant 48 : index
        %get3A_337 = tpu.vector_load %arg8[%get3A_335, %get3A_336] {strides = array<i32>} : memref<250x80xi32, #tpu.memory_space<vmem>>, vector<16xi32>,
        %broadcast_in_dim3A_338 = arith.constant true
        %broadcast_in_dim3A_339 = vector.broadcast %broadcast_in_dim3A_338 : i1 to vector<16xi1>
        %unique3A_340, %unique3A_341 = tpu.scan_count mask(%broadcast_in_dim3A_339 : vector<16xi1>) value(%get3A_337 : vector<16xi32>) : vector<16xi1>, vector<16xi32>
        %scatter3A_342 = arith.constant 0 : i32
        %scatter3A_343 = arith.constant 0 : i32
        %scatter3A_344 = tpu.memref_slice %arg15[%scatter3A_342, %scatter3A_343] : memref<1x10000xi32, #tpu.memory_space<vmem>> -> memref<1x10000xi32, #tpu.memory_space<vmem>>
        %scatter3A_345 = tpu.memref_squeeze %scatter3A_344 : memref<1x10000xi32, #tpu.memory_space<vmem>> -> memref<10000xi32, #tpu.memory_space<vmem>>
        tpu.vector_store_idx %scatter3A_345[%get3A_337], %unique3A_341 masked %unique3A_340 {add = true} : memref<10000xi32, #tpu.memory_space<vmem>>[vector<16xi32>], vector<16xi32>, vector<16xi1>
        %get3A_346 = arith.index_cast %add3A_154 : i32 to index
        %get3A_347 = arith.constant 64 : index
        %get3A_348 = tpu.vector_load %arg8[%get3A_346, %get3A_347] {strides = array<i32>} : memref<250x80xi32, #tpu.memory_space<vmem>>, vector<16xi32>,
        %broadcast_in_dim3A_349 = arith.constant true
        %broadcast_in_dim3A_350 = vector.broadcast %broadcast_in_dim3A_349 : i1 to vector<16xi1>
        %unique3A_351, %unique3A_352 = tpu.scan_count mask(%broadcast_in_dim3A_350 : vector<16xi1>) value(%get3A_348 : vector<16xi32>) : vector<16xi1>, vector<16xi32>
        %scatter3A_353 = arith.constant 0 : i32
        %scatter3A_354 = arith.constant 0 : i32
        %scatter3A_355 = tpu.memref_slice %arg15[%scatter3A_353, %scatter3A_354] : memref<1x10000xi32, #tpu.memory_space<vmem>> -> memref<1x10000xi32, #tpu.memory_space<vmem>>
        %scatter3A_356 = tpu.memref_squeeze %scatter3A_355 : memref<1x10000xi32, #tpu.memory_space<vmem>> -> memref<10000xi32, #tpu.memory_space<vmem>>
        tpu.vector_store_idx %scatter3A_356[%get3A_348], %unique3A_352 masked %unique3A_351 {add = true} : memref<10000xi32, #tpu.memory_space<vmem>>[vector<16xi32>], vector<16xi32>, vector<16xi1>
      } else {
      }
      %mul3A_181 = arith.constant 5 : i32
      %mul3A_182 = arith.muli %mul3A_181, %scan3A_150 : i32
      %add3A_183 = arith.constant 1 : i32
      %add3A_184 = arith.addi %mul3A_182, %add3A_183 : i32
      %dma_wait3A_185 = arith.constant 0 : i32
      %dma_wait3A_186 = tpu.memref_slice %arg8[%add3A_184, %dma_wait3A_185] : memref<250x80xi32, #tpu.memory_space<vmem>> -> memref<1x80xi32, #tpu.memory_space<vmem>>
      %dma_wait3A_187 = tpu.memref_squeeze %dma_wait3A_186 : memref<1x80xi32, #tpu.memory_space<vmem>> -> memref<80xi32, #tpu.memory_space<vmem>>
      %dma_wait3A_188 = arith.constant 0 : i32
      %dma_wait3A_189 = arith.constant 0 : i32
      %dma_wait3A_190 = tpu.memref_slice %arg2[%arg0, %dma_wait3A_188, %dma_wait3A_189] : memref<2x10000x64xf32, #tpu.memory_space<hbm>> -> memref<1x10000x64xf32, #tpu.memory_space<hbm>>
      %dma_wait3A_191 = tpu.memref_squeeze %dma_wait3A_190 : memref<1x10000x64xf32, #tpu.memory_space<hbm>> -> memref<10000x64xf32, #tpu.memory_space<hbm>>
      %dma_wait3A_192 = arith.constant 0 : i32
      %dma_wait3A_193 = arith.constant 0 : i32
      %dma_wait3A_194 = tpu.memref_slice %dma_wait3A_191[%dma_wait3A_192, %dma_wait3A_193] : memref<10000x64xf32, #tpu.memory_space<hbm>> -> memref<10000x64xf32, #tpu.memory_space<hbm>>
      tpu.wait_indirect_dma semaphore(%arg17 : memref<!tpu.dma_semaphore, #tpu.memory_space<semaphore_mem>>) src(%dma_wait3A_194 : memref<10000x64xf32, #tpu.memory_space<hbm>>) dst(%arg11 : memref<80x64xf32, #tpu.memory_space<vmem>>)
      %dma_start3A_195 = arith.constant 0 : i32
      %dma_start3A_196 = tpu.memref_slice %arg9[%add3A_184, %dma_start3A_195] : memref<250x80xi32, #tpu.memory_space<vmem>> -> memref<1x80xi32, #tpu.memory_space<vmem>>
      %dma_start3A_197 = tpu.memref_squeeze %dma_start3A_196 : memref<1x80xi32, #tpu.memory_space<vmem>> -> memref<80xi32, #tpu.memory_space<vmem>>
      %dma_start3A_198 = arith.constant 0 : i32
      %dma_start3A_199 = arith.constant 0 : i32
      %dma_start3A_200 = tpu.memref_slice %arg26[%dma_start3A_198, %dma_start3A_199] : memref<10000x64xf32, #tpu.memory_space<vmem_shared>> -> memref<10000x64xf32, #tpu.memory_space<vmem_shared>>
      tpu.enqueue_indirect_dma source(%arg11 : memref<80x64xf32, #tpu.memory_space<vmem>>) target(%dma_start3A_200 : memref<10000x64xf32, #tpu.memory_space<vmem_shared>>) offsets(%dma_start3A_197 : memref<80xi32, #tpu.memory_space<vmem>>) semaphore(%arg22 : memref<!tpu.dma_semaphore, #tpu.memory_space<semaphore_mem>>) {add = true}
      %eq3A_201 = arith.constant 0 : i32
      %eq3A_202 = arith.cmpi eq, %arg0, %eq3A_201 : i32
      %convert_element_type3A_203 = arith.extui %eq3A_202 : i1 to i32
      %cond3A_204 = arith.constant 0 : i32
      %cond3A_205 = arith.cmpi ne, %convert_element_type3A_203, %cond3A_204 : i32
      scf.if %cond3A_205 {
        %get3A = arith.index_cast %add3A_184 : i32 to index
        %get3A_305 = arith.constant 0 : index
        %get3A_306 = tpu.vector_load %arg9[%get3A, %get3A_305] {strides = array<i32>} : memref<250x80xi32, #tpu.memory_space<vmem>>, vector<16xi32>,
        %broadcast_in_dim3A_307 = arith.constant true
        %broadcast_in_dim3A_308 = vector.broadcast %broadcast_in_dim3A_307 : i1 to vector<16xi1>
        %unique3A, %unique3A_309 = tpu.scan_count mask(%broadcast_in_dim3A_308 : vector<16xi1>) value(%get3A_306 : vector<16xi32>) : vector<16xi1>, vector<16xi32>
        %scatter3A = arith.constant 0 : i32
        %scatter3A_310 = arith.constant 0 : i32
        %scatter3A_311 = tpu.memref_slice %arg15[%scatter3A, %scatter3A_310] : memref<1x10000xi32, #tpu.memory_space<vmem>> -> memref<1x10000xi32, #tpu.memory_space<vmem>>
        %scatter3A_312 = tpu.memref_squeeze %scatter3A_311 : memref<1x10000xi32, #tpu.memory_space<vmem>> -> memref<10000xi32, #tpu.memory_space<vmem>>
        tpu.vector_store_idx %scatter3A_312[%get3A_306], %unique3A_309 masked %unique3A {add = true} : memref<10000xi32, #tpu.memory_space<vmem>>[vector<16xi32>], vector<16xi32>, vector<16xi1>
        %get3A_313 = arith.index_cast %add3A_184 : i32 to index
        %get3A_314 = arith.constant 16 : index
        %get3A_315 = tpu.vector_load %arg9[%get3A_313, %get3A_314] {strides = array<i32>} : memref<250x80xi32, #tpu.memory_space<vmem>>, vector<16xi32>,
        %broadcast_in_dim3A_316 = arith.constant true
        %broadcast_in_dim3A_317 = vector.broadcast %broadcast_in_dim3A_316 : i1 to vector<16xi1>
        %unique3A_318, %unique3A_319 = tpu.scan_count mask(%broadcast_in_dim3A_317 : vector<16xi1>) value(%get3A_315 : vector<16xi32>) : vector<16xi1>, vector<16xi32>
        %scatter3A_320 = arith.constant 0 : i32
        %scatter3A_321 = arith.constant 0 : i32
        %scatter3A_322 = tpu.memref_slice %arg15[%scatter3A_320, %scatter3A_321] : memref<1x10000xi32, #tpu.memory_space<vmem>> -> memref<1x10000xi32, #tpu.memory_space<vmem>>
        %scatter3A_323 = tpu.memref_squeeze %scatter3A_322 : memref<1x10000xi32, #tpu.memory_space<vmem>> -> memref<10000xi32, #tpu.memory_space<vmem>>
        tpu.vector_store_idx %scatter3A_323[%get3A_315], %unique3A_319 masked %unique3A_318 {add = true} : memref<10000xi32, #tpu.memory_space<vmem>>[vector<16xi32>], vector<16xi32>, vector<16xi1>
        %get3A_324 = arith.index_cast %add3A_184 : i32 to index
        %get3A_325 = arith.constant 32 : index
        %get3A_326 = tpu.vector_load %arg9[%get3A_324, %get3A_325] {strides = array<i32>} : memref<250x80xi32, #tpu.memory_space<vmem>>, vector<16xi32>,
        %broadcast_in_dim3A_327 = arith.constant true
        %broadcast_in_dim3A_328 = vector.broadcast %broadcast_in_dim3A_327 : i1 to vector<16xi1>
        %unique3A_329, %unique3A_330 = tpu.scan_count mask(%broadcast_in_dim3A_328 : vector<16xi1>) value(%get3A_326 : vector<16xi32>) : vector<16xi1>, vector<16xi32>
        %scatter3A_331 = arith.constant 0 : i32
        %scatter3A_332 = arith.constant 0 : i32
        %scatter3A_333 = tpu.memref_slice %arg15[%scatter3A_331, %scatter3A_332] : memref<1x10000xi32, #tpu.memory_space<vmem>> -> memref<1x10000xi32, #tpu.memory_space<vmem>>
        %scatter3A_334 = tpu.memref_squeeze %scatter3A_333 : memref<1x10000xi32, #tpu.memory_space<vmem>> -> memref<10000xi32, #tpu.memory_space<vmem>>
        tpu.vector_store_idx %scatter3A_334[%get3A_326], %unique3A_330 masked %unique3A_329 {add = true} : memref<10000xi32, #tpu.memory_space<vmem>>[vector<16xi32>], vector<16xi32>, vector<16xi1>
        %get3A_335 = arith.index_cast %add3A_184 : i32 to index
        %get3A_336 = arith.constant 48 : index
        %get3A_337 = tpu.vector_load %arg9[%get3A_335, %get3A_336] {strides = array<i32>} : memref<250x80xi32, #tpu.memory_space<vmem>>, vector<16xi32>,
        %broadcast_in_dim3A_338 = arith.constant true
        %broadcast_in_dim3A_339 = vector.broadcast %broadcast_in_dim3A_338 : i1 to vector<16xi1>
        %unique3A_340, %unique3A_341 = tpu.scan_count mask(%broadcast_in_dim3A_339 : vector<16xi1>) value(%get3A_337 : vector<16xi32>) : vector<16xi1>, vector<16xi32>
        %scatter3A_342 = arith.constant 0 : i32
        %scatter3A_343 = arith.constant 0 : i32
        %scatter3A_344 = tpu.memref_slice %arg15[%scatter3A_342, %scatter3A_343] : memref<1x10000xi32, #tpu.memory_space<vmem>> -> memref<1x10000xi32, #tpu.memory_space<vmem>>
        %scatter3A_345 = tpu.memref_squeeze %scatter3A_344 : memref<1x10000xi32, #tpu.memory_space<vmem>> -> memref<10000xi32, #tpu.memory_space<vmem>>
        tpu.vector_store_idx %scatter3A_345[%get3A_337], %unique3A_341 masked %unique3A_340 {add = true} : memref<10000xi32, #tpu.memory_space<vmem>>[vector<16xi32>], vector<16xi32>, vector<16xi1>
        %get3A_346 = arith.index_cast %add3A_184 : i32 to index
        %get3A_347 = arith.constant 64 : index
        %get3A_348 = tpu.vector_load %arg9[%get3A_346, %get3A_347] {strides = array<i32>} : memref<250x80xi32, #tpu.memory_space<vmem>>, vector<16xi32>,
        %broadcast_in_dim3A_349 = arith.constant true
        %broadcast_in_dim3A_350 = vector.broadcast %broadcast_in_dim3A_349 : i1 to vector<16xi1>
        %unique3A_351, %unique3A_352 = tpu.scan_count mask(%broadcast_in_dim3A_350 : vector<16xi1>) value(%get3A_348 : vector<16xi32>) : vector<16xi1>, vector<16xi32>
        %scatter3A_353 = arith.constant 0 : i32
        %scatter3A_354 = arith.constant 0 : i32
        %scatter3A_355 = tpu.memref_slice %arg15[%scatter3A_353, %scatter3A_354] : memref<1x10000xi32, #tpu.memory_space<vmem>> -> memref<1x10000xi32, #tpu.memory_space<vmem>>
        %scatter3A_356 = tpu.memref_squeeze %scatter3A_355 : memref<1x10000xi32, #tpu.memory_space<vmem>> -> memref<10000xi32, #tpu.memory_space<vmem>>
        tpu.vector_store_idx %scatter3A_356[%get3A_348], %unique3A_352 masked %unique3A_351 {add = true} : memref<10000xi32, #tpu.memory_space<vmem>>[vector<16xi32>], vector<16xi32>, vector<16xi1>
      } else {
      }
      %eq3A_206 = arith.constant 1 : i32
      %eq3A_207 = arith.cmpi eq, %arg0, %eq3A_206 : i32
      %convert_element_type3A_208 = arith.extui %eq3A_207 : i1 to i32
      %cond3A_209 = arith.constant 0 : i32
      %cond3A_210 = arith.cmpi ne, %convert_element_type3A_208, %cond3A_209 : i32
      scf.if %cond3A_210 {
        %get3A = arith.index_cast %add3A_184 : i32 to index
        %get3A_305 = arith.constant 0 : index
        %get3A_306 = tpu.vector_load %arg8[%get3A, %get3A_305] {strides = array<i32>} : memref<250x80xi32, #tpu.memory_space<vmem>>, vector<16xi32>,
        %broadcast_in_dim3A_307 = arith.constant true
        %broadcast_in_dim3A_308 = vector.broadcast %broadcast_in_dim3A_307 : i1 to vector<16xi1>
        %unique3A, %unique3A_309 = tpu.scan_count mask(%broadcast_in_dim3A_308 : vector<16xi1>) value(%get3A_306 : vector<16xi32>) : vector<16xi1>, vector<16xi32>
        %scatter3A = arith.constant 0 : i32
        %scatter3A_310 = arith.constant 0 : i32
        %scatter3A_311 = tpu.memref_slice %arg15[%scatter3A, %scatter3A_310] : memref<1x10000xi32, #tpu.memory_space<vmem>> -> memref<1x10000xi32, #tpu.memory_space<vmem>>
        %scatter3A_312 = tpu.memref_squeeze %scatter3A_311 : memref<1x10000xi32, #tpu.memory_space<vmem>> -> memref<10000xi32, #tpu.memory_space<vmem>>
        tpu.vector_store_idx %scatter3A_312[%get3A_306], %unique3A_309 masked %unique3A {add = true} : memref<10000xi32, #tpu.memory_space<vmem>>[vector<16xi32>], vector<16xi32>, vector<16xi1>
        %get3A_313 = arith.index_cast %add3A_184 : i32 to index
        %get3A_314 = arith.constant 16 : index
        %get3A_315 = tpu.vector_load %arg8[%get3A_313, %get3A_314] {strides = array<i32>} : memref<250x80xi32, #tpu.memory_space<vmem>>, vector<16xi32>,
        %broadcast_in_dim3A_316 = arith.constant true
        %broadcast_in_dim3A_317 = vector.broadcast %broadcast_in_dim3A_316 : i1 to vector<16xi1>
        %unique3A_318, %unique3A_319 = tpu.scan_count mask(%broadcast_in_dim3A_317 : vector<16xi1>) value(%get3A_315 : vector<16xi32>) : vector<16xi1>, vector<16xi32>
        %scatter3A_320 = arith.constant 0 : i32
        %scatter3A_321 = arith.constant 0 : i32
        %scatter3A_322 = tpu.memref_slice %arg15[%scatter3A_320, %scatter3A_321] : memref<1x10000xi32, #tpu.memory_space<vmem>> -> memref<1x10000xi32, #tpu.memory_space<vmem>>
        %scatter3A_323 = tpu.memref_squeeze %scatter3A_322 : memref<1x10000xi32, #tpu.memory_space<vmem>> -> memref<10000xi32, #tpu.memory_space<vmem>>
        tpu.vector_store_idx %scatter3A_323[%get3A_315], %unique3A_319 masked %unique3A_318 {add = true} : memref<10000xi32, #tpu.memory_space<vmem>>[vector<16xi32>], vector<16xi32>, vector<16xi1>
        %get3A_324 = arith.index_cast %add3A_184 : i32 to index
        %get3A_325 = arith.constant 32 : index
        %get3A_326 = tpu.vector_load %arg8[%get3A_324, %get3A_325] {strides = array<i32>} : memref<250x80xi32, #tpu.memory_space<vmem>>, vector<16xi32>,
        %broadcast_in_dim3A_327 = arith.constant true
        %broadcast_in_dim3A_328 = vector.broadcast %broadcast_in_dim3A_327 : i1 to vector<16xi1>
        %unique3A_329, %unique3A_330 = tpu.scan_count mask(%broadcast_in_dim3A_328 : vector<16xi1>) value(%get3A_326 : vector<16xi32>) : vector<16xi1>, vector<16xi32>
        %scatter3A_331 = arith.constant 0 : i32
        %scatter3A_332 = arith.constant 0 : i32
        %scatter3A_333 = tpu.memref_slice %arg15[%scatter3A_331, %scatter3A_332] : memref<1x10000xi32, #tpu.memory_space<vmem>> -> memref<1x10000xi32, #tpu.memory_space<vmem>>
        %scatter3A_334 = tpu.memref_squeeze %scatter3A_333 : memref<1x10000xi32, #tpu.memory_space<vmem>> -> memref<10000xi32, #tpu.memory_space<vmem>>
        tpu.vector_store_idx %scatter3A_334[%get3A_326], %unique3A_330 masked %unique3A_329 {add = true} : memref<10000xi32, #tpu.memory_space<vmem>>[vector<16xi32>], vector<16xi32>, vector<16xi1>
        %get3A_335 = arith.index_cast %add3A_184 : i32 to index
        %get3A_336 = arith.constant 48 : index
        %get3A_337 = tpu.vector_load %arg8[%get3A_335, %get3A_336] {strides = array<i32>} : memref<250x80xi32, #tpu.memory_space<vmem>>, vector<16xi32>,
        %broadcast_in_dim3A_338 = arith.constant true
        %broadcast_in_dim3A_339 = vector.broadcast %broadcast_in_dim3A_338 : i1 to vector<16xi1>
        %unique3A_340, %unique3A_341 = tpu.scan_count mask(%broadcast_in_dim3A_339 : vector<16xi1>) value(%get3A_337 : vector<16xi32>) : vector<16xi1>, vector<16xi32>
        %scatter3A_342 = arith.constant 0 : i32
        %scatter3A_343 = arith.constant 0 : i32
        %scatter3A_344 = tpu.memref_slice %arg15[%scatter3A_342, %scatter3A_343] : memref<1x10000xi32, #tpu.memory_space<vmem>> -> memref<1x10000xi32, #tpu.memory_space<vmem>>
        %scatter3A_345 = tpu.memref_squeeze %scatter3A_344 : memref<1x10000xi32, #tpu.memory_space<vmem>> -> memref<10000xi32, #tpu.memory_space<vmem>>
        tpu.vector_store_idx %scatter3A_345[%get3A_337], %unique3A_341 masked %unique3A_340 {add = true} : memref<10000xi32, #tpu.memory_space<vmem>>[vector<16xi32>], vector<16xi32>, vector<16xi1>
        %get3A_346 = arith.index_cast %add3A_184 : i32 to index
        %get3A_347 = arith.constant 64 : index
        %get3A_348 = tpu.vector_load %arg8[%get3A_346, %get3A_347] {strides = array<i32>} : memref<250x80xi32, #tpu.memory_space<vmem>>, vector<16xi32>,
        %broadcast_in_dim3A_349 = arith.constant true
        %broadcast_in_dim3A_350 = vector.broadcast %broadcast_in_dim3A_349 : i1 to vector<16xi1>
        %unique3A_351, %unique3A_352 = tpu.scan_count mask(%broadcast_in_dim3A_350 : vector<16xi1>) value(%get3A_348 : vector<16xi32>) : vector<16xi1>, vector<16xi32>
        %scatter3A_353 = arith.constant 0 : i32
        %scatter3A_354 = arith.constant 0 : i32
        %scatter3A_355 = tpu.memref_slice %arg15[%scatter3A_353, %scatter3A_354] : memref<1x10000xi32, #tpu.memory_space<vmem>> -> memref<1x10000xi32, #tpu.memory_space<vmem>>
        %scatter3A_356 = tpu.memref_squeeze %scatter3A_355 : memref<1x10000xi32, #tpu.memory_space<vmem>> -> memref<10000xi32, #tpu.memory_space<vmem>>
        tpu.vector_store_idx %scatter3A_356[%get3A_348], %unique3A_352 masked %unique3A_351 {add = true} : memref<10000xi32, #tpu.memory_space<vmem>>[vector<16xi32>], vector<16xi32>, vector<16xi1>
      } else {
      }
      %mul3A_211 = arith.constant 5 : i32
      %mul3A_212 = arith.muli %mul3A_211, %scan3A_150 : i32
      %add3A_213 = arith.constant 2 : i32
      %add3A_214 = arith.addi %mul3A_212, %add3A_213 : i32
      %dma_wait3A_215 = arith.constant 0 : i32
      %dma_wait3A_216 = tpu.memref_slice %arg8[%add3A_214, %dma_wait3A_215] : memref<250x80xi32, #tpu.memory_space<vmem>> -> memref<1x80xi32, #tpu.memory_space<vmem>>
      %dma_wait3A_217 = tpu.memref_squeeze %dma_wait3A_216 : memref<1x80xi32, #tpu.memory_space<vmem>> -> memref<80xi32, #tpu.memory_space<vmem>>
      %dma_wait3A_218 = arith.constant 0 : i32
      %dma_wait3A_219 = arith.constant 0 : i32
      %dma_wait3A_220 = tpu.memref_slice %arg2[%arg0, %dma_wait3A_218, %dma_wait3A_219] : memref<2x10000x64xf32, #tpu.memory_space<hbm>> -> memref<1x10000x64xf32, #tpu.memory_space<hbm>>
      %dma_wait3A_221 = tpu.memref_squeeze %dma_wait3A_220 : memref<1x10000x64xf32, #tpu.memory_space<hbm>> -> memref<10000x64xf32, #tpu.memory_space<hbm>>
      %dma_wait3A_222 = arith.constant 0 : i32
      %dma_wait3A_223 = arith.constant 0 : i32
      %dma_wait3A_224 = tpu.memref_slice %dma_wait3A_221[%dma_wait3A_222, %dma_wait3A_223] : memref<10000x64xf32, #tpu.memory_space<hbm>> -> memref<10000x64xf32, #tpu.memory_space<hbm>>
      tpu.wait_indirect_dma semaphore(%arg18 : memref<!tpu.dma_semaphore, #tpu.memory_space<semaphore_mem>>) src(%dma_wait3A_224 : memref<10000x64xf32, #tpu.memory_space<hbm>>) dst(%arg12 : memref<80x64xf32, #tpu.memory_space<vmem>>)
      %dma_start3A_225 = arith.constant 0 : i32
      %dma_start3A_226 = tpu.memref_slice %arg9[%add3A_214, %dma_start3A_225] : memref<250x80xi32, #tpu.memory_space<vmem>> -> memref<1x80xi32, #tpu.memory_space<vmem>>
      %dma_start3A_227 = tpu.memref_squeeze %dma_start3A_226 : memref<1x80xi32, #tpu.memory_space<vmem>> -> memref<80xi32, #tpu.memory_space<vmem>>
      %dma_start3A_228 = arith.constant 0 : i32
      %dma_start3A_229 = arith.constant 0 : i32
      %dma_start3A_230 = tpu.memref_slice %arg26[%dma_start3A_228, %dma_start3A_229] : memref<10000x64xf32, #tpu.memory_space<vmem_shared>> -> memref<10000x64xf32, #tpu.memory_space<vmem_shared>>
      tpu.enqueue_indirect_dma source(%arg12 : memref<80x64xf32, #tpu.memory_space<vmem>>) target(%dma_start3A_230 : memref<10000x64xf32, #tpu.memory_space<vmem_shared>>) offsets(%dma_start3A_227 : memref<80xi32, #tpu.memory_space<vmem>>) semaphore(%arg23 : memref<!tpu.dma_semaphore, #tpu.memory_space<semaphore_mem>>) {add = true}
      %eq3A_231 = arith.constant 0 : i32
      %eq3A_232 = arith.cmpi eq, %arg0, %eq3A_231 : i32
      %convert_element_type3A_233 = arith.extui %eq3A_232 : i1 to i32
      %cond3A_234 = arith.constant 0 : i32
      %cond3A_235 = arith.cmpi ne, %convert_element_type3A_233, %cond3A_234 : i32
      scf.if %cond3A_235 {
        %get3A = arith.index_cast %add3A_214 : i32 to index
        %get3A_305 = arith.constant 0 : index
        %get3A_306 = tpu.vector_load %arg9[%get3A, %get3A_305] {strides = array<i32>} : memref<250x80xi32, #tpu.memory_space<vmem>>, vector<16xi32>,
        %broadcast_in_dim3A_307 = arith.constant true
        %broadcast_in_dim3A_308 = vector.broadcast %broadcast_in_dim3A_307 : i1 to vector<16xi1>
        %unique3A, %unique3A_309 = tpu.scan_count mask(%broadcast_in_dim3A_308 : vector<16xi1>) value(%get3A_306 : vector<16xi32>) : vector<16xi1>, vector<16xi32>
        %scatter3A = arith.constant 0 : i32
        %scatter3A_310 = arith.constant 0 : i32
        %scatter3A_311 = tpu.memref_slice %arg15[%scatter3A, %scatter3A_310] : memref<1x10000xi32, #tpu.memory_space<vmem>> -> memref<1x10000xi32, #tpu.memory_space<vmem>>
        %scatter3A_312 = tpu.memref_squeeze %scatter3A_311 : memref<1x10000xi32, #tpu.memory_space<vmem>> -> memref<10000xi32, #tpu.memory_space<vmem>>
        tpu.vector_store_idx %scatter3A_312[%get3A_306], %unique3A_309 masked %unique3A {add = true} : memref<10000xi32, #tpu.memory_space<vmem>>[vector<16xi32>], vector<16xi32>, vector<16xi1>
        %get3A_313 = arith.index_cast %add3A_214 : i32 to index
        %get3A_314 = arith.constant 16 : index
        %get3A_315 = tpu.vector_load %arg9[%get3A_313, %get3A_314] {strides = array<i32>} : memref<250x80xi32, #tpu.memory_space<vmem>>, vector<16xi32>,
        %broadcast_in_dim3A_316 = arith.constant true
        %broadcast_in_dim3A_317 = vector.broadcast %broadcast_in_dim3A_316 : i1 to vector<16xi1>
        %unique3A_318, %unique3A_319 = tpu.scan_count mask(%broadcast_in_dim3A_317 : vector<16xi1>) value(%get3A_315 : vector<16xi32>) : vector<16xi1>, vector<16xi32>
        %scatter3A_320 = arith.constant 0 : i32
        %scatter3A_321 = arith.constant 0 : i32
        %scatter3A_322 = tpu.memref_slice %arg15[%scatter3A_320, %scatter3A_321] : memref<1x10000xi32, #tpu.memory_space<vmem>> -> memref<1x10000xi32, #tpu.memory_space<vmem>>
        %scatter3A_323 = tpu.memref_squeeze %scatter3A_322 : memref<1x10000xi32, #tpu.memory_space<vmem>> -> memref<10000xi32, #tpu.memory_space<vmem>>
        tpu.vector_store_idx %scatter3A_323[%get3A_315], %unique3A_319 masked %unique3A_318 {add = true} : memref<10000xi32, #tpu.memory_space<vmem>>[vector<16xi32>], vector<16xi32>, vector<16xi1>
        %get3A_324 = arith.index_cast %add3A_214 : i32 to index
        %get3A_325 = arith.constant 32 : index
        %get3A_326 = tpu.vector_load %arg9[%get3A_324, %get3A_325] {strides = array<i32>} : memref<250x80xi32, #tpu.memory_space<vmem>>, vector<16xi32>,
        %broadcast_in_dim3A_327 = arith.constant true
        %broadcast_in_dim3A_328 = vector.broadcast %broadcast_in_dim3A_327 : i1 to vector<16xi1>
        %unique3A_329, %unique3A_330 = tpu.scan_count mask(%broadcast_in_dim3A_328 : vector<16xi1>) value(%get3A_326 : vector<16xi32>) : vector<16xi1>, vector<16xi32>
        %scatter3A_331 = arith.constant 0 : i32
        %scatter3A_332 = arith.constant 0 : i32
        %scatter3A_333 = tpu.memref_slice %arg15[%scatter3A_331, %scatter3A_332] : memref<1x10000xi32, #tpu.memory_space<vmem>> -> memref<1x10000xi32, #tpu.memory_space<vmem>>
        %scatter3A_334 = tpu.memref_squeeze %scatter3A_333 : memref<1x10000xi32, #tpu.memory_space<vmem>> -> memref<10000xi32, #tpu.memory_space<vmem>>
        tpu.vector_store_idx %scatter3A_334[%get3A_326], %unique3A_330 masked %unique3A_329 {add = true} : memref<10000xi32, #tpu.memory_space<vmem>>[vector<16xi32>], vector<16xi32>, vector<16xi1>
        %get3A_335 = arith.index_cast %add3A_214 : i32 to index
        %get3A_336 = arith.constant 48 : index
        %get3A_337 = tpu.vector_load %arg9[%get3A_335, %get3A_336] {strides = array<i32>} : memref<250x80xi32, #tpu.memory_space<vmem>>, vector<16xi32>,
        %broadcast_in_dim3A_338 = arith.constant true
        %broadcast_in_dim3A_339 = vector.broadcast %broadcast_in_dim3A_338 : i1 to vector<16xi1>
        %unique3A_340, %unique3A_341 = tpu.scan_count mask(%broadcast_in_dim3A_339 : vector<16xi1>) value(%get3A_337 : vector<16xi32>) : vector<16xi1>, vector<16xi32>
        %scatter3A_342 = arith.constant 0 : i32
        %scatter3A_343 = arith.constant 0 : i32
        %scatter3A_344 = tpu.memref_slice %arg15[%scatter3A_342, %scatter3A_343] : memref<1x10000xi32, #tpu.memory_space<vmem>> -> memref<1x10000xi32, #tpu.memory_space<vmem>>
        %scatter3A_345 = tpu.memref_squeeze %scatter3A_344 : memref<1x10000xi32, #tpu.memory_space<vmem>> -> memref<10000xi32, #tpu.memory_space<vmem>>
        tpu.vector_store_idx %scatter3A_345[%get3A_337], %unique3A_341 masked %unique3A_340 {add = true} : memref<10000xi32, #tpu.memory_space<vmem>>[vector<16xi32>], vector<16xi32>, vector<16xi1>
        %get3A_346 = arith.index_cast %add3A_214 : i32 to index
        %get3A_347 = arith.constant 64 : index
        %get3A_348 = tpu.vector_load %arg9[%get3A_346, %get3A_347] {strides = array<i32>} : memref<250x80xi32, #tpu.memory_space<vmem>>, vector<16xi32>,
        %broadcast_in_dim3A_349 = arith.constant true
        %broadcast_in_dim3A_350 = vector.broadcast %broadcast_in_dim3A_349 : i1 to vector<16xi1>
        %unique3A_351, %unique3A_352 = tpu.scan_count mask(%broadcast_in_dim3A_350 : vector<16xi1>) value(%get3A_348 : vector<16xi32>) : vector<16xi1>, vector<16xi32>
        %scatter3A_353 = arith.constant 0 : i32
        %scatter3A_354 = arith.constant 0 : i32
        %scatter3A_355 = tpu.memref_slice %arg15[%scatter3A_353, %scatter3A_354] : memref<1x10000xi32, #tpu.memory_space<vmem>> -> memref<1x10000xi32, #tpu.memory_space<vmem>>
        %scatter3A_356 = tpu.memref_squeeze %scatter3A_355 : memref<1x10000xi32, #tpu.memory_space<vmem>> -> memref<10000xi32, #tpu.memory_space<vmem>>
        tpu.vector_store_idx %scatter3A_356[%get3A_348], %unique3A_352 masked %unique3A_351 {add = true} : memref<10000xi32, #tpu.memory_space<vmem>>[vector<16xi32>], vector<16xi32>, vector<16xi1>
      } else {
      }
      %eq3A_236 = arith.constant 1 : i32
      %eq3A_237 = arith.cmpi eq, %arg0, %eq3A_236 : i32
      %convert_element_type3A_238 = arith.extui %eq3A_237 : i1 to i32
      %cond3A_239 = arith.constant 0 : i32
      %cond3A_240 = arith.cmpi ne, %convert_element_type3A_238, %cond3A_239 : i32
      scf.if %cond3A_240 {
        %get3A = arith.index_cast %add3A_214 : i32 to index
        %get3A_305 = arith.constant 0 : index
        %get3A_306 = tpu.vector_load %arg8[%get3A, %get3A_305] {strides = array<i32>} : memref<250x80xi32, #tpu.memory_space<vmem>>, vector<16xi32>,
        %broadcast_in_dim3A_307 = arith.constant true
        %broadcast_in_dim3A_308 = vector.broadcast %broadcast_in_dim3A_307 : i1 to vector<16xi1>
        %unique3A, %unique3A_309 = tpu.scan_count mask(%broadcast_in_dim3A_308 : vector<16xi1>) value(%get3A_306 : vector<16xi32>) : vector<16xi1>, vector<16xi32>
        %scatter3A = arith.constant 0 : i32
        %scatter3A_310 = arith.constant 0 : i32
        %scatter3A_311 = tpu.memref_slice %arg15[%scatter3A, %scatter3A_310] : memref<1x10000xi32, #tpu.memory_space<vmem>> -> memref<1x10000xi32, #tpu.memory_space<vmem>>
        %scatter3A_312 = tpu.memref_squeeze %scatter3A_311 : memref<1x10000xi32, #tpu.memory_space<vmem>> -> memref<10000xi32, #tpu.memory_space<vmem>>
        tpu.vector_store_idx %scatter3A_312[%get3A_306], %unique3A_309 masked %unique3A {add = true} : memref<10000xi32, #tpu.memory_space<vmem>>[vector<16xi32>], vector<16xi32>, vector<16xi1>
        %get3A_313 = arith.index_cast %add3A_214 : i32 to index
        %get3A_314 = arith.constant 16 : index
        %get3A_315 = tpu.vector_load %arg8[%get3A_313, %get3A_314] {strides = array<i32>} : memref<250x80xi32, #tpu.memory_space<vmem>>, vector<16xi32>,
        %broadcast_in_dim3A_316 = arith.constant true
        %broadcast_in_dim3A_317 = vector.broadcast %broadcast_in_dim3A_316 : i1 to vector<16xi1>
        %unique3A_318, %unique3A_319 = tpu.scan_count mask(%broadcast_in_dim3A_317 : vector<16xi1>) value(%get3A_315 : vector<16xi32>) : vector<16xi1>, vector<16xi32>
        %scatter3A_320 = arith.constant 0 : i32
        %scatter3A_321 = arith.constant 0 : i32
        %scatter3A_322 = tpu.memref_slice %arg15[%scatter3A_320, %scatter3A_321] : memref<1x10000xi32, #tpu.memory_space<vmem>> -> memref<1x10000xi32, #tpu.memory_space<vmem>>
        %scatter3A_323 = tpu.memref_squeeze %scatter3A_322 : memref<1x10000xi32, #tpu.memory_space<vmem>> -> memref<10000xi32, #tpu.memory_space<vmem>>
        tpu.vector_store_idx %scatter3A_323[%get3A_315], %unique3A_319 masked %unique3A_318 {add = true} : memref<10000xi32, #tpu.memory_space<vmem>>[vector<16xi32>], vector<16xi32>, vector<16xi1>
        %get3A_324 = arith.index_cast %add3A_214 : i32 to index
        %get3A_325 = arith.constant 32 : index
        %get3A_326 = tpu.vector_load %arg8[%get3A_324, %get3A_325] {strides = array<i32>} : memref<250x80xi32, #tpu.memory_space<vmem>>, vector<16xi32>,
        %broadcast_in_dim3A_327 = arith.constant true
        %broadcast_in_dim3A_328 = vector.broadcast %broadcast_in_dim3A_327 : i1 to vector<16xi1>
        %unique3A_329, %unique3A_330 = tpu.scan_count mask(%broadcast_in_dim3A_328 : vector<16xi1>) value(%get3A_326 : vector<16xi32>) : vector<16xi1>, vector<16xi32>
        %scatter3A_331 = arith.constant 0 : i32
        %scatter3A_332 = arith.constant 0 : i32
        %scatter3A_333 = tpu.memref_slice %arg15[%scatter3A_331, %scatter3A_332] : memref<1x10000xi32, #tpu.memory_space<vmem>> -> memref<1x10000xi32, #tpu.memory_space<vmem>>
        %scatter3A_334 = tpu.memref_squeeze %scatter3A_333 : memref<1x10000xi32, #tpu.memory_space<vmem>> -> memref<10000xi32, #tpu.memory_space<vmem>>
        tpu.vector_store_idx %scatter3A_334[%get3A_326], %unique3A_330 masked %unique3A_329 {add = true} : memref<10000xi32, #tpu.memory_space<vmem>>[vector<16xi32>], vector<16xi32>, vector<16xi1>
        %get3A_335 = arith.index_cast %add3A_214 : i32 to index
        %get3A_336 = arith.constant 48 : index
        %get3A_337 = tpu.vector_load %arg8[%get3A_335, %get3A_336] {strides = array<i32>} : memref<250x80xi32, #tpu.memory_space<vmem>>, vector<16xi32>,
        %broadcast_in_dim3A_338 = arith.constant true
        %broadcast_in_dim3A_339 = vector.broadcast %broadcast_in_dim3A_338 : i1 to vector<16xi1>
        %unique3A_340, %unique3A_341 = tpu.scan_count mask(%broadcast_in_dim3A_339 : vector<16xi1>) value(%get3A_337 : vector<16xi32>) : vector<16xi1>, vector<16xi32>
        %scatter3A_342 = arith.constant 0 : i32
        %scatter3A_343 = arith.constant 0 : i32
        %scatter3A_344 = tpu.memref_slice %arg15[%scatter3A_342, %scatter3A_343] : memref<1x10000xi32, #tpu.memory_space<vmem>> -> memref<1x10000xi32, #tpu.memory_space<vmem>>
        %scatter3A_345 = tpu.memref_squeeze %scatter3A_344 : memref<1x10000xi32, #tpu.memory_space<vmem>> -> memref<10000xi32, #tpu.memory_space<vmem>>
        tpu.vector_store_idx %scatter3A_345[%get3A_337], %unique3A_341 masked %unique3A_340 {add = true} : memref<10000xi32, #tpu.memory_space<vmem>>[vector<16xi32>], vector<16xi32>, vector<16xi1>
        %get3A_346 = arith.index_cast %add3A_214 : i32 to index
        %get3A_347 = arith.constant 64 : index
        %get3A_348 = tpu.vector_load %arg8[%get3A_346, %get3A_347] {strides = array<i32>} : memref<250x80xi32, #tpu.memory_space<vmem>>, vector<16xi32>,
        %broadcast_in_dim3A_349 = arith.constant true
        %broadcast_in_dim3A_350 = vector.broadcast %broadcast_in_dim3A_349 : i1 to vector<16xi1>
        %unique3A_351, %unique3A_352 = tpu.scan_count mask(%broadcast_in_dim3A_350 : vector<16xi1>) value(%get3A_348 : vector<16xi32>) : vector<16xi1>, vector<16xi32>
        %scatter3A_353 = arith.constant 0 : i32
        %scatter3A_354 = arith.constant 0 : i32
        %scatter3A_355 = tpu.memref_slice %arg15[%scatter3A_353, %scatter3A_354] : memref<1x10000xi32, #tpu.memory_space<vmem>> -> memref<1x10000xi32, #tpu.memory_space<vmem>>
        %scatter3A_356 = tpu.memref_squeeze %scatter3A_355 : memref<1x10000xi32, #tpu.memory_space<vmem>> -> memref<10000xi32, #tpu.memory_space<vmem>>
        tpu.vector_store_idx %scatter3A_356[%get3A_348], %unique3A_352 masked %unique3A_351 {add = true} : memref<10000xi32, #tpu.memory_space<vmem>>[vector<16xi32>], vector<16xi32>, vector<16xi1>
      } else {
      }
      %mul3A_241 = arith.constant 5 : i32
      %mul3A_242 = arith.muli %mul3A_241, %scan3A_150 : i32
      %add3A_243 = arith.constant 3 : i32
      %add3A_244 = arith.addi %mul3A_242, %add3A_243 : i32
      %dma_wait3A_245 = arith.constant 0 : i32
      %dma_wait3A_246 = tpu.memref_slice %arg8[%add3A_244, %dma_wait3A_245] : memref<250x80xi32, #tpu.memory_space<vmem>> -> memref<1x80xi32, #tpu.memory_space<vmem>>
      %dma_wait3A_247 = tpu.memref_squeeze %dma_wait3A_246 : memref<1x80xi32, #tpu.memory_space<vmem>> -> memref<80xi32, #tpu.memory_space<vmem>>
      %dma_wait3A_248 = arith.constant 0 : i32
      %dma_wait3A_249 = arith.constant 0 : i32
      %dma_wait3A_250 = tpu.memref_slice %arg2[%arg0, %dma_wait3A_248, %dma_wait3A_249] : memref<2x10000x64xf32, #tpu.memory_space<hbm>> -> memref<1x10000x64xf32, #tpu.memory_space<hbm>>
      %dma_wait3A_251 = tpu.memref_squeeze %dma_wait3A_250 : memref<1x10000x64xf32, #tpu.memory_space<hbm>> -> memref<10000x64xf32, #tpu.memory_space<hbm>>
      %dma_wait3A_252 = arith.constant 0 : i32
      %dma_wait3A_253 = arith.constant 0 : i32
      %dma_wait3A_254 = tpu.memref_slice %dma_wait3A_251[%dma_wait3A_252, %dma_wait3A_253] : memref<10000x64xf32, #tpu.memory_space<hbm>> -> memref<10000x64xf32, #tpu.memory_space<hbm>>
      tpu.wait_indirect_dma semaphore(%arg19 : memref<!tpu.dma_semaphore, #tpu.memory_space<semaphore_mem>>) src(%dma_wait3A_254 : memref<10000x64xf32, #tpu.memory_space<hbm>>) dst(%arg13 : memref<80x64xf32, #tpu.memory_space<vmem>>)
      %dma_start3A_255 = arith.constant 0 : i32
      %dma_start3A_256 = tpu.memref_slice %arg9[%add3A_244, %dma_start3A_255] : memref<250x80xi32, #tpu.memory_space<vmem>> -> memref<1x80xi32, #tpu.memory_space<vmem>>
      %dma_start3A_257 = tpu.memref_squeeze %dma_start3A_256 : memref<1x80xi32, #tpu.memory_space<vmem>> -> memref<80xi32, #tpu.memory_space<vmem>>
      %dma_start3A_258 = arith.constant 0 : i32
      %dma_start3A_259 = arith.constant 0 : i32
      %dma_start3A_260 = tpu.memref_slice %arg26[%dma_start3A_258, %dma_start3A_259] : memref<10000x64xf32, #tpu.memory_space<vmem_shared>> -> memref<10000x64xf32, #tpu.memory_space<vmem_shared>>
      tpu.enqueue_indirect_dma source(%arg13 : memref<80x64xf32, #tpu.memory_space<vmem>>) target(%dma_start3A_260 : memref<10000x64xf32, #tpu.memory_space<vmem_shared>>) offsets(%dma_start3A_257 : memref<80xi32, #tpu.memory_space<vmem>>) semaphore(%arg24 : memref<!tpu.dma_semaphore, #tpu.memory_space<semaphore_mem>>) {add = true}
      %eq3A_261 = arith.constant 0 : i32
      %eq3A_262 = arith.cmpi eq, %arg0, %eq3A_261 : i32
      %convert_element_type3A_263 = arith.extui %eq3A_262 : i1 to i32
      %cond3A_264 = arith.constant 0 : i32
      %cond3A_265 = arith.cmpi ne, %convert_element_type3A_263, %cond3A_264 : i32
      scf.if %cond3A_265 {
        %get3A = arith.index_cast %add3A_244 : i32 to index
        %get3A_305 = arith.constant 0 : index
        %get3A_306 = tpu.vector_load %arg9[%get3A, %get3A_305] {strides = array<i32>} : memref<250x80xi32, #tpu.memory_space<vmem>>, vector<16xi32>,
        %broadcast_in_dim3A_307 = arith.constant true
        %broadcast_in_dim3A_308 = vector.broadcast %broadcast_in_dim3A_307 : i1 to vector<16xi1>
        %unique3A, %unique3A_309 = tpu.scan_count mask(%broadcast_in_dim3A_308 : vector<16xi1>) value(%get3A_306 : vector<16xi32>) : vector<16xi1>, vector<16xi32>
        %scatter3A = arith.constant 0 : i32
        %scatter3A_310 = arith.constant 0 : i32
        %scatter3A_311 = tpu.memref_slice %arg15[%scatter3A, %scatter3A_310] : memref<1x10000xi32, #tpu.memory_space<vmem>> -> memref<1x10000xi32, #tpu.memory_space<vmem>>
        %scatter3A_312 = tpu.memref_squeeze %scatter3A_311 : memref<1x10000xi32, #tpu.memory_space<vmem>> -> memref<10000xi32, #tpu.memory_space<vmem>>
        tpu.vector_store_idx %scatter3A_312[%get3A_306], %unique3A_309 masked %unique3A {add = true} : memref<10000xi32, #tpu.memory_space<vmem>>[vector<16xi32>], vector<16xi32>, vector<16xi1>
        %get3A_313 = arith.index_cast %add3A_244 : i32 to index
        %get3A_314 = arith.constant 16 : index
        %get3A_315 = tpu.vector_load %arg9[%get3A_313, %get3A_314] {strides = array<i32>} : memref<250x80xi32, #tpu.memory_space<vmem>>, vector<16xi32>,
        %broadcast_in_dim3A_316 = arith.constant true
        %broadcast_in_dim3A_317 = vector.broadcast %broadcast_in_dim3A_316 : i1 to vector<16xi1>
        %unique3A_318, %unique3A_319 = tpu.scan_count mask(%broadcast_in_dim3A_317 : vector<16xi1>) value(%get3A_315 : vector<16xi32>) : vector<16xi1>, vector<16xi32>
        %scatter3A_320 = arith.constant 0 : i32
        %scatter3A_321 = arith.constant 0 : i32
        %scatter3A_322 = tpu.memref_slice %arg15[%scatter3A_320, %scatter3A_321] : memref<1x10000xi32, #tpu.memory_space<vmem>> -> memref<1x10000xi32, #tpu.memory_space<vmem>>
        %scatter3A_323 = tpu.memref_squeeze %scatter3A_322 : memref<1x10000xi32, #tpu.memory_space<vmem>> -> memref<10000xi32, #tpu.memory_space<vmem>>
        tpu.vector_store_idx %scatter3A_323[%get3A_315], %unique3A_319 masked %unique3A_318 {add = true} : memref<10000xi32, #tpu.memory_space<vmem>>[vector<16xi32>], vector<16xi32>, vector<16xi1>
        %get3A_324 = arith.index_cast %add3A_244 : i32 to index
        %get3A_325 = arith.constant 32 : index
        %get3A_326 = tpu.vector_load %arg9[%get3A_324, %get3A_325] {strides = array<i32>} : memref<250x80xi32, #tpu.memory_space<vmem>>, vector<16xi32>,
        %broadcast_in_dim3A_327 = arith.constant true
        %broadcast_in_dim3A_328 = vector.broadcast %broadcast_in_dim3A_327 : i1 to vector<16xi1>
        %unique3A_329, %unique3A_330 = tpu.scan_count mask(%broadcast_in_dim3A_328 : vector<16xi1>) value(%get3A_326 : vector<16xi32>) : vector<16xi1>, vector<16xi32>
        %scatter3A_331 = arith.constant 0 : i32
        %scatter3A_332 = arith.constant 0 : i32
        %scatter3A_333 = tpu.memref_slice %arg15[%scatter3A_331, %scatter3A_332] : memref<1x10000xi32, #tpu.memory_space<vmem>> -> memref<1x10000xi32, #tpu.memory_space<vmem>>
        %scatter3A_334 = tpu.memref_squeeze %scatter3A_333 : memref<1x10000xi32, #tpu.memory_space<vmem>> -> memref<10000xi32, #tpu.memory_space<vmem>>
        tpu.vector_store_idx %scatter3A_334[%get3A_326], %unique3A_330 masked %unique3A_329 {add = true} : memref<10000xi32, #tpu.memory_space<vmem>>[vector<16xi32>], vector<16xi32>, vector<16xi1>
        %get3A_335 = arith.index_cast %add3A_244 : i32 to index
        %get3A_336 = arith.constant 48 : index
        %get3A_337 = tpu.vector_load %arg9[%get3A_335, %get3A_336] {strides = array<i32>} : memref<250x80xi32, #tpu.memory_space<vmem>>, vector<16xi32>,
        %broadcast_in_dim3A_338 = arith.constant true
        %broadcast_in_dim3A_339 = vector.broadcast %broadcast_in_dim3A_338 : i1 to vector<16xi1>
        %unique3A_340, %unique3A_341 = tpu.scan_count mask(%broadcast_in_dim3A_339 : vector<16xi1>) value(%get3A_337 : vector<16xi32>) : vector<16xi1>, vector<16xi32>
        %scatter3A_342 = arith.constant 0 : i32
        %scatter3A_343 = arith.constant 0 : i32
        %scatter3A_344 = tpu.memref_slice %arg15[%scatter3A_342, %scatter3A_343] : memref<1x10000xi32, #tpu.memory_space<vmem>> -> memref<1x10000xi32, #tpu.memory_space<vmem>>
        %scatter3A_345 = tpu.memref_squeeze %scatter3A_344 : memref<1x10000xi32, #tpu.memory_space<vmem>> -> memref<10000xi32, #tpu.memory_space<vmem>>
        tpu.vector_store_idx %scatter3A_345[%get3A_337], %unique3A_341 masked %unique3A_340 {add = true} : memref<10000xi32, #tpu.memory_space<vmem>>[vector<16xi32>], vector<16xi32>, vector<16xi1>
        %get3A_346 = arith.index_cast %add3A_244 : i32 to index
        %get3A_347 = arith.constant 64 : index
        %get3A_348 = tpu.vector_load %arg9[%get3A_346, %get3A_347] {strides = array<i32>} : memref<250x80xi32, #tpu.memory_space<vmem>>, vector<16xi32>,
        %broadcast_in_dim3A_349 = arith.constant true
        %broadcast_in_dim3A_350 = vector.broadcast %broadcast_in_dim3A_349 : i1 to vector<16xi1>
        %unique3A_351, %unique3A_352 = tpu.scan_count mask(%broadcast_in_dim3A_350 : vector<16xi1>) value(%get3A_348 : vector<16xi32>) : vector<16xi1>, vector<16xi32>
        %scatter3A_353 = arith.constant 0 : i32
        %scatter3A_354 = arith.constant 0 : i32
        %scatter3A_355 = tpu.memref_slice %arg15[%scatter3A_353, %scatter3A_354] : memref<1x10000xi32, #tpu.memory_space<vmem>> -> memref<1x10000xi32, #tpu.memory_space<vmem>>
        %scatter3A_356 = tpu.memref_squeeze %scatter3A_355 : memref<1x10000xi32, #tpu.memory_space<vmem>> -> memref<10000xi32, #tpu.memory_space<vmem>>
        tpu.vector_store_idx %scatter3A_356[%get3A_348], %unique3A_352 masked %unique3A_351 {add = true} : memref<10000xi32, #tpu.memory_space<vmem>>[vector<16xi32>], vector<16xi32>, vector<16xi1>
      } else {
      }
      %eq3A_266 = arith.constant 1 : i32
      %eq3A_267 = arith.cmpi eq, %arg0, %eq3A_266 : i32
      %convert_element_type3A_268 = arith.extui %eq3A_267 : i1 to i32
      %cond3A_269 = arith.constant 0 : i32
      %cond3A_270 = arith.cmpi ne, %convert_element_type3A_268, %cond3A_269 : i32
      scf.if %cond3A_270 {
        %get3A = arith.index_cast %add3A_244 : i32 to index
        %get3A_305 = arith.constant 0 : index
        %get3A_306 = tpu.vector_load %arg8[%get3A, %get3A_305] {strides = array<i32>} : memref<250x80xi32, #tpu.memory_space<vmem>>, vector<16xi32>,
        %broadcast_in_dim3A_307 = arith.constant true
        %broadcast_in_dim3A_308 = vector.broadcast %broadcast_in_dim3A_307 : i1 to vector<16xi1>
        %unique3A, %unique3A_309 = tpu.scan_count mask(%broadcast_in_dim3A_308 : vector<16xi1>) value(%get3A_306 : vector<16xi32>) : vector<16xi1>, vector<16xi32>
        %scatter3A = arith.constant 0 : i32
        %scatter3A_310 = arith.constant 0 : i32
        %scatter3A_311 = tpu.memref_slice %arg15[%scatter3A, %scatter3A_310] : memref<1x10000xi32, #tpu.memory_space<vmem>> -> memref<1x10000xi32, #tpu.memory_space<vmem>>
        %scatter3A_312 = tpu.memref_squeeze %scatter3A_311 : memref<1x10000xi32, #tpu.memory_space<vmem>> -> memref<10000xi32, #tpu.memory_space<vmem>>
        tpu.vector_store_idx %scatter3A_312[%get3A_306], %unique3A_309 masked %unique3A {add = true} : memref<10000xi32, #tpu.memory_space<vmem>>[vector<16xi32>], vector<16xi32>, vector<16xi1>
        %get3A_313 = arith.index_cast %add3A_244 : i32 to index
        %get3A_314 = arith.constant 16 : index
        %get3A_315 = tpu.vector_load %arg8[%get3A_313, %get3A_314] {strides = array<i32>} : memref<250x80xi32, #tpu.memory_space<vmem>>, vector<16xi32>,
        %broadcast_in_dim3A_316 = arith.constant true
        %broadcast_in_dim3A_317 = vector.broadcast %broadcast_in_dim3A_316 : i1 to vector<16xi1>
        %unique3A_318, %unique3A_319 = tpu.scan_count mask(%broadcast_in_dim3A_317 : vector<16xi1>) value(%get3A_315 : vector<16xi32>) : vector<16xi1>, vector<16xi32>
        %scatter3A_320 = arith.constant 0 : i32
        %scatter3A_321 = arith.constant 0 : i32
        %scatter3A_322 = tpu.memref_slice %arg15[%scatter3A_320, %scatter3A_321] : memref<1x10000xi32, #tpu.memory_space<vmem>> -> memref<1x10000xi32, #tpu.memory_space<vmem>>
        %scatter3A_323 = tpu.memref_squeeze %scatter3A_322 : memref<1x10000xi32, #tpu.memory_space<vmem>> -> memref<10000xi32, #tpu.memory_space<vmem>>
        tpu.vector_store_idx %scatter3A_323[%get3A_315], %unique3A_319 masked %unique3A_318 {add = true} : memref<10000xi32, #tpu.memory_space<vmem>>[vector<16xi32>], vector<16xi32>, vector<16xi1>
        %get3A_324 = arith.index_cast %add3A_244 : i32 to index
        %get3A_325 = arith.constant 32 : index
        %get3A_326 = tpu.vector_load %arg8[%get3A_324, %get3A_325] {strides = array<i32>} : memref<250x80xi32, #tpu.memory_space<vmem>>, vector<16xi32>,
        %broadcast_in_dim3A_327 = arith.constant true
        %broadcast_in_dim3A_328 = vector.broadcast %broadcast_in_dim3A_327 : i1 to vector<16xi1>
        %unique3A_329, %unique3A_330 = tpu.scan_count mask(%broadcast_in_dim3A_328 : vector<16xi1>) value(%get3A_326 : vector<16xi32>) : vector<16xi1>, vector<16xi32>
        %scatter3A_331 = arith.constant 0 : i32
        %scatter3A_332 = arith.constant 0 : i32
        %scatter3A_333 = tpu.memref_slice %arg15[%scatter3A_331, %scatter3A_332] : memref<1x10000xi32, #tpu.memory_space<vmem>> -> memref<1x10000xi32, #tpu.memory_space<vmem>>
        %scatter3A_334 = tpu.memref_squeeze %scatter3A_333 : memref<1x10000xi32, #tpu.memory_space<vmem>> -> memref<10000xi32, #tpu.memory_space<vmem>>
        tpu.vector_store_idx %scatter3A_334[%get3A_326], %unique3A_330 masked %unique3A_329 {add = true} : memref<10000xi32, #tpu.memory_space<vmem>>[vector<16xi32>], vector<16xi32>, vector<16xi1>
        %get3A_335 = arith.index_cast %add3A_244 : i32 to index
        %get3A_336 = arith.constant 48 : index
        %get3A_337 = tpu.vector_load %arg8[%get3A_335, %get3A_336] {strides = array<i32>} : memref<250x80xi32, #tpu.memory_space<vmem>>, vector<16xi32>,
        %broadcast_in_dim3A_338 = arith.constant true
        %broadcast_in_dim3A_339 = vector.broadcast %broadcast_in_dim3A_338 : i1 to vector<16xi1>
        %unique3A_340, %unique3A_341 = tpu.scan_count mask(%broadcast_in_dim3A_339 : vector<16xi1>) value(%get3A_337 : vector<16xi32>) : vector<16xi1>, vector<16xi32>
        %scatter3A_342 = arith.constant 0 : i32
        %scatter3A_343 = arith.constant 0 : i32
        %scatter3A_344 = tpu.memref_slice %arg15[%scatter3A_342, %scatter3A_343] : memref<1x10000xi32, #tpu.memory_space<vmem>> -> memref<1x10000xi32, #tpu.memory_space<vmem>>
        %scatter3A_345 = tpu.memref_squeeze %scatter3A_344 : memref<1x10000xi32, #tpu.memory_space<vmem>> -> memref<10000xi32, #tpu.memory_space<vmem>>
        tpu.vector_store_idx %scatter3A_345[%get3A_337], %unique3A_341 masked %unique3A_340 {add = true} : memref<10000xi32, #tpu.memory_space<vmem>>[vector<16xi32>], vector<16xi32>, vector<16xi1>
        %get3A_346 = arith.index_cast %add3A_244 : i32 to index
        %get3A_347 = arith.constant 64 : index
        %get3A_348 = tpu.vector_load %arg8[%get3A_346, %get3A_347] {strides = array<i32>} : memref<250x80xi32, #tpu.memory_space<vmem>>, vector<16xi32>,
        %broadcast_in_dim3A_349 = arith.constant true
        %broadcast_in_dim3A_350 = vector.broadcast %broadcast_in_dim3A_349 : i1 to vector<16xi1>
        %unique3A_351, %unique3A_352 = tpu.scan_count mask(%broadcast_in_dim3A_350 : vector<16xi1>) value(%get3A_348 : vector<16xi32>) : vector<16xi1>, vector<16xi32>
        %scatter3A_353 = arith.constant 0 : i32
        %scatter3A_354 = arith.constant 0 : i32
        %scatter3A_355 = tpu.memref_slice %arg15[%scatter3A_353, %scatter3A_354] : memref<1x10000xi32, #tpu.memory_space<vmem>> -> memref<1x10000xi32, #tpu.memory_space<vmem>>
        %scatter3A_356 = tpu.memref_squeeze %scatter3A_355 : memref<1x10000xi32, #tpu.memory_space<vmem>> -> memref<10000xi32, #tpu.memory_space<vmem>>
        tpu.vector_store_idx %scatter3A_356[%get3A_348], %unique3A_352 masked %unique3A_351 {add = true} : memref<10000xi32, #tpu.memory_space<vmem>>[vector<16xi32>], vector<16xi32>, vector<16xi1>
      } else {
      }
      %mul3A_271 = arith.constant 5 : i32
      %mul3A_272 = arith.muli %mul3A_271, %scan3A_150 : i32
      %add3A_273 = arith.constant 4 : i32
      %add3A_274 = arith.addi %mul3A_272, %add3A_273 : i32
      %dma_wait3A_275 = arith.constant 0 : i32
      %dma_wait3A_276 = tpu.memref_slice %arg8[%add3A_274, %dma_wait3A_275] : memref<250x80xi32, #tpu.memory_space<vmem>> -> memref<1x80xi32, #tpu.memory_space<vmem>>
      %dma_wait3A_277 = tpu.memref_squeeze %dma_wait3A_276 : memref<1x80xi32, #tpu.memory_space<vmem>> -> memref<80xi32, #tpu.memory_space<vmem>>
      %dma_wait3A_278 = arith.constant 0 : i32
      %dma_wait3A_279 = arith.constant 0 : i32
      %dma_wait3A_280 = tpu.memref_slice %arg2[%arg0, %dma_wait3A_278, %dma_wait3A_279] : memref<2x10000x64xf32, #tpu.memory_space<hbm>> -> memref<1x10000x64xf32, #tpu.memory_space<hbm>>
      %dma_wait3A_281 = tpu.memref_squeeze %dma_wait3A_280 : memref<1x10000x64xf32, #tpu.memory_space<hbm>> -> memref<10000x64xf32, #tpu.memory_space<hbm>>
      %dma_wait3A_282 = arith.constant 0 : i32
      %dma_wait3A_283 = arith.constant 0 : i32
      %dma_wait3A_284 = tpu.memref_slice %dma_wait3A_281[%dma_wait3A_282, %dma_wait3A_283] : memref<10000x64xf32, #tpu.memory_space<hbm>> -> memref<10000x64xf32, #tpu.memory_space<hbm>>
      tpu.wait_indirect_dma semaphore(%arg20 : memref<!tpu.dma_semaphore, #tpu.memory_space<semaphore_mem>>) src(%dma_wait3A_284 : memref<10000x64xf32, #tpu.memory_space<hbm>>) dst(%arg14 : memref<80x64xf32, #tpu.memory_space<vmem>>)
      %dma_start3A_285 = arith.constant 0 : i32
      %dma_start3A_286 = tpu.memref_slice %arg9[%add3A_274, %dma_start3A_285] : memref<250x80xi32, #tpu.memory_space<vmem>> -> memref<1x80xi32, #tpu.memory_space<vmem>>
      %dma_start3A_287 = tpu.memref_squeeze %dma_start3A_286 : memref<1x80xi32, #tpu.memory_space<vmem>> -> memref<80xi32, #tpu.memory_space<vmem>>
      %dma_start3A_288 = arith.constant 0 : i32
      %dma_start3A_289 = arith.constant 0 : i32
      %dma_start3A_290 = tpu.memref_slice %arg26[%dma_start3A_288, %dma_start3A_289] : memref<10000x64xf32, #tpu.memory_space<vmem_shared>> -> memref<10000x64xf32, #tpu.memory_space<vmem_shared>>
      tpu.enqueue_indirect_dma source(%arg14 : memref<80x64xf32, #tpu.memory_space<vmem>>) target(%dma_start3A_290 : memref<10000x64xf32, #tpu.memory_space<vmem_shared>>) offsets(%dma_start3A_287 : memref<80xi32, #tpu.memory_space<vmem>>) semaphore(%arg25 : memref<!tpu.dma_semaphore, #tpu.memory_space<semaphore_mem>>) {add = true}
      %eq3A_291 = arith.constant 0 : i32
      %eq3A_292 = arith.cmpi eq, %arg0, %eq3A_291 : i32
      %convert_element_type3A_293 = arith.extui %eq3A_292 : i1 to i32
      %cond3A_294 = arith.constant 0 : i32
      %cond3A_295 = arith.cmpi ne, %convert_element_type3A_293, %cond3A_294 : i32
      scf.if %cond3A_295 {
        %get3A = arith.index_cast %add3A_274 : i32 to index
        %get3A_305 = arith.constant 0 : index
        %get3A_306 = tpu.vector_load %arg9[%get3A, %get3A_305] {strides = array<i32>} : memref<250x80xi32, #tpu.memory_space<vmem>>, vector<16xi32>,
        %broadcast_in_dim3A_307 = arith.constant true
        %broadcast_in_dim3A_308 = vector.broadcast %broadcast_in_dim3A_307 : i1 to vector<16xi1>
        %unique3A, %unique3A_309 = tpu.scan_count mask(%broadcast_in_dim3A_308 : vector<16xi1>) value(%get3A_306 : vector<16xi32>) : vector<16xi1>, vector<16xi32>
        %scatter3A = arith.constant 0 : i32
        %scatter3A_310 = arith.constant 0 : i32
        %scatter3A_311 = tpu.memref_slice %arg15[%scatter3A, %scatter3A_310] : memref<1x10000xi32, #tpu.memory_space<vmem>> -> memref<1x10000xi32, #tpu.memory_space<vmem>>
        %scatter3A_312 = tpu.memref_squeeze %scatter3A_311 : memref<1x10000xi32, #tpu.memory_space<vmem>> -> memref<10000xi32, #tpu.memory_space<vmem>>
        tpu.vector_store_idx %scatter3A_312[%get3A_306], %unique3A_309 masked %unique3A {add = true} : memref<10000xi32, #tpu.memory_space<vmem>>[vector<16xi32>], vector<16xi32>, vector<16xi1>
        %get3A_313 = arith.index_cast %add3A_274 : i32 to index
        %get3A_314 = arith.constant 16 : index
        %get3A_315 = tpu.vector_load %arg9[%get3A_313, %get3A_314] {strides = array<i32>} : memref<250x80xi32, #tpu.memory_space<vmem>>, vector<16xi32>,
        %broadcast_in_dim3A_316 = arith.constant true
        %broadcast_in_dim3A_317 = vector.broadcast %broadcast_in_dim3A_316 : i1 to vector<16xi1>
        %unique3A_318, %unique3A_319 = tpu.scan_count mask(%broadcast_in_dim3A_317 : vector<16xi1>) value(%get3A_315 : vector<16xi32>) : vector<16xi1>, vector<16xi32>
        %scatter3A_320 = arith.constant 0 : i32
        %scatter3A_321 = arith.constant 0 : i32
        %scatter3A_322 = tpu.memref_slice %arg15[%scatter3A_320, %scatter3A_321] : memref<1x10000xi32, #tpu.memory_space<vmem>> -> memref<1x10000xi32, #tpu.memory_space<vmem>>
        %scatter3A_323 = tpu.memref_squeeze %scatter3A_322 : memref<1x10000xi32, #tpu.memory_space<vmem>> -> memref<10000xi32, #tpu.memory_space<vmem>>
        tpu.vector_store_idx %scatter3A_323[%get3A_315], %unique3A_319 masked %unique3A_318 {add = true} : memref<10000xi32, #tpu.memory_space<vmem>>[vector<16xi32>], vector<16xi32>, vector<16xi1>
        %get3A_324 = arith.index_cast %add3A_274 : i32 to index
        %get3A_325 = arith.constant 32 : index
        %get3A_326 = tpu.vector_load %arg9[%get3A_324, %get3A_325] {strides = array<i32>} : memref<250x80xi32, #tpu.memory_space<vmem>>, vector<16xi32>,
        %broadcast_in_dim3A_327 = arith.constant true
        %broadcast_in_dim3A_328 = vector.broadcast %broadcast_in_dim3A_327 : i1 to vector<16xi1>
        %unique3A_329, %unique3A_330 = tpu.scan_count mask(%broadcast_in_dim3A_328 : vector<16xi1>) value(%get3A_326 : vector<16xi32>) : vector<16xi1>, vector<16xi32>
        %scatter3A_331 = arith.constant 0 : i32
        %scatter3A_332 = arith.constant 0 : i32
        %scatter3A_333 = tpu.memref_slice %arg15[%scatter3A_331, %scatter3A_332] : memref<1x10000xi32, #tpu.memory_space<vmem>> -> memref<1x10000xi32, #tpu.memory_space<vmem>>
        %scatter3A_334 = tpu.memref_squeeze %scatter3A_333 : memref<1x10000xi32, #tpu.memory_space<vmem>> -> memref<10000xi32, #tpu.memory_space<vmem>>
        tpu.vector_store_idx %scatter3A_334[%get3A_326], %unique3A_330 masked %unique3A_329 {add = true} : memref<10000xi32, #tpu.memory_space<vmem>>[vector<16xi32>], vector<16xi32>, vector<16xi1>
        %get3A_335 = arith.index_cast %add3A_274 : i32 to index
        %get3A_336 = arith.constant 48 : index
        %get3A_337 = tpu.vector_load %arg9[%get3A_335, %get3A_336] {strides = array<i32>} : memref<250x80xi32, #tpu.memory_space<vmem>>, vector<16xi32>,
        %broadcast_in_dim3A_338 = arith.constant true
        %broadcast_in_dim3A_339 = vector.broadcast %broadcast_in_dim3A_338 : i1 to vector<16xi1>
        %unique3A_340, %unique3A_341 = tpu.scan_count mask(%broadcast_in_dim3A_339 : vector<16xi1>) value(%get3A_337 : vector<16xi32>) : vector<16xi1>, vector<16xi32>
        %scatter3A_342 = arith.constant 0 : i32
        %scatter3A_343 = arith.constant 0 : i32
        %scatter3A_344 = tpu.memref_slice %arg15[%scatter3A_342, %scatter3A_343] : memref<1x10000xi32, #tpu.memory_space<vmem>> -> memref<1x10000xi32, #tpu.memory_space<vmem>>
        %scatter3A_345 = tpu.memref_squeeze %scatter3A_344 : memref<1x10000xi32, #tpu.memory_space<vmem>> -> memref<10000xi32, #tpu.memory_space<vmem>>
        tpu.vector_store_idx %scatter3A_345[%get3A_337], %unique3A_341 masked %unique3A_340 {add = true} : memref<10000xi32, #tpu.memory_space<vmem>>[vector<16xi32>], vector<16xi32>, vector<16xi1>
        %get3A_346 = arith.index_cast %add3A_274 : i32 to index
        %get3A_347 = arith.constant 64 : index
        %get3A_348 = tpu.vector_load %arg9[%get3A_346, %get3A_347] {strides = array<i32>} : memref<250x80xi32, #tpu.memory_space<vmem>>, vector<16xi32>,
        %broadcast_in_dim3A_349 = arith.constant true
        %broadcast_in_dim3A_350 = vector.broadcast %broadcast_in_dim3A_349 : i1 to vector<16xi1>
        %unique3A_351, %unique3A_352 = tpu.scan_count mask(%broadcast_in_dim3A_350 : vector<16xi1>) value(%get3A_348 : vector<16xi32>) : vector<16xi1>, vector<16xi32>
        %scatter3A_353 = arith.constant 0 : i32
        %scatter3A_354 = arith.constant 0 : i32
        %scatter3A_355 = tpu.memref_slice %arg15[%scatter3A_353, %scatter3A_354] : memref<1x10000xi32, #tpu.memory_space<vmem>> -> memref<1x10000xi32, #tpu.memory_space<vmem>>
        %scatter3A_356 = tpu.memref_squeeze %scatter3A_355 : memref<1x10000xi32, #tpu.memory_space<vmem>> -> memref<10000xi32, #tpu.memory_space<vmem>>
        tpu.vector_store_idx %scatter3A_356[%get3A_348], %unique3A_352 masked %unique3A_351 {add = true} : memref<10000xi32, #tpu.memory_space<vmem>>[vector<16xi32>], vector<16xi32>, vector<16xi1>
      } else {
      }
      %eq3A_296 = arith.constant 1 : i32
      %eq3A_297 = arith.cmpi eq, %arg0, %eq3A_296 : i32
      %convert_element_type3A_298 = arith.extui %eq3A_297 : i1 to i32
      %cond3A_299 = arith.constant 0 : i32
      %cond3A_300 = arith.cmpi ne, %convert_element_type3A_298, %cond3A_299 : i32
      scf.if %cond3A_300 {
        %get3A = arith.index_cast %add3A_274 : i32 to index
        %get3A_305 = arith.constant 0 : index
        %get3A_306 = tpu.vector_load %arg8[%get3A, %get3A_305] {strides = array<i32>} : memref<250x80xi32, #tpu.memory_space<vmem>>, vector<16xi32>,
        %broadcast_in_dim3A_307 = arith.constant true
        %broadcast_in_dim3A_308 = vector.broadcast %broadcast_in_dim3A_307 : i1 to vector<16xi1>
        %unique3A, %unique3A_309 = tpu.scan_count mask(%broadcast_in_dim3A_308 : vector<16xi1>) value(%get3A_306 : vector<16xi32>) : vector<16xi1>, vector<16xi32>
        %scatter3A = arith.constant 0 : i32
        %scatter3A_310 = arith.constant 0 : i32
        %scatter3A_311 = tpu.memref_slice %arg15[%scatter3A, %scatter3A_310] : memref<1x10000xi32, #tpu.memory_space<vmem>> -> memref<1x10000xi32, #tpu.memory_space<vmem>>
        %scatter3A_312 = tpu.memref_squeeze %scatter3A_311 : memref<1x10000xi32, #tpu.memory_space<vmem>> -> memref<10000xi32, #tpu.memory_space<vmem>>
        tpu.vector_store_idx %scatter3A_312[%get3A_306], %unique3A_309 masked %unique3A {add = true} : memref<10000xi32, #tpu.memory_space<vmem>>[vector<16xi32>], vector<16xi32>, vector<16xi1>
        %get3A_313 = arith.index_cast %add3A_274 : i32 to index
        %get3A_314 = arith.constant 16 : index
        %get3A_315 = tpu.vector_load %arg8[%get3A_313, %get3A_314] {strides = array<i32>} : memref<250x80xi32, #tpu.memory_space<vmem>>, vector<16xi32>,
        %broadcast_in_dim3A_316 = arith.constant true
        %broadcast_in_dim3A_317 = vector.broadcast %broadcast_in_dim3A_316 : i1 to vector<16xi1>
        %unique3A_318, %unique3A_319 = tpu.scan_count mask(%broadcast_in_dim3A_317 : vector<16xi1>) value(%get3A_315 : vector<16xi32>) : vector<16xi1>, vector<16xi32>
        %scatter3A_320 = arith.constant 0 : i32
        %scatter3A_321 = arith.constant 0 : i32
        %scatter3A_322 = tpu.memref_slice %arg15[%scatter3A_320, %scatter3A_321] : memref<1x10000xi32, #tpu.memory_space<vmem>> -> memref<1x10000xi32, #tpu.memory_space<vmem>>
        %scatter3A_323 = tpu.memref_squeeze %scatter3A_322 : memref<1x10000xi32, #tpu.memory_space<vmem>> -> memref<10000xi32, #tpu.memory_space<vmem>>
        tpu.vector_store_idx %scatter3A_323[%get3A_315], %unique3A_319 masked %unique3A_318 {add = true} : memref<10000xi32, #tpu.memory_space<vmem>>[vector<16xi32>], vector<16xi32>, vector<16xi1>
        %get3A_324 = arith.index_cast %add3A_274 : i32 to index
        %get3A_325 = arith.constant 32 : index
        %get3A_326 = tpu.vector_load %arg8[%get3A_324, %get3A_325] {strides = array<i32>} : memref<250x80xi32, #tpu.memory_space<vmem>>, vector<16xi32>,
        %broadcast_in_dim3A_327 = arith.constant true
        %broadcast_in_dim3A_328 = vector.broadcast %broadcast_in_dim3A_327 : i1 to vector<16xi1>
        %unique3A_329, %unique3A_330 = tpu.scan_count mask(%broadcast_in_dim3A_328 : vector<16xi1>) value(%get3A_326 : vector<16xi32>) : vector<16xi1>, vector<16xi32>
        %scatter3A_331 = arith.constant 0 : i32
        %scatter3A_332 = arith.constant 0 : i32
        %scatter3A_333 = tpu.memref_slice %arg15[%scatter3A_331, %scatter3A_332] : memref<1x10000xi32, #tpu.memory_space<vmem>> -> memref<1x10000xi32, #tpu.memory_space<vmem>>
        %scatter3A_334 = tpu.memref_squeeze %scatter3A_333 : memref<1x10000xi32, #tpu.memory_space<vmem>> -> memref<10000xi32, #tpu.memory_space<vmem>>
        tpu.vector_store_idx %scatter3A_334[%get3A_326], %unique3A_330 masked %unique3A_329 {add = true} : memref<10000xi32, #tpu.memory_space<vmem>>[vector<16xi32>], vector<16xi32>, vector<16xi1>
        %get3A_335 = arith.index_cast %add3A_274 : i32 to index
        %get3A_336 = arith.constant 48 : index
        %get3A_337 = tpu.vector_load %arg8[%get3A_335, %get3A_336] {strides = array<i32>} : memref<250x80xi32, #tpu.memory_space<vmem>>, vector<16xi32>,
        %broadcast_in_dim3A_338 = arith.constant true
        %broadcast_in_dim3A_339 = vector.broadcast %broadcast_in_dim3A_338 : i1 to vector<16xi1>
        %unique3A_340, %unique3A_341 = tpu.scan_count mask(%broadcast_in_dim3A_339 : vector<16xi1>) value(%get3A_337 : vector<16xi32>) : vector<16xi1>, vector<16xi32>
        %scatter3A_342 = arith.constant 0 : i32
        %scatter3A_343 = arith.constant 0 : i32
        %scatter3A_344 = tpu.memref_slice %arg15[%scatter3A_342, %scatter3A_343] : memref<1x10000xi32, #tpu.memory_space<vmem>> -> memref<1x10000xi32, #tpu.memory_space<vmem>>
        %scatter3A_345 = tpu.memref_squeeze %scatter3A_344 : memref<1x10000xi32, #tpu.memory_space<vmem>> -> memref<10000xi32, #tpu.memory_space<vmem>>
        tpu.vector_store_idx %scatter3A_345[%get3A_337], %unique3A_341 masked %unique3A_340 {add = true} : memref<10000xi32, #tpu.memory_space<vmem>>[vector<16xi32>], vector<16xi32>, vector<16xi1>
        %get3A_346 = arith.index_cast %add3A_274 : i32 to index
        %get3A_347 = arith.constant 64 : index
        %get3A_348 = tpu.vector_load %arg8[%get3A_346, %get3A_347] {strides = array<i32>} : memref<250x80xi32, #tpu.memory_space<vmem>>, vector<16xi32>,
        %broadcast_in_dim3A_349 = arith.constant true
        %broadcast_in_dim3A_350 = vector.broadcast %broadcast_in_dim3A_349 : i1 to vector<16xi1>
        %unique3A_351, %unique3A_352 = tpu.scan_count mask(%broadcast_in_dim3A_350 : vector<16xi1>) value(%get3A_348 : vector<16xi32>) : vector<16xi1>, vector<16xi32>
        %scatter3A_353 = arith.constant 0 : i32
        %scatter3A_354 = arith.constant 0 : i32
        %scatter3A_355 = tpu.memref_slice %arg15[%scatter3A_353, %scatter3A_354] : memref<1x10000xi32, #tpu.memory_space<vmem>> -> memref<1x10000xi32, #tpu.memory_space<vmem>>
        %scatter3A_356 = tpu.memref_squeeze %scatter3A_355 : memref<1x10000xi32, #tpu.memory_space<vmem>> -> memref<10000xi32, #tpu.memory_space<vmem>>
        tpu.vector_store_idx %scatter3A_356[%get3A_348], %unique3A_352 masked %unique3A_351 {add = true} : memref<10000xi32, #tpu.memory_space<vmem>>[vector<16xi32>], vector<16xi32>, vector<16xi1>
      } else {
      }
      %lt3A = arith.constant 49 : i32
      %lt3A_301 = arith.cmpi slt, %scan3A_150, %lt3A : i32
      %convert_element_type3A_302 = arith.extui %lt3A_301 : i1 to i32
      %cond3A_303 = arith.constant 0 : i32
      %cond3A_304 = arith.cmpi ne, %convert_element_type3A_302, %cond3A_303 : i32
      scf.if %cond3A_304 {
        %mul3A_305 = arith.constant 5 : i32
        %mul3A_306 = arith.muli %mul3A_305, %scan3A_150 : i32
        %add3A_307 = arith.constant 0 : i32
        %add3A_308 = arith.addi %mul3A_306, %add3A_307 : i32
        %dma_wait3A_309 = arith.constant 0 : i32
        %dma_wait3A_310 = tpu.memref_slice %arg9[%add3A_308, %dma_wait3A_309] : memref<250x80xi32, #tpu.memory_space<vmem>> -> memref<1x80xi32, #tpu.memory_space<vmem>>
        %dma_wait3A_311 = tpu.memref_squeeze %dma_wait3A_310 : memref<1x80xi32, #tpu.memory_space<vmem>> -> memref<80xi32, #tpu.memory_space<vmem>>
        %dma_wait3A_312 = arith.constant 0 : i32
        %dma_wait3A_313 = arith.constant 0 : i32
        %dma_wait3A_314 = tpu.memref_slice %arg26[%dma_wait3A_312, %dma_wait3A_313] : memref<10000x64xf32, #tpu.memory_space<vmem_shared>> -> memref<10000x64xf32, #tpu.memory_space<vmem_shared>>
        tpu.wait_indirect_dma semaphore(%arg21 : memref<!tpu.dma_semaphore, #tpu.memory_space<semaphore_mem>>) src(%arg10 : memref<80x64xf32, #tpu.memory_space<vmem>>) dst(%dma_wait3A_314 : memref<10000x64xf32, #tpu.memory_space<vmem_shared>>)
        %add3A_315 = arith.constant 5 : i32
        %add3A_316 = arith.addi %add3A_308, %add3A_315 : i32
        %dma_start3A_317 = arith.constant 0 : i32
        %dma_start3A_318 = tpu.memref_slice %arg8[%add3A_316, %dma_start3A_317] : memref<250x80xi32, #tpu.memory_space<vmem>> -> memref<1x80xi32, #tpu.memory_space<vmem>>
        %dma_start3A_319 = tpu.memref_squeeze %dma_start3A_318 : memref<1x80xi32, #tpu.memory_space<vmem>> -> memref<80xi32, #tpu.memory_space<vmem>>
        %dma_start3A_320 = arith.constant 0 : i32
        %dma_start3A_321 = arith.constant 0 : i32
        %dma_start3A_322 = tpu.memref_slice %arg2[%arg0, %dma_start3A_320, %dma_start3A_321] : memref<2x10000x64xf32, #tpu.memory_space<hbm>> -> memref<1x10000x64xf32, #tpu.memory_space<hbm>>
        %dma_start3A_323 = tpu.memref_squeeze %dma_start3A_322 : memref<1x10000x64xf32, #tpu.memory_space<hbm>> -> memref<10000x64xf32, #tpu.memory_space<hbm>>
        %dma_start3A_324 = arith.constant 0 : i32
        %dma_start3A_325 = arith.constant 0 : i32
        %dma_start3A_326 = tpu.memref_slice %dma_start3A_323[%dma_start3A_324, %dma_start3A_325] : memref<10000x64xf32, #tpu.memory_space<hbm>> -> memref<10000x64xf32, #tpu.memory_space<hbm>>
        tpu.enqueue_indirect_dma source(%dma_start3A_326 : memref<10000x64xf32, #tpu.memory_space<hbm>>) target(%arg10 : memref<80x64xf32, #tpu.memory_space<vmem>>) offsets(%dma_start3A_319 : memref<80xi32, #tpu.memory_space<vmem>>) semaphore(%arg16 : memref<!tpu.dma_semaphore, #tpu.memory_space<semaphore_mem>>)
        %mul3A_327 = arith.constant 5 : i32
        %mul3A_328 = arith.muli %mul3A_327, %scan3A_150 : i32
        %add3A_329 = arith.constant 1 : i32
        %add3A_330 = arith.addi %mul3A_328, %add3A_329 : i32
        %dma_wait3A_331 = arith.constant 0 : i32
        %dma_wait3A_332 = tpu.memref_slice %arg9[%add3A_330, %dma_wait3A_331] : memref<250x80xi32, #tpu.memory_space<vmem>> -> memref<1x80xi32, #tpu.memory_space<vmem>>
        %dma_wait3A_333 = tpu.memref_squeeze %dma_wait3A_332 : memref<1x80xi32, #tpu.memory_space<vmem>> -> memref<80xi32, #tpu.memory_space<vmem>>
        %dma_wait3A_334 = arith.constant 0 : i32
        %dma_wait3A_335 = arith.constant 0 : i32
        %dma_wait3A_336 = tpu.memref_slice %arg26[%dma_wait3A_334, %dma_wait3A_335] : memref<10000x64xf32, #tpu.memory_space<vmem_shared>> -> memref<10000x64xf32, #tpu.memory_space<vmem_shared>>
        tpu.wait_indirect_dma semaphore(%arg22 : memref<!tpu.dma_semaphore, #tpu.memory_space<semaphore_mem>>) src(%arg11 : memref<80x64xf32, #tpu.memory_space<vmem>>) dst(%dma_wait3A_336 : memref<10000x64xf32, #tpu.memory_space<vmem_shared>>)
        %add3A_337 = arith.constant 5 : i32
        %add3A_338 = arith.addi %add3A_330, %add3A_337 : i32
        %dma_start3A_339 = arith.constant 0 : i32
        %dma_start3A_340 = tpu.memref_slice %arg8[%add3A_338, %dma_start3A_339] : memref<250x80xi32, #tpu.memory_space<vmem>> -> memref<1x80xi32, #tpu.memory_space<vmem>>
        %dma_start3A_341 = tpu.memref_squeeze %dma_start3A_340 : memref<1x80xi32, #tpu.memory_space<vmem>> -> memref<80xi32, #tpu.memory_space<vmem>>
        %dma_start3A_342 = arith.constant 0 : i32
        %dma_start3A_343 = arith.constant 0 : i32
        %dma_start3A_344 = tpu.memref_slice %arg2[%arg0, %dma_start3A_342, %dma_start3A_343] : memref<2x10000x64xf32, #tpu.memory_space<hbm>> -> memref<1x10000x64xf32, #tpu.memory_space<hbm>>
        %dma_start3A_345 = tpu.memref_squeeze %dma_start3A_344 : memref<1x10000x64xf32, #tpu.memory_space<hbm>> -> memref<10000x64xf32, #tpu.memory_space<hbm>>
        %dma_start3A_346 = arith.constant 0 : i32
        %dma_start3A_347 = arith.constant 0 : i32
        %dma_start3A_348 = tpu.memref_slice %dma_start3A_345[%dma_start3A_346, %dma_start3A_347] : memref<10000x64xf32, #tpu.memory_space<hbm>> -> memref<10000x64xf32, #tpu.memory_space<hbm>>
        tpu.enqueue_indirect_dma source(%dma_start3A_348 : memref<10000x64xf32, #tpu.memory_space<hbm>>) target(%arg11 : memref<80x64xf32, #tpu.memory_space<vmem>>) offsets(%dma_start3A_341 : memref<80xi32, #tpu.memory_space<vmem>>) semaphore(%arg17 : memref<!tpu.dma_semaphore, #tpu.memory_space<semaphore_mem>>)
        %mul3A_349 = arith.constant 5 : i32
        %mul3A_350 = arith.muli %mul3A_349, %scan3A_150 : i32
        %add3A_351 = arith.constant 2 : i32
        %add3A_352 = arith.addi %mul3A_350, %add3A_351 : i32
        %dma_wait3A_353 = arith.constant 0 : i32
        %dma_wait3A_354 = tpu.memref_slice %arg9[%add3A_352, %dma_wait3A_353] : memref<250x80xi32, #tpu.memory_space<vmem>> -> memref<1x80xi32, #tpu.memory_space<vmem>>
        %dma_wait3A_355 = tpu.memref_squeeze %dma_wait3A_354 : memref<1x80xi32, #tpu.memory_space<vmem>> -> memref<80xi32, #tpu.memory_space<vmem>>
        %dma_wait3A_356 = arith.constant 0 : i32
        %dma_wait3A_357 = arith.constant 0 : i32
        %dma_wait3A_358 = tpu.memref_slice %arg26[%dma_wait3A_356, %dma_wait3A_357] : memref<10000x64xf32, #tpu.memory_space<vmem_shared>> -> memref<10000x64xf32, #tpu.memory_space<vmem_shared>>
        tpu.wait_indirect_dma semaphore(%arg23 : memref<!tpu.dma_semaphore, #tpu.memory_space<semaphore_mem>>) src(%arg12 : memref<80x64xf32, #tpu.memory_space<vmem>>) dst(%dma_wait3A_358 : memref<10000x64xf32, #tpu.memory_space<vmem_shared>>)
        %add3A_359 = arith.constant 5 : i32
        %add3A_360 = arith.addi %add3A_352, %add3A_359 : i32
        %dma_start3A_361 = arith.constant 0 : i32
        %dma_start3A_362 = tpu.memref_slice %arg8[%add3A_360, %dma_start3A_361] : memref<250x80xi32, #tpu.memory_space<vmem>> -> memref<1x80xi32, #tpu.memory_space<vmem>>
        %dma_start3A_363 = tpu.memref_squeeze %dma_start3A_362 : memref<1x80xi32, #tpu.memory_space<vmem>> -> memref<80xi32, #tpu.memory_space<vmem>>
        %dma_start3A_364 = arith.constant 0 : i32
        %dma_start3A_365 = arith.constant 0 : i32
        %dma_start3A_366 = tpu.memref_slice %arg2[%arg0, %dma_start3A_364, %dma_start3A_365] : memref<2x10000x64xf32, #tpu.memory_space<hbm>> -> memref<1x10000x64xf32, #tpu.memory_space<hbm>>
        %dma_start3A_367 = tpu.memref_squeeze %dma_start3A_366 : memref<1x10000x64xf32, #tpu.memory_space<hbm>> -> memref<10000x64xf32, #tpu.memory_space<hbm>>
        %dma_start3A_368 = arith.constant 0 : i32
        %dma_start3A_369 = arith.constant 0 : i32
        %dma_start3A_370 = tpu.memref_slice %dma_start3A_367[%dma_start3A_368, %dma_start3A_369] : memref<10000x64xf32, #tpu.memory_space<hbm>> -> memref<10000x64xf32, #tpu.memory_space<hbm>>
        tpu.enqueue_indirect_dma source(%dma_start3A_370 : memref<10000x64xf32, #tpu.memory_space<hbm>>) target(%arg12 : memref<80x64xf32, #tpu.memory_space<vmem>>) offsets(%dma_start3A_363 : memref<80xi32, #tpu.memory_space<vmem>>) semaphore(%arg18 : memref<!tpu.dma_semaphore, #tpu.memory_space<semaphore_mem>>)
        %mul3A_371 = arith.constant 5 : i32
        %mul3A_372 = arith.muli %mul3A_371, %scan3A_150 : i32
        %add3A_373 = arith.constant 3 : i32
        %add3A_374 = arith.addi %mul3A_372, %add3A_373 : i32
        %dma_wait3A_375 = arith.constant 0 : i32
        %dma_wait3A_376 = tpu.memref_slice %arg9[%add3A_374, %dma_wait3A_375] : memref<250x80xi32, #tpu.memory_space<vmem>> -> memref<1x80xi32, #tpu.memory_space<vmem>>
        %dma_wait3A_377 = tpu.memref_squeeze %dma_wait3A_376 : memref<1x80xi32, #tpu.memory_space<vmem>> -> memref<80xi32, #tpu.memory_space<vmem>>
        %dma_wait3A_378 = arith.constant 0 : i32
        %dma_wait3A_379 = arith.constant 0 : i32
        %dma_wait3A_380 = tpu.memref_slice %arg26[%dma_wait3A_378, %dma_wait3A_379] : memref<10000x64xf32, #tpu.memory_space<vmem_shared>> -> memref<10000x64xf32, #tpu.memory_space<vmem_shared>>
        tpu.wait_indirect_dma semaphore(%arg24 : memref<!tpu.dma_semaphore, #tpu.memory_space<semaphore_mem>>) src(%arg13 : memref<80x64xf32, #tpu.memory_space<vmem>>) dst(%dma_wait3A_380 : memref<10000x64xf32, #tpu.memory_space<vmem_shared>>)
        %add3A_381 = arith.constant 5 : i32
        %add3A_382 = arith.addi %add3A_374, %add3A_381 : i32
        %dma_start3A_383 = arith.constant 0 : i32
        %dma_start3A_384 = tpu.memref_slice %arg8[%add3A_382, %dma_start3A_383] : memref<250x80xi32, #tpu.memory_space<vmem>> -> memref<1x80xi32, #tpu.memory_space<vmem>>
        %dma_start3A_385 = tpu.memref_squeeze %dma_start3A_384 : memref<1x80xi32, #tpu.memory_space<vmem>> -> memref<80xi32, #tpu.memory_space<vmem>>
        %dma_start3A_386 = arith.constant 0 : i32
        %dma_start3A_387 = arith.constant 0 : i32
        %dma_start3A_388 = tpu.memref_slice %arg2[%arg0, %dma_start3A_386, %dma_start3A_387] : memref<2x10000x64xf32, #tpu.memory_space<hbm>> -> memref<1x10000x64xf32, #tpu.memory_space<hbm>>
        %dma_start3A_389 = tpu.memref_squeeze %dma_start3A_388 : memref<1x10000x64xf32, #tpu.memory_space<hbm>> -> memref<10000x64xf32, #tpu.memory_space<hbm>>
        %dma_start3A_390 = arith.constant 0 : i32
        %dma_start3A_391 = arith.constant 0 : i32
        %dma_start3A_392 = tpu.memref_slice %dma_start3A_389[%dma_start3A_390, %dma_start3A_391] : memref<10000x64xf32, #tpu.memory_space<hbm>> -> memref<10000x64xf32, #tpu.memory_space<hbm>>
        tpu.enqueue_indirect_dma source(%dma_start3A_392 : memref<10000x64xf32, #tpu.memory_space<hbm>>) target(%arg13 : memref<80x64xf32, #tpu.memory_space<vmem>>) offsets(%dma_start3A_385 : memref<80xi32, #tpu.memory_space<vmem>>) semaphore(%arg19 : memref<!tpu.dma_semaphore, #tpu.memory_space<semaphore_mem>>)
        %mul3A_393 = arith.constant 5 : i32
        %mul3A_394 = arith.muli %mul3A_393, %scan3A_150 : i32
        %add3A_395 = arith.constant 4 : i32
        %add3A_396 = arith.addi %mul3A_394, %add3A_395 : i32
        %dma_wait3A_397 = arith.constant 0 : i32
        %dma_wait3A_398 = tpu.memref_slice %arg9[%add3A_396, %dma_wait3A_397] : memref<250x80xi32, #tpu.memory_space<vmem>> -> memref<1x80xi32, #tpu.memory_space<vmem>>
        %dma_wait3A_399 = tpu.memref_squeeze %dma_wait3A_398 : memref<1x80xi32, #tpu.memory_space<vmem>> -> memref<80xi32, #tpu.memory_space<vmem>>
        %dma_wait3A_400 = arith.constant 0 : i32
        %dma_wait3A_401 = arith.constant 0 : i32
        %dma_wait3A_402 = tpu.memref_slice %arg26[%dma_wait3A_400, %dma_wait3A_401] : memref<10000x64xf32, #tpu.memory_space<vmem_shared>> -> memref<10000x64xf32, #tpu.memory_space<vmem_shared>>
        tpu.wait_indirect_dma semaphore(%arg25 : memref<!tpu.dma_semaphore, #tpu.memory_space<semaphore_mem>>) src(%arg14 : memref<80x64xf32, #tpu.memory_space<vmem>>) dst(%dma_wait3A_402 : memref<10000x64xf32, #tpu.memory_space<vmem_shared>>)
        %add3A_403 = arith.constant 5 : i32
        %add3A_404 = arith.addi %add3A_396, %add3A_403 : i32
        %dma_start3A_405 = arith.constant 0 : i32
        %dma_start3A_406 = tpu.memref_slice %arg8[%add3A_404, %dma_start3A_405] : memref<250x80xi32, #tpu.memory_space<vmem>> -> memref<1x80xi32, #tpu.memory_space<vmem>>
        %dma_start3A_407 = tpu.memref_squeeze %dma_start3A_406 : memref<1x80xi32, #tpu.memory_space<vmem>> -> memref<80xi32, #tpu.memory_space<vmem>>
        %dma_start3A_408 = arith.constant 0 : i32
        %dma_start3A_409 = arith.constant 0 : i32
        %dma_start3A_410 = tpu.memref_slice %arg2[%arg0, %dma_start3A_408, %dma_start3A_409] : memref<2x10000x64xf32, #tpu.memory_space<hbm>> -> memref<1x10000x64xf32, #tpu.memory_space<hbm>>
        %dma_start3A_411 = tpu.memref_squeeze %dma_start3A_410 : memref<1x10000x64xf32, #tpu.memory_space<hbm>> -> memref<10000x64xf32, #tpu.memory_space<hbm>>
        %dma_start3A_412 = arith.constant 0 : i32
        %dma_start3A_413 = arith.constant 0 : i32
        %dma_start3A_414 = tpu.memref_slice %dma_start3A_411[%dma_start3A_412, %dma_start3A_413] : memref<10000x64xf32, #tpu.memory_space<hbm>> -> memref<10000x64xf32, #tpu.memory_space<hbm>>
        tpu.enqueue_indirect_dma source(%dma_start3A_414 : memref<10000x64xf32, #tpu.memory_space<hbm>>) target(%arg14 : memref<80x64xf32, #tpu.memory_space<vmem>>) offsets(%dma_start3A_407 : memref<80xi32, #tpu.memory_space<vmem>>) semaphore(%arg20 : memref<!tpu.dma_semaphore, #tpu.memory_space<semaphore_mem>>)
      } else {
      }
    }
    %scan3A_89 = arith.constant 50 : i32
    %dma_wait3A = arith.constant 245 : i32
    %dma_wait3A_90 = arith.constant 0 : i32
    %dma_wait3A_91 = tpu.memref_slice %arg9[%dma_wait3A, %dma_wait3A_90] : memref<250x80xi32, #tpu.memory_space<vmem>> -> memref<1x80xi32, #tpu.memory_space<vmem>>
    %dma_wait3A_92 = tpu.memref_squeeze %dma_wait3A_91 : memref<1x80xi32, #tpu.memory_space<vmem>> -> memref<80xi32, #tpu.memory_space<vmem>>
    %dma_wait3A_93 = arith.constant 0 : i32
    %dma_wait3A_94 = arith.constant 0 : i32
    %dma_wait3A_95 = tpu.memref_slice %arg26[%dma_wait3A_93, %dma_wait3A_94] : memref<10000x64xf32, #tpu.memory_space<vmem_shared>> -> memref<10000x64xf32, #tpu.memory_space<vmem_shared>>
    tpu.wait_indirect_dma semaphore(%arg21 : memref<!tpu.dma_semaphore, #tpu.memory_space<semaphore_mem>>) src(%arg10 : memref<80x64xf32, #tpu.memory_space<vmem>>) dst(%dma_wait3A_95 : memref<10000x64xf32, #tpu.memory_space<vmem_shared>>)
    %dma_wait3A_96 = arith.constant 246 : i32
    %dma_wait3A_97 = arith.constant 0 : i32
    %dma_wait3A_98 = tpu.memref_slice %arg9[%dma_wait3A_96, %dma_wait3A_97] : memref<250x80xi32, #tpu.memory_space<vmem>> -> memref<1x80xi32, #tpu.memory_space<vmem>>
    %dma_wait3A_99 = tpu.memref_squeeze %dma_wait3A_98 : memref<1x80xi32, #tpu.memory_space<vmem>> -> memref<80xi32, #tpu.memory_space<vmem>>
    %dma_wait3A_100 = arith.constant 0 : i32
    %dma_wait3A_101 = arith.constant 0 : i32
    %dma_wait3A_102 = tpu.memref_slice %arg26[%dma_wait3A_100, %dma_wait3A_101] : memref<10000x64xf32, #tpu.memory_space<vmem_shared>> -> memref<10000x64xf32, #tpu.memory_space<vmem_shared>>
    tpu.wait_indirect_dma semaphore(%arg22 : memref<!tpu.dma_semaphore, #tpu.memory_space<semaphore_mem>>) src(%arg11 : memref<80x64xf32, #tpu.memory_space<vmem>>) dst(%dma_wait3A_102 : memref<10000x64xf32, #tpu.memory_space<vmem_shared>>)
    %dma_wait3A_103 = arith.constant 247 : i32
    %dma_wait3A_104 = arith.constant 0 : i32
    %dma_wait3A_105 = tpu.memref_slice %arg9[%dma_wait3A_103, %dma_wait3A_104] : memref<250x80xi32, #tpu.memory_space<vmem>> -> memref<1x80xi32, #tpu.memory_space<vmem>>
    %dma_wait3A_106 = tpu.memref_squeeze %dma_wait3A_105 : memref<1x80xi32, #tpu.memory_space<vmem>> -> memref<80xi32, #tpu.memory_space<vmem>>
    %dma_wait3A_107 = arith.constant 0 : i32
    %dma_wait3A_108 = arith.constant 0 : i32
    %dma_wait3A_109 = tpu.memref_slice %arg26[%dma_wait3A_107, %dma_wait3A_108] : memref<10000x64xf32, #tpu.memory_space<vmem_shared>> -> memref<10000x64xf32, #tpu.memory_space<vmem_shared>>
    tpu.wait_indirect_dma semaphore(%arg23 : memref<!tpu.dma_semaphore, #tpu.memory_space<semaphore_mem>>) src(%arg12 : memref<80x64xf32, #tpu.memory_space<vmem>>) dst(%dma_wait3A_109 : memref<10000x64xf32, #tpu.memory_space<vmem_shared>>)
    %dma_wait3A_110 = arith.constant 248 : i32
    %dma_wait3A_111 = arith.constant 0 : i32
    %dma_wait3A_112 = tpu.memref_slice %arg9[%dma_wait3A_110, %dma_wait3A_111] : memref<250x80xi32, #tpu.memory_space<vmem>> -> memref<1x80xi32, #tpu.memory_space<vmem>>
    %dma_wait3A_113 = tpu.memref_squeeze %dma_wait3A_112 : memref<1x80xi32, #tpu.memory_space<vmem>> -> memref<80xi32, #tpu.memory_space<vmem>>
    %dma_wait3A_114 = arith.constant 0 : i32
    %dma_wait3A_115 = arith.constant 0 : i32
    %dma_wait3A_116 = tpu.memref_slice %arg26[%dma_wait3A_114, %dma_wait3A_115] : memref<10000x64xf32, #tpu.memory_space<vmem_shared>> -> memref<10000x64xf32, #tpu.memory_space<vmem_shared>>
    tpu.wait_indirect_dma semaphore(%arg24 : memref<!tpu.dma_semaphore, #tpu.memory_space<semaphore_mem>>) src(%arg13 : memref<80x64xf32, #tpu.memory_space<vmem>>) dst(%dma_wait3A_116 : memref<10000x64xf32, #tpu.memory_space<vmem_shared>>)
    %dma_wait3A_117 = arith.constant 249 : i32
    %dma_wait3A_118 = arith.constant 0 : i32
    %dma_wait3A_119 = tpu.memref_slice %arg9[%dma_wait3A_117, %dma_wait3A_118] : memref<250x80xi32, #tpu.memory_space<vmem>> -> memref<1x80xi32, #tpu.memory_space<vmem>>
    %dma_wait3A_120 = tpu.memref_squeeze %dma_wait3A_119 : memref<1x80xi32, #tpu.memory_space<vmem>> -> memref<80xi32, #tpu.memory_space<vmem>>
    %dma_wait3A_121 = arith.constant 0 : i32
    %dma_wait3A_122 = arith.constant 0 : i32
    %dma_wait3A_123 = tpu.memref_slice %arg26[%dma_wait3A_121, %dma_wait3A_122] : memref<10000x64xf32, #tpu.memory_space<vmem_shared>> -> memref<10000x64xf32, #tpu.memory_space<vmem_shared>>
    tpu.wait_indirect_dma semaphore(%arg25 : memref<!tpu.dma_semaphore, #tpu.memory_space<semaphore_mem>>) src(%arg14 : memref<80x64xf32, #tpu.memory_space<vmem>>) dst(%dma_wait3A_123 : memref<10000x64xf32, #tpu.memory_space<vmem_shared>>)
    %barrier3A_124 = arith.constant 0 : index
    tpu.barrier barrier_id(%barrier3A_124)
    %mul3A_125 = arith.constant 625 : i32
    %mul3A_126 = arith.muli %arg1, %mul3A_125 : i32
    %add3A_127 = arith.constant 0 : i32
    %add3A_128 = arith.addi %mul3A_126, %add3A_127 : i32
    "tpu.region"() ({
      %run_scoped3A = tpu.sem_alloc : memref<!tpu.dma_semaphore, #tpu.memory_space<semaphore_mem>>
      %dma_start3A_150 = arith.constant 0 : i32
      %dma_start3A_151 = arith.constant 0 : i32
      %dma_start3A_152 = tpu.memref_slice %arg10[%dma_start3A_150, %dma_start3A_151] : memref<80x64xf32, #tpu.memory_space<vmem>> -> memref<80x64xf32, #tpu.memory_space<vmem>>
      %dma_start3A_153 = arith.constant 0 : i32
      %dma_start3A_154 = tpu.memref_slice %arg26[%add3A_128, %dma_start3A_153] : memref<10000x64xf32, #tpu.memory_space<vmem_shared>> -> memref<80x64xf32, #tpu.memory_space<vmem_shared>>
      %dma_start3A_155 = arith.constant 0 : i32
      %dma_start3A_156 = arith.constant 0 : i32
      %dma_start3A_157 = tpu.memref_slice %arg10[%dma_start3A_155, %dma_start3A_156] : memref<80x64xf32, #tpu.memory_space<vmem>> -> memref<80x64xf32, #tpu.memory_space<vmem>>
      %dma_start3A_158 = arith.constant 0 : i32
      %dma_start3A_159 = tpu.memref_slice %arg26[%add3A_128, %dma_start3A_158] : memref<10000x64xf32, #tpu.memory_space<vmem_shared>> -> memref<80x64xf32, #tpu.memory_space<vmem_shared>>
      tpu.enqueue_dma source(%dma_start3A_159 : memref<80x64xf32, #tpu.memory_space<vmem_shared>>) target(%dma_start3A_157 : memref<80x64xf32, #tpu.memory_space<vmem>>) target_semaphore(%run_scoped3A : memref<!tpu.dma_semaphore, #tpu.memory_space<semaphore_mem>>)
      %dma_wait3A_160 = arith.constant 0 : i32
      %dma_wait3A_161 = arith.constant 0 : i32
      %dma_wait3A_162 = tpu.memref_slice %arg10[%dma_wait3A_160, %dma_wait3A_161] : memref<80x64xf32, #tpu.memory_space<vmem>> -> memref<80x64xf32, #tpu.memory_space<vmem>>
      %dma_wait3A_163 = arith.constant 0 : i32
      %dma_wait3A_164 = tpu.memref_slice %arg26[%add3A_128, %dma_wait3A_163] : memref<10000x64xf32, #tpu.memory_space<vmem_shared>> -> memref<80x64xf32, #tpu.memory_space<vmem_shared>>
      %dma_wait3A_165 = arith.constant 0 : i32
      %dma_wait3A_166 = arith.constant 0 : i32
      %dma_wait3A_167 = tpu.memref_slice %arg10[%dma_wait3A_165, %dma_wait3A_166] : memref<80x64xf32, #tpu.memory_space<vmem>> -> memref<80x64xf32, #tpu.memory_space<vmem>>
      %dma_wait3A_168 = arith.constant 0 : i32
      %dma_wait3A_169 = tpu.memref_slice %arg26[%add3A_128, %dma_wait3A_168] : memref<10000x64xf32, #tpu.memory_space<vmem_shared>> -> memref<80x64xf32, #tpu.memory_space<vmem_shared>>
      tpu.wait_dma2 semaphore(%run_scoped3A : memref<!tpu.dma_semaphore, #tpu.memory_space<semaphore_mem>>) src(%dma_wait3A_169 : memref<80x64xf32, #tpu.memory_space<vmem_shared>>) dst(%dma_wait3A_167 : memref<80x64xf32, #tpu.memory_space<vmem>>)
      tpu.yield
    }) : () -> ()
    "tpu.region"() ({
      %run_scoped3A = tpu.sem_alloc : memref<!tpu.dma_semaphore, #tpu.memory_space<semaphore_mem>>
      %dma_start3A_150 = arith.constant 0 : i32
      %dma_start3A_151 = arith.constant 0 : i32
      %dma_start3A_152 = tpu.memref_slice %arg10[%dma_start3A_150, %dma_start3A_151] : memref<80x64xf32, #tpu.memory_space<vmem>> -> memref<80x64xf32, #tpu.memory_space<vmem>>
      %dma_start3A_153 = arith.constant 0 : i32
      %dma_start3A_154 = arith.constant 0 : i32
      %dma_start3A_155 = tpu.memref_slice %arg5[%arg0, %arg1, %dma_start3A_153, %dma_start3A_154] : memref<2x16x625x64xf32, #tpu.memory_space<hbm>> -> memref<1x1x625x64xf32, #tpu.memory_space<hbm>>
      %dma_start3A_156 = tpu.memref_squeeze %dma_start3A_155 : memref<1x1x625x64xf32, #tpu.memory_space<hbm>> -> memref<625x64xf32, #tpu.memory_space<hbm>>
      %dma_start3A_157 = arith.constant 0 : i32
      %dma_start3A_158 = arith.constant 0 : i32
      %dma_start3A_159 = tpu.memref_slice %dma_start3A_156[%dma_start3A_157, %dma_start3A_158] : memref<625x64xf32, #tpu.memory_space<hbm>> -> memref<80x64xf32, #tpu.memory_space<hbm>>
      %dma_start3A_160 = arith.constant 0 : i32
      %dma_start3A_161 = arith.constant 0 : i32
      %dma_start3A_162 = tpu.memref_slice %arg5[%arg0, %arg1, %dma_start3A_160, %dma_start3A_161] : memref<2x16x625x64xf32, #tpu.memory_space<hbm>> -> memref<1x1x625x64xf32, #tpu.memory_space<hbm>>
      %dma_start3A_163 = tpu.memref_squeeze %dma_start3A_162 : memref<1x1x625x64xf32, #tpu.memory_space<hbm>> -> memref<625x64xf32, #tpu.memory_space<hbm>>
      %dma_start3A_164 = arith.constant 0 : i32
      %dma_start3A_165 = arith.constant 0 : i32
      %dma_start3A_166 = tpu.memref_slice %dma_start3A_163[%dma_start3A_164, %dma_start3A_165] : memref<625x64xf32, #tpu.memory_space<hbm>> -> memref<80x64xf32, #tpu.memory_space<hbm>>
      %dma_start3A_167 = arith.constant 0 : i32
      %dma_start3A_168 = arith.constant 0 : i32
      %dma_start3A_169 = tpu.memref_slice %arg10[%dma_start3A_167, %dma_start3A_168] : memref<80x64xf32, #tpu.memory_space<vmem>> -> memref<80x64xf32, #tpu.memory_space<vmem>>
      tpu.enqueue_dma source(%dma_start3A_169 : memref<80x64xf32, #tpu.memory_space<vmem>>) target(%dma_start3A_166 : memref<80x64xf32, #tpu.memory_space<hbm>>) target_semaphore(%run_scoped3A : memref<!tpu.dma_semaphore, #tpu.memory_space<semaphore_mem>>)
      %dma_wait3A_170 = arith.constant 0 : i32
      %dma_wait3A_171 = arith.constant 0 : i32
      %dma_wait3A_172 = tpu.memref_slice %arg10[%dma_wait3A_170, %dma_wait3A_171] : memref<80x64xf32, #tpu.memory_space<vmem>> -> memref<80x64xf32, #tpu.memory_space<vmem>>
      %dma_wait3A_173 = arith.constant 0 : i32
      %dma_wait3A_174 = arith.constant 0 : i32
      %dma_wait3A_175 = tpu.memref_slice %arg5[%arg0, %arg1, %dma_wait3A_173, %dma_wait3A_174] : memref<2x16x625x64xf32, #tpu.memory_space<hbm>> -> memref<1x1x625x64xf32, #tpu.memory_space<hbm>>
      %dma_wait3A_176 = tpu.memref_squeeze %dma_wait3A_175 : memref<1x1x625x64xf32, #tpu.memory_space<hbm>> -> memref<625x64xf32, #tpu.memory_space<hbm>>
      %dma_wait3A_177 = arith.constant 0 : i32
      %dma_wait3A_178 = arith.constant 0 : i32
      %dma_wait3A_179 = tpu.memref_slice %dma_wait3A_176[%dma_wait3A_177, %dma_wait3A_178] : memref<625x64xf32, #tpu.memory_space<hbm>> -> memref<80x64xf32, #tpu.memory_space<hbm>>
      %dma_wait3A_180 = arith.constant 0 : i32
      %dma_wait3A_181 = arith.constant 0 : i32
      %dma_wait3A_182 = tpu.memref_slice %arg5[%arg0, %arg1, %dma_wait3A_180, %dma_wait3A_181] : memref<2x16x625x64xf32, #tpu.memory_space<hbm>> -> memref<1x1x625x64xf32, #tpu.memory_space<hbm>>
      %dma_wait3A_183 = tpu.memref_squeeze %dma_wait3A_182 : memref<1x1x625x64xf32, #tpu.memory_space<hbm>> -> memref<625x64xf32, #tpu.memory_space<hbm>>
      %dma_wait3A_184 = arith.constant 0 : i32
      %dma_wait3A_185 = arith.constant 0 : i32
      %dma_wait3A_186 = tpu.memref_slice %dma_wait3A_183[%dma_wait3A_184, %dma_wait3A_185] : memref<625x64xf32, #tpu.memory_space<hbm>> -> memref<80x64xf32, #tpu.memory_space<hbm>>
      %dma_wait3A_187 = arith.constant 0 : i32
      %dma_wait3A_188 = arith.constant 0 : i32
      %dma_wait3A_189 = tpu.memref_slice %arg10[%dma_wait3A_187, %dma_wait3A_188] : memref<80x64xf32, #tpu.memory_space<vmem>> -> memref<80x64xf32, #tpu.memory_space<vmem>>
      tpu.wait_dma2 semaphore(%run_scoped3A : memref<!tpu.dma_semaphore, #tpu.memory_space<semaphore_mem>>) src(%dma_wait3A_189 : memref<80x64xf32, #tpu.memory_space<vmem>>) dst(%dma_wait3A_186 : memref<80x64xf32, #tpu.memory_space<hbm>>)
      tpu.yield
    }) : () -> ()
    %add3A_129 = arith.constant 80 : i32
    %add3A_130 = arith.addi %mul3A_126, %add3A_129 : i32
    "tpu.region"() ({
      %run_scoped3A = tpu.sem_alloc : memref<!tpu.dma_semaphore, #tpu.memory_space<semaphore_mem>>
      %dma_start3A_150 = arith.constant 0 : i32
      %dma_start3A_151 = arith.constant 0 : i32
      %dma_start3A_152 = tpu.memref_slice %arg10[%dma_start3A_150, %dma_start3A_151] : memref<80x64xf32, #tpu.memory_space<vmem>> -> memref<80x64xf32, #tpu.memory_space<vmem>>
      %dma_start3A_153 = arith.constant 0 : i32
      %dma_start3A_154 = tpu.memref_slice %arg26[%add3A_130, %dma_start3A_153] : memref<10000x64xf32, #tpu.memory_space<vmem_shared>> -> memref<80x64xf32, #tpu.memory_space<vmem_shared>>
      %dma_start3A_155 = arith.constant 0 : i32
      %dma_start3A_156 = arith.constant 0 : i32
      %dma_start3A_157 = tpu.memref_slice %arg10[%dma_start3A_155, %dma_start3A_156] : memref<80x64xf32, #tpu.memory_space<vmem>> -> memref<80x64xf32, #tpu.memory_space<vmem>>
      %dma_start3A_158 = arith.constant 0 : i32
      %dma_start3A_159 = tpu.memref_slice %arg26[%add3A_130, %dma_start3A_158] : memref<10000x64xf32, #tpu.memory_space<vmem_shared>> -> memref<80x64xf32, #tpu.memory_space<vmem_shared>>
      tpu.enqueue_dma source(%dma_start3A_159 : memref<80x64xf32, #tpu.memory_space<vmem_shared>>) target(%dma_start3A_157 : memref<80x64xf32, #tpu.memory_space<vmem>>) target_semaphore(%run_scoped3A : memref<!tpu.dma_semaphore, #tpu.memory_space<semaphore_mem>>)
      %dma_wait3A_160 = arith.constant 0 : i32
      %dma_wait3A_161 = arith.constant 0 : i32
      %dma_wait3A_162 = tpu.memref_slice %arg10[%dma_wait3A_160, %dma_wait3A_161] : memref<80x64xf32, #tpu.memory_space<vmem>> -> memref<80x64xf32, #tpu.memory_space<vmem>>
      %dma_wait3A_163 = arith.constant 0 : i32
      %dma_wait3A_164 = tpu.memref_slice %arg26[%add3A_130, %dma_wait3A_163] : memref<10000x64xf32, #tpu.memory_space<vmem_shared>> -> memref<80x64xf32, #tpu.memory_space<vmem_shared>>
      %dma_wait3A_165 = arith.constant 0 : i32
      %dma_wait3A_166 = arith.constant 0 : i32
      %dma_wait3A_167 = tpu.memref_slice %arg10[%dma_wait3A_165, %dma_wait3A_166] : memref<80x64xf32, #tpu.memory_space<vmem>> -> memref<80x64xf32, #tpu.memory_space<vmem>>
      %dma_wait3A_168 = arith.constant 0 : i32
      %dma_wait3A_169 = tpu.memref_slice %arg26[%add3A_130, %dma_wait3A_168] : memref<10000x64xf32, #tpu.memory_space<vmem_shared>> -> memref<80x64xf32, #tpu.memory_space<vmem_shared>>
      tpu.wait_dma2 semaphore(%run_scoped3A : memref<!tpu.dma_semaphore, #tpu.memory_space<semaphore_mem>>) src(%dma_wait3A_169 : memref<80x64xf32, #tpu.memory_space<vmem_shared>>) dst(%dma_wait3A_167 : memref<80x64xf32, #tpu.memory_space<vmem>>)
      tpu.yield
    }) : () -> ()
    "tpu.region"() ({
      %run_scoped3A = tpu.sem_alloc : memref<!tpu.dma_semaphore, #tpu.memory_space<semaphore_mem>>
      %dma_start3A_150 = arith.constant 0 : i32
      %dma_start3A_151 = arith.constant 0 : i32
      %dma_start3A_152 = tpu.memref_slice %arg10[%dma_start3A_150, %dma_start3A_151] : memref<80x64xf32, #tpu.memory_space<vmem>> -> memref<80x64xf32, #tpu.memory_space<vmem>>
      %dma_start3A_153 = arith.constant 0 : i32
      %dma_start3A_154 = arith.constant 0 : i32
      %dma_start3A_155 = tpu.memref_slice %arg5[%arg0, %arg1, %dma_start3A_153, %dma_start3A_154] : memref<2x16x625x64xf32, #tpu.memory_space<hbm>> -> memref<1x1x625x64xf32, #tpu.memory_space<hbm>>
      %dma_start3A_156 = tpu.memref_squeeze %dma_start3A_155 : memref<1x1x625x64xf32, #tpu.memory_space<hbm>> -> memref<625x64xf32, #tpu.memory_space<hbm>>
      %dma_start3A_157 = arith.constant 80 : i32
      %dma_start3A_158 = arith.constant 0 : i32
      %dma_start3A_159 = tpu.memref_slice %dma_start3A_156[%dma_start3A_157, %dma_start3A_158] : memref<625x64xf32, #tpu.memory_space<hbm>> -> memref<80x64xf32, #tpu.memory_space<hbm>>
      %dma_start3A_160 = arith.constant 0 : i32
      %dma_start3A_161 = arith.constant 0 : i32
      %dma_start3A_162 = tpu.memref_slice %arg5[%arg0, %arg1, %dma_start3A_160, %dma_start3A_161] : memref<2x16x625x64xf32, #tpu.memory_space<hbm>> -> memref<1x1x625x64xf32, #tpu.memory_space<hbm>>
      %dma_start3A_163 = tpu.memref_squeeze %dma_start3A_162 : memref<1x1x625x64xf32, #tpu.memory_space<hbm>> -> memref<625x64xf32, #tpu.memory_space<hbm>>
      %dma_start3A_164 = arith.constant 80 : i32
      %dma_start3A_165 = arith.constant 0 : i32
      %dma_start3A_166 = tpu.memref_slice %dma_start3A_163[%dma_start3A_164, %dma_start3A_165] : memref<625x64xf32, #tpu.memory_space<hbm>> -> memref<80x64xf32, #tpu.memory_space<hbm>>
      %dma_start3A_167 = arith.constant 0 : i32
      %dma_start3A_168 = arith.constant 0 : i32
      %dma_start3A_169 = tpu.memref_slice %arg10[%dma_start3A_167, %dma_start3A_168] : memref<80x64xf32, #tpu.memory_space<vmem>> -> memref<80x64xf32, #tpu.memory_space<vmem>>
      tpu.enqueue_dma source(%dma_start3A_169 : memref<80x64xf32, #tpu.memory_space<vmem>>) target(%dma_start3A_166 : memref<80x64xf32, #tpu.memory_space<hbm>>) target_semaphore(%run_scoped3A : memref<!tpu.dma_semaphore, #tpu.memory_space<semaphore_mem>>)
      %dma_wait3A_170 = arith.constant 0 : i32
      %dma_wait3A_171 = arith.constant 0 : i32
      %dma_wait3A_172 = tpu.memref_slice %arg10[%dma_wait3A_170, %dma_wait3A_171] : memref<80x64xf32, #tpu.memory_space<vmem>> -> memref<80x64xf32, #tpu.memory_space<vmem>>
      %dma_wait3A_173 = arith.constant 0 : i32
      %dma_wait3A_174 = arith.constant 0 : i32
      %dma_wait3A_175 = tpu.memref_slice %arg5[%arg0, %arg1, %dma_wait3A_173, %dma_wait3A_174] : memref<2x16x625x64xf32, #tpu.memory_space<hbm>> -> memref<1x1x625x64xf32, #tpu.memory_space<hbm>>
      %dma_wait3A_176 = tpu.memref_squeeze %dma_wait3A_175 : memref<1x1x625x64xf32, #tpu.memory_space<hbm>> -> memref<625x64xf32, #tpu.memory_space<hbm>>
      %dma_wait3A_177 = arith.constant 80 : i32
      %dma_wait3A_178 = arith.constant 0 : i32
      %dma_wait3A_179 = tpu.memref_slice %dma_wait3A_176[%dma_wait3A_177, %dma_wait3A_178] : memref<625x64xf32, #tpu.memory_space<hbm>> -> memref<80x64xf32, #tpu.memory_space<hbm>>
      %dma_wait3A_180 = arith.constant 0 : i32
      %dma_wait3A_181 = arith.constant 0 : i32
      %dma_wait3A_182 = tpu.memref_slice %arg5[%arg0, %arg1, %dma_wait3A_180, %dma_wait3A_181] : memref<2x16x625x64xf32, #tpu.memory_space<hbm>> -> memref<1x1x625x64xf32, #tpu.memory_space<hbm>>
      %dma_wait3A_183 = tpu.memref_squeeze %dma_wait3A_182 : memref<1x1x625x64xf32, #tpu.memory_space<hbm>> -> memref<625x64xf32, #tpu.memory_space<hbm>>
      %dma_wait3A_184 = arith.constant 80 : i32
      %dma_wait3A_185 = arith.constant 0 : i32
      %dma_wait3A_186 = tpu.memref_slice %dma_wait3A_183[%dma_wait3A_184, %dma_wait3A_185] : memref<625x64xf32, #tpu.memory_space<hbm>> -> memref<80x64xf32, #tpu.memory_space<hbm>>
      %dma_wait3A_187 = arith.constant 0 : i32
      %dma_wait3A_188 = arith.constant 0 : i32
      %dma_wait3A_189 = tpu.memref_slice %arg10[%dma_wait3A_187, %dma_wait3A_188] : memref<80x64xf32, #tpu.memory_space<vmem>> -> memref<80x64xf32, #tpu.memory_space<vmem>>
      tpu.wait_dma2 semaphore(%run_scoped3A : memref<!tpu.dma_semaphore, #tpu.memory_space<semaphore_mem>>) src(%dma_wait3A_189 : memref<80x64xf32, #tpu.memory_space<vmem>>) dst(%dma_wait3A_186 : memref<80x64xf32, #tpu.memory_space<hbm>>)
      tpu.yield
    }) : () -> ()
    %add3A_131 = arith.constant 160 : i32
    %add3A_132 = arith.addi %mul3A_126, %add3A_131 : i32
    "tpu.region"() ({
      %run_scoped3A = tpu.sem_alloc : memref<!tpu.dma_semaphore, #tpu.memory_space<semaphore_mem>>
      %dma_start3A_150 = arith.constant 0 : i32
      %dma_start3A_151 = arith.constant 0 : i32
      %dma_start3A_152 = tpu.memref_slice %arg10[%dma_start3A_150, %dma_start3A_151] : memref<80x64xf32, #tpu.memory_space<vmem>> -> memref<80x64xf32, #tpu.memory_space<vmem>>
      %dma_start3A_153 = arith.constant 0 : i32
      %dma_start3A_154 = tpu.memref_slice %arg26[%add3A_132, %dma_start3A_153] : memref<10000x64xf32, #tpu.memory_space<vmem_shared>> -> memref<80x64xf32, #tpu.memory_space<vmem_shared>>
      %dma_start3A_155 = arith.constant 0 : i32
      %dma_start3A_156 = arith.constant 0 : i32
      %dma_start3A_157 = tpu.memref_slice %arg10[%dma_start3A_155, %dma_start3A_156] : memref<80x64xf32, #tpu.memory_space<vmem>> -> memref<80x64xf32, #tpu.memory_space<vmem>>
      %dma_start3A_158 = arith.constant 0 : i32
      %dma_start3A_159 = tpu.memref_slice %arg26[%add3A_132, %dma_start3A_158] : memref<10000x64xf32, #tpu.memory_space<vmem_shared>> -> memref<80x64xf32, #tpu.memory_space<vmem_shared>>
      tpu.enqueue_dma source(%dma_start3A_159 : memref<80x64xf32, #tpu.memory_space<vmem_shared>>) target(%dma_start3A_157 : memref<80x64xf32, #tpu.memory_space<vmem>>) target_semaphore(%run_scoped3A : memref<!tpu.dma_semaphore, #tpu.memory_space<semaphore_mem>>)
      %dma_wait3A_160 = arith.constant 0 : i32
      %dma_wait3A_161 = arith.constant 0 : i32
      %dma_wait3A_162 = tpu.memref_slice %arg10[%dma_wait3A_160, %dma_wait3A_161] : memref<80x64xf32, #tpu.memory_space<vmem>> -> memref<80x64xf32, #tpu.memory_space<vmem>>
      %dma_wait3A_163 = arith.constant 0 : i32
      %dma_wait3A_164 = tpu.memref_slice %arg26[%add3A_132, %dma_wait3A_163] : memref<10000x64xf32, #tpu.memory_space<vmem_shared>> -> memref<80x64xf32, #tpu.memory_space<vmem_shared>>
      %dma_wait3A_165 = arith.constant 0 : i32
      %dma_wait3A_166 = arith.constant 0 : i32
      %dma_wait3A_167 = tpu.memref_slice %arg10[%dma_wait3A_165, %dma_wait3A_166] : memref<80x64xf32, #tpu.memory_space<vmem>> -> memref<80x64xf32, #tpu.memory_space<vmem>>
      %dma_wait3A_168 = arith.constant 0 : i32
      %dma_wait3A_169 = tpu.memref_slice %arg26[%add3A_132, %dma_wait3A_168] : memref<10000x64xf32, #tpu.memory_space<vmem_shared>> -> memref<80x64xf32, #tpu.memory_space<vmem_shared>>
      tpu.wait_dma2 semaphore(%run_scoped3A : memref<!tpu.dma_semaphore, #tpu.memory_space<semaphore_mem>>) src(%dma_wait3A_169 : memref<80x64xf32, #tpu.memory_space<vmem_shared>>) dst(%dma_wait3A_167 : memref<80x64xf32, #tpu.memory_space<vmem>>)
      tpu.yield
    }) : () -> ()
    "tpu.region"() ({
      %run_scoped3A = tpu.sem_alloc : memref<!tpu.dma_semaphore, #tpu.memory_space<semaphore_mem>>
      %dma_start3A_150 = arith.constant 0 : i32
      %dma_start3A_151 = arith.constant 0 : i32
      %dma_start3A_152 = tpu.memref_slice %arg10[%dma_start3A_150, %dma_start3A_151] : memref<80x64xf32, #tpu.memory_space<vmem>> -> memref<80x64xf32, #tpu.memory_space<vmem>>
      %dma_start3A_153 = arith.constant 0 : i32
      %dma_start3A_154 = arith.constant 0 : i32
      %dma_start3A_155 = tpu.memref_slice %arg5[%arg0, %arg1, %dma_start3A_153, %dma_start3A_154] : memref<2x16x625x64xf32, #tpu.memory_space<hbm>> -> memref<1x1x625x64xf32, #tpu.memory_space<hbm>>
      %dma_start3A_156 = tpu.memref_squeeze %dma_start3A_155 : memref<1x1x625x64xf32, #tpu.memory_space<hbm>> -> memref<625x64xf32, #tpu.memory_space<hbm>>
      %dma_start3A_157 = arith.constant 160 : i32
      %dma_start3A_158 = arith.constant 0 : i32
      %dma_start3A_159 = tpu.memref_slice %dma_start3A_156[%dma_start3A_157, %dma_start3A_158] : memref<625x64xf32, #tpu.memory_space<hbm>> -> memref<80x64xf32, #tpu.memory_space<hbm>>
      %dma_start3A_160 = arith.constant 0 : i32
      %dma_start3A_161 = arith.constant 0 : i32
      %dma_start3A_162 = tpu.memref_slice %arg5[%arg0, %arg1, %dma_start3A_160, %dma_start3A_161] : memref<2x16x625x64xf32, #tpu.memory_space<hbm>> -> memref<1x1x625x64xf32, #tpu.memory_space<hbm>>
      %dma_start3A_163 = tpu.memref_squeeze %dma_start3A_162 : memref<1x1x625x64xf32, #tpu.memory_space<hbm>> -> memref<625x64xf32, #tpu.memory_space<hbm>>
      %dma_start3A_164 = arith.constant 160 : i32
      %dma_start3A_165 = arith.constant 0 : i32
      %dma_start3A_166 = tpu.memref_slice %dma_start3A_163[%dma_start3A_164, %dma_start3A_165] : memref<625x64xf32, #tpu.memory_space<hbm>> -> memref<80x64xf32, #tpu.memory_space<hbm>>
      %dma_start3A_167 = arith.constant 0 : i32
      %dma_start3A_168 = arith.constant 0 : i32
      %dma_start3A_169 = tpu.memref_slice %arg10[%dma_start3A_167, %dma_start3A_168] : memref<80x64xf32, #tpu.memory_space<vmem>> -> memref<80x64xf32, #tpu.memory_space<vmem>>
      tpu.enqueue_dma source(%dma_start3A_169 : memref<80x64xf32, #tpu.memory_space<vmem>>) target(%dma_start3A_166 : memref<80x64xf32, #tpu.memory_space<hbm>>) target_semaphore(%run_scoped3A : memref<!tpu.dma_semaphore, #tpu.memory_space<semaphore_mem>>)
      %dma_wait3A_170 = arith.constant 0 : i32
      %dma_wait3A_171 = arith.constant 0 : i32
      %dma_wait3A_172 = tpu.memref_slice %arg10[%dma_wait3A_170, %dma_wait3A_171] : memref<80x64xf32, #tpu.memory_space<vmem>> -> memref<80x64xf32, #tpu.memory_space<vmem>>
      %dma_wait3A_173 = arith.constant 0 : i32
      %dma_wait3A_174 = arith.constant 0 : i32
      %dma_wait3A_175 = tpu.memref_slice %arg5[%arg0, %arg1, %dma_wait3A_173, %dma_wait3A_174] : memref<2x16x625x64xf32, #tpu.memory_space<hbm>> -> memref<1x1x625x64xf32, #tpu.memory_space<hbm>>
      %dma_wait3A_176 = tpu.memref_squeeze %dma_wait3A_175 : memref<1x1x625x64xf32, #tpu.memory_space<hbm>> -> memref<625x64xf32, #tpu.memory_space<hbm>>
      %dma_wait3A_177 = arith.constant 160 : i32
      %dma_wait3A_178 = arith.constant 0 : i32
      %dma_wait3A_179 = tpu.memref_slice %dma_wait3A_176[%dma_wait3A_177, %dma_wait3A_178] : memref<625x64xf32, #tpu.memory_space<hbm>> -> memref<80x64xf32, #tpu.memory_space<hbm>>
      %dma_wait3A_180 = arith.constant 0 : i32
      %dma_wait3A_181 = arith.constant 0 : i32
      %dma_wait3A_182 = tpu.memref_slice %arg5[%arg0, %arg1, %dma_wait3A_180, %dma_wait3A_181] : memref<2x16x625x64xf32, #tpu.memory_space<hbm>> -> memref<1x1x625x64xf32, #tpu.memory_space<hbm>>
      %dma_wait3A_183 = tpu.memref_squeeze %dma_wait3A_182 : memref<1x1x625x64xf32, #tpu.memory_space<hbm>> -> memref<625x64xf32, #tpu.memory_space<hbm>>
      %dma_wait3A_184 = arith.constant 160 : i32
      %dma_wait3A_185 = arith.constant 0 : i32
      %dma_wait3A_186 = tpu.memref_slice %dma_wait3A_183[%dma_wait3A_184, %dma_wait3A_185] : memref<625x64xf32, #tpu.memory_space<hbm>> -> memref<80x64xf32, #tpu.memory_space<hbm>>
      %dma_wait3A_187 = arith.constant 0 : i32
      %dma_wait3A_188 = arith.constant 0 : i32
      %dma_wait3A_189 = tpu.memref_slice %arg10[%dma_wait3A_187, %dma_wait3A_188] : memref<80x64xf32, #tpu.memory_space<vmem>> -> memref<80x64xf32, #tpu.memory_space<vmem>>
      tpu.wait_dma2 semaphore(%run_scoped3A : memref<!tpu.dma_semaphore, #tpu.memory_space<semaphore_mem>>) src(%dma_wait3A_189 : memref<80x64xf32, #tpu.memory_space<vmem>>) dst(%dma_wait3A_186 : memref<80x64xf32, #tpu.memory_space<hbm>>)
      tpu.yield
    }) : () -> ()
    %add3A_133 = arith.constant 240 : i32
    %add3A_134 = arith.addi %mul3A_126, %add3A_133 : i32
    "tpu.region"() ({
      %run_scoped3A = tpu.sem_alloc : memref<!tpu.dma_semaphore, #tpu.memory_space<semaphore_mem>>
      %dma_start3A_150 = arith.constant 0 : i32
      %dma_start3A_151 = arith.constant 0 : i32
      %dma_start3A_152 = tpu.memref_slice %arg10[%dma_start3A_150, %dma_start3A_151] : memref<80x64xf32, #tpu.memory_space<vmem>> -> memref<80x64xf32, #tpu.memory_space<vmem>>
      %dma_start3A_153 = arith.constant 0 : i32
      %dma_start3A_154 = tpu.memref_slice %arg26[%add3A_134, %dma_start3A_153] : memref<10000x64xf32, #tpu.memory_space<vmem_shared>> -> memref<80x64xf32, #tpu.memory_space<vmem_shared>>
      %dma_start3A_155 = arith.constant 0 : i32
      %dma_start3A_156 = arith.constant 0 : i32
      %dma_start3A_157 = tpu.memref_slice %arg10[%dma_start3A_155, %dma_start3A_156] : memref<80x64xf32, #tpu.memory_space<vmem>> -> memref<80x64xf32, #tpu.memory_space<vmem>>
      %dma_start3A_158 = arith.constant 0 : i32
      %dma_start3A_159 = tpu.memref_slice %arg26[%add3A_134, %dma_start3A_158] : memref<10000x64xf32, #tpu.memory_space<vmem_shared>> -> memref<80x64xf32, #tpu.memory_space<vmem_shared>>
      tpu.enqueue_dma source(%dma_start3A_159 : memref<80x64xf32, #tpu.memory_space<vmem_shared>>) target(%dma_start3A_157 : memref<80x64xf32, #tpu.memory_space<vmem>>) target_semaphore(%run_scoped3A : memref<!tpu.dma_semaphore, #tpu.memory_space<semaphore_mem>>)
      %dma_wait3A_160 = arith.constant 0 : i32
      %dma_wait3A_161 = arith.constant 0 : i32
      %dma_wait3A_162 = tpu.memref_slice %arg10[%dma_wait3A_160, %dma_wait3A_161] : memref<80x64xf32, #tpu.memory_space<vmem>> -> memref<80x64xf32, #tpu.memory_space<vmem>>
      %dma_wait3A_163 = arith.constant 0 : i32
      %dma_wait3A_164 = tpu.memref_slice %arg26[%add3A_134, %dma_wait3A_163] : memref<10000x64xf32, #tpu.memory_space<vmem_shared>> -> memref<80x64xf32, #tpu.memory_space<vmem_shared>>
      %dma_wait3A_165 = arith.constant 0 : i32
      %dma_wait3A_166 = arith.constant 0 : i32
      %dma_wait3A_167 = tpu.memref_slice %arg10[%dma_wait3A_165, %dma_wait3A_166] : memref<80x64xf32, #tpu.memory_space<vmem>> -> memref<80x64xf32, #tpu.memory_space<vmem>>
      %dma_wait3A_168 = arith.constant 0 : i32
      %dma_wait3A_169 = tpu.memref_slice %arg26[%add3A_134, %dma_wait3A_168] : memref<10000x64xf32, #tpu.memory_space<vmem_shared>> -> memref<80x64xf32, #tpu.memory_space<vmem_shared>>
      tpu.wait_dma2 semaphore(%run_scoped3A : memref<!tpu.dma_semaphore, #tpu.memory_space<semaphore_mem>>) src(%dma_wait3A_169 : memref<80x64xf32, #tpu.memory_space<vmem_shared>>) dst(%dma_wait3A_167 : memref<80x64xf32, #tpu.memory_space<vmem>>)
      tpu.yield
    }) : () -> ()
    "tpu.region"() ({
      %run_scoped3A = tpu.sem_alloc : memref<!tpu.dma_semaphore, #tpu.memory_space<semaphore_mem>>
      %dma_start3A_150 = arith.constant 0 : i32
      %dma_start3A_151 = arith.constant 0 : i32
      %dma_start3A_152 = tpu.memref_slice %arg10[%dma_start3A_150, %dma_start3A_151] : memref<80x64xf32, #tpu.memory_space<vmem>> -> memref<80x64xf32, #tpu.memory_space<vmem>>
      %dma_start3A_153 = arith.constant 0 : i32
      %dma_start3A_154 = arith.constant 0 : i32
      %dma_start3A_155 = tpu.memref_slice %arg5[%arg0, %arg1, %dma_start3A_153, %dma_start3A_154] : memref<2x16x625x64xf32, #tpu.memory_space<hbm>> -> memref<1x1x625x64xf32, #tpu.memory_space<hbm>>
      %dma_start3A_156 = tpu.memref_squeeze %dma_start3A_155 : memref<1x1x625x64xf32, #tpu.memory_space<hbm>> -> memref<625x64xf32, #tpu.memory_space<hbm>>
      %dma_start3A_157 = arith.constant 240 : i32
      %dma_start3A_158 = arith.constant 0 : i32
      %dma_start3A_159 = tpu.memref_slice %dma_start3A_156[%dma_start3A_157, %dma_start3A_158] : memref<625x64xf32, #tpu.memory_space<hbm>> -> memref<80x64xf32, #tpu.memory_space<hbm>>
      %dma_start3A_160 = arith.constant 0 : i32
      %dma_start3A_161 = arith.constant 0 : i32
      %dma_start3A_162 = tpu.memref_slice %arg5[%arg0, %arg1, %dma_start3A_160, %dma_start3A_161] : memref<2x16x625x64xf32, #tpu.memory_space<hbm>> -> memref<1x1x625x64xf32, #tpu.memory_space<hbm>>
      %dma_start3A_163 = tpu.memref_squeeze %dma_start3A_162 : memref<1x1x625x64xf32, #tpu.memory_space<hbm>> -> memref<625x64xf32, #tpu.memory_space<hbm>>
      %dma_start3A_164 = arith.constant 240 : i32
      %dma_start3A_165 = arith.constant 0 : i32
      %dma_start3A_166 = tpu.memref_slice %dma_start3A_163[%dma_start3A_164, %dma_start3A_165] : memref<625x64xf32, #tpu.memory_space<hbm>> -> memref<80x64xf32, #tpu.memory_space<hbm>>
      %dma_start3A_167 = arith.constant 0 : i32
      %dma_start3A_168 = arith.constant 0 : i32
      %dma_start3A_169 = tpu.memref_slice %arg10[%dma_start3A_167, %dma_start3A_168] : memref<80x64xf32, #tpu.memory_space<vmem>> -> memref<80x64xf32, #tpu.memory_space<vmem>>
      tpu.enqueue_dma source(%dma_start3A_169 : memref<80x64xf32, #tpu.memory_space<vmem>>) target(%dma_start3A_166 : memref<80x64xf32, #tpu.memory_space<hbm>>) target_semaphore(%run_scoped3A : memref<!tpu.dma_semaphore, #tpu.memory_space<semaphore_mem>>)
      %dma_wait3A_170 = arith.constant 0 : i32
      %dma_wait3A_171 = arith.constant 0 : i32
      %dma_wait3A_172 = tpu.memref_slice %arg10[%dma_wait3A_170, %dma_wait3A_171] : memref<80x64xf32, #tpu.memory_space<vmem>> -> memref<80x64xf32, #tpu.memory_space<vmem>>
      %dma_wait3A_173 = arith.constant 0 : i32
      %dma_wait3A_174 = arith.constant 0 : i32
      %dma_wait3A_175 = tpu.memref_slice %arg5[%arg0, %arg1, %dma_wait3A_173, %dma_wait3A_174] : memref<2x16x625x64xf32, #tpu.memory_space<hbm>> -> memref<1x1x625x64xf32, #tpu.memory_space<hbm>>
      %dma_wait3A_176 = tpu.memref_squeeze %dma_wait3A_175 : memref<1x1x625x64xf32, #tpu.memory_space<hbm>> -> memref<625x64xf32, #tpu.memory_space<hbm>>
      %dma_wait3A_177 = arith.constant 240 : i32
      %dma_wait3A_178 = arith.constant 0 : i32
      %dma_wait3A_179 = tpu.memref_slice %dma_wait3A_176[%dma_wait3A_177, %dma_wait3A_178] : memref<625x64xf32, #tpu.memory_space<hbm>> -> memref<80x64xf32, #tpu.memory_space<hbm>>
      %dma_wait3A_180 = arith.constant 0 : i32
      %dma_wait3A_181 = arith.constant 0 : i32
      %dma_wait3A_182 = tpu.memref_slice %arg5[%arg0, %arg1, %dma_wait3A_180, %dma_wait3A_181] : memref<2x16x625x64xf32, #tpu.memory_space<hbm>> -> memref<1x1x625x64xf32, #tpu.memory_space<hbm>>
      %dma_wait3A_183 = tpu.memref_squeeze %dma_wait3A_182 : memref<1x1x625x64xf32, #tpu.memory_space<hbm>> -> memref<625x64xf32, #tpu.memory_space<hbm>>
      %dma_wait3A_184 = arith.constant 240 : i32
      %dma_wait3A_185 = arith.constant 0 : i32
      %dma_wait3A_186 = tpu.memref_slice %dma_wait3A_183[%dma_wait3A_184, %dma_wait3A_185] : memref<625x64xf32, #tpu.memory_space<hbm>> -> memref<80x64xf32, #tpu.memory_space<hbm>>
      %dma_wait3A_187 = arith.constant 0 : i32
      %dma_wait3A_188 = arith.constant 0 : i32
      %dma_wait3A_189 = tpu.memref_slice %arg10[%dma_wait3A_187, %dma_wait3A_188] : memref<80x64xf32, #tpu.memory_space<vmem>> -> memref<80x64xf32, #tpu.memory_space<vmem>>
      tpu.wait_dma2 semaphore(%run_scoped3A : memref<!tpu.dma_semaphore, #tpu.memory_space<semaphore_mem>>) src(%dma_wait3A_189 : memref<80x64xf32, #tpu.memory_space<vmem>>) dst(%dma_wait3A_186 : memref<80x64xf32, #tpu.memory_space<hbm>>)
      tpu.yield
    }) : () -> ()
    %add3A_135 = arith.constant 320 : i32
    %add3A_136 = arith.addi %mul3A_126, %add3A_135 : i32
    "tpu.region"() ({
      %run_scoped3A = tpu.sem_alloc : memref<!tpu.dma_semaphore, #tpu.memory_space<semaphore_mem>>
      %dma_start3A_150 = arith.constant 0 : i32
      %dma_start3A_151 = arith.constant 0 : i32
      %dma_start3A_152 = tpu.memref_slice %arg10[%dma_start3A_150, %dma_start3A_151] : memref<80x64xf32, #tpu.memory_space<vmem>> -> memref<80x64xf32, #tpu.memory_space<vmem>>
      %dma_start3A_153 = arith.constant 0 : i32
      %dma_start3A_154 = tpu.memref_slice %arg26[%add3A_136, %dma_start3A_153] : memref<10000x64xf32, #tpu.memory_space<vmem_shared>> -> memref<80x64xf32, #tpu.memory_space<vmem_shared>>
      %dma_start3A_155 = arith.constant 0 : i32
      %dma_start3A_156 = arith.constant 0 : i32
      %dma_start3A_157 = tpu.memref_slice %arg10[%dma_start3A_155, %dma_start3A_156] : memref<80x64xf32, #tpu.memory_space<vmem>> -> memref<80x64xf32, #tpu.memory_space<vmem>>
      %dma_start3A_158 = arith.constant 0 : i32
      %dma_start3A_159 = tpu.memref_slice %arg26[%add3A_136, %dma_start3A_158] : memref<10000x64xf32, #tpu.memory_space<vmem_shared>> -> memref<80x64xf32, #tpu.memory_space<vmem_shared>>
      tpu.enqueue_dma source(%dma_start3A_159 : memref<80x64xf32, #tpu.memory_space<vmem_shared>>) target(%dma_start3A_157 : memref<80x64xf32, #tpu.memory_space<vmem>>) target_semaphore(%run_scoped3A : memref<!tpu.dma_semaphore, #tpu.memory_space<semaphore_mem>>)
      %dma_wait3A_160 = arith.constant 0 : i32
      %dma_wait3A_161 = arith.constant 0 : i32
      %dma_wait3A_162 = tpu.memref_slice %arg10[%dma_wait3A_160, %dma_wait3A_161] : memref<80x64xf32, #tpu.memory_space<vmem>> -> memref<80x64xf32, #tpu.memory_space<vmem>>
      %dma_wait3A_163 = arith.constant 0 : i32
      %dma_wait3A_164 = tpu.memref_slice %arg26[%add3A_136, %dma_wait3A_163] : memref<10000x64xf32, #tpu.memory_space<vmem_shared>> -> memref<80x64xf32, #tpu.memory_space<vmem_shared>>
      %dma_wait3A_165 = arith.constant 0 : i32
      %dma_wait3A_166 = arith.constant 0 : i32
      %dma_wait3A_167 = tpu.memref_slice %arg10[%dma_wait3A_165, %dma_wait3A_166] : memref<80x64xf32, #tpu.memory_space<vmem>> -> memref<80x64xf32, #tpu.memory_space<vmem>>
      %dma_wait3A_168 = arith.constant 0 : i32
      %dma_wait3A_169 = tpu.memref_slice %arg26[%add3A_136, %dma_wait3A_168] : memref<10000x64xf32, #tpu.memory_space<vmem_shared>> -> memref<80x64xf32, #tpu.memory_space<vmem_shared>>
      tpu.wait_dma2 semaphore(%run_scoped3A : memref<!tpu.dma_semaphore, #tpu.memory_space<semaphore_mem>>) src(%dma_wait3A_169 : memref<80x64xf32, #tpu.memory_space<vmem_shared>>) dst(%dma_wait3A_167 : memref<80x64xf32, #tpu.memory_space<vmem>>)
      tpu.yield
    }) : () -> ()
    "tpu.region"() ({
      %run_scoped3A = tpu.sem_alloc : memref<!tpu.dma_semaphore, #tpu.memory_space<semaphore_mem>>
      %dma_start3A_150 = arith.constant 0 : i32
      %dma_start3A_151 = arith.constant 0 : i32
      %dma_start3A_152 = tpu.memref_slice %arg10[%dma_start3A_150, %dma_start3A_151] : memref<80x64xf32, #tpu.memory_space<vmem>> -> memref<80x64xf32, #tpu.memory_space<vmem>>
      %dma_start3A_153 = arith.constant 0 : i32
      %dma_start3A_154 = arith.constant 0 : i32
      %dma_start3A_155 = tpu.memref_slice %arg5[%arg0, %arg1, %dma_start3A_153, %dma_start3A_154] : memref<2x16x625x64xf32, #tpu.memory_space<hbm>> -> memref<1x1x625x64xf32, #tpu.memory_space<hbm>>
      %dma_start3A_156 = tpu.memref_squeeze %dma_start3A_155 : memref<1x1x625x64xf32, #tpu.memory_space<hbm>> -> memref<625x64xf32, #tpu.memory_space<hbm>>
      %dma_start3A_157 = arith.constant 320 : i32
      %dma_start3A_158 = arith.constant 0 : i32
      %dma_start3A_159 = tpu.memref_slice %dma_start3A_156[%dma_start3A_157, %dma_start3A_158] : memref<625x64xf32, #tpu.memory_space<hbm>> -> memref<80x64xf32, #tpu.memory_space<hbm>>
      %dma_start3A_160 = arith.constant 0 : i32
      %dma_start3A_161 = arith.constant 0 : i32
      %dma_start3A_162 = tpu.memref_slice %arg5[%arg0, %arg1, %dma_start3A_160, %dma_start3A_161] : memref<2x16x625x64xf32, #tpu.memory_space<hbm>> -> memref<1x1x625x64xf32, #tpu.memory_space<hbm>>
      %dma_start3A_163 = tpu.memref_squeeze %dma_start3A_162 : memref<1x1x625x64xf32, #tpu.memory_space<hbm>> -> memref<625x64xf32, #tpu.memory_space<hbm>>
      %dma_start3A_164 = arith.constant 320 : i32
      %dma_start3A_165 = arith.constant 0 : i32
      %dma_start3A_166 = tpu.memref_slice %dma_start3A_163[%dma_start3A_164, %dma_start3A_165] : memref<625x64xf32, #tpu.memory_space<hbm>> -> memref<80x64xf32, #tpu.memory_space<hbm>>
      %dma_start3A_167 = arith.constant 0 : i32
      %dma_start3A_168 = arith.constant 0 : i32
      %dma_start3A_169 = tpu.memref_slice %arg10[%dma_start3A_167, %dma_start3A_168] : memref<80x64xf32, #tpu.memory_space<vmem>> -> memref<80x64xf32, #tpu.memory_space<vmem>>
      tpu.enqueue_dma source(%dma_start3A_169 : memref<80x64xf32, #tpu.memory_space<vmem>>) target(%dma_start3A_166 : memref<80x64xf32, #tpu.memory_space<hbm>>) target_semaphore(%run_scoped3A : memref<!tpu.dma_semaphore, #tpu.memory_space<semaphore_mem>>)
      %dma_wait3A_170 = arith.constant 0 : i32
      %dma_wait3A_171 = arith.constant 0 : i32
      %dma_wait3A_172 = tpu.memref_slice %arg10[%dma_wait3A_170, %dma_wait3A_171] : memref<80x64xf32, #tpu.memory_space<vmem>> -> memref<80x64xf32, #tpu.memory_space<vmem>>
      %dma_wait3A_173 = arith.constant 0 : i32
      %dma_wait3A_174 = arith.constant 0 : i32
      %dma_wait3A_175 = tpu.memref_slice %arg5[%arg0, %arg1, %dma_wait3A_173, %dma_wait3A_174] : memref<2x16x625x64xf32, #tpu.memory_space<hbm>> -> memref<1x1x625x64xf32, #tpu.memory_space<hbm>>
      %dma_wait3A_176 = tpu.memref_squeeze %dma_wait3A_175 : memref<1x1x625x64xf32, #tpu.memory_space<hbm>> -> memref<625x64xf32, #tpu.memory_space<hbm>>
      %dma_wait3A_177 = arith.constant 320 : i32
      %dma_wait3A_178 = arith.constant 0 : i32
      %dma_wait3A_179 = tpu.memref_slice %dma_wait3A_176[%dma_wait3A_177, %dma_wait3A_178] : memref<625x64xf32, #tpu.memory_space<hbm>> -> memref<80x64xf32, #tpu.memory_space<hbm>>
      %dma_wait3A_180 = arith.constant 0 : i32
      %dma_wait3A_181 = arith.constant 0 : i32
      %dma_wait3A_182 = tpu.memref_slice %arg5[%arg0, %arg1, %dma_wait3A_180, %dma_wait3A_181] : memref<2x16x625x64xf32, #tpu.memory_space<hbm>> -> memref<1x1x625x64xf32, #tpu.memory_space<hbm>>
      %dma_wait3A_183 = tpu.memref_squeeze %dma_wait3A_182 : memref<1x1x625x64xf32, #tpu.memory_space<hbm>> -> memref<625x64xf32, #tpu.memory_space<hbm>>
      %dma_wait3A_184 = arith.constant 320 : i32
      %dma_wait3A_185 = arith.constant 0 : i32
      %dma_wait3A_186 = tpu.memref_slice %dma_wait3A_183[%dma_wait3A_184, %dma_wait3A_185] : memref<625x64xf32, #tpu.memory_space<hbm>> -> memref<80x64xf32, #tpu.memory_space<hbm>>
      %dma_wait3A_187 = arith.constant 0 : i32
      %dma_wait3A_188 = arith.constant 0 : i32
      %dma_wait3A_189 = tpu.memref_slice %arg10[%dma_wait3A_187, %dma_wait3A_188] : memref<80x64xf32, #tpu.memory_space<vmem>> -> memref<80x64xf32, #tpu.memory_space<vmem>>
      tpu.wait_dma2 semaphore(%run_scoped3A : memref<!tpu.dma_semaphore, #tpu.memory_space<semaphore_mem>>) src(%dma_wait3A_189 : memref<80x64xf32, #tpu.memory_space<vmem>>) dst(%dma_wait3A_186 : memref<80x64xf32, #tpu.memory_space<hbm>>)
      tpu.yield
    }) : () -> ()
    %add3A_137 = arith.constant 400 : i32
    %add3A_138 = arith.addi %mul3A_126, %add3A_137 : i32
    "tpu.region"() ({
      %run_scoped3A = tpu.sem_alloc : memref<!tpu.dma_semaphore, #tpu.memory_space<semaphore_mem>>
      %dma_start3A_150 = arith.constant 0 : i32
      %dma_start3A_151 = arith.constant 0 : i32
      %dma_start3A_152 = tpu.memref_slice %arg10[%dma_start3A_150, %dma_start3A_151] : memref<80x64xf32, #tpu.memory_space<vmem>> -> memref<80x64xf32, #tpu.memory_space<vmem>>
      %dma_start3A_153 = arith.constant 0 : i32
      %dma_start3A_154 = tpu.memref_slice %arg26[%add3A_138, %dma_start3A_153] : memref<10000x64xf32, #tpu.memory_space<vmem_shared>> -> memref<80x64xf32, #tpu.memory_space<vmem_shared>>
      %dma_start3A_155 = arith.constant 0 : i32
      %dma_start3A_156 = arith.constant 0 : i32
      %dma_start3A_157 = tpu.memref_slice %arg10[%dma_start3A_155, %dma_start3A_156] : memref<80x64xf32, #tpu.memory_space<vmem>> -> memref<80x64xf32, #tpu.memory_space<vmem>>
      %dma_start3A_158 = arith.constant 0 : i32
      %dma_start3A_159 = tpu.memref_slice %arg26[%add3A_138, %dma_start3A_158] : memref<10000x64xf32, #tpu.memory_space<vmem_shared>> -> memref<80x64xf32, #tpu.memory_space<vmem_shared>>
      tpu.enqueue_dma source(%dma_start3A_159 : memref<80x64xf32, #tpu.memory_space<vmem_shared>>) target(%dma_start3A_157 : memref<80x64xf32, #tpu.memory_space<vmem>>) target_semaphore(%run_scoped3A : memref<!tpu.dma_semaphore, #tpu.memory_space<semaphore_mem>>)
      %dma_wait3A_160 = arith.constant 0 : i32
      %dma_wait3A_161 = arith.constant 0 : i32
      %dma_wait3A_162 = tpu.memref_slice %arg10[%dma_wait3A_160, %dma_wait3A_161] : memref<80x64xf32, #tpu.memory_space<vmem>> -> memref<80x64xf32, #tpu.memory_space<vmem>>
      %dma_wait3A_163 = arith.constant 0 : i32
      %dma_wait3A_164 = tpu.memref_slice %arg26[%add3A_138, %dma_wait3A_163] : memref<10000x64xf32, #tpu.memory_space<vmem_shared>> -> memref<80x64xf32, #tpu.memory_space<vmem_shared>>
      %dma_wait3A_165 = arith.constant 0 : i32
      %dma_wait3A_166 = arith.constant 0 : i32
      %dma_wait3A_167 = tpu.memref_slice %arg10[%dma_wait3A_165, %dma_wait3A_166] : memref<80x64xf32, #tpu.memory_space<vmem>> -> memref<80x64xf32, #tpu.memory_space<vmem>>
      %dma_wait3A_168 = arith.constant 0 : i32
      %dma_wait3A_169 = tpu.memref_slice %arg26[%add3A_138, %dma_wait3A_168] : memref<10000x64xf32, #tpu.memory_space<vmem_shared>> -> memref<80x64xf32, #tpu.memory_space<vmem_shared>>
      tpu.wait_dma2 semaphore(%run_scoped3A : memref<!tpu.dma_semaphore, #tpu.memory_space<semaphore_mem>>) src(%dma_wait3A_169 : memref<80x64xf32, #tpu.memory_space<vmem_shared>>) dst(%dma_wait3A_167 : memref<80x64xf32, #tpu.memory_space<vmem>>)
      tpu.yield
    }) : () -> ()
    "tpu.region"() ({
      %run_scoped3A = tpu.sem_alloc : memref<!tpu.dma_semaphore, #tpu.memory_space<semaphore_mem>>
      %dma_start3A_150 = arith.constant 0 : i32
      %dma_start3A_151 = arith.constant 0 : i32
      %dma_start3A_152 = tpu.memref_slice %arg10[%dma_start3A_150, %dma_start3A_151] : memref<80x64xf32, #tpu.memory_space<vmem>> -> memref<80x64xf32, #tpu.memory_space<vmem>>
      %dma_start3A_153 = arith.constant 0 : i32
      %dma_start3A_154 = arith.constant 0 : i32
      %dma_start3A_155 = tpu.memref_slice %arg5[%arg0, %arg1, %dma_start3A_153, %dma_start3A_154] : memref<2x16x625x64xf32, #tpu.memory_space<hbm>> -> memref<1x1x625x64xf32, #tpu.memory_space<hbm>>
      %dma_start3A_156 = tpu.memref_squeeze %dma_start3A_155 : memref<1x1x625x64xf32, #tpu.memory_space<hbm>> -> memref<625x64xf32, #tpu.memory_space<hbm>>
      %dma_start3A_157 = arith.constant 400 : i32
      %dma_start3A_158 = arith.constant 0 : i32
      %dma_start3A_159 = tpu.memref_slice %dma_start3A_156[%dma_start3A_157, %dma_start3A_158] : memref<625x64xf32, #tpu.memory_space<hbm>> -> memref<80x64xf32, #tpu.memory_space<hbm>>
      %dma_start3A_160 = arith.constant 0 : i32
      %dma_start3A_161 = arith.constant 0 : i32
      %dma_start3A_162 = tpu.memref_slice %arg5[%arg0, %arg1, %dma_start3A_160, %dma_start3A_161] : memref<2x16x625x64xf32, #tpu.memory_space<hbm>> -> memref<1x1x625x64xf32, #tpu.memory_space<hbm>>
      %dma_start3A_163 = tpu.memref_squeeze %dma_start3A_162 : memref<1x1x625x64xf32, #tpu.memory_space<hbm>> -> memref<625x64xf32, #tpu.memory_space<hbm>>
      %dma_start3A_164 = arith.constant 400 : i32
      %dma_start3A_165 = arith.constant 0 : i32
      %dma_start3A_166 = tpu.memref_slice %dma_start3A_163[%dma_start3A_164, %dma_start3A_165] : memref<625x64xf32, #tpu.memory_space<hbm>> -> memref<80x64xf32, #tpu.memory_space<hbm>>
      %dma_start3A_167 = arith.constant 0 : i32
      %dma_start3A_168 = arith.constant 0 : i32
      %dma_start3A_169 = tpu.memref_slice %arg10[%dma_start3A_167, %dma_start3A_168] : memref<80x64xf32, #tpu.memory_space<vmem>> -> memref<80x64xf32, #tpu.memory_space<vmem>>
      tpu.enqueue_dma source(%dma_start3A_169 : memref<80x64xf32, #tpu.memory_space<vmem>>) target(%dma_start3A_166 : memref<80x64xf32, #tpu.memory_space<hbm>>) target_semaphore(%run_scoped3A : memref<!tpu.dma_semaphore, #tpu.memory_space<semaphore_mem>>)
      %dma_wait3A_170 = arith.constant 0 : i32
      %dma_wait3A_171 = arith.constant 0 : i32
      %dma_wait3A_172 = tpu.memref_slice %arg10[%dma_wait3A_170, %dma_wait3A_171] : memref<80x64xf32, #tpu.memory_space<vmem>> -> memref<80x64xf32, #tpu.memory_space<vmem>>
      %dma_wait3A_173 = arith.constant 0 : i32
      %dma_wait3A_174 = arith.constant 0 : i32
      %dma_wait3A_175 = tpu.memref_slice %arg5[%arg0, %arg1, %dma_wait3A_173, %dma_wait3A_174] : memref<2x16x625x64xf32, #tpu.memory_space<hbm>> -> memref<1x1x625x64xf32, #tpu.memory_space<hbm>>
      %dma_wait3A_176 = tpu.memref_squeeze %dma_wait3A_175 : memref<1x1x625x64xf32, #tpu.memory_space<hbm>> -> memref<625x64xf32, #tpu.memory_space<hbm>>
      %dma_wait3A_177 = arith.constant 400 : i32
      %dma_wait3A_178 = arith.constant 0 : i32
      %dma_wait3A_179 = tpu.memref_slice %dma_wait3A_176[%dma_wait3A_177, %dma_wait3A_178] : memref<625x64xf32, #tpu.memory_space<hbm>> -> memref<80x64xf32, #tpu.memory_space<hbm>>
      %dma_wait3A_180 = arith.constant 0 : i32
      %dma_wait3A_181 = arith.constant 0 : i32
      %dma_wait3A_182 = tpu.memref_slice %arg5[%arg0, %arg1, %dma_wait3A_180, %dma_wait3A_181] : memref<2x16x625x64xf32, #tpu.memory_space<hbm>> -> memref<1x1x625x64xf32, #tpu.memory_space<hbm>>
      %dma_wait3A_183 = tpu.memref_squeeze %dma_wait3A_182 : memref<1x1x625x64xf32, #tpu.memory_space<hbm>> -> memref<625x64xf32, #tpu.memory_space<hbm>>
      %dma_wait3A_184 = arith.constant 400 : i32
      %dma_wait3A_185 = arith.constant 0 : i32
      %dma_wait3A_186 = tpu.memref_slice %dma_wait3A_183[%dma_wait3A_184, %dma_wait3A_185] : memref<625x64xf32, #tpu.memory_space<hbm>> -> memref<80x64xf32, #tpu.memory_space<hbm>>
      %dma_wait3A_187 = arith.constant 0 : i32
      %dma_wait3A_188 = arith.constant 0 : i32
      %dma_wait3A_189 = tpu.memref_slice %arg10[%dma_wait3A_187, %dma_wait3A_188] : memref<80x64xf32, #tpu.memory_space<vmem>> -> memref<80x64xf32, #tpu.memory_space<vmem>>
      tpu.wait_dma2 semaphore(%run_scoped3A : memref<!tpu.dma_semaphore, #tpu.memory_space<semaphore_mem>>) src(%dma_wait3A_189 : memref<80x64xf32, #tpu.memory_space<vmem>>) dst(%dma_wait3A_186 : memref<80x64xf32, #tpu.memory_space<hbm>>)
      tpu.yield
    }) : () -> ()
    %add3A_139 = arith.constant 480 : i32
    %add3A_140 = arith.addi %mul3A_126, %add3A_139 : i32
    "tpu.region"() ({
      %run_scoped3A = tpu.sem_alloc : memref<!tpu.dma_semaphore, #tpu.memory_space<semaphore_mem>>
      %dma_start3A_150 = arith.constant 0 : i32
      %dma_start3A_151 = arith.constant 0 : i32
      %dma_start3A_152 = tpu.memref_slice %arg10[%dma_start3A_150, %dma_start3A_151] : memref<80x64xf32, #tpu.memory_space<vmem>> -> memref<80x64xf32, #tpu.memory_space<vmem>>
      %dma_start3A_153 = arith.constant 0 : i32
      %dma_start3A_154 = tpu.memref_slice %arg26[%add3A_140, %dma_start3A_153] : memref<10000x64xf32, #tpu.memory_space<vmem_shared>> -> memref<80x64xf32, #tpu.memory_space<vmem_shared>>
      %dma_start3A_155 = arith.constant 0 : i32
      %dma_start3A_156 = arith.constant 0 : i32
      %dma_start3A_157 = tpu.memref_slice %arg10[%dma_start3A_155, %dma_start3A_156] : memref<80x64xf32, #tpu.memory_space<vmem>> -> memref<80x64xf32, #tpu.memory_space<vmem>>
      %dma_start3A_158 = arith.constant 0 : i32
      %dma_start3A_159 = tpu.memref_slice %arg26[%add3A_140, %dma_start3A_158] : memref<10000x64xf32, #tpu.memory_space<vmem_shared>> -> memref<80x64xf32, #tpu.memory_space<vmem_shared>>
      tpu.enqueue_dma source(%dma_start3A_159 : memref<80x64xf32, #tpu.memory_space<vmem_shared>>) target(%dma_start3A_157 : memref<80x64xf32, #tpu.memory_space<vmem>>) target_semaphore(%run_scoped3A : memref<!tpu.dma_semaphore, #tpu.memory_space<semaphore_mem>>)
      %dma_wait3A_160 = arith.constant 0 : i32
      %dma_wait3A_161 = arith.constant 0 : i32
      %dma_wait3A_162 = tpu.memref_slice %arg10[%dma_wait3A_160, %dma_wait3A_161] : memref<80x64xf32, #tpu.memory_space<vmem>> -> memref<80x64xf32, #tpu.memory_space<vmem>>
      %dma_wait3A_163 = arith.constant 0 : i32
      %dma_wait3A_164 = tpu.memref_slice %arg26[%add3A_140, %dma_wait3A_163] : memref<10000x64xf32, #tpu.memory_space<vmem_shared>> -> memref<80x64xf32, #tpu.memory_space<vmem_shared>>
      %dma_wait3A_165 = arith.constant 0 : i32
      %dma_wait3A_166 = arith.constant 0 : i32
      %dma_wait3A_167 = tpu.memref_slice %arg10[%dma_wait3A_165, %dma_wait3A_166] : memref<80x64xf32, #tpu.memory_space<vmem>> -> memref<80x64xf32, #tpu.memory_space<vmem>>
      %dma_wait3A_168 = arith.constant 0 : i32
      %dma_wait3A_169 = tpu.memref_slice %arg26[%add3A_140, %dma_wait3A_168] : memref<10000x64xf32, #tpu.memory_space<vmem_shared>> -> memref<80x64xf32, #tpu.memory_space<vmem_shared>>
      tpu.wait_dma2 semaphore(%run_scoped3A : memref<!tpu.dma_semaphore, #tpu.memory_space<semaphore_mem>>) src(%dma_wait3A_169 : memref<80x64xf32, #tpu.memory_space<vmem_shared>>) dst(%dma_wait3A_167 : memref<80x64xf32, #tpu.memory_space<vmem>>)
      tpu.yield
    }) : () -> ()
    "tpu.region"() ({
      %run_scoped3A = tpu.sem_alloc : memref<!tpu.dma_semaphore, #tpu.memory_space<semaphore_mem>>
      %dma_start3A_150 = arith.constant 0 : i32
      %dma_start3A_151 = arith.constant 0 : i32
      %dma_start3A_152 = tpu.memref_slice %arg10[%dma_start3A_150, %dma_start3A_151] : memref<80x64xf32, #tpu.memory_space<vmem>> -> memref<80x64xf32, #tpu.memory_space<vmem>>
      %dma_start3A_153 = arith.constant 0 : i32
      %dma_start3A_154 = arith.constant 0 : i32
      %dma_start3A_155 = tpu.memref_slice %arg5[%arg0, %arg1, %dma_start3A_153, %dma_start3A_154] : memref<2x16x625x64xf32, #tpu.memory_space<hbm>> -> memref<1x1x625x64xf32, #tpu.memory_space<hbm>>
      %dma_start3A_156 = tpu.memref_squeeze %dma_start3A_155 : memref<1x1x625x64xf32, #tpu.memory_space<hbm>> -> memref<625x64xf32, #tpu.memory_space<hbm>>
      %dma_start3A_157 = arith.constant 480 : i32
      %dma_start3A_158 = arith.constant 0 : i32
      %dma_start3A_159 = tpu.memref_slice %dma_start3A_156[%dma_start3A_157, %dma_start3A_158] : memref<625x64xf32, #tpu.memory_space<hbm>> -> memref<80x64xf32, #tpu.memory_space<hbm>>
      %dma_start3A_160 = arith.constant 0 : i32
      %dma_start3A_161 = arith.constant 0 : i32
      %dma_start3A_162 = tpu.memref_slice %arg5[%arg0, %arg1, %dma_start3A_160, %dma_start3A_161] : memref<2x16x625x64xf32, #tpu.memory_space<hbm>> -> memref<1x1x625x64xf32, #tpu.memory_space<hbm>>
      %dma_start3A_163 = tpu.memref_squeeze %dma_start3A_162 : memref<1x1x625x64xf32, #tpu.memory_space<hbm>> -> memref<625x64xf32, #tpu.memory_space<hbm>>
      %dma_start3A_164 = arith.constant 480 : i32
      %dma_start3A_165 = arith.constant 0 : i32
      %dma_start3A_166 = tpu.memref_slice %dma_start3A_163[%dma_start3A_164, %dma_start3A_165] : memref<625x64xf32, #tpu.memory_space<hbm>> -> memref<80x64xf32, #tpu.memory_space<hbm>>
      %dma_start3A_167 = arith.constant 0 : i32
      %dma_start3A_168 = arith.constant 0 : i32
      %dma_start3A_169 = tpu.memref_slice %arg10[%dma_start3A_167, %dma_start3A_168] : memref<80x64xf32, #tpu.memory_space<vmem>> -> memref<80x64xf32, #tpu.memory_space<vmem>>
      tpu.enqueue_dma source(%dma_start3A_169 : memref<80x64xf32, #tpu.memory_space<vmem>>) target(%dma_start3A_166 : memref<80x64xf32, #tpu.memory_space<hbm>>) target_semaphore(%run_scoped3A : memref<!tpu.dma_semaphore, #tpu.memory_space<semaphore_mem>>)
      %dma_wait3A_170 = arith.constant 0 : i32
      %dma_wait3A_171 = arith.constant 0 : i32
      %dma_wait3A_172 = tpu.memref_slice %arg10[%dma_wait3A_170, %dma_wait3A_171] : memref<80x64xf32, #tpu.memory_space<vmem>> -> memref<80x64xf32, #tpu.memory_space<vmem>>
      %dma_wait3A_173 = arith.constant 0 : i32
      %dma_wait3A_174 = arith.constant 0 : i32
      %dma_wait3A_175 = tpu.memref_slice %arg5[%arg0, %arg1, %dma_wait3A_173, %dma_wait3A_174] : memref<2x16x625x64xf32, #tpu.memory_space<hbm>> -> memref<1x1x625x64xf32, #tpu.memory_space<hbm>>
      %dma_wait3A_176 = tpu.memref_squeeze %dma_wait3A_175 : memref<1x1x625x64xf32, #tpu.memory_space<hbm>> -> memref<625x64xf32, #tpu.memory_space<hbm>>
      %dma_wait3A_177 = arith.constant 480 : i32
      %dma_wait3A_178 = arith.constant 0 : i32
      %dma_wait3A_179 = tpu.memref_slice %dma_wait3A_176[%dma_wait3A_177, %dma_wait3A_178] : memref<625x64xf32, #tpu.memory_space<hbm>> -> memref<80x64xf32, #tpu.memory_space<hbm>>
      %dma_wait3A_180 = arith.constant 0 : i32
      %dma_wait3A_181 = arith.constant 0 : i32
      %dma_wait3A_182 = tpu.memref_slice %arg5[%arg0, %arg1, %dma_wait3A_180, %dma_wait3A_181] : memref<2x16x625x64xf32, #tpu.memory_space<hbm>> -> memref<1x1x625x64xf32, #tpu.memory_space<hbm>>
      %dma_wait3A_183 = tpu.memref_squeeze %dma_wait3A_182 : memref<1x1x625x64xf32, #tpu.memory_space<hbm>> -> memref<625x64xf32, #tpu.memory_space<hbm>>
      %dma_wait3A_184 = arith.constant 480 : i32
      %dma_wait3A_185 = arith.constant 0 : i32
      %dma_wait3A_186 = tpu.memref_slice %dma_wait3A_183[%dma_wait3A_184, %dma_wait3A_185] : memref<625x64xf32, #tpu.memory_space<hbm>> -> memref<80x64xf32, #tpu.memory_space<hbm>>
      %dma_wait3A_187 = arith.constant 0 : i32
      %dma_wait3A_188 = arith.constant 0 : i32
      %dma_wait3A_189 = tpu.memref_slice %arg10[%dma_wait3A_187, %dma_wait3A_188] : memref<80x64xf32, #tpu.memory_space<vmem>> -> memref<80x64xf32, #tpu.memory_space<vmem>>
      tpu.wait_dma2 semaphore(%run_scoped3A : memref<!tpu.dma_semaphore, #tpu.memory_space<semaphore_mem>>) src(%dma_wait3A_189 : memref<80x64xf32, #tpu.memory_space<vmem>>) dst(%dma_wait3A_186 : memref<80x64xf32, #tpu.memory_space<hbm>>)
      tpu.yield
    }) : () -> ()
    %add3A_141 = arith.constant 560 : i32
    %add3A_142 = arith.addi %mul3A_126, %add3A_141 : i32
    "tpu.region"() ({
      %run_scoped3A = tpu.sem_alloc : memref<!tpu.dma_semaphore, #tpu.memory_space<semaphore_mem>>
      %dma_start3A_150 = arith.constant 0 : i32
      %dma_start3A_151 = arith.constant 0 : i32
      %dma_start3A_152 = tpu.memref_slice %arg10[%dma_start3A_150, %dma_start3A_151] : memref<80x64xf32, #tpu.memory_space<vmem>> -> memref<65x64xf32, #tpu.memory_space<vmem>>
      %dma_start3A_153 = arith.constant 0 : i32
      %dma_start3A_154 = tpu.memref_slice %arg26[%add3A_142, %dma_start3A_153] : memref<10000x64xf32, #tpu.memory_space<vmem_shared>> -> memref<65x64xf32, #tpu.memory_space<vmem_shared>>
      %dma_start3A_155 = arith.constant 0 : i32
      %dma_start3A_156 = arith.constant 0 : i32
      %dma_start3A_157 = tpu.memref_slice %arg10[%dma_start3A_155, %dma_start3A_156] : memref<80x64xf32, #tpu.memory_space<vmem>> -> memref<65x64xf32, #tpu.memory_space<vmem>>
      %dma_start3A_158 = arith.constant 0 : i32
      %dma_start3A_159 = tpu.memref_slice %arg26[%add3A_142, %dma_start3A_158] : memref<10000x64xf32, #tpu.memory_space<vmem_shared>> -> memref<65x64xf32, #tpu.memory_space<vmem_shared>>
      tpu.enqueue_dma source(%dma_start3A_159 : memref<65x64xf32, #tpu.memory_space<vmem_shared>>) target(%dma_start3A_157 : memref<65x64xf32, #tpu.memory_space<vmem>>) target_semaphore(%run_scoped3A : memref<!tpu.dma_semaphore, #tpu.memory_space<semaphore_mem>>)
      %dma_wait3A_160 = arith.constant 0 : i32
      %dma_wait3A_161 = arith.constant 0 : i32
      %dma_wait3A_162 = tpu.memref_slice %arg10[%dma_wait3A_160, %dma_wait3A_161] : memref<80x64xf32, #tpu.memory_space<vmem>> -> memref<65x64xf32, #tpu.memory_space<vmem>>
      %dma_wait3A_163 = arith.constant 0 : i32
      %dma_wait3A_164 = tpu.memref_slice %arg26[%add3A_142, %dma_wait3A_163] : memref<10000x64xf32, #tpu.memory_space<vmem_shared>> -> memref<65x64xf32, #tpu.memory_space<vmem_shared>>
      %dma_wait3A_165 = arith.constant 0 : i32
      %dma_wait3A_166 = arith.constant 0 : i32
      %dma_wait3A_167 = tpu.memref_slice %arg10[%dma_wait3A_165, %dma_wait3A_166] : memref<80x64xf32, #tpu.memory_space<vmem>> -> memref<65x64xf32, #tpu.memory_space<vmem>>
      %dma_wait3A_168 = arith.constant 0 : i32
      %dma_wait3A_169 = tpu.memref_slice %arg26[%add3A_142, %dma_wait3A_168] : memref<10000x64xf32, #tpu.memory_space<vmem_shared>> -> memref<65x64xf32, #tpu.memory_space<vmem_shared>>
      tpu.wait_dma2 semaphore(%run_scoped3A : memref<!tpu.dma_semaphore, #tpu.memory_space<semaphore_mem>>) src(%dma_wait3A_169 : memref<65x64xf32, #tpu.memory_space<vmem_shared>>) dst(%dma_wait3A_167 : memref<65x64xf32, #tpu.memory_space<vmem>>)
      tpu.yield
    }) : () -> ()
    "tpu.region"() ({
      %run_scoped3A = tpu.sem_alloc : memref<!tpu.dma_semaphore, #tpu.memory_space<semaphore_mem>>
      %dma_start3A_150 = arith.constant 0 : i32
      %dma_start3A_151 = arith.constant 0 : i32
      %dma_start3A_152 = tpu.memref_slice %arg10[%dma_start3A_150, %dma_start3A_151] : memref<80x64xf32, #tpu.memory_space<vmem>> -> memref<65x64xf32, #tpu.memory_space<vmem>>
      %dma_start3A_153 = arith.constant 0 : i32
      %dma_start3A_154 = arith.constant 0 : i32
      %dma_start3A_155 = tpu.memref_slice %arg5[%arg0, %arg1, %dma_start3A_153, %dma_start3A_154] : memref<2x16x625x64xf32, #tpu.memory_space<hbm>> -> memref<1x1x625x64xf32, #tpu.memory_space<hbm>>
      %dma_start3A_156 = tpu.memref_squeeze %dma_start3A_155 : memref<1x1x625x64xf32, #tpu.memory_space<hbm>> -> memref<625x64xf32, #tpu.memory_space<hbm>>
      %dma_start3A_157 = arith.constant 560 : i32
      %dma_start3A_158 = arith.constant 0 : i32
      %dma_start3A_159 = tpu.memref_slice %dma_start3A_156[%dma_start3A_157, %dma_start3A_158] : memref<625x64xf32, #tpu.memory_space<hbm>> -> memref<65x64xf32, #tpu.memory_space<hbm>>
      %dma_start3A_160 = arith.constant 0 : i32
      %dma_start3A_161 = arith.constant 0 : i32
      %dma_start3A_162 = tpu.memref_slice %arg5[%arg0, %arg1, %dma_start3A_160, %dma_start3A_161] : memref<2x16x625x64xf32, #tpu.memory_space<hbm>> -> memref<1x1x625x64xf32, #tpu.memory_space<hbm>>
      %dma_start3A_163 = tpu.memref_squeeze %dma_start3A_162 : memref<1x1x625x64xf32, #tpu.memory_space<hbm>> -> memref<625x64xf32, #tpu.memory_space<hbm>>
      %dma_start3A_164 = arith.constant 560 : i32
      %dma_start3A_165 = arith.constant 0 : i32
      %dma_start3A_166 = tpu.memref_slice %dma_start3A_163[%dma_start3A_164, %dma_start3A_165] : memref<625x64xf32, #tpu.memory_space<hbm>> -> memref<65x64xf32, #tpu.memory_space<hbm>>
      %dma_start3A_167 = arith.constant 0 : i32
      %dma_start3A_168 = arith.constant 0 : i32
      %dma_start3A_169 = tpu.memref_slice %arg10[%dma_start3A_167, %dma_start3A_168] : memref<80x64xf32, #tpu.memory_space<vmem>> -> memref<65x64xf32, #tpu.memory_space<vmem>>
      tpu.enqueue_dma source(%dma_start3A_169 : memref<65x64xf32, #tpu.memory_space<vmem>>) target(%dma_start3A_166 : memref<65x64xf32, #tpu.memory_space<hbm>>) target_semaphore(%run_scoped3A : memref<!tpu.dma_semaphore, #tpu.memory_space<semaphore_mem>>)
      %dma_wait3A_170 = arith.constant 0 : i32
      %dma_wait3A_171 = arith.constant 0 : i32
      %dma_wait3A_172 = tpu.memref_slice %arg10[%dma_wait3A_170, %dma_wait3A_171] : memref<80x64xf32, #tpu.memory_space<vmem>> -> memref<65x64xf32, #tpu.memory_space<vmem>>
      %dma_wait3A_173 = arith.constant 0 : i32
      %dma_wait3A_174 = arith.constant 0 : i32
      %dma_wait3A_175 = tpu.memref_slice %arg5[%arg0, %arg1, %dma_wait3A_173, %dma_wait3A_174] : memref<2x16x625x64xf32, #tpu.memory_space<hbm>> -> memref<1x1x625x64xf32, #tpu.memory_space<hbm>>
      %dma_wait3A_176 = tpu.memref_squeeze %dma_wait3A_175 : memref<1x1x625x64xf32, #tpu.memory_space<hbm>> -> memref<625x64xf32, #tpu.memory_space<hbm>>
      %dma_wait3A_177 = arith.constant 560 : i32
      %dma_wait3A_178 = arith.constant 0 : i32
      %dma_wait3A_179 = tpu.memref_slice %dma_wait3A_176[%dma_wait3A_177, %dma_wait3A_178] : memref<625x64xf32, #tpu.memory_space<hbm>> -> memref<65x64xf32, #tpu.memory_space<hbm>>
      %dma_wait3A_180 = arith.constant 0 : i32
      %dma_wait3A_181 = arith.constant 0 : i32
      %dma_wait3A_182 = tpu.memref_slice %arg5[%arg0, %arg1, %dma_wait3A_180, %dma_wait3A_181] : memref<2x16x625x64xf32, #tpu.memory_space<hbm>> -> memref<1x1x625x64xf32, #tpu.memory_space<hbm>>
      %dma_wait3A_183 = tpu.memref_squeeze %dma_wait3A_182 : memref<1x1x625x64xf32, #tpu.memory_space<hbm>> -> memref<625x64xf32, #tpu.memory_space<hbm>>
      %dma_wait3A_184 = arith.constant 560 : i32
      %dma_wait3A_185 = arith.constant 0 : i32
      %dma_wait3A_186 = tpu.memref_slice %dma_wait3A_183[%dma_wait3A_184, %dma_wait3A_185] : memref<625x64xf32, #tpu.memory_space<hbm>> -> memref<65x64xf32, #tpu.memory_space<hbm>>
      %dma_wait3A_187 = arith.constant 0 : i32
      %dma_wait3A_188 = arith.constant 0 : i32
      %dma_wait3A_189 = tpu.memref_slice %arg10[%dma_wait3A_187, %dma_wait3A_188] : memref<80x64xf32, #tpu.memory_space<vmem>> -> memref<65x64xf32, #tpu.memory_space<vmem>>
      tpu.wait_dma2 semaphore(%run_scoped3A : memref<!tpu.dma_semaphore, #tpu.memory_space<semaphore_mem>>) src(%dma_wait3A_189 : memref<65x64xf32, #tpu.memory_space<vmem>>) dst(%dma_wait3A_186 : memref<65x64xf32, #tpu.memory_space<hbm>>)
      tpu.yield
    }) : () -> ()
    %eq3A = arith.constant 0 : i32
    %eq3A_143 = arith.cmpi eq, %arg0, %eq3A : i32
    %convert_element_type3A = arith.extui %eq3A_143 : i1 to i32
    %cond3A = arith.constant 0 : i32
    %cond3A_144 = arith.cmpi ne, %convert_element_type3A, %cond3A : i32
    scf.if %cond3A_144 {
      "tpu.region"() ({
        %run_scoped3A = tpu.sem_alloc : memref<!tpu.dma_semaphore, #tpu.memory_space<semaphore_mem>>
        %dma_start3A_150 = arith.constant 0 : i32
        %dma_start3A_151 = arith.constant 0 : i32
        %dma_start3A_152 = tpu.memref_slice %arg6[%arg1, %dma_start3A_150, %dma_start3A_151] : memref<16x1x10000xi32, #tpu.memory_space<hbm>> -> memref<1x1x10000xi32, #tpu.memory_space<hbm>>
        %dma_start3A_153 = tpu.memref_squeeze %dma_start3A_152 : memref<1x1x10000xi32, #tpu.memory_space<hbm>> -> memref<1x10000xi32, #tpu.memory_space<hbm>>
        %dma_start3A_154 = arith.constant 0 : i32
        %dma_start3A_155 = arith.constant 0 : i32
        %dma_start3A_156 = tpu.memref_slice %arg6[%arg1, %dma_start3A_154, %dma_start3A_155] : memref<16x1x10000xi32, #tpu.memory_space<hbm>> -> memref<1x1x10000xi32, #tpu.memory_space<hbm>>
        %dma_start3A_157 = tpu.memref_squeeze %dma_start3A_156 : memref<1x1x10000xi32, #tpu.memory_space<hbm>> -> memref<1x10000xi32, #tpu.memory_space<hbm>>
        tpu.enqueue_dma source(%arg15 : memref<1x10000xi32, #tpu.memory_space<vmem>>) target(%dma_start3A_157 : memref<1x10000xi32, #tpu.memory_space<hbm>>) target_semaphore(%run_scoped3A : memref<!tpu.dma_semaphore, #tpu.memory_space<semaphore_mem>>)
        %dma_wait3A_158 = arith.constant 0 : i32
        %dma_wait3A_159 = arith.constant 0 : i32
        %dma_wait3A_160 = tpu.memref_slice %arg6[%arg1, %dma_wait3A_158, %dma_wait3A_159] : memref<16x1x10000xi32, #tpu.memory_space<hbm>> -> memref<1x1x10000xi32, #tpu.memory_space<hbm>>
        %dma_wait3A_161 = tpu.memref_squeeze %dma_wait3A_160 : memref<1x1x10000xi32, #tpu.memory_space<hbm>> -> memref<1x10000xi32, #tpu.memory_space<hbm>>
        %dma_wait3A_162 = arith.constant 0 : i32
        %dma_wait3A_163 = arith.constant 0 : i32
        %dma_wait3A_164 = tpu.memref_slice %arg6[%arg1, %dma_wait3A_162, %dma_wait3A_163] : memref<16x1x10000xi32, #tpu.memory_space<hbm>> -> memref<1x1x10000xi32, #tpu.memory_space<hbm>>
        %dma_wait3A_165 = tpu.memref_squeeze %dma_wait3A_164 : memref<1x1x10000xi32, #tpu.memory_space<hbm>> -> memref<1x10000xi32, #tpu.memory_space<hbm>>
        tpu.wait_dma2 semaphore(%run_scoped3A : memref<!tpu.dma_semaphore, #tpu.memory_space<semaphore_mem>>) src(%arg15 : memref<1x10000xi32, #tpu.memory_space<vmem>>) dst(%dma_wait3A_165 : memref<1x10000xi32, #tpu.memory_space<hbm>>)
        tpu.yield
      }) : () -> ()
    } else {
    }
    %eq3A_145 = arith.constant 1 : i32
    %eq3A_146 = arith.cmpi eq, %arg0, %eq3A_145 : i32
    %convert_element_type3A_147 = arith.extui %eq3A_146 : i1 to i32
    %cond3A_148 = arith.constant 0 : i32
    %cond3A_149 = arith.cmpi ne, %convert_element_type3A_147, %cond3A_148 : i32
    scf.if %cond3A_149 {
      "tpu.region"() ({
        %run_scoped3A = tpu.sem_alloc : memref<!tpu.dma_semaphore, #tpu.memory_space<semaphore_mem>>
        %dma_start3A_150 = arith.constant 0 : i32
        %dma_start3A_151 = arith.constant 0 : i32
        %dma_start3A_152 = tpu.memref_slice %arg7[%arg1, %dma_start3A_150, %dma_start3A_151] : memref<16x1x10000xi32, #tpu.memory_space<hbm>> -> memref<1x1x10000xi32, #tpu.memory_space<hbm>>
        %dma_start3A_153 = tpu.memref_squeeze %dma_start3A_152 : memref<1x1x10000xi32, #tpu.memory_space<hbm>> -> memref<1x10000xi32, #tpu.memory_space<hbm>>
        %dma_start3A_154 = arith.constant 0 : i32
        %dma_start3A_155 = arith.constant 0 : i32
        %dma_start3A_156 = tpu.memref_slice %arg7[%arg1, %dma_start3A_154, %dma_start3A_155] : memref<16x1x10000xi32, #tpu.memory_space<hbm>> -> memref<1x1x10000xi32, #tpu.memory_space<hbm>>
        %dma_start3A_157 = tpu.memref_squeeze %dma_start3A_156 : memref<1x1x10000xi32, #tpu.memory_space<hbm>> -> memref<1x10000xi32, #tpu.memory_space<hbm>>
        tpu.enqueue_dma source(%arg15 : memref<1x10000xi32, #tpu.memory_space<vmem>>) target(%dma_start3A_157 : memref<1x10000xi32, #tpu.memory_space<hbm>>) target_semaphore(%run_scoped3A : memref<!tpu.dma_semaphore, #tpu.memory_space<semaphore_mem>>)
        %dma_wait3A_158 = arith.constant 0 : i32
        %dma_wait3A_159 = arith.constant 0 : i32
        %dma_wait3A_160 = tpu.memref_slice %arg7[%arg1, %dma_wait3A_158, %dma_wait3A_159] : memref<16x1x10000xi32, #tpu.memory_space<hbm>> -> memref<1x1x10000xi32, #tpu.memory_space<hbm>>
        %dma_wait3A_161 = tpu.memref_squeeze %dma_wait3A_160 : memref<1x1x10000xi32, #tpu.memory_space<hbm>> -> memref<1x10000xi32, #tpu.memory_space<hbm>>
        %dma_wait3A_162 = arith.constant 0 : i32
        %dma_wait3A_163 = arith.constant 0 : i32
        %dma_wait3A_164 = tpu.memref_slice %arg7[%arg1, %dma_wait3A_162, %dma_wait3A_163] : memref<16x1x10000xi32, #tpu.memory_space<hbm>> -> memref<1x1x10000xi32, #tpu.memory_space<hbm>>
        %dma_wait3A_165 = tpu.memref_squeeze %dma_wait3A_164 : memref<1x1x10000xi32, #tpu.memory_space<hbm>> -> memref<1x10000xi32, #tpu.memory_space<hbm>>
        tpu.wait_dma2 semaphore(%run_scoped3A : memref<!tpu.dma_semaphore, #tpu.memory_space<semaphore_mem>>) src(%arg15 : memref<1x10000xi32, #tpu.memory_space<vmem>>) dst(%dma_wait3A_165 : memref<1x10000xi32, #tpu.memory_space<hbm>>)
        tpu.yield
      }) : () -> ()
    } else {
    }
    return
  }
}

#map = affine_map<(d0, d1) -> (0, 0, 0)>
#map1 = affine_map<(d0, d1) -> (0, 0, 0, 0)>
module attributes {stable_mosaic.version = 14 : i64} {
  func.func @_sc_gs_body(%arg0: i32, %arg1: i32, %arg2: memref<2x10000x64xf32, #tpu.memory_space<hbm>>, %arg3: memref<16x160x125xi32, #tpu.memory_space<hbm>>, %arg4: memref<16x160x125xi32, #tpu.memory_space<hbm>>, %arg5: memref<2x16x625x64xf32, #tpu.memory_space<hbm>>, %arg6: memref<160x125xi32, #tpu.memory_space<vmem>>, %arg7: memref<160x125xi32, #tpu.memory_space<vmem>>, %arg8: memref<125x64xf32, #tpu.memory_space<vmem>>, %arg9: memref<125x64xf32, #tpu.memory_space<vmem>>, %arg10: memref<125x64xf32, #tpu.memory_space<vmem>>, %arg11: memref<125x64xf32, #tpu.memory_space<vmem>>, %arg12: memref<125x64xf32, #tpu.memory_space<vmem>>, %arg13: memref<!tpu.dma_semaphore, #tpu.memory_space<semaphore_mem>>, %arg14: memref<!tpu.dma_semaphore, #tpu.memory_space<semaphore_mem>>, %arg15: memref<!tpu.dma_semaphore, #tpu.memory_space<semaphore_mem>>, %arg16: memref<!tpu.dma_semaphore, #tpu.memory_space<semaphore_mem>>, %arg17: memref<!tpu.dma_semaphore, #tpu.memory_space<semaphore_mem>>, %arg18: memref<!tpu.dma_semaphore, #tpu.memory_space<semaphore_mem>>, %arg19: memref<!tpu.dma_semaphore, #tpu.memory_space<semaphore_mem>>, %arg20: memref<!tpu.dma_semaphore, #tpu.memory_space<semaphore_mem>>, %arg21: memref<!tpu.dma_semaphore, #tpu.memory_space<semaphore_mem>>, %arg22: memref<!tpu.dma_semaphore, #tpu.memory_space<semaphore_mem>>, %arg23: memref<10000x64xf32, #tpu.memory_space<vmem_shared>>) attributes {dimension_semantics = [#tpu.dimension_semantics<core_parallel>, #tpu.dimension_semantics<subcore_parallel>], iteration_bounds = array<i64: 2, 16>, scalar_prefetch = 0 : i64, scratch_operands = 18 : i64, tpu.core_type = #tpu.core_type<sc_vector_subcore>, window_params = [{transform_indices = #map}, {transform_indices = #map}, {transform_indices = #map}, {transform_indices = #map1}]} {
    %broadcast_in_dim3A = arith.constant 0.000000e+00 : f32
    %broadcast_in_dim3A_0 = vector.broadcast %broadcast_in_dim3A : f32 to vector<16xf32>
    %scan3A = arith.constant 0 : i32
    %scan3A_1 = arith.constant 0 : i32
    %scan3A_2 = arith.constant 125 : i32
    %scan3A_3 = arith.addi %scan3A_1, %scan3A_2 : i32
    %scan3A_4 = arith.constant 1 : i32
    scf.for %scan3A_123 = %scan3A_1 to %scan3A_3 step %scan3A_4  : i32 {
      %swap3A = arith.index_cast %scan3A_123 : i32 to index
      %swap3A_124 = arith.constant 0 : index
      %swap3A_125 = tpu.vector_load %arg8[%swap3A, %swap3A_124] {strides = array<i32>} : memref<125x64xf32, #tpu.memory_space<vmem>>, vector<16xf32>,
      tpu.vector_store %arg8[%swap3A, %swap3A_124], %broadcast_in_dim3A_0 {strides = array<i32>} : memref<125x64xf32, #tpu.memory_space<vmem>>, vector<16xf32>,
      %swap3A_126 = arith.index_cast %scan3A_123 : i32 to index
      %swap3A_127 = arith.constant 16 : index
      %swap3A_128 = tpu.vector_load %arg8[%swap3A_126, %swap3A_127] {strides = array<i32>} : memref<125x64xf32, #tpu.memory_space<vmem>>, vector<16xf32>,
      tpu.vector_store %arg8[%swap3A_126, %swap3A_127], %broadcast_in_dim3A_0 {strides = array<i32>} : memref<125x64xf32, #tpu.memory_space<vmem>>, vector<16xf32>,
      %swap3A_129 = arith.index_cast %scan3A_123 : i32 to index
      %swap3A_130 = arith.constant 32 : index
      %swap3A_131 = tpu.vector_load %arg8[%swap3A_129, %swap3A_130] {strides = array<i32>} : memref<125x64xf32, #tpu.memory_space<vmem>>, vector<16xf32>,
      tpu.vector_store %arg8[%swap3A_129, %swap3A_130], %broadcast_in_dim3A_0 {strides = array<i32>} : memref<125x64xf32, #tpu.memory_space<vmem>>, vector<16xf32>,
      %swap3A_132 = arith.index_cast %scan3A_123 : i32 to index
      %swap3A_133 = arith.constant 48 : index
      %swap3A_134 = tpu.vector_load %arg8[%swap3A_132, %swap3A_133] {strides = array<i32>} : memref<125x64xf32, #tpu.memory_space<vmem>>, vector<16xf32>,
      tpu.vector_store %arg8[%swap3A_132, %swap3A_133], %broadcast_in_dim3A_0 {strides = array<i32>} : memref<125x64xf32, #tpu.memory_space<vmem>>, vector<16xf32>,
    }
    %scan3A_5 = arith.constant 125 : i32
    %mul3A = arith.constant 625 : i32
    %mul3A_6 = arith.muli %arg1, %mul3A : i32
    %add3A = arith.constant 0 : i32
    %add3A_7 = arith.addi %mul3A_6, %add3A : i32
    "tpu.region"() ({
      %run_scoped3A = tpu.sem_alloc : memref<!tpu.dma_semaphore, #tpu.memory_space<semaphore_mem>>
      %dma_start3A_123 = arith.constant 0 : i32
      %dma_start3A_124 = arith.constant 0 : i32
      %dma_start3A_125 = tpu.memref_slice %arg8[%dma_start3A_123, %dma_start3A_124] : memref<125x64xf32, #tpu.memory_space<vmem>> -> memref<125x64xf32, #tpu.memory_space<vmem>>
      %dma_start3A_126 = arith.constant 0 : i32
      %dma_start3A_127 = tpu.memref_slice %arg23[%add3A_7, %dma_start3A_126] : memref<10000x64xf32, #tpu.memory_space<vmem_shared>> -> memref<125x64xf32, #tpu.memory_space<vmem_shared>>
      %dma_start3A_128 = arith.constant 0 : i32
      %dma_start3A_129 = tpu.memref_slice %arg23[%add3A_7, %dma_start3A_128] : memref<10000x64xf32, #tpu.memory_space<vmem_shared>> -> memref<125x64xf32, #tpu.memory_space<vmem_shared>>
      %dma_start3A_130 = arith.constant 0 : i32
      %dma_start3A_131 = arith.constant 0 : i32
      %dma_start3A_132 = tpu.memref_slice %arg8[%dma_start3A_130, %dma_start3A_131] : memref<125x64xf32, #tpu.memory_space<vmem>> -> memref<125x64xf32, #tpu.memory_space<vmem>>
      tpu.enqueue_dma source(%dma_start3A_132 : memref<125x64xf32, #tpu.memory_space<vmem>>) target(%dma_start3A_129 : memref<125x64xf32, #tpu.memory_space<vmem_shared>>) target_semaphore(%run_scoped3A : memref<!tpu.dma_semaphore, #tpu.memory_space<semaphore_mem>>)
      %dma_wait3A_133 = arith.constant 0 : i32
      %dma_wait3A_134 = arith.constant 0 : i32
      %dma_wait3A_135 = tpu.memref_slice %arg8[%dma_wait3A_133, %dma_wait3A_134] : memref<125x64xf32, #tpu.memory_space<vmem>> -> memref<125x64xf32, #tpu.memory_space<vmem>>
      %dma_wait3A_136 = arith.constant 0 : i32
      %dma_wait3A_137 = tpu.memref_slice %arg23[%add3A_7, %dma_wait3A_136] : memref<10000x64xf32, #tpu.memory_space<vmem_shared>> -> memref<125x64xf32, #tpu.memory_space<vmem_shared>>
      %dma_wait3A_138 = arith.constant 0 : i32
      %dma_wait3A_139 = tpu.memref_slice %arg23[%add3A_7, %dma_wait3A_138] : memref<10000x64xf32, #tpu.memory_space<vmem_shared>> -> memref<125x64xf32, #tpu.memory_space<vmem_shared>>
      %dma_wait3A_140 = arith.constant 0 : i32
      %dma_wait3A_141 = arith.constant 0 : i32
      %dma_wait3A_142 = tpu.memref_slice %arg8[%dma_wait3A_140, %dma_wait3A_141] : memref<125x64xf32, #tpu.memory_space<vmem>> -> memref<125x64xf32, #tpu.memory_space<vmem>>
      tpu.wait_dma2 semaphore(%run_scoped3A : memref<!tpu.dma_semaphore, #tpu.memory_space<semaphore_mem>>) src(%dma_wait3A_142 : memref<125x64xf32, #tpu.memory_space<vmem>>) dst(%dma_wait3A_139 : memref<125x64xf32, #tpu.memory_space<vmem_shared>>)
      tpu.yield
    }) : () -> ()
    %add3A_8 = arith.constant 125 : i32
    %add3A_9 = arith.addi %mul3A_6, %add3A_8 : i32
    "tpu.region"() ({
      %run_scoped3A = tpu.sem_alloc : memref<!tpu.dma_semaphore, #tpu.memory_space<semaphore_mem>>
      %dma_start3A_123 = arith.constant 0 : i32
      %dma_start3A_124 = arith.constant 0 : i32
      %dma_start3A_125 = tpu.memref_slice %arg8[%dma_start3A_123, %dma_start3A_124] : memref<125x64xf32, #tpu.memory_space<vmem>> -> memref<125x64xf32, #tpu.memory_space<vmem>>
      %dma_start3A_126 = arith.constant 0 : i32
      %dma_start3A_127 = tpu.memref_slice %arg23[%add3A_9, %dma_start3A_126] : memref<10000x64xf32, #tpu.memory_space<vmem_shared>> -> memref<125x64xf32, #tpu.memory_space<vmem_shared>>
      %dma_start3A_128 = arith.constant 0 : i32
      %dma_start3A_129 = tpu.memref_slice %arg23[%add3A_9, %dma_start3A_128] : memref<10000x64xf32, #tpu.memory_space<vmem_shared>> -> memref<125x64xf32, #tpu.memory_space<vmem_shared>>
      %dma_start3A_130 = arith.constant 0 : i32
      %dma_start3A_131 = arith.constant 0 : i32
      %dma_start3A_132 = tpu.memref_slice %arg8[%dma_start3A_130, %dma_start3A_131] : memref<125x64xf32, #tpu.memory_space<vmem>> -> memref<125x64xf32, #tpu.memory_space<vmem>>
      tpu.enqueue_dma source(%dma_start3A_132 : memref<125x64xf32, #tpu.memory_space<vmem>>) target(%dma_start3A_129 : memref<125x64xf32, #tpu.memory_space<vmem_shared>>) target_semaphore(%run_scoped3A : memref<!tpu.dma_semaphore, #tpu.memory_space<semaphore_mem>>)
      %dma_wait3A_133 = arith.constant 0 : i32
      %dma_wait3A_134 = arith.constant 0 : i32
      %dma_wait3A_135 = tpu.memref_slice %arg8[%dma_wait3A_133, %dma_wait3A_134] : memref<125x64xf32, #tpu.memory_space<vmem>> -> memref<125x64xf32, #tpu.memory_space<vmem>>
      %dma_wait3A_136 = arith.constant 0 : i32
      %dma_wait3A_137 = tpu.memref_slice %arg23[%add3A_9, %dma_wait3A_136] : memref<10000x64xf32, #tpu.memory_space<vmem_shared>> -> memref<125x64xf32, #tpu.memory_space<vmem_shared>>
      %dma_wait3A_138 = arith.constant 0 : i32
      %dma_wait3A_139 = tpu.memref_slice %arg23[%add3A_9, %dma_wait3A_138] : memref<10000x64xf32, #tpu.memory_space<vmem_shared>> -> memref<125x64xf32, #tpu.memory_space<vmem_shared>>
      %dma_wait3A_140 = arith.constant 0 : i32
      %dma_wait3A_141 = arith.constant 0 : i32
      %dma_wait3A_142 = tpu.memref_slice %arg8[%dma_wait3A_140, %dma_wait3A_141] : memref<125x64xf32, #tpu.memory_space<vmem>> -> memref<125x64xf32, #tpu.memory_space<vmem>>
      tpu.wait_dma2 semaphore(%run_scoped3A : memref<!tpu.dma_semaphore, #tpu.memory_space<semaphore_mem>>) src(%dma_wait3A_142 : memref<125x64xf32, #tpu.memory_space<vmem>>) dst(%dma_wait3A_139 : memref<125x64xf32, #tpu.memory_space<vmem_shared>>)
      tpu.yield
    }) : () -> ()
    %add3A_10 = arith.constant 250 : i32
    %add3A_11 = arith.addi %mul3A_6, %add3A_10 : i32
    "tpu.region"() ({
      %run_scoped3A = tpu.sem_alloc : memref<!tpu.dma_semaphore, #tpu.memory_space<semaphore_mem>>
      %dma_start3A_123 = arith.constant 0 : i32
      %dma_start3A_124 = arith.constant 0 : i32
      %dma_start3A_125 = tpu.memref_slice %arg8[%dma_start3A_123, %dma_start3A_124] : memref<125x64xf32, #tpu.memory_space<vmem>> -> memref<125x64xf32, #tpu.memory_space<vmem>>
      %dma_start3A_126 = arith.constant 0 : i32
      %dma_start3A_127 = tpu.memref_slice %arg23[%add3A_11, %dma_start3A_126] : memref<10000x64xf32, #tpu.memory_space<vmem_shared>> -> memref<125x64xf32, #tpu.memory_space<vmem_shared>>
      %dma_start3A_128 = arith.constant 0 : i32
      %dma_start3A_129 = tpu.memref_slice %arg23[%add3A_11, %dma_start3A_128] : memref<10000x64xf32, #tpu.memory_space<vmem_shared>> -> memref<125x64xf32, #tpu.memory_space<vmem_shared>>
      %dma_start3A_130 = arith.constant 0 : i32
      %dma_start3A_131 = arith.constant 0 : i32
      %dma_start3A_132 = tpu.memref_slice %arg8[%dma_start3A_130, %dma_start3A_131] : memref<125x64xf32, #tpu.memory_space<vmem>> -> memref<125x64xf32, #tpu.memory_space<vmem>>
      tpu.enqueue_dma source(%dma_start3A_132 : memref<125x64xf32, #tpu.memory_space<vmem>>) target(%dma_start3A_129 : memref<125x64xf32, #tpu.memory_space<vmem_shared>>) target_semaphore(%run_scoped3A : memref<!tpu.dma_semaphore, #tpu.memory_space<semaphore_mem>>)
      %dma_wait3A_133 = arith.constant 0 : i32
      %dma_wait3A_134 = arith.constant 0 : i32
      %dma_wait3A_135 = tpu.memref_slice %arg8[%dma_wait3A_133, %dma_wait3A_134] : memref<125x64xf32, #tpu.memory_space<vmem>> -> memref<125x64xf32, #tpu.memory_space<vmem>>
      %dma_wait3A_136 = arith.constant 0 : i32
      %dma_wait3A_137 = tpu.memref_slice %arg23[%add3A_11, %dma_wait3A_136] : memref<10000x64xf32, #tpu.memory_space<vmem_shared>> -> memref<125x64xf32, #tpu.memory_space<vmem_shared>>
      %dma_wait3A_138 = arith.constant 0 : i32
      %dma_wait3A_139 = tpu.memref_slice %arg23[%add3A_11, %dma_wait3A_138] : memref<10000x64xf32, #tpu.memory_space<vmem_shared>> -> memref<125x64xf32, #tpu.memory_space<vmem_shared>>
      %dma_wait3A_140 = arith.constant 0 : i32
      %dma_wait3A_141 = arith.constant 0 : i32
      %dma_wait3A_142 = tpu.memref_slice %arg8[%dma_wait3A_140, %dma_wait3A_141] : memref<125x64xf32, #tpu.memory_space<vmem>> -> memref<125x64xf32, #tpu.memory_space<vmem>>
      tpu.wait_dma2 semaphore(%run_scoped3A : memref<!tpu.dma_semaphore, #tpu.memory_space<semaphore_mem>>) src(%dma_wait3A_142 : memref<125x64xf32, #tpu.memory_space<vmem>>) dst(%dma_wait3A_139 : memref<125x64xf32, #tpu.memory_space<vmem_shared>>)
      tpu.yield
    }) : () -> ()
    %add3A_12 = arith.constant 375 : i32
    %add3A_13 = arith.addi %mul3A_6, %add3A_12 : i32
    "tpu.region"() ({
      %run_scoped3A = tpu.sem_alloc : memref<!tpu.dma_semaphore, #tpu.memory_space<semaphore_mem>>
      %dma_start3A_123 = arith.constant 0 : i32
      %dma_start3A_124 = arith.constant 0 : i32
      %dma_start3A_125 = tpu.memref_slice %arg8[%dma_start3A_123, %dma_start3A_124] : memref<125x64xf32, #tpu.memory_space<vmem>> -> memref<125x64xf32, #tpu.memory_space<vmem>>
      %dma_start3A_126 = arith.constant 0 : i32
      %dma_start3A_127 = tpu.memref_slice %arg23[%add3A_13, %dma_start3A_126] : memref<10000x64xf32, #tpu.memory_space<vmem_shared>> -> memref<125x64xf32, #tpu.memory_space<vmem_shared>>
      %dma_start3A_128 = arith.constant 0 : i32
      %dma_start3A_129 = tpu.memref_slice %arg23[%add3A_13, %dma_start3A_128] : memref<10000x64xf32, #tpu.memory_space<vmem_shared>> -> memref<125x64xf32, #tpu.memory_space<vmem_shared>>
      %dma_start3A_130 = arith.constant 0 : i32
      %dma_start3A_131 = arith.constant 0 : i32
      %dma_start3A_132 = tpu.memref_slice %arg8[%dma_start3A_130, %dma_start3A_131] : memref<125x64xf32, #tpu.memory_space<vmem>> -> memref<125x64xf32, #tpu.memory_space<vmem>>
      tpu.enqueue_dma source(%dma_start3A_132 : memref<125x64xf32, #tpu.memory_space<vmem>>) target(%dma_start3A_129 : memref<125x64xf32, #tpu.memory_space<vmem_shared>>) target_semaphore(%run_scoped3A : memref<!tpu.dma_semaphore, #tpu.memory_space<semaphore_mem>>)
      %dma_wait3A_133 = arith.constant 0 : i32
      %dma_wait3A_134 = arith.constant 0 : i32
      %dma_wait3A_135 = tpu.memref_slice %arg8[%dma_wait3A_133, %dma_wait3A_134] : memref<125x64xf32, #tpu.memory_space<vmem>> -> memref<125x64xf32, #tpu.memory_space<vmem>>
      %dma_wait3A_136 = arith.constant 0 : i32
      %dma_wait3A_137 = tpu.memref_slice %arg23[%add3A_13, %dma_wait3A_136] : memref<10000x64xf32, #tpu.memory_space<vmem_shared>> -> memref<125x64xf32, #tpu.memory_space<vmem_shared>>
      %dma_wait3A_138 = arith.constant 0 : i32
      %dma_wait3A_139 = tpu.memref_slice %arg23[%add3A_13, %dma_wait3A_138] : memref<10000x64xf32, #tpu.memory_space<vmem_shared>> -> memref<125x64xf32, #tpu.memory_space<vmem_shared>>
      %dma_wait3A_140 = arith.constant 0 : i32
      %dma_wait3A_141 = arith.constant 0 : i32
      %dma_wait3A_142 = tpu.memref_slice %arg8[%dma_wait3A_140, %dma_wait3A_141] : memref<125x64xf32, #tpu.memory_space<vmem>> -> memref<125x64xf32, #tpu.memory_space<vmem>>
      tpu.wait_dma2 semaphore(%run_scoped3A : memref<!tpu.dma_semaphore, #tpu.memory_space<semaphore_mem>>) src(%dma_wait3A_142 : memref<125x64xf32, #tpu.memory_space<vmem>>) dst(%dma_wait3A_139 : memref<125x64xf32, #tpu.memory_space<vmem_shared>>)
      tpu.yield
    }) : () -> ()
    %add3A_14 = arith.constant 500 : i32
    %add3A_15 = arith.addi %mul3A_6, %add3A_14 : i32
    "tpu.region"() ({
      %run_scoped3A = tpu.sem_alloc : memref<!tpu.dma_semaphore, #tpu.memory_space<semaphore_mem>>
      %dma_start3A_123 = arith.constant 0 : i32
      %dma_start3A_124 = arith.constant 0 : i32
      %dma_start3A_125 = tpu.memref_slice %arg8[%dma_start3A_123, %dma_start3A_124] : memref<125x64xf32, #tpu.memory_space<vmem>> -> memref<125x64xf32, #tpu.memory_space<vmem>>
      %dma_start3A_126 = arith.constant 0 : i32
      %dma_start3A_127 = tpu.memref_slice %arg23[%add3A_15, %dma_start3A_126] : memref<10000x64xf32, #tpu.memory_space<vmem_shared>> -> memref<125x64xf32, #tpu.memory_space<vmem_shared>>
      %dma_start3A_128 = arith.constant 0 : i32
      %dma_start3A_129 = tpu.memref_slice %arg23[%add3A_15, %dma_start3A_128] : memref<10000x64xf32, #tpu.memory_space<vmem_shared>> -> memref<125x64xf32, #tpu.memory_space<vmem_shared>>
      %dma_start3A_130 = arith.constant 0 : i32
      %dma_start3A_131 = arith.constant 0 : i32
      %dma_start3A_132 = tpu.memref_slice %arg8[%dma_start3A_130, %dma_start3A_131] : memref<125x64xf32, #tpu.memory_space<vmem>> -> memref<125x64xf32, #tpu.memory_space<vmem>>
      tpu.enqueue_dma source(%dma_start3A_132 : memref<125x64xf32, #tpu.memory_space<vmem>>) target(%dma_start3A_129 : memref<125x64xf32, #tpu.memory_space<vmem_shared>>) target_semaphore(%run_scoped3A : memref<!tpu.dma_semaphore, #tpu.memory_space<semaphore_mem>>)
      %dma_wait3A_133 = arith.constant 0 : i32
      %dma_wait3A_134 = arith.constant 0 : i32
      %dma_wait3A_135 = tpu.memref_slice %arg8[%dma_wait3A_133, %dma_wait3A_134] : memref<125x64xf32, #tpu.memory_space<vmem>> -> memref<125x64xf32, #tpu.memory_space<vmem>>
      %dma_wait3A_136 = arith.constant 0 : i32
      %dma_wait3A_137 = tpu.memref_slice %arg23[%add3A_15, %dma_wait3A_136] : memref<10000x64xf32, #tpu.memory_space<vmem_shared>> -> memref<125x64xf32, #tpu.memory_space<vmem_shared>>
      %dma_wait3A_138 = arith.constant 0 : i32
      %dma_wait3A_139 = tpu.memref_slice %arg23[%add3A_15, %dma_wait3A_138] : memref<10000x64xf32, #tpu.memory_space<vmem_shared>> -> memref<125x64xf32, #tpu.memory_space<vmem_shared>>
      %dma_wait3A_140 = arith.constant 0 : i32
      %dma_wait3A_141 = arith.constant 0 : i32
      %dma_wait3A_142 = tpu.memref_slice %arg8[%dma_wait3A_140, %dma_wait3A_141] : memref<125x64xf32, #tpu.memory_space<vmem>> -> memref<125x64xf32, #tpu.memory_space<vmem>>
      tpu.wait_dma2 semaphore(%run_scoped3A : memref<!tpu.dma_semaphore, #tpu.memory_space<semaphore_mem>>) src(%dma_wait3A_142 : memref<125x64xf32, #tpu.memory_space<vmem>>) dst(%dma_wait3A_139 : memref<125x64xf32, #tpu.memory_space<vmem_shared>>)
      tpu.yield
    }) : () -> ()
    "tpu.region"() ({
      %run_scoped3A = tpu.sem_alloc : memref<!tpu.dma_semaphore, #tpu.memory_space<semaphore_mem>>
      %dma_start3A_123 = arith.constant 0 : i32
      %dma_start3A_124 = arith.constant 0 : i32
      %dma_start3A_125 = tpu.memref_slice %arg3[%arg1, %dma_start3A_123, %dma_start3A_124] : memref<16x160x125xi32, #tpu.memory_space<hbm>> -> memref<1x160x125xi32, #tpu.memory_space<hbm>>
      %dma_start3A_126 = tpu.memref_squeeze %dma_start3A_125 : memref<1x160x125xi32, #tpu.memory_space<hbm>> -> memref<160x125xi32, #tpu.memory_space<hbm>>
      %dma_start3A_127 = arith.constant 0 : i32
      %dma_start3A_128 = arith.constant 0 : i32
      %dma_start3A_129 = tpu.memref_slice %arg3[%arg1, %dma_start3A_127, %dma_start3A_128] : memref<16x160x125xi32, #tpu.memory_space<hbm>> -> memref<1x160x125xi32, #tpu.memory_space<hbm>>
      %dma_start3A_130 = tpu.memref_squeeze %dma_start3A_129 : memref<1x160x125xi32, #tpu.memory_space<hbm>> -> memref<160x125xi32, #tpu.memory_space<hbm>>
      tpu.enqueue_dma source(%dma_start3A_130 : memref<160x125xi32, #tpu.memory_space<hbm>>) target(%arg6 : memref<160x125xi32, #tpu.memory_space<vmem>>) target_semaphore(%run_scoped3A : memref<!tpu.dma_semaphore, #tpu.memory_space<semaphore_mem>>)
      %dma_wait3A_131 = arith.constant 0 : i32
      %dma_wait3A_132 = arith.constant 0 : i32
      %dma_wait3A_133 = tpu.memref_slice %arg3[%arg1, %dma_wait3A_131, %dma_wait3A_132] : memref<16x160x125xi32, #tpu.memory_space<hbm>> -> memref<1x160x125xi32, #tpu.memory_space<hbm>>
      %dma_wait3A_134 = tpu.memref_squeeze %dma_wait3A_133 : memref<1x160x125xi32, #tpu.memory_space<hbm>> -> memref<160x125xi32, #tpu.memory_space<hbm>>
      %dma_wait3A_135 = arith.constant 0 : i32
      %dma_wait3A_136 = arith.constant 0 : i32
      %dma_wait3A_137 = tpu.memref_slice %arg3[%arg1, %dma_wait3A_135, %dma_wait3A_136] : memref<16x160x125xi32, #tpu.memory_space<hbm>> -> memref<1x160x125xi32, #tpu.memory_space<hbm>>
      %dma_wait3A_138 = tpu.memref_squeeze %dma_wait3A_137 : memref<1x160x125xi32, #tpu.memory_space<hbm>> -> memref<160x125xi32, #tpu.memory_space<hbm>>
      tpu.wait_dma2 semaphore(%run_scoped3A : memref<!tpu.dma_semaphore, #tpu.memory_space<semaphore_mem>>) src(%dma_wait3A_138 : memref<160x125xi32, #tpu.memory_space<hbm>>) dst(%arg6 : memref<160x125xi32, #tpu.memory_space<vmem>>)
      tpu.yield
    }) : () -> ()
    "tpu.region"() ({
      %run_scoped3A = tpu.sem_alloc : memref<!tpu.dma_semaphore, #tpu.memory_space<semaphore_mem>>
      %dma_start3A_123 = arith.constant 0 : i32
      %dma_start3A_124 = arith.constant 0 : i32
      %dma_start3A_125 = tpu.memref_slice %arg4[%arg1, %dma_start3A_123, %dma_start3A_124] : memref<16x160x125xi32, #tpu.memory_space<hbm>> -> memref<1x160x125xi32, #tpu.memory_space<hbm>>
      %dma_start3A_126 = tpu.memref_squeeze %dma_start3A_125 : memref<1x160x125xi32, #tpu.memory_space<hbm>> -> memref<160x125xi32, #tpu.memory_space<hbm>>
      %dma_start3A_127 = arith.constant 0 : i32
      %dma_start3A_128 = arith.constant 0 : i32
      %dma_start3A_129 = tpu.memref_slice %arg4[%arg1, %dma_start3A_127, %dma_start3A_128] : memref<16x160x125xi32, #tpu.memory_space<hbm>> -> memref<1x160x125xi32, #tpu.memory_space<hbm>>
      %dma_start3A_130 = tpu.memref_squeeze %dma_start3A_129 : memref<1x160x125xi32, #tpu.memory_space<hbm>> -> memref<160x125xi32, #tpu.memory_space<hbm>>
      tpu.enqueue_dma source(%dma_start3A_130 : memref<160x125xi32, #tpu.memory_space<hbm>>) target(%arg7 : memref<160x125xi32, #tpu.memory_space<vmem>>) target_semaphore(%run_scoped3A : memref<!tpu.dma_semaphore, #tpu.memory_space<semaphore_mem>>)
      %dma_wait3A_131 = arith.constant 0 : i32
      %dma_wait3A_132 = arith.constant 0 : i32
      %dma_wait3A_133 = tpu.memref_slice %arg4[%arg1, %dma_wait3A_131, %dma_wait3A_132] : memref<16x160x125xi32, #tpu.memory_space<hbm>> -> memref<1x160x125xi32, #tpu.memory_space<hbm>>
      %dma_wait3A_134 = tpu.memref_squeeze %dma_wait3A_133 : memref<1x160x125xi32, #tpu.memory_space<hbm>> -> memref<160x125xi32, #tpu.memory_space<hbm>>
      %dma_wait3A_135 = arith.constant 0 : i32
      %dma_wait3A_136 = arith.constant 0 : i32
      %dma_wait3A_137 = tpu.memref_slice %arg4[%arg1, %dma_wait3A_135, %dma_wait3A_136] : memref<16x160x125xi32, #tpu.memory_space<hbm>> -> memref<1x160x125xi32, #tpu.memory_space<hbm>>
      %dma_wait3A_138 = tpu.memref_squeeze %dma_wait3A_137 : memref<1x160x125xi32, #tpu.memory_space<hbm>> -> memref<160x125xi32, #tpu.memory_space<hbm>>
      tpu.wait_dma2 semaphore(%run_scoped3A : memref<!tpu.dma_semaphore, #tpu.memory_space<semaphore_mem>>) src(%dma_wait3A_138 : memref<160x125xi32, #tpu.memory_space<hbm>>) dst(%arg7 : memref<160x125xi32, #tpu.memory_space<vmem>>)
      tpu.yield
    }) : () -> ()
    %barrier3A = arith.constant 0 : index
    tpu.barrier barrier_id(%barrier3A)
    %dma_start3A = arith.constant 0 : i32
    %dma_start3A_16 = arith.constant 0 : i32
    %dma_start3A_17 = tpu.memref_slice %arg6[%dma_start3A, %dma_start3A_16] : memref<160x125xi32, #tpu.memory_space<vmem>> -> memref<1x125xi32, #tpu.memory_space<vmem>>
    %dma_start3A_18 = tpu.memref_squeeze %dma_start3A_17 : memref<1x125xi32, #tpu.memory_space<vmem>> -> memref<125xi32, #tpu.memory_space<vmem>>
    %dma_start3A_19 = arith.constant 0 : i32
    %dma_start3A_20 = arith.constant 0 : i32
    %dma_start3A_21 = tpu.memref_slice %arg2[%arg0, %dma_start3A_19, %dma_start3A_20] : memref<2x10000x64xf32, #tpu.memory_space<hbm>> -> memref<1x10000x64xf32, #tpu.memory_space<hbm>>
    %dma_start3A_22 = tpu.memref_squeeze %dma_start3A_21 : memref<1x10000x64xf32, #tpu.memory_space<hbm>> -> memref<10000x64xf32, #tpu.memory_space<hbm>>
    %dma_start3A_23 = arith.constant 0 : i32
    %dma_start3A_24 = arith.constant 0 : i32
    %dma_start3A_25 = tpu.memref_slice %dma_start3A_22[%dma_start3A_23, %dma_start3A_24] : memref<10000x64xf32, #tpu.memory_space<hbm>> -> memref<10000x64xf32, #tpu.memory_space<hbm>>
    tpu.enqueue_indirect_dma source(%dma_start3A_25 : memref<10000x64xf32, #tpu.memory_space<hbm>>) target(%arg8 : memref<125x64xf32, #tpu.memory_space<vmem>>) offsets(%dma_start3A_18 : memref<125xi32, #tpu.memory_space<vmem>>) semaphore(%arg13 : memref<!tpu.dma_semaphore, #tpu.memory_space<semaphore_mem>>)
    %dma_start3A_26 = arith.constant 1 : i32
    %dma_start3A_27 = arith.constant 0 : i32
    %dma_start3A_28 = tpu.memref_slice %arg6[%dma_start3A_26, %dma_start3A_27] : memref<160x125xi32, #tpu.memory_space<vmem>> -> memref<1x125xi32, #tpu.memory_space<vmem>>
    %dma_start3A_29 = tpu.memref_squeeze %dma_start3A_28 : memref<1x125xi32, #tpu.memory_space<vmem>> -> memref<125xi32, #tpu.memory_space<vmem>>
    %dma_start3A_30 = arith.constant 0 : i32
    %dma_start3A_31 = arith.constant 0 : i32
    %dma_start3A_32 = tpu.memref_slice %arg2[%arg0, %dma_start3A_30, %dma_start3A_31] : memref<2x10000x64xf32, #tpu.memory_space<hbm>> -> memref<1x10000x64xf32, #tpu.memory_space<hbm>>
    %dma_start3A_33 = tpu.memref_squeeze %dma_start3A_32 : memref<1x10000x64xf32, #tpu.memory_space<hbm>> -> memref<10000x64xf32, #tpu.memory_space<hbm>>
    %dma_start3A_34 = arith.constant 0 : i32
    %dma_start3A_35 = arith.constant 0 : i32
    %dma_start3A_36 = tpu.memref_slice %dma_start3A_33[%dma_start3A_34, %dma_start3A_35] : memref<10000x64xf32, #tpu.memory_space<hbm>> -> memref<10000x64xf32, #tpu.memory_space<hbm>>
    tpu.enqueue_indirect_dma source(%dma_start3A_36 : memref<10000x64xf32, #tpu.memory_space<hbm>>) target(%arg9 : memref<125x64xf32, #tpu.memory_space<vmem>>) offsets(%dma_start3A_29 : memref<125xi32, #tpu.memory_space<vmem>>) semaphore(%arg14 : memref<!tpu.dma_semaphore, #tpu.memory_space<semaphore_mem>>)
    %dma_start3A_37 = arith.constant 2 : i32
    %dma_start3A_38 = arith.constant 0 : i32
    %dma_start3A_39 = tpu.memref_slice %arg6[%dma_start3A_37, %dma_start3A_38] : memref<160x125xi32, #tpu.memory_space<vmem>> -> memref<1x125xi32, #tpu.memory_space<vmem>>
    %dma_start3A_40 = tpu.memref_squeeze %dma_start3A_39 : memref<1x125xi32, #tpu.memory_space<vmem>> -> memref<125xi32, #tpu.memory_space<vmem>>
    %dma_start3A_41 = arith.constant 0 : i32
    %dma_start3A_42 = arith.constant 0 : i32
    %dma_start3A_43 = tpu.memref_slice %arg2[%arg0, %dma_start3A_41, %dma_start3A_42] : memref<2x10000x64xf32, #tpu.memory_space<hbm>> -> memref<1x10000x64xf32, #tpu.memory_space<hbm>>
    %dma_start3A_44 = tpu.memref_squeeze %dma_start3A_43 : memref<1x10000x64xf32, #tpu.memory_space<hbm>> -> memref<10000x64xf32, #tpu.memory_space<hbm>>
    %dma_start3A_45 = arith.constant 0 : i32
    %dma_start3A_46 = arith.constant 0 : i32
    %dma_start3A_47 = tpu.memref_slice %dma_start3A_44[%dma_start3A_45, %dma_start3A_46] : memref<10000x64xf32, #tpu.memory_space<hbm>> -> memref<10000x64xf32, #tpu.memory_space<hbm>>
    tpu.enqueue_indirect_dma source(%dma_start3A_47 : memref<10000x64xf32, #tpu.memory_space<hbm>>) target(%arg10 : memref<125x64xf32, #tpu.memory_space<vmem>>) offsets(%dma_start3A_40 : memref<125xi32, #tpu.memory_space<vmem>>) semaphore(%arg15 : memref<!tpu.dma_semaphore, #tpu.memory_space<semaphore_mem>>)
    %dma_start3A_48 = arith.constant 3 : i32
    %dma_start3A_49 = arith.constant 0 : i32
    %dma_start3A_50 = tpu.memref_slice %arg6[%dma_start3A_48, %dma_start3A_49] : memref<160x125xi32, #tpu.memory_space<vmem>> -> memref<1x125xi32, #tpu.memory_space<vmem>>
    %dma_start3A_51 = tpu.memref_squeeze %dma_start3A_50 : memref<1x125xi32, #tpu.memory_space<vmem>> -> memref<125xi32, #tpu.memory_space<vmem>>
    %dma_start3A_52 = arith.constant 0 : i32
    %dma_start3A_53 = arith.constant 0 : i32
    %dma_start3A_54 = tpu.memref_slice %arg2[%arg0, %dma_start3A_52, %dma_start3A_53] : memref<2x10000x64xf32, #tpu.memory_space<hbm>> -> memref<1x10000x64xf32, #tpu.memory_space<hbm>>
    %dma_start3A_55 = tpu.memref_squeeze %dma_start3A_54 : memref<1x10000x64xf32, #tpu.memory_space<hbm>> -> memref<10000x64xf32, #tpu.memory_space<hbm>>
    %dma_start3A_56 = arith.constant 0 : i32
    %dma_start3A_57 = arith.constant 0 : i32
    %dma_start3A_58 = tpu.memref_slice %dma_start3A_55[%dma_start3A_56, %dma_start3A_57] : memref<10000x64xf32, #tpu.memory_space<hbm>> -> memref<10000x64xf32, #tpu.memory_space<hbm>>
    tpu.enqueue_indirect_dma source(%dma_start3A_58 : memref<10000x64xf32, #tpu.memory_space<hbm>>) target(%arg11 : memref<125x64xf32, #tpu.memory_space<vmem>>) offsets(%dma_start3A_51 : memref<125xi32, #tpu.memory_space<vmem>>) semaphore(%arg16 : memref<!tpu.dma_semaphore, #tpu.memory_space<semaphore_mem>>)
    %dma_start3A_59 = arith.constant 4 : i32
    %dma_start3A_60 = arith.constant 0 : i32
    %dma_start3A_61 = tpu.memref_slice %arg6[%dma_start3A_59, %dma_start3A_60] : memref<160x125xi32, #tpu.memory_space<vmem>> -> memref<1x125xi32, #tpu.memory_space<vmem>>
    %dma_start3A_62 = tpu.memref_squeeze %dma_start3A_61 : memref<1x125xi32, #tpu.memory_space<vmem>> -> memref<125xi32, #tpu.memory_space<vmem>>
    %dma_start3A_63 = arith.constant 0 : i32
    %dma_start3A_64 = arith.constant 0 : i32
    %dma_start3A_65 = tpu.memref_slice %arg2[%arg0, %dma_start3A_63, %dma_start3A_64] : memref<2x10000x64xf32, #tpu.memory_space<hbm>> -> memref<1x10000x64xf32, #tpu.memory_space<hbm>>
    %dma_start3A_66 = tpu.memref_squeeze %dma_start3A_65 : memref<1x10000x64xf32, #tpu.memory_space<hbm>> -> memref<10000x64xf32, #tpu.memory_space<hbm>>
    %dma_start3A_67 = arith.constant 0 : i32
    %dma_start3A_68 = arith.constant 0 : i32
    %dma_start3A_69 = tpu.memref_slice %dma_start3A_66[%dma_start3A_67, %dma_start3A_68] : memref<10000x64xf32, #tpu.memory_space<hbm>> -> memref<10000x64xf32, #tpu.memory_space<hbm>>
    tpu.enqueue_indirect_dma source(%dma_start3A_69 : memref<10000x64xf32, #tpu.memory_space<hbm>>) target(%arg12 : memref<125x64xf32, #tpu.memory_space<vmem>>) offsets(%dma_start3A_62 : memref<125xi32, #tpu.memory_space<vmem>>) semaphore(%arg17 : memref<!tpu.dma_semaphore, #tpu.memory_space<semaphore_mem>>)
    %scan3A_70 = arith.constant 0 : i32
    %scan3A_71 = arith.constant 0 : i32
    %scan3A_72 = arith.constant 32 : i32
    %scan3A_73 = arith.addi %scan3A_71, %scan3A_72 : i32
    %scan3A_74 = arith.constant 1 : i32
    scf.for %scan3A_123 = %scan3A_71 to %scan3A_73 step %scan3A_74  : i32 {
      %mul3A_124 = arith.constant 5 : i32
      %mul3A_125 = arith.muli %mul3A_124, %scan3A_123 : i32
      %add3A_126 = arith.constant 0 : i32
      %add3A_127 = arith.addi %mul3A_125, %add3A_126 : i32
      %dma_wait3A_128 = arith.constant 0 : i32
      %dma_wait3A_129 = tpu.memref_slice %arg6[%add3A_127, %dma_wait3A_128] : memref<160x125xi32, #tpu.memory_space<vmem>> -> memref<1x125xi32, #tpu.memory_space<vmem>>
      %dma_wait3A_130 = tpu.memref_squeeze %dma_wait3A_129 : memref<1x125xi32, #tpu.memory_space<vmem>> -> memref<125xi32, #tpu.memory_space<vmem>>
      %dma_wait3A_131 = arith.constant 0 : i32
      %dma_wait3A_132 = arith.constant 0 : i32
      %dma_wait3A_133 = tpu.memref_slice %arg2[%arg0, %dma_wait3A_131, %dma_wait3A_132] : memref<2x10000x64xf32, #tpu.memory_space<hbm>> -> memref<1x10000x64xf32, #tpu.memory_space<hbm>>
      %dma_wait3A_134 = tpu.memref_squeeze %dma_wait3A_133 : memref<1x10000x64xf32, #tpu.memory_space<hbm>> -> memref<10000x64xf32, #tpu.memory_space<hbm>>
      %dma_wait3A_135 = arith.constant 0 : i32
      %dma_wait3A_136 = arith.constant 0 : i32
      %dma_wait3A_137 = tpu.memref_slice %dma_wait3A_134[%dma_wait3A_135, %dma_wait3A_136] : memref<10000x64xf32, #tpu.memory_space<hbm>> -> memref<10000x64xf32, #tpu.memory_space<hbm>>
      tpu.wait_indirect_dma semaphore(%arg13 : memref<!tpu.dma_semaphore, #tpu.memory_space<semaphore_mem>>) src(%dma_wait3A_137 : memref<10000x64xf32, #tpu.memory_space<hbm>>) dst(%arg8 : memref<125x64xf32, #tpu.memory_space<vmem>>)
      %dma_start3A_138 = arith.constant 0 : i32
      %dma_start3A_139 = tpu.memref_slice %arg7[%add3A_127, %dma_start3A_138] : memref<160x125xi32, #tpu.memory_space<vmem>> -> memref<1x125xi32, #tpu.memory_space<vmem>>
      %dma_start3A_140 = tpu.memref_squeeze %dma_start3A_139 : memref<1x125xi32, #tpu.memory_space<vmem>> -> memref<125xi32, #tpu.memory_space<vmem>>
      %dma_start3A_141 = arith.constant 0 : i32
      %dma_start3A_142 = arith.constant 0 : i32
      %dma_start3A_143 = tpu.memref_slice %arg23[%dma_start3A_141, %dma_start3A_142] : memref<10000x64xf32, #tpu.memory_space<vmem_shared>> -> memref<10000x64xf32, #tpu.memory_space<vmem_shared>>
      tpu.enqueue_indirect_dma source(%arg8 : memref<125x64xf32, #tpu.memory_space<vmem>>) target(%dma_start3A_143 : memref<10000x64xf32, #tpu.memory_space<vmem_shared>>) offsets(%dma_start3A_140 : memref<125xi32, #tpu.memory_space<vmem>>) semaphore(%arg18 : memref<!tpu.dma_semaphore, #tpu.memory_space<semaphore_mem>>) {add = true}
      %mul3A_144 = arith.constant 5 : i32
      %mul3A_145 = arith.muli %mul3A_144, %scan3A_123 : i32
      %add3A_146 = arith.constant 1 : i32
      %add3A_147 = arith.addi %mul3A_145, %add3A_146 : i32
      %dma_wait3A_148 = arith.constant 0 : i32
      %dma_wait3A_149 = tpu.memref_slice %arg6[%add3A_147, %dma_wait3A_148] : memref<160x125xi32, #tpu.memory_space<vmem>> -> memref<1x125xi32, #tpu.memory_space<vmem>>
      %dma_wait3A_150 = tpu.memref_squeeze %dma_wait3A_149 : memref<1x125xi32, #tpu.memory_space<vmem>> -> memref<125xi32, #tpu.memory_space<vmem>>
      %dma_wait3A_151 = arith.constant 0 : i32
      %dma_wait3A_152 = arith.constant 0 : i32
      %dma_wait3A_153 = tpu.memref_slice %arg2[%arg0, %dma_wait3A_151, %dma_wait3A_152] : memref<2x10000x64xf32, #tpu.memory_space<hbm>> -> memref<1x10000x64xf32, #tpu.memory_space<hbm>>
      %dma_wait3A_154 = tpu.memref_squeeze %dma_wait3A_153 : memref<1x10000x64xf32, #tpu.memory_space<hbm>> -> memref<10000x64xf32, #tpu.memory_space<hbm>>
      %dma_wait3A_155 = arith.constant 0 : i32
      %dma_wait3A_156 = arith.constant 0 : i32
      %dma_wait3A_157 = tpu.memref_slice %dma_wait3A_154[%dma_wait3A_155, %dma_wait3A_156] : memref<10000x64xf32, #tpu.memory_space<hbm>> -> memref<10000x64xf32, #tpu.memory_space<hbm>>
      tpu.wait_indirect_dma semaphore(%arg14 : memref<!tpu.dma_semaphore, #tpu.memory_space<semaphore_mem>>) src(%dma_wait3A_157 : memref<10000x64xf32, #tpu.memory_space<hbm>>) dst(%arg9 : memref<125x64xf32, #tpu.memory_space<vmem>>)
      %dma_start3A_158 = arith.constant 0 : i32
      %dma_start3A_159 = tpu.memref_slice %arg7[%add3A_147, %dma_start3A_158] : memref<160x125xi32, #tpu.memory_space<vmem>> -> memref<1x125xi32, #tpu.memory_space<vmem>>
      %dma_start3A_160 = tpu.memref_squeeze %dma_start3A_159 : memref<1x125xi32, #tpu.memory_space<vmem>> -> memref<125xi32, #tpu.memory_space<vmem>>
      %dma_start3A_161 = arith.constant 0 : i32
      %dma_start3A_162 = arith.constant 0 : i32
      %dma_start3A_163 = tpu.memref_slice %arg23[%dma_start3A_161, %dma_start3A_162] : memref<10000x64xf32, #tpu.memory_space<vmem_shared>> -> memref<10000x64xf32, #tpu.memory_space<vmem_shared>>
      tpu.enqueue_indirect_dma source(%arg9 : memref<125x64xf32, #tpu.memory_space<vmem>>) target(%dma_start3A_163 : memref<10000x64xf32, #tpu.memory_space<vmem_shared>>) offsets(%dma_start3A_160 : memref<125xi32, #tpu.memory_space<vmem>>) semaphore(%arg19 : memref<!tpu.dma_semaphore, #tpu.memory_space<semaphore_mem>>) {add = true}
      %mul3A_164 = arith.constant 5 : i32
      %mul3A_165 = arith.muli %mul3A_164, %scan3A_123 : i32
      %add3A_166 = arith.constant 2 : i32
      %add3A_167 = arith.addi %mul3A_165, %add3A_166 : i32
      %dma_wait3A_168 = arith.constant 0 : i32
      %dma_wait3A_169 = tpu.memref_slice %arg6[%add3A_167, %dma_wait3A_168] : memref<160x125xi32, #tpu.memory_space<vmem>> -> memref<1x125xi32, #tpu.memory_space<vmem>>
      %dma_wait3A_170 = tpu.memref_squeeze %dma_wait3A_169 : memref<1x125xi32, #tpu.memory_space<vmem>> -> memref<125xi32, #tpu.memory_space<vmem>>
      %dma_wait3A_171 = arith.constant 0 : i32
      %dma_wait3A_172 = arith.constant 0 : i32
      %dma_wait3A_173 = tpu.memref_slice %arg2[%arg0, %dma_wait3A_171, %dma_wait3A_172] : memref<2x10000x64xf32, #tpu.memory_space<hbm>> -> memref<1x10000x64xf32, #tpu.memory_space<hbm>>
      %dma_wait3A_174 = tpu.memref_squeeze %dma_wait3A_173 : memref<1x10000x64xf32, #tpu.memory_space<hbm>> -> memref<10000x64xf32, #tpu.memory_space<hbm>>
      %dma_wait3A_175 = arith.constant 0 : i32
      %dma_wait3A_176 = arith.constant 0 : i32
      %dma_wait3A_177 = tpu.memref_slice %dma_wait3A_174[%dma_wait3A_175, %dma_wait3A_176] : memref<10000x64xf32, #tpu.memory_space<hbm>> -> memref<10000x64xf32, #tpu.memory_space<hbm>>
      tpu.wait_indirect_dma semaphore(%arg15 : memref<!tpu.dma_semaphore, #tpu.memory_space<semaphore_mem>>) src(%dma_wait3A_177 : memref<10000x64xf32, #tpu.memory_space<hbm>>) dst(%arg10 : memref<125x64xf32, #tpu.memory_space<vmem>>)
      %dma_start3A_178 = arith.constant 0 : i32
      %dma_start3A_179 = tpu.memref_slice %arg7[%add3A_167, %dma_start3A_178] : memref<160x125xi32, #tpu.memory_space<vmem>> -> memref<1x125xi32, #tpu.memory_space<vmem>>
      %dma_start3A_180 = tpu.memref_squeeze %dma_start3A_179 : memref<1x125xi32, #tpu.memory_space<vmem>> -> memref<125xi32, #tpu.memory_space<vmem>>
      %dma_start3A_181 = arith.constant 0 : i32
      %dma_start3A_182 = arith.constant 0 : i32
      %dma_start3A_183 = tpu.memref_slice %arg23[%dma_start3A_181, %dma_start3A_182] : memref<10000x64xf32, #tpu.memory_space<vmem_shared>> -> memref<10000x64xf32, #tpu.memory_space<vmem_shared>>
      tpu.enqueue_indirect_dma source(%arg10 : memref<125x64xf32, #tpu.memory_space<vmem>>) target(%dma_start3A_183 : memref<10000x64xf32, #tpu.memory_space<vmem_shared>>) offsets(%dma_start3A_180 : memref<125xi32, #tpu.memory_space<vmem>>) semaphore(%arg20 : memref<!tpu.dma_semaphore, #tpu.memory_space<semaphore_mem>>) {add = true}
      %mul3A_184 = arith.constant 5 : i32
      %mul3A_185 = arith.muli %mul3A_184, %scan3A_123 : i32
      %add3A_186 = arith.constant 3 : i32
      %add3A_187 = arith.addi %mul3A_185, %add3A_186 : i32
      %dma_wait3A_188 = arith.constant 0 : i32
      %dma_wait3A_189 = tpu.memref_slice %arg6[%add3A_187, %dma_wait3A_188] : memref<160x125xi32, #tpu.memory_space<vmem>> -> memref<1x125xi32, #tpu.memory_space<vmem>>
      %dma_wait3A_190 = tpu.memref_squeeze %dma_wait3A_189 : memref<1x125xi32, #tpu.memory_space<vmem>> -> memref<125xi32, #tpu.memory_space<vmem>>
      %dma_wait3A_191 = arith.constant 0 : i32
      %dma_wait3A_192 = arith.constant 0 : i32
      %dma_wait3A_193 = tpu.memref_slice %arg2[%arg0, %dma_wait3A_191, %dma_wait3A_192] : memref<2x10000x64xf32, #tpu.memory_space<hbm>> -> memref<1x10000x64xf32, #tpu.memory_space<hbm>>
      %dma_wait3A_194 = tpu.memref_squeeze %dma_wait3A_193 : memref<1x10000x64xf32, #tpu.memory_space<hbm>> -> memref<10000x64xf32, #tpu.memory_space<hbm>>
      %dma_wait3A_195 = arith.constant 0 : i32
      %dma_wait3A_196 = arith.constant 0 : i32
      %dma_wait3A_197 = tpu.memref_slice %dma_wait3A_194[%dma_wait3A_195, %dma_wait3A_196] : memref<10000x64xf32, #tpu.memory_space<hbm>> -> memref<10000x64xf32, #tpu.memory_space<hbm>>
      tpu.wait_indirect_dma semaphore(%arg16 : memref<!tpu.dma_semaphore, #tpu.memory_space<semaphore_mem>>) src(%dma_wait3A_197 : memref<10000x64xf32, #tpu.memory_space<hbm>>) dst(%arg11 : memref<125x64xf32, #tpu.memory_space<vmem>>)
      %dma_start3A_198 = arith.constant 0 : i32
      %dma_start3A_199 = tpu.memref_slice %arg7[%add3A_187, %dma_start3A_198] : memref<160x125xi32, #tpu.memory_space<vmem>> -> memref<1x125xi32, #tpu.memory_space<vmem>>
      %dma_start3A_200 = tpu.memref_squeeze %dma_start3A_199 : memref<1x125xi32, #tpu.memory_space<vmem>> -> memref<125xi32, #tpu.memory_space<vmem>>
      %dma_start3A_201 = arith.constant 0 : i32
      %dma_start3A_202 = arith.constant 0 : i32
      %dma_start3A_203 = tpu.memref_slice %arg23[%dma_start3A_201, %dma_start3A_202] : memref<10000x64xf32, #tpu.memory_space<vmem_shared>> -> memref<10000x64xf32, #tpu.memory_space<vmem_shared>>
      tpu.enqueue_indirect_dma source(%arg11 : memref<125x64xf32, #tpu.memory_space<vmem>>) target(%dma_start3A_203 : memref<10000x64xf32, #tpu.memory_space<vmem_shared>>) offsets(%dma_start3A_200 : memref<125xi32, #tpu.memory_space<vmem>>) semaphore(%arg21 : memref<!tpu.dma_semaphore, #tpu.memory_space<semaphore_mem>>) {add = true}
      %mul3A_204 = arith.constant 5 : i32
      %mul3A_205 = arith.muli %mul3A_204, %scan3A_123 : i32
      %add3A_206 = arith.constant 4 : i32
      %add3A_207 = arith.addi %mul3A_205, %add3A_206 : i32
      %dma_wait3A_208 = arith.constant 0 : i32
      %dma_wait3A_209 = tpu.memref_slice %arg6[%add3A_207, %dma_wait3A_208] : memref<160x125xi32, #tpu.memory_space<vmem>> -> memref<1x125xi32, #tpu.memory_space<vmem>>
      %dma_wait3A_210 = tpu.memref_squeeze %dma_wait3A_209 : memref<1x125xi32, #tpu.memory_space<vmem>> -> memref<125xi32, #tpu.memory_space<vmem>>
      %dma_wait3A_211 = arith.constant 0 : i32
      %dma_wait3A_212 = arith.constant 0 : i32
      %dma_wait3A_213 = tpu.memref_slice %arg2[%arg0, %dma_wait3A_211, %dma_wait3A_212] : memref<2x10000x64xf32, #tpu.memory_space<hbm>> -> memref<1x10000x64xf32, #tpu.memory_space<hbm>>
      %dma_wait3A_214 = tpu.memref_squeeze %dma_wait3A_213 : memref<1x10000x64xf32, #tpu.memory_space<hbm>> -> memref<10000x64xf32, #tpu.memory_space<hbm>>
      %dma_wait3A_215 = arith.constant 0 : i32
      %dma_wait3A_216 = arith.constant 0 : i32
      %dma_wait3A_217 = tpu.memref_slice %dma_wait3A_214[%dma_wait3A_215, %dma_wait3A_216] : memref<10000x64xf32, #tpu.memory_space<hbm>> -> memref<10000x64xf32, #tpu.memory_space<hbm>>
      tpu.wait_indirect_dma semaphore(%arg17 : memref<!tpu.dma_semaphore, #tpu.memory_space<semaphore_mem>>) src(%dma_wait3A_217 : memref<10000x64xf32, #tpu.memory_space<hbm>>) dst(%arg12 : memref<125x64xf32, #tpu.memory_space<vmem>>)
      %dma_start3A_218 = arith.constant 0 : i32
      %dma_start3A_219 = tpu.memref_slice %arg7[%add3A_207, %dma_start3A_218] : memref<160x125xi32, #tpu.memory_space<vmem>> -> memref<1x125xi32, #tpu.memory_space<vmem>>
      %dma_start3A_220 = tpu.memref_squeeze %dma_start3A_219 : memref<1x125xi32, #tpu.memory_space<vmem>> -> memref<125xi32, #tpu.memory_space<vmem>>
      %dma_start3A_221 = arith.constant 0 : i32
      %dma_start3A_222 = arith.constant 0 : i32
      %dma_start3A_223 = tpu.memref_slice %arg23[%dma_start3A_221, %dma_start3A_222] : memref<10000x64xf32, #tpu.memory_space<vmem_shared>> -> memref<10000x64xf32, #tpu.memory_space<vmem_shared>>
      tpu.enqueue_indirect_dma source(%arg12 : memref<125x64xf32, #tpu.memory_space<vmem>>) target(%dma_start3A_223 : memref<10000x64xf32, #tpu.memory_space<vmem_shared>>) offsets(%dma_start3A_220 : memref<125xi32, #tpu.memory_space<vmem>>) semaphore(%arg22 : memref<!tpu.dma_semaphore, #tpu.memory_space<semaphore_mem>>) {add = true}
      %lt3A = arith.constant 31 : i32
      %lt3A_224 = arith.cmpi slt, %scan3A_123, %lt3A : i32
      %convert_element_type3A = arith.extui %lt3A_224 : i1 to i32
      %cond3A = arith.constant 0 : i32
      %cond3A_225 = arith.cmpi ne, %convert_element_type3A, %cond3A : i32
      scf.if %cond3A_225 {
        %mul3A_226 = arith.constant 5 : i32
        %mul3A_227 = arith.muli %mul3A_226, %scan3A_123 : i32
        %add3A_228 = arith.constant 0 : i32
        %add3A_229 = arith.addi %mul3A_227, %add3A_228 : i32
        %dma_wait3A_230 = arith.constant 0 : i32
        %dma_wait3A_231 = tpu.memref_slice %arg7[%add3A_229, %dma_wait3A_230] : memref<160x125xi32, #tpu.memory_space<vmem>> -> memref<1x125xi32, #tpu.memory_space<vmem>>
        %dma_wait3A_232 = tpu.memref_squeeze %dma_wait3A_231 : memref<1x125xi32, #tpu.memory_space<vmem>> -> memref<125xi32, #tpu.memory_space<vmem>>
        %dma_wait3A_233 = arith.constant 0 : i32
        %dma_wait3A_234 = arith.constant 0 : i32
        %dma_wait3A_235 = tpu.memref_slice %arg23[%dma_wait3A_233, %dma_wait3A_234] : memref<10000x64xf32, #tpu.memory_space<vmem_shared>> -> memref<10000x64xf32, #tpu.memory_space<vmem_shared>>
        tpu.wait_indirect_dma semaphore(%arg18 : memref<!tpu.dma_semaphore, #tpu.memory_space<semaphore_mem>>) src(%arg8 : memref<125x64xf32, #tpu.memory_space<vmem>>) dst(%dma_wait3A_235 : memref<10000x64xf32, #tpu.memory_space<vmem_shared>>)
        %add3A_236 = arith.constant 5 : i32
        %add3A_237 = arith.addi %add3A_229, %add3A_236 : i32
        %dma_start3A_238 = arith.constant 0 : i32
        %dma_start3A_239 = tpu.memref_slice %arg6[%add3A_237, %dma_start3A_238] : memref<160x125xi32, #tpu.memory_space<vmem>> -> memref<1x125xi32, #tpu.memory_space<vmem>>
        %dma_start3A_240 = tpu.memref_squeeze %dma_start3A_239 : memref<1x125xi32, #tpu.memory_space<vmem>> -> memref<125xi32, #tpu.memory_space<vmem>>
        %dma_start3A_241 = arith.constant 0 : i32
        %dma_start3A_242 = arith.constant 0 : i32
        %dma_start3A_243 = tpu.memref_slice %arg2[%arg0, %dma_start3A_241, %dma_start3A_242] : memref<2x10000x64xf32, #tpu.memory_space<hbm>> -> memref<1x10000x64xf32, #tpu.memory_space<hbm>>
        %dma_start3A_244 = tpu.memref_squeeze %dma_start3A_243 : memref<1x10000x64xf32, #tpu.memory_space<hbm>> -> memref<10000x64xf32, #tpu.memory_space<hbm>>
        %dma_start3A_245 = arith.constant 0 : i32
        %dma_start3A_246 = arith.constant 0 : i32
        %dma_start3A_247 = tpu.memref_slice %dma_start3A_244[%dma_start3A_245, %dma_start3A_246] : memref<10000x64xf32, #tpu.memory_space<hbm>> -> memref<10000x64xf32, #tpu.memory_space<hbm>>
        tpu.enqueue_indirect_dma source(%dma_start3A_247 : memref<10000x64xf32, #tpu.memory_space<hbm>>) target(%arg8 : memref<125x64xf32, #tpu.memory_space<vmem>>) offsets(%dma_start3A_240 : memref<125xi32, #tpu.memory_space<vmem>>) semaphore(%arg13 : memref<!tpu.dma_semaphore, #tpu.memory_space<semaphore_mem>>)
        %mul3A_248 = arith.constant 5 : i32
        %mul3A_249 = arith.muli %mul3A_248, %scan3A_123 : i32
        %add3A_250 = arith.constant 1 : i32
        %add3A_251 = arith.addi %mul3A_249, %add3A_250 : i32
        %dma_wait3A_252 = arith.constant 0 : i32
        %dma_wait3A_253 = tpu.memref_slice %arg7[%add3A_251, %dma_wait3A_252] : memref<160x125xi32, #tpu.memory_space<vmem>> -> memref<1x125xi32, #tpu.memory_space<vmem>>
        %dma_wait3A_254 = tpu.memref_squeeze %dma_wait3A_253 : memref<1x125xi32, #tpu.memory_space<vmem>> -> memref<125xi32, #tpu.memory_space<vmem>>
        %dma_wait3A_255 = arith.constant 0 : i32
        %dma_wait3A_256 = arith.constant 0 : i32
        %dma_wait3A_257 = tpu.memref_slice %arg23[%dma_wait3A_255, %dma_wait3A_256] : memref<10000x64xf32, #tpu.memory_space<vmem_shared>> -> memref<10000x64xf32, #tpu.memory_space<vmem_shared>>
        tpu.wait_indirect_dma semaphore(%arg19 : memref<!tpu.dma_semaphore, #tpu.memory_space<semaphore_mem>>) src(%arg9 : memref<125x64xf32, #tpu.memory_space<vmem>>) dst(%dma_wait3A_257 : memref<10000x64xf32, #tpu.memory_space<vmem_shared>>)
        %add3A_258 = arith.constant 5 : i32
        %add3A_259 = arith.addi %add3A_251, %add3A_258 : i32
        %dma_start3A_260 = arith.constant 0 : i32
        %dma_start3A_261 = tpu.memref_slice %arg6[%add3A_259, %dma_start3A_260] : memref<160x125xi32, #tpu.memory_space<vmem>> -> memref<1x125xi32, #tpu.memory_space<vmem>>
        %dma_start3A_262 = tpu.memref_squeeze %dma_start3A_261 : memref<1x125xi32, #tpu.memory_space<vmem>> -> memref<125xi32, #tpu.memory_space<vmem>>
        %dma_start3A_263 = arith.constant 0 : i32
        %dma_start3A_264 = arith.constant 0 : i32
        %dma_start3A_265 = tpu.memref_slice %arg2[%arg0, %dma_start3A_263, %dma_start3A_264] : memref<2x10000x64xf32, #tpu.memory_space<hbm>> -> memref<1x10000x64xf32, #tpu.memory_space<hbm>>
        %dma_start3A_266 = tpu.memref_squeeze %dma_start3A_265 : memref<1x10000x64xf32, #tpu.memory_space<hbm>> -> memref<10000x64xf32, #tpu.memory_space<hbm>>
        %dma_start3A_267 = arith.constant 0 : i32
        %dma_start3A_268 = arith.constant 0 : i32
        %dma_start3A_269 = tpu.memref_slice %dma_start3A_266[%dma_start3A_267, %dma_start3A_268] : memref<10000x64xf32, #tpu.memory_space<hbm>> -> memref<10000x64xf32, #tpu.memory_space<hbm>>
        tpu.enqueue_indirect_dma source(%dma_start3A_269 : memref<10000x64xf32, #tpu.memory_space<hbm>>) target(%arg9 : memref<125x64xf32, #tpu.memory_space<vmem>>) offsets(%dma_start3A_262 : memref<125xi32, #tpu.memory_space<vmem>>) semaphore(%arg14 : memref<!tpu.dma_semaphore, #tpu.memory_space<semaphore_mem>>)
        %mul3A_270 = arith.constant 5 : i32
        %mul3A_271 = arith.muli %mul3A_270, %scan3A_123 : i32
        %add3A_272 = arith.constant 2 : i32
        %add3A_273 = arith.addi %mul3A_271, %add3A_272 : i32
        %dma_wait3A_274 = arith.constant 0 : i32
        %dma_wait3A_275 = tpu.memref_slice %arg7[%add3A_273, %dma_wait3A_274] : memref<160x125xi32, #tpu.memory_space<vmem>> -> memref<1x125xi32, #tpu.memory_space<vmem>>
        %dma_wait3A_276 = tpu.memref_squeeze %dma_wait3A_275 : memref<1x125xi32, #tpu.memory_space<vmem>> -> memref<125xi32, #tpu.memory_space<vmem>>
        %dma_wait3A_277 = arith.constant 0 : i32
        %dma_wait3A_278 = arith.constant 0 : i32
        %dma_wait3A_279 = tpu.memref_slice %arg23[%dma_wait3A_277, %dma_wait3A_278] : memref<10000x64xf32, #tpu.memory_space<vmem_shared>> -> memref<10000x64xf32, #tpu.memory_space<vmem_shared>>
        tpu.wait_indirect_dma semaphore(%arg20 : memref<!tpu.dma_semaphore, #tpu.memory_space<semaphore_mem>>) src(%arg10 : memref<125x64xf32, #tpu.memory_space<vmem>>) dst(%dma_wait3A_279 : memref<10000x64xf32, #tpu.memory_space<vmem_shared>>)
        %add3A_280 = arith.constant 5 : i32
        %add3A_281 = arith.addi %add3A_273, %add3A_280 : i32
        %dma_start3A_282 = arith.constant 0 : i32
        %dma_start3A_283 = tpu.memref_slice %arg6[%add3A_281, %dma_start3A_282] : memref<160x125xi32, #tpu.memory_space<vmem>> -> memref<1x125xi32, #tpu.memory_space<vmem>>
        %dma_start3A_284 = tpu.memref_squeeze %dma_start3A_283 : memref<1x125xi32, #tpu.memory_space<vmem>> -> memref<125xi32, #tpu.memory_space<vmem>>
        %dma_start3A_285 = arith.constant 0 : i32
        %dma_start3A_286 = arith.constant 0 : i32
        %dma_start3A_287 = tpu.memref_slice %arg2[%arg0, %dma_start3A_285, %dma_start3A_286] : memref<2x10000x64xf32, #tpu.memory_space<hbm>> -> memref<1x10000x64xf32, #tpu.memory_space<hbm>>
        %dma_start3A_288 = tpu.memref_squeeze %dma_start3A_287 : memref<1x10000x64xf32, #tpu.memory_space<hbm>> -> memref<10000x64xf32, #tpu.memory_space<hbm>>
        %dma_start3A_289 = arith.constant 0 : i32
        %dma_start3A_290 = arith.constant 0 : i32
        %dma_start3A_291 = tpu.memref_slice %dma_start3A_288[%dma_start3A_289, %dma_start3A_290] : memref<10000x64xf32, #tpu.memory_space<hbm>> -> memref<10000x64xf32, #tpu.memory_space<hbm>>
        tpu.enqueue_indirect_dma source(%dma_start3A_291 : memref<10000x64xf32, #tpu.memory_space<hbm>>) target(%arg10 : memref<125x64xf32, #tpu.memory_space<vmem>>) offsets(%dma_start3A_284 : memref<125xi32, #tpu.memory_space<vmem>>) semaphore(%arg15 : memref<!tpu.dma_semaphore, #tpu.memory_space<semaphore_mem>>)
        %mul3A_292 = arith.constant 5 : i32
        %mul3A_293 = arith.muli %mul3A_292, %scan3A_123 : i32
        %add3A_294 = arith.constant 3 : i32
        %add3A_295 = arith.addi %mul3A_293, %add3A_294 : i32
        %dma_wait3A_296 = arith.constant 0 : i32
        %dma_wait3A_297 = tpu.memref_slice %arg7[%add3A_295, %dma_wait3A_296] : memref<160x125xi32, #tpu.memory_space<vmem>> -> memref<1x125xi32, #tpu.memory_space<vmem>>
        %dma_wait3A_298 = tpu.memref_squeeze %dma_wait3A_297 : memref<1x125xi32, #tpu.memory_space<vmem>> -> memref<125xi32, #tpu.memory_space<vmem>>
        %dma_wait3A_299 = arith.constant 0 : i32
        %dma_wait3A_300 = arith.constant 0 : i32
        %dma_wait3A_301 = tpu.memref_slice %arg23[%dma_wait3A_299, %dma_wait3A_300] : memref<10000x64xf32, #tpu.memory_space<vmem_shared>> -> memref<10000x64xf32, #tpu.memory_space<vmem_shared>>
        tpu.wait_indirect_dma semaphore(%arg21 : memref<!tpu.dma_semaphore, #tpu.memory_space<semaphore_mem>>) src(%arg11 : memref<125x64xf32, #tpu.memory_space<vmem>>) dst(%dma_wait3A_301 : memref<10000x64xf32, #tpu.memory_space<vmem_shared>>)
        %add3A_302 = arith.constant 5 : i32
        %add3A_303 = arith.addi %add3A_295, %add3A_302 : i32
        %dma_start3A_304 = arith.constant 0 : i32
        %dma_start3A_305 = tpu.memref_slice %arg6[%add3A_303, %dma_start3A_304] : memref<160x125xi32, #tpu.memory_space<vmem>> -> memref<1x125xi32, #tpu.memory_space<vmem>>
        %dma_start3A_306 = tpu.memref_squeeze %dma_start3A_305 : memref<1x125xi32, #tpu.memory_space<vmem>> -> memref<125xi32, #tpu.memory_space<vmem>>
        %dma_start3A_307 = arith.constant 0 : i32
        %dma_start3A_308 = arith.constant 0 : i32
        %dma_start3A_309 = tpu.memref_slice %arg2[%arg0, %dma_start3A_307, %dma_start3A_308] : memref<2x10000x64xf32, #tpu.memory_space<hbm>> -> memref<1x10000x64xf32, #tpu.memory_space<hbm>>
        %dma_start3A_310 = tpu.memref_squeeze %dma_start3A_309 : memref<1x10000x64xf32, #tpu.memory_space<hbm>> -> memref<10000x64xf32, #tpu.memory_space<hbm>>
        %dma_start3A_311 = arith.constant 0 : i32
        %dma_start3A_312 = arith.constant 0 : i32
        %dma_start3A_313 = tpu.memref_slice %dma_start3A_310[%dma_start3A_311, %dma_start3A_312] : memref<10000x64xf32, #tpu.memory_space<hbm>> -> memref<10000x64xf32, #tpu.memory_space<hbm>>
        tpu.enqueue_indirect_dma source(%dma_start3A_313 : memref<10000x64xf32, #tpu.memory_space<hbm>>) target(%arg11 : memref<125x64xf32, #tpu.memory_space<vmem>>) offsets(%dma_start3A_306 : memref<125xi32, #tpu.memory_space<vmem>>) semaphore(%arg16 : memref<!tpu.dma_semaphore, #tpu.memory_space<semaphore_mem>>)
        %mul3A_314 = arith.constant 5 : i32
        %mul3A_315 = arith.muli %mul3A_314, %scan3A_123 : i32
        %add3A_316 = arith.constant 4 : i32
        %add3A_317 = arith.addi %mul3A_315, %add3A_316 : i32
        %dma_wait3A_318 = arith.constant 0 : i32
        %dma_wait3A_319 = tpu.memref_slice %arg7[%add3A_317, %dma_wait3A_318] : memref<160x125xi32, #tpu.memory_space<vmem>> -> memref<1x125xi32, #tpu.memory_space<vmem>>
        %dma_wait3A_320 = tpu.memref_squeeze %dma_wait3A_319 : memref<1x125xi32, #tpu.memory_space<vmem>> -> memref<125xi32, #tpu.memory_space<vmem>>
        %dma_wait3A_321 = arith.constant 0 : i32
        %dma_wait3A_322 = arith.constant 0 : i32
        %dma_wait3A_323 = tpu.memref_slice %arg23[%dma_wait3A_321, %dma_wait3A_322] : memref<10000x64xf32, #tpu.memory_space<vmem_shared>> -> memref<10000x64xf32, #tpu.memory_space<vmem_shared>>
        tpu.wait_indirect_dma semaphore(%arg22 : memref<!tpu.dma_semaphore, #tpu.memory_space<semaphore_mem>>) src(%arg12 : memref<125x64xf32, #tpu.memory_space<vmem>>) dst(%dma_wait3A_323 : memref<10000x64xf32, #tpu.memory_space<vmem_shared>>)
        %add3A_324 = arith.constant 5 : i32
        %add3A_325 = arith.addi %add3A_317, %add3A_324 : i32
        %dma_start3A_326 = arith.constant 0 : i32
        %dma_start3A_327 = tpu.memref_slice %arg6[%add3A_325, %dma_start3A_326] : memref<160x125xi32, #tpu.memory_space<vmem>> -> memref<1x125xi32, #tpu.memory_space<vmem>>
        %dma_start3A_328 = tpu.memref_squeeze %dma_start3A_327 : memref<1x125xi32, #tpu.memory_space<vmem>> -> memref<125xi32, #tpu.memory_space<vmem>>
        %dma_start3A_329 = arith.constant 0 : i32
        %dma_start3A_330 = arith.constant 0 : i32
        %dma_start3A_331 = tpu.memref_slice %arg2[%arg0, %dma_start3A_329, %dma_start3A_330] : memref<2x10000x64xf32, #tpu.memory_space<hbm>> -> memref<1x10000x64xf32, #tpu.memory_space<hbm>>
        %dma_start3A_332 = tpu.memref_squeeze %dma_start3A_331 : memref<1x10000x64xf32, #tpu.memory_space<hbm>> -> memref<10000x64xf32, #tpu.memory_space<hbm>>
        %dma_start3A_333 = arith.constant 0 : i32
        %dma_start3A_334 = arith.constant 0 : i32
        %dma_start3A_335 = tpu.memref_slice %dma_start3A_332[%dma_start3A_333, %dma_start3A_334] : memref<10000x64xf32, #tpu.memory_space<hbm>> -> memref<10000x64xf32, #tpu.memory_space<hbm>>
        tpu.enqueue_indirect_dma source(%dma_start3A_335 : memref<10000x64xf32, #tpu.memory_space<hbm>>) target(%arg12 : memref<125x64xf32, #tpu.memory_space<vmem>>) offsets(%dma_start3A_328 : memref<125xi32, #tpu.memory_space<vmem>>) semaphore(%arg17 : memref<!tpu.dma_semaphore, #tpu.memory_space<semaphore_mem>>)
      } else {
      }
    }
    %scan3A_75 = arith.constant 32 : i32
    %dma_wait3A = arith.constant 155 : i32
    %dma_wait3A_76 = arith.constant 0 : i32
    %dma_wait3A_77 = tpu.memref_slice %arg7[%dma_wait3A, %dma_wait3A_76] : memref<160x125xi32, #tpu.memory_space<vmem>> -> memref<1x125xi32, #tpu.memory_space<vmem>>
    %dma_wait3A_78 = tpu.memref_squeeze %dma_wait3A_77 : memref<1x125xi32, #tpu.memory_space<vmem>> -> memref<125xi32, #tpu.memory_space<vmem>>
    %dma_wait3A_79 = arith.constant 0 : i32
    %dma_wait3A_80 = arith.constant 0 : i32
    %dma_wait3A_81 = tpu.memref_slice %arg23[%dma_wait3A_79, %dma_wait3A_80] : memref<10000x64xf32, #tpu.memory_space<vmem_shared>> -> memref<10000x64xf32, #tpu.memory_space<vmem_shared>>
    tpu.wait_indirect_dma semaphore(%arg18 : memref<!tpu.dma_semaphore, #tpu.memory_space<semaphore_mem>>) src(%arg8 : memref<125x64xf32, #tpu.memory_space<vmem>>) dst(%dma_wait3A_81 : memref<10000x64xf32, #tpu.memory_space<vmem_shared>>)
    %dma_wait3A_82 = arith.constant 156 : i32
    %dma_wait3A_83 = arith.constant 0 : i32
    %dma_wait3A_84 = tpu.memref_slice %arg7[%dma_wait3A_82, %dma_wait3A_83] : memref<160x125xi32, #tpu.memory_space<vmem>> -> memref<1x125xi32, #tpu.memory_space<vmem>>
    %dma_wait3A_85 = tpu.memref_squeeze %dma_wait3A_84 : memref<1x125xi32, #tpu.memory_space<vmem>> -> memref<125xi32, #tpu.memory_space<vmem>>
    %dma_wait3A_86 = arith.constant 0 : i32
    %dma_wait3A_87 = arith.constant 0 : i32
    %dma_wait3A_88 = tpu.memref_slice %arg23[%dma_wait3A_86, %dma_wait3A_87] : memref<10000x64xf32, #tpu.memory_space<vmem_shared>> -> memref<10000x64xf32, #tpu.memory_space<vmem_shared>>
    tpu.wait_indirect_dma semaphore(%arg19 : memref<!tpu.dma_semaphore, #tpu.memory_space<semaphore_mem>>) src(%arg9 : memref<125x64xf32, #tpu.memory_space<vmem>>) dst(%dma_wait3A_88 : memref<10000x64xf32, #tpu.memory_space<vmem_shared>>)
    %dma_wait3A_89 = arith.constant 157 : i32
    %dma_wait3A_90 = arith.constant 0 : i32
    %dma_wait3A_91 = tpu.memref_slice %arg7[%dma_wait3A_89, %dma_wait3A_90] : memref<160x125xi32, #tpu.memory_space<vmem>> -> memref<1x125xi32, #tpu.memory_space<vmem>>
    %dma_wait3A_92 = tpu.memref_squeeze %dma_wait3A_91 : memref<1x125xi32, #tpu.memory_space<vmem>> -> memref<125xi32, #tpu.memory_space<vmem>>
    %dma_wait3A_93 = arith.constant 0 : i32
    %dma_wait3A_94 = arith.constant 0 : i32
    %dma_wait3A_95 = tpu.memref_slice %arg23[%dma_wait3A_93, %dma_wait3A_94] : memref<10000x64xf32, #tpu.memory_space<vmem_shared>> -> memref<10000x64xf32, #tpu.memory_space<vmem_shared>>
    tpu.wait_indirect_dma semaphore(%arg20 : memref<!tpu.dma_semaphore, #tpu.memory_space<semaphore_mem>>) src(%arg10 : memref<125x64xf32, #tpu.memory_space<vmem>>) dst(%dma_wait3A_95 : memref<10000x64xf32, #tpu.memory_space<vmem_shared>>)
    %dma_wait3A_96 = arith.constant 158 : i32
    %dma_wait3A_97 = arith.constant 0 : i32
    %dma_wait3A_98 = tpu.memref_slice %arg7[%dma_wait3A_96, %dma_wait3A_97] : memref<160x125xi32, #tpu.memory_space<vmem>> -> memref<1x125xi32, #tpu.memory_space<vmem>>
    %dma_wait3A_99 = tpu.memref_squeeze %dma_wait3A_98 : memref<1x125xi32, #tpu.memory_space<vmem>> -> memref<125xi32, #tpu.memory_space<vmem>>
    %dma_wait3A_100 = arith.constant 0 : i32
    %dma_wait3A_101 = arith.constant 0 : i32
    %dma_wait3A_102 = tpu.memref_slice %arg23[%dma_wait3A_100, %dma_wait3A_101] : memref<10000x64xf32, #tpu.memory_space<vmem_shared>> -> memref<10000x64xf32, #tpu.memory_space<vmem_shared>>
    tpu.wait_indirect_dma semaphore(%arg21 : memref<!tpu.dma_semaphore, #tpu.memory_space<semaphore_mem>>) src(%arg11 : memref<125x64xf32, #tpu.memory_space<vmem>>) dst(%dma_wait3A_102 : memref<10000x64xf32, #tpu.memory_space<vmem_shared>>)
    %dma_wait3A_103 = arith.constant 159 : i32
    %dma_wait3A_104 = arith.constant 0 : i32
    %dma_wait3A_105 = tpu.memref_slice %arg7[%dma_wait3A_103, %dma_wait3A_104] : memref<160x125xi32, #tpu.memory_space<vmem>> -> memref<1x125xi32, #tpu.memory_space<vmem>>
    %dma_wait3A_106 = tpu.memref_squeeze %dma_wait3A_105 : memref<1x125xi32, #tpu.memory_space<vmem>> -> memref<125xi32, #tpu.memory_space<vmem>>
    %dma_wait3A_107 = arith.constant 0 : i32
    %dma_wait3A_108 = arith.constant 0 : i32
    %dma_wait3A_109 = tpu.memref_slice %arg23[%dma_wait3A_107, %dma_wait3A_108] : memref<10000x64xf32, #tpu.memory_space<vmem_shared>> -> memref<10000x64xf32, #tpu.memory_space<vmem_shared>>
    tpu.wait_indirect_dma semaphore(%arg22 : memref<!tpu.dma_semaphore, #tpu.memory_space<semaphore_mem>>) src(%arg12 : memref<125x64xf32, #tpu.memory_space<vmem>>) dst(%dma_wait3A_109 : memref<10000x64xf32, #tpu.memory_space<vmem_shared>>)
    %barrier3A_110 = arith.constant 0 : index
    tpu.barrier barrier_id(%barrier3A_110)
    %mul3A_111 = arith.constant 625 : i32
    %mul3A_112 = arith.muli %arg1, %mul3A_111 : i32
    %add3A_113 = arith.constant 0 : i32
    %add3A_114 = arith.addi %mul3A_112, %add3A_113 : i32
    "tpu.region"() ({
      %run_scoped3A = tpu.sem_alloc : memref<!tpu.dma_semaphore, #tpu.memory_space<semaphore_mem>>
      %dma_start3A_123 = arith.constant 0 : i32
      %dma_start3A_124 = arith.constant 0 : i32
      %dma_start3A_125 = tpu.memref_slice %arg8[%dma_start3A_123, %dma_start3A_124] : memref<125x64xf32, #tpu.memory_space<vmem>> -> memref<125x64xf32, #tpu.memory_space<vmem>>
      %dma_start3A_126 = arith.constant 0 : i32
      %dma_start3A_127 = tpu.memref_slice %arg23[%add3A_114, %dma_start3A_126] : memref<10000x64xf32, #tpu.memory_space<vmem_shared>> -> memref<125x64xf32, #tpu.memory_space<vmem_shared>>
      %dma_start3A_128 = arith.constant 0 : i32
      %dma_start3A_129 = arith.constant 0 : i32
      %dma_start3A_130 = tpu.memref_slice %arg8[%dma_start3A_128, %dma_start3A_129] : memref<125x64xf32, #tpu.memory_space<vmem>> -> memref<125x64xf32, #tpu.memory_space<vmem>>
      %dma_start3A_131 = arith.constant 0 : i32
      %dma_start3A_132 = tpu.memref_slice %arg23[%add3A_114, %dma_start3A_131] : memref<10000x64xf32, #tpu.memory_space<vmem_shared>> -> memref<125x64xf32, #tpu.memory_space<vmem_shared>>
      tpu.enqueue_dma source(%dma_start3A_132 : memref<125x64xf32, #tpu.memory_space<vmem_shared>>) target(%dma_start3A_130 : memref<125x64xf32, #tpu.memory_space<vmem>>) target_semaphore(%run_scoped3A : memref<!tpu.dma_semaphore, #tpu.memory_space<semaphore_mem>>)
      %dma_wait3A_133 = arith.constant 0 : i32
      %dma_wait3A_134 = arith.constant 0 : i32
      %dma_wait3A_135 = tpu.memref_slice %arg8[%dma_wait3A_133, %dma_wait3A_134] : memref<125x64xf32, #tpu.memory_space<vmem>> -> memref<125x64xf32, #tpu.memory_space<vmem>>
      %dma_wait3A_136 = arith.constant 0 : i32
      %dma_wait3A_137 = tpu.memref_slice %arg23[%add3A_114, %dma_wait3A_136] : memref<10000x64xf32, #tpu.memory_space<vmem_shared>> -> memref<125x64xf32, #tpu.memory_space<vmem_shared>>
      %dma_wait3A_138 = arith.constant 0 : i32
      %dma_wait3A_139 = arith.constant 0 : i32
      %dma_wait3A_140 = tpu.memref_slice %arg8[%dma_wait3A_138, %dma_wait3A_139] : memref<125x64xf32, #tpu.memory_space<vmem>> -> memref<125x64xf32, #tpu.memory_space<vmem>>
      %dma_wait3A_141 = arith.constant 0 : i32
      %dma_wait3A_142 = tpu.memref_slice %arg23[%add3A_114, %dma_wait3A_141] : memref<10000x64xf32, #tpu.memory_space<vmem_shared>> -> memref<125x64xf32, #tpu.memory_space<vmem_shared>>
      tpu.wait_dma2 semaphore(%run_scoped3A : memref<!tpu.dma_semaphore, #tpu.memory_space<semaphore_mem>>) src(%dma_wait3A_142 : memref<125x64xf32, #tpu.memory_space<vmem_shared>>) dst(%dma_wait3A_140 : memref<125x64xf32, #tpu.memory_space<vmem>>)
      tpu.yield
    }) : () -> ()
    "tpu.region"() ({
      %run_scoped3A = tpu.sem_alloc : memref<!tpu.dma_semaphore, #tpu.memory_space<semaphore_mem>>
      %dma_start3A_123 = arith.constant 0 : i32
      %dma_start3A_124 = arith.constant 0 : i32
      %dma_start3A_125 = tpu.memref_slice %arg8[%dma_start3A_123, %dma_start3A_124] : memref<125x64xf32, #tpu.memory_space<vmem>> -> memref<125x64xf32, #tpu.memory_space<vmem>>
      %dma_start3A_126 = arith.constant 0 : i32
      %dma_start3A_127 = arith.constant 0 : i32
      %dma_start3A_128 = tpu.memref_slice %arg5[%arg0, %arg1, %dma_start3A_126, %dma_start3A_127] : memref<2x16x625x64xf32, #tpu.memory_space<hbm>> -> memref<1x1x625x64xf32, #tpu.memory_space<hbm>>
      %dma_start3A_129 = tpu.memref_squeeze %dma_start3A_128 : memref<1x1x625x64xf32, #tpu.memory_space<hbm>> -> memref<625x64xf32, #tpu.memory_space<hbm>>
      %dma_start3A_130 = arith.constant 0 : i32
      %dma_start3A_131 = arith.constant 0 : i32
      %dma_start3A_132 = tpu.memref_slice %dma_start3A_129[%dma_start3A_130, %dma_start3A_131] : memref<625x64xf32, #tpu.memory_space<hbm>> -> memref<125x64xf32, #tpu.memory_space<hbm>>
      %dma_start3A_133 = arith.constant 0 : i32
      %dma_start3A_134 = arith.constant 0 : i32
      %dma_start3A_135 = tpu.memref_slice %arg5[%arg0, %arg1, %dma_start3A_133, %dma_start3A_134] : memref<2x16x625x64xf32, #tpu.memory_space<hbm>> -> memref<1x1x625x64xf32, #tpu.memory_space<hbm>>
      %dma_start3A_136 = tpu.memref_squeeze %dma_start3A_135 : memref<1x1x625x64xf32, #tpu.memory_space<hbm>> -> memref<625x64xf32, #tpu.memory_space<hbm>>
      %dma_start3A_137 = arith.constant 0 : i32
      %dma_start3A_138 = arith.constant 0 : i32
      %dma_start3A_139 = tpu.memref_slice %dma_start3A_136[%dma_start3A_137, %dma_start3A_138] : memref<625x64xf32, #tpu.memory_space<hbm>> -> memref<125x64xf32, #tpu.memory_space<hbm>>
      %dma_start3A_140 = arith.constant 0 : i32
      %dma_start3A_141 = arith.constant 0 : i32
      %dma_start3A_142 = tpu.memref_slice %arg8[%dma_start3A_140, %dma_start3A_141] : memref<125x64xf32, #tpu.memory_space<vmem>> -> memref<125x64xf32, #tpu.memory_space<vmem>>
      tpu.enqueue_dma source(%dma_start3A_142 : memref<125x64xf32, #tpu.memory_space<vmem>>) target(%dma_start3A_139 : memref<125x64xf32, #tpu.memory_space<hbm>>) target_semaphore(%run_scoped3A : memref<!tpu.dma_semaphore, #tpu.memory_space<semaphore_mem>>)
      %dma_wait3A_143 = arith.constant 0 : i32
      %dma_wait3A_144 = arith.constant 0 : i32
      %dma_wait3A_145 = tpu.memref_slice %arg8[%dma_wait3A_143, %dma_wait3A_144] : memref<125x64xf32, #tpu.memory_space<vmem>> -> memref<125x64xf32, #tpu.memory_space<vmem>>
      %dma_wait3A_146 = arith.constant 0 : i32
      %dma_wait3A_147 = arith.constant 0 : i32
      %dma_wait3A_148 = tpu.memref_slice %arg5[%arg0, %arg1, %dma_wait3A_146, %dma_wait3A_147] : memref<2x16x625x64xf32, #tpu.memory_space<hbm>> -> memref<1x1x625x64xf32, #tpu.memory_space<hbm>>
      %dma_wait3A_149 = tpu.memref_squeeze %dma_wait3A_148 : memref<1x1x625x64xf32, #tpu.memory_space<hbm>> -> memref<625x64xf32, #tpu.memory_space<hbm>>
      %dma_wait3A_150 = arith.constant 0 : i32
      %dma_wait3A_151 = arith.constant 0 : i32
      %dma_wait3A_152 = tpu.memref_slice %dma_wait3A_149[%dma_wait3A_150, %dma_wait3A_151] : memref<625x64xf32, #tpu.memory_space<hbm>> -> memref<125x64xf32, #tpu.memory_space<hbm>>
      %dma_wait3A_153 = arith.constant 0 : i32
      %dma_wait3A_154 = arith.constant 0 : i32
      %dma_wait3A_155 = tpu.memref_slice %arg5[%arg0, %arg1, %dma_wait3A_153, %dma_wait3A_154] : memref<2x16x625x64xf32, #tpu.memory_space<hbm>> -> memref<1x1x625x64xf32, #tpu.memory_space<hbm>>
      %dma_wait3A_156 = tpu.memref_squeeze %dma_wait3A_155 : memref<1x1x625x64xf32, #tpu.memory_space<hbm>> -> memref<625x64xf32, #tpu.memory_space<hbm>>
      %dma_wait3A_157 = arith.constant 0 : i32
      %dma_wait3A_158 = arith.constant 0 : i32
      %dma_wait3A_159 = tpu.memref_slice %dma_wait3A_156[%dma_wait3A_157, %dma_wait3A_158] : memref<625x64xf32, #tpu.memory_space<hbm>> -> memref<125x64xf32, #tpu.memory_space<hbm>>
      %dma_wait3A_160 = arith.constant 0 : i32
      %dma_wait3A_161 = arith.constant 0 : i32
      %dma_wait3A_162 = tpu.memref_slice %arg8[%dma_wait3A_160, %dma_wait3A_161] : memref<125x64xf32, #tpu.memory_space<vmem>> -> memref<125x64xf32, #tpu.memory_space<vmem>>
      tpu.wait_dma2 semaphore(%run_scoped3A : memref<!tpu.dma_semaphore, #tpu.memory_space<semaphore_mem>>) src(%dma_wait3A_162 : memref<125x64xf32, #tpu.memory_space<vmem>>) dst(%dma_wait3A_159 : memref<125x64xf32, #tpu.memory_space<hbm>>)
      tpu.yield
    }) : () -> ()
    %add3A_115 = arith.constant 125 : i32
    %add3A_116 = arith.addi %mul3A_112, %add3A_115 : i32
    "tpu.region"() ({
      %run_scoped3A = tpu.sem_alloc : memref<!tpu.dma_semaphore, #tpu.memory_space<semaphore_mem>>
      %dma_start3A_123 = arith.constant 0 : i32
      %dma_start3A_124 = arith.constant 0 : i32
      %dma_start3A_125 = tpu.memref_slice %arg8[%dma_start3A_123, %dma_start3A_124] : memref<125x64xf32, #tpu.memory_space<vmem>> -> memref<125x64xf32, #tpu.memory_space<vmem>>
      %dma_start3A_126 = arith.constant 0 : i32
      %dma_start3A_127 = tpu.memref_slice %arg23[%add3A_116, %dma_start3A_126] : memref<10000x64xf32, #tpu.memory_space<vmem_shared>> -> memref<125x64xf32, #tpu.memory_space<vmem_shared>>
      %dma_start3A_128 = arith.constant 0 : i32
      %dma_start3A_129 = arith.constant 0 : i32
      %dma_start3A_130 = tpu.memref_slice %arg8[%dma_start3A_128, %dma_start3A_129] : memref<125x64xf32, #tpu.memory_space<vmem>> -> memref<125x64xf32, #tpu.memory_space<vmem>>
      %dma_start3A_131 = arith.constant 0 : i32
      %dma_start3A_132 = tpu.memref_slice %arg23[%add3A_116, %dma_start3A_131] : memref<10000x64xf32, #tpu.memory_space<vmem_shared>> -> memref<125x64xf32, #tpu.memory_space<vmem_shared>>
      tpu.enqueue_dma source(%dma_start3A_132 : memref<125x64xf32, #tpu.memory_space<vmem_shared>>) target(%dma_start3A_130 : memref<125x64xf32, #tpu.memory_space<vmem>>) target_semaphore(%run_scoped3A : memref<!tpu.dma_semaphore, #tpu.memory_space<semaphore_mem>>)
      %dma_wait3A_133 = arith.constant 0 : i32
      %dma_wait3A_134 = arith.constant 0 : i32
      %dma_wait3A_135 = tpu.memref_slice %arg8[%dma_wait3A_133, %dma_wait3A_134] : memref<125x64xf32, #tpu.memory_space<vmem>> -> memref<125x64xf32, #tpu.memory_space<vmem>>
      %dma_wait3A_136 = arith.constant 0 : i32
      %dma_wait3A_137 = tpu.memref_slice %arg23[%add3A_116, %dma_wait3A_136] : memref<10000x64xf32, #tpu.memory_space<vmem_shared>> -> memref<125x64xf32, #tpu.memory_space<vmem_shared>>
      %dma_wait3A_138 = arith.constant 0 : i32
      %dma_wait3A_139 = arith.constant 0 : i32
      %dma_wait3A_140 = tpu.memref_slice %arg8[%dma_wait3A_138, %dma_wait3A_139] : memref<125x64xf32, #tpu.memory_space<vmem>> -> memref<125x64xf32, #tpu.memory_space<vmem>>
      %dma_wait3A_141 = arith.constant 0 : i32
      %dma_wait3A_142 = tpu.memref_slice %arg23[%add3A_116, %dma_wait3A_141] : memref<10000x64xf32, #tpu.memory_space<vmem_shared>> -> memref<125x64xf32, #tpu.memory_space<vmem_shared>>
      tpu.wait_dma2 semaphore(%run_scoped3A : memref<!tpu.dma_semaphore, #tpu.memory_space<semaphore_mem>>) src(%dma_wait3A_142 : memref<125x64xf32, #tpu.memory_space<vmem_shared>>) dst(%dma_wait3A_140 : memref<125x64xf32, #tpu.memory_space<vmem>>)
      tpu.yield
    }) : () -> ()
    "tpu.region"() ({
      %run_scoped3A = tpu.sem_alloc : memref<!tpu.dma_semaphore, #tpu.memory_space<semaphore_mem>>
      %dma_start3A_123 = arith.constant 0 : i32
      %dma_start3A_124 = arith.constant 0 : i32
      %dma_start3A_125 = tpu.memref_slice %arg8[%dma_start3A_123, %dma_start3A_124] : memref<125x64xf32, #tpu.memory_space<vmem>> -> memref<125x64xf32, #tpu.memory_space<vmem>>
      %dma_start3A_126 = arith.constant 0 : i32
      %dma_start3A_127 = arith.constant 0 : i32
      %dma_start3A_128 = tpu.memref_slice %arg5[%arg0, %arg1, %dma_start3A_126, %dma_start3A_127] : memref<2x16x625x64xf32, #tpu.memory_space<hbm>> -> memref<1x1x625x64xf32, #tpu.memory_space<hbm>>
      %dma_start3A_129 = tpu.memref_squeeze %dma_start3A_128 : memref<1x1x625x64xf32, #tpu.memory_space<hbm>> -> memref<625x64xf32, #tpu.memory_space<hbm>>
      %dma_start3A_130 = arith.constant 125 : i32
      %dma_start3A_131 = arith.constant 0 : i32
      %dma_start3A_132 = tpu.memref_slice %dma_start3A_129[%dma_start3A_130, %dma_start3A_131] : memref<625x64xf32, #tpu.memory_space<hbm>> -> memref<125x64xf32, #tpu.memory_space<hbm>>
      %dma_start3A_133 = arith.constant 0 : i32
      %dma_start3A_134 = arith.constant 0 : i32
      %dma_start3A_135 = tpu.memref_slice %arg5[%arg0, %arg1, %dma_start3A_133, %dma_start3A_134] : memref<2x16x625x64xf32, #tpu.memory_space<hbm>> -> memref<1x1x625x64xf32, #tpu.memory_space<hbm>>
      %dma_start3A_136 = tpu.memref_squeeze %dma_start3A_135 : memref<1x1x625x64xf32, #tpu.memory_space<hbm>> -> memref<625x64xf32, #tpu.memory_space<hbm>>
      %dma_start3A_137 = arith.constant 125 : i32
      %dma_start3A_138 = arith.constant 0 : i32
      %dma_start3A_139 = tpu.memref_slice %dma_start3A_136[%dma_start3A_137, %dma_start3A_138] : memref<625x64xf32, #tpu.memory_space<hbm>> -> memref<125x64xf32, #tpu.memory_space<hbm>>
      %dma_start3A_140 = arith.constant 0 : i32
      %dma_start3A_141 = arith.constant 0 : i32
      %dma_start3A_142 = tpu.memref_slice %arg8[%dma_start3A_140, %dma_start3A_141] : memref<125x64xf32, #tpu.memory_space<vmem>> -> memref<125x64xf32, #tpu.memory_space<vmem>>
      tpu.enqueue_dma source(%dma_start3A_142 : memref<125x64xf32, #tpu.memory_space<vmem>>) target(%dma_start3A_139 : memref<125x64xf32, #tpu.memory_space<hbm>>) target_semaphore(%run_scoped3A : memref<!tpu.dma_semaphore, #tpu.memory_space<semaphore_mem>>)
      %dma_wait3A_143 = arith.constant 0 : i32
      %dma_wait3A_144 = arith.constant 0 : i32
      %dma_wait3A_145 = tpu.memref_slice %arg8[%dma_wait3A_143, %dma_wait3A_144] : memref<125x64xf32, #tpu.memory_space<vmem>> -> memref<125x64xf32, #tpu.memory_space<vmem>>
      %dma_wait3A_146 = arith.constant 0 : i32
      %dma_wait3A_147 = arith.constant 0 : i32
      %dma_wait3A_148 = tpu.memref_slice %arg5[%arg0, %arg1, %dma_wait3A_146, %dma_wait3A_147] : memref<2x16x625x64xf32, #tpu.memory_space<hbm>> -> memref<1x1x625x64xf32, #tpu.memory_space<hbm>>
      %dma_wait3A_149 = tpu.memref_squeeze %dma_wait3A_148 : memref<1x1x625x64xf32, #tpu.memory_space<hbm>> -> memref<625x64xf32, #tpu.memory_space<hbm>>
      %dma_wait3A_150 = arith.constant 125 : i32
      %dma_wait3A_151 = arith.constant 0 : i32
      %dma_wait3A_152 = tpu.memref_slice %dma_wait3A_149[%dma_wait3A_150, %dma_wait3A_151] : memref<625x64xf32, #tpu.memory_space<hbm>> -> memref<125x64xf32, #tpu.memory_space<hbm>>
      %dma_wait3A_153 = arith.constant 0 : i32
      %dma_wait3A_154 = arith.constant 0 : i32
      %dma_wait3A_155 = tpu.memref_slice %arg5[%arg0, %arg1, %dma_wait3A_153, %dma_wait3A_154] : memref<2x16x625x64xf32, #tpu.memory_space<hbm>> -> memref<1x1x625x64xf32, #tpu.memory_space<hbm>>
      %dma_wait3A_156 = tpu.memref_squeeze %dma_wait3A_155 : memref<1x1x625x64xf32, #tpu.memory_space<hbm>> -> memref<625x64xf32, #tpu.memory_space<hbm>>
      %dma_wait3A_157 = arith.constant 125 : i32
      %dma_wait3A_158 = arith.constant 0 : i32
      %dma_wait3A_159 = tpu.memref_slice %dma_wait3A_156[%dma_wait3A_157, %dma_wait3A_158] : memref<625x64xf32, #tpu.memory_space<hbm>> -> memref<125x64xf32, #tpu.memory_space<hbm>>
      %dma_wait3A_160 = arith.constant 0 : i32
      %dma_wait3A_161 = arith.constant 0 : i32
      %dma_wait3A_162 = tpu.memref_slice %arg8[%dma_wait3A_160, %dma_wait3A_161] : memref<125x64xf32, #tpu.memory_space<vmem>> -> memref<125x64xf32, #tpu.memory_space<vmem>>
      tpu.wait_dma2 semaphore(%run_scoped3A : memref<!tpu.dma_semaphore, #tpu.memory_space<semaphore_mem>>) src(%dma_wait3A_162 : memref<125x64xf32, #tpu.memory_space<vmem>>) dst(%dma_wait3A_159 : memref<125x64xf32, #tpu.memory_space<hbm>>)
      tpu.yield
    }) : () -> ()
    %add3A_117 = arith.constant 250 : i32
    %add3A_118 = arith.addi %mul3A_112, %add3A_117 : i32
    "tpu.region"() ({
      %run_scoped3A = tpu.sem_alloc : memref<!tpu.dma_semaphore, #tpu.memory_space<semaphore_mem>>
      %dma_start3A_123 = arith.constant 0 : i32
      %dma_start3A_124 = arith.constant 0 : i32
      %dma_start3A_125 = tpu.memref_slice %arg8[%dma_start3A_123, %dma_start3A_124] : memref<125x64xf32, #tpu.memory_space<vmem>> -> memref<125x64xf32, #tpu.memory_space<vmem>>
      %dma_start3A_126 = arith.constant 0 : i32
      %dma_start3A_127 = tpu.memref_slice %arg23[%add3A_118, %dma_start3A_126] : memref<10000x64xf32, #tpu.memory_space<vmem_shared>> -> memref<125x64xf32, #tpu.memory_space<vmem_shared>>
      %dma_start3A_128 = arith.constant 0 : i32
      %dma_start3A_129 = arith.constant 0 : i32
      %dma_start3A_130 = tpu.memref_slice %arg8[%dma_start3A_128, %dma_start3A_129] : memref<125x64xf32, #tpu.memory_space<vmem>> -> memref<125x64xf32, #tpu.memory_space<vmem>>
      %dma_start3A_131 = arith.constant 0 : i32
      %dma_start3A_132 = tpu.memref_slice %arg23[%add3A_118, %dma_start3A_131] : memref<10000x64xf32, #tpu.memory_space<vmem_shared>> -> memref<125x64xf32, #tpu.memory_space<vmem_shared>>
      tpu.enqueue_dma source(%dma_start3A_132 : memref<125x64xf32, #tpu.memory_space<vmem_shared>>) target(%dma_start3A_130 : memref<125x64xf32, #tpu.memory_space<vmem>>) target_semaphore(%run_scoped3A : memref<!tpu.dma_semaphore, #tpu.memory_space<semaphore_mem>>)
      %dma_wait3A_133 = arith.constant 0 : i32
      %dma_wait3A_134 = arith.constant 0 : i32
      %dma_wait3A_135 = tpu.memref_slice %arg8[%dma_wait3A_133, %dma_wait3A_134] : memref<125x64xf32, #tpu.memory_space<vmem>> -> memref<125x64xf32, #tpu.memory_space<vmem>>
      %dma_wait3A_136 = arith.constant 0 : i32
      %dma_wait3A_137 = tpu.memref_slice %arg23[%add3A_118, %dma_wait3A_136] : memref<10000x64xf32, #tpu.memory_space<vmem_shared>> -> memref<125x64xf32, #tpu.memory_space<vmem_shared>>
      %dma_wait3A_138 = arith.constant 0 : i32
      %dma_wait3A_139 = arith.constant 0 : i32
      %dma_wait3A_140 = tpu.memref_slice %arg8[%dma_wait3A_138, %dma_wait3A_139] : memref<125x64xf32, #tpu.memory_space<vmem>> -> memref<125x64xf32, #tpu.memory_space<vmem>>
      %dma_wait3A_141 = arith.constant 0 : i32
      %dma_wait3A_142 = tpu.memref_slice %arg23[%add3A_118, %dma_wait3A_141] : memref<10000x64xf32, #tpu.memory_space<vmem_shared>> -> memref<125x64xf32, #tpu.memory_space<vmem_shared>>
      tpu.wait_dma2 semaphore(%run_scoped3A : memref<!tpu.dma_semaphore, #tpu.memory_space<semaphore_mem>>) src(%dma_wait3A_142 : memref<125x64xf32, #tpu.memory_space<vmem_shared>>) dst(%dma_wait3A_140 : memref<125x64xf32, #tpu.memory_space<vmem>>)
      tpu.yield
    }) : () -> ()
    "tpu.region"() ({
      %run_scoped3A = tpu.sem_alloc : memref<!tpu.dma_semaphore, #tpu.memory_space<semaphore_mem>>
      %dma_start3A_123 = arith.constant 0 : i32
      %dma_start3A_124 = arith.constant 0 : i32
      %dma_start3A_125 = tpu.memref_slice %arg8[%dma_start3A_123, %dma_start3A_124] : memref<125x64xf32, #tpu.memory_space<vmem>> -> memref<125x64xf32, #tpu.memory_space<vmem>>
      %dma_start3A_126 = arith.constant 0 : i32
      %dma_start3A_127 = arith.constant 0 : i32
      %dma_start3A_128 = tpu.memref_slice %arg5[%arg0, %arg1, %dma_start3A_126, %dma_start3A_127] : memref<2x16x625x64xf32, #tpu.memory_space<hbm>> -> memref<1x1x625x64xf32, #tpu.memory_space<hbm>>
      %dma_start3A_129 = tpu.memref_squeeze %dma_start3A_128 : memref<1x1x625x64xf32, #tpu.memory_space<hbm>> -> memref<625x64xf32, #tpu.memory_space<hbm>>
      %dma_start3A_130 = arith.constant 250 : i32
      %dma_start3A_131 = arith.constant 0 : i32
      %dma_start3A_132 = tpu.memref_slice %dma_start3A_129[%dma_start3A_130, %dma_start3A_131] : memref<625x64xf32, #tpu.memory_space<hbm>> -> memref<125x64xf32, #tpu.memory_space<hbm>>
      %dma_start3A_133 = arith.constant 0 : i32
      %dma_start3A_134 = arith.constant 0 : i32
      %dma_start3A_135 = tpu.memref_slice %arg5[%arg0, %arg1, %dma_start3A_133, %dma_start3A_134] : memref<2x16x625x64xf32, #tpu.memory_space<hbm>> -> memref<1x1x625x64xf32, #tpu.memory_space<hbm>>
      %dma_start3A_136 = tpu.memref_squeeze %dma_start3A_135 : memref<1x1x625x64xf32, #tpu.memory_space<hbm>> -> memref<625x64xf32, #tpu.memory_space<hbm>>
      %dma_start3A_137 = arith.constant 250 : i32
      %dma_start3A_138 = arith.constant 0 : i32
      %dma_start3A_139 = tpu.memref_slice %dma_start3A_136[%dma_start3A_137, %dma_start3A_138] : memref<625x64xf32, #tpu.memory_space<hbm>> -> memref<125x64xf32, #tpu.memory_space<hbm>>
      %dma_start3A_140 = arith.constant 0 : i32
      %dma_start3A_141 = arith.constant 0 : i32
      %dma_start3A_142 = tpu.memref_slice %arg8[%dma_start3A_140, %dma_start3A_141] : memref<125x64xf32, #tpu.memory_space<vmem>> -> memref<125x64xf32, #tpu.memory_space<vmem>>
      tpu.enqueue_dma source(%dma_start3A_142 : memref<125x64xf32, #tpu.memory_space<vmem>>) target(%dma_start3A_139 : memref<125x64xf32, #tpu.memory_space<hbm>>) target_semaphore(%run_scoped3A : memref<!tpu.dma_semaphore, #tpu.memory_space<semaphore_mem>>)
      %dma_wait3A_143 = arith.constant 0 : i32
      %dma_wait3A_144 = arith.constant 0 : i32
      %dma_wait3A_145 = tpu.memref_slice %arg8[%dma_wait3A_143, %dma_wait3A_144] : memref<125x64xf32, #tpu.memory_space<vmem>> -> memref<125x64xf32, #tpu.memory_space<vmem>>
      %dma_wait3A_146 = arith.constant 0 : i32
      %dma_wait3A_147 = arith.constant 0 : i32
      %dma_wait3A_148 = tpu.memref_slice %arg5[%arg0, %arg1, %dma_wait3A_146, %dma_wait3A_147] : memref<2x16x625x64xf32, #tpu.memory_space<hbm>> -> memref<1x1x625x64xf32, #tpu.memory_space<hbm>>
      %dma_wait3A_149 = tpu.memref_squeeze %dma_wait3A_148 : memref<1x1x625x64xf32, #tpu.memory_space<hbm>> -> memref<625x64xf32, #tpu.memory_space<hbm>>
      %dma_wait3A_150 = arith.constant 250 : i32
      %dma_wait3A_151 = arith.constant 0 : i32
      %dma_wait3A_152 = tpu.memref_slice %dma_wait3A_149[%dma_wait3A_150, %dma_wait3A_151] : memref<625x64xf32, #tpu.memory_space<hbm>> -> memref<125x64xf32, #tpu.memory_space<hbm>>
      %dma_wait3A_153 = arith.constant 0 : i32
      %dma_wait3A_154 = arith.constant 0 : i32
      %dma_wait3A_155 = tpu.memref_slice %arg5[%arg0, %arg1, %dma_wait3A_153, %dma_wait3A_154] : memref<2x16x625x64xf32, #tpu.memory_space<hbm>> -> memref<1x1x625x64xf32, #tpu.memory_space<hbm>>
      %dma_wait3A_156 = tpu.memref_squeeze %dma_wait3A_155 : memref<1x1x625x64xf32, #tpu.memory_space<hbm>> -> memref<625x64xf32, #tpu.memory_space<hbm>>
      %dma_wait3A_157 = arith.constant 250 : i32
      %dma_wait3A_158 = arith.constant 0 : i32
      %dma_wait3A_159 = tpu.memref_slice %dma_wait3A_156[%dma_wait3A_157, %dma_wait3A_158] : memref<625x64xf32, #tpu.memory_space<hbm>> -> memref<125x64xf32, #tpu.memory_space<hbm>>
      %dma_wait3A_160 = arith.constant 0 : i32
      %dma_wait3A_161 = arith.constant 0 : i32
      %dma_wait3A_162 = tpu.memref_slice %arg8[%dma_wait3A_160, %dma_wait3A_161] : memref<125x64xf32, #tpu.memory_space<vmem>> -> memref<125x64xf32, #tpu.memory_space<vmem>>
      tpu.wait_dma2 semaphore(%run_scoped3A : memref<!tpu.dma_semaphore, #tpu.memory_space<semaphore_mem>>) src(%dma_wait3A_162 : memref<125x64xf32, #tpu.memory_space<vmem>>) dst(%dma_wait3A_159 : memref<125x64xf32, #tpu.memory_space<hbm>>)
      tpu.yield
    }) : () -> ()
    %add3A_119 = arith.constant 375 : i32
    %add3A_120 = arith.addi %mul3A_112, %add3A_119 : i32
    "tpu.region"() ({
      %run_scoped3A = tpu.sem_alloc : memref<!tpu.dma_semaphore, #tpu.memory_space<semaphore_mem>>
      %dma_start3A_123 = arith.constant 0 : i32
      %dma_start3A_124 = arith.constant 0 : i32
      %dma_start3A_125 = tpu.memref_slice %arg8[%dma_start3A_123, %dma_start3A_124] : memref<125x64xf32, #tpu.memory_space<vmem>> -> memref<125x64xf32, #tpu.memory_space<vmem>>
      %dma_start3A_126 = arith.constant 0 : i32
      %dma_start3A_127 = tpu.memref_slice %arg23[%add3A_120, %dma_start3A_126] : memref<10000x64xf32, #tpu.memory_space<vmem_shared>> -> memref<125x64xf32, #tpu.memory_space<vmem_shared>>
      %dma_start3A_128 = arith.constant 0 : i32
      %dma_start3A_129 = arith.constant 0 : i32
      %dma_start3A_130 = tpu.memref_slice %arg8[%dma_start3A_128, %dma_start3A_129] : memref<125x64xf32, #tpu.memory_space<vmem>> -> memref<125x64xf32, #tpu.memory_space<vmem>>
      %dma_start3A_131 = arith.constant 0 : i32
      %dma_start3A_132 = tpu.memref_slice %arg23[%add3A_120, %dma_start3A_131] : memref<10000x64xf32, #tpu.memory_space<vmem_shared>> -> memref<125x64xf32, #tpu.memory_space<vmem_shared>>
      tpu.enqueue_dma source(%dma_start3A_132 : memref<125x64xf32, #tpu.memory_space<vmem_shared>>) target(%dma_start3A_130 : memref<125x64xf32, #tpu.memory_space<vmem>>) target_semaphore(%run_scoped3A : memref<!tpu.dma_semaphore, #tpu.memory_space<semaphore_mem>>)
      %dma_wait3A_133 = arith.constant 0 : i32
      %dma_wait3A_134 = arith.constant 0 : i32
      %dma_wait3A_135 = tpu.memref_slice %arg8[%dma_wait3A_133, %dma_wait3A_134] : memref<125x64xf32, #tpu.memory_space<vmem>> -> memref<125x64xf32, #tpu.memory_space<vmem>>
      %dma_wait3A_136 = arith.constant 0 : i32
      %dma_wait3A_137 = tpu.memref_slice %arg23[%add3A_120, %dma_wait3A_136] : memref<10000x64xf32, #tpu.memory_space<vmem_shared>> -> memref<125x64xf32, #tpu.memory_space<vmem_shared>>
      %dma_wait3A_138 = arith.constant 0 : i32
      %dma_wait3A_139 = arith.constant 0 : i32
      %dma_wait3A_140 = tpu.memref_slice %arg8[%dma_wait3A_138, %dma_wait3A_139] : memref<125x64xf32, #tpu.memory_space<vmem>> -> memref<125x64xf32, #tpu.memory_space<vmem>>
      %dma_wait3A_141 = arith.constant 0 : i32
      %dma_wait3A_142 = tpu.memref_slice %arg23[%add3A_120, %dma_wait3A_141] : memref<10000x64xf32, #tpu.memory_space<vmem_shared>> -> memref<125x64xf32, #tpu.memory_space<vmem_shared>>
      tpu.wait_dma2 semaphore(%run_scoped3A : memref<!tpu.dma_semaphore, #tpu.memory_space<semaphore_mem>>) src(%dma_wait3A_142 : memref<125x64xf32, #tpu.memory_space<vmem_shared>>) dst(%dma_wait3A_140 : memref<125x64xf32, #tpu.memory_space<vmem>>)
      tpu.yield
    }) : () -> ()
    "tpu.region"() ({
      %run_scoped3A = tpu.sem_alloc : memref<!tpu.dma_semaphore, #tpu.memory_space<semaphore_mem>>
      %dma_start3A_123 = arith.constant 0 : i32
      %dma_start3A_124 = arith.constant 0 : i32
      %dma_start3A_125 = tpu.memref_slice %arg8[%dma_start3A_123, %dma_start3A_124] : memref<125x64xf32, #tpu.memory_space<vmem>> -> memref<125x64xf32, #tpu.memory_space<vmem>>
      %dma_start3A_126 = arith.constant 0 : i32
      %dma_start3A_127 = arith.constant 0 : i32
      %dma_start3A_128 = tpu.memref_slice %arg5[%arg0, %arg1, %dma_start3A_126, %dma_start3A_127] : memref<2x16x625x64xf32, #tpu.memory_space<hbm>> -> memref<1x1x625x64xf32, #tpu.memory_space<hbm>>
      %dma_start3A_129 = tpu.memref_squeeze %dma_start3A_128 : memref<1x1x625x64xf32, #tpu.memory_space<hbm>> -> memref<625x64xf32, #tpu.memory_space<hbm>>
      %dma_start3A_130 = arith.constant 375 : i32
      %dma_start3A_131 = arith.constant 0 : i32
      %dma_start3A_132 = tpu.memref_slice %dma_start3A_129[%dma_start3A_130, %dma_start3A_131] : memref<625x64xf32, #tpu.memory_space<hbm>> -> memref<125x64xf32, #tpu.memory_space<hbm>>
      %dma_start3A_133 = arith.constant 0 : i32
      %dma_start3A_134 = arith.constant 0 : i32
      %dma_start3A_135 = tpu.memref_slice %arg5[%arg0, %arg1, %dma_start3A_133, %dma_start3A_134] : memref<2x16x625x64xf32, #tpu.memory_space<hbm>> -> memref<1x1x625x64xf32, #tpu.memory_space<hbm>>
      %dma_start3A_136 = tpu.memref_squeeze %dma_start3A_135 : memref<1x1x625x64xf32, #tpu.memory_space<hbm>> -> memref<625x64xf32, #tpu.memory_space<hbm>>
      %dma_start3A_137 = arith.constant 375 : i32
      %dma_start3A_138 = arith.constant 0 : i32
      %dma_start3A_139 = tpu.memref_slice %dma_start3A_136[%dma_start3A_137, %dma_start3A_138] : memref<625x64xf32, #tpu.memory_space<hbm>> -> memref<125x64xf32, #tpu.memory_space<hbm>>
      %dma_start3A_140 = arith.constant 0 : i32
      %dma_start3A_141 = arith.constant 0 : i32
      %dma_start3A_142 = tpu.memref_slice %arg8[%dma_start3A_140, %dma_start3A_141] : memref<125x64xf32, #tpu.memory_space<vmem>> -> memref<125x64xf32, #tpu.memory_space<vmem>>
      tpu.enqueue_dma source(%dma_start3A_142 : memref<125x64xf32, #tpu.memory_space<vmem>>) target(%dma_start3A_139 : memref<125x64xf32, #tpu.memory_space<hbm>>) target_semaphore(%run_scoped3A : memref<!tpu.dma_semaphore, #tpu.memory_space<semaphore_mem>>)
      %dma_wait3A_143 = arith.constant 0 : i32
      %dma_wait3A_144 = arith.constant 0 : i32
      %dma_wait3A_145 = tpu.memref_slice %arg8[%dma_wait3A_143, %dma_wait3A_144] : memref<125x64xf32, #tpu.memory_space<vmem>> -> memref<125x64xf32, #tpu.memory_space<vmem>>
      %dma_wait3A_146 = arith.constant 0 : i32
      %dma_wait3A_147 = arith.constant 0 : i32
      %dma_wait3A_148 = tpu.memref_slice %arg5[%arg0, %arg1, %dma_wait3A_146, %dma_wait3A_147] : memref<2x16x625x64xf32, #tpu.memory_space<hbm>> -> memref<1x1x625x64xf32, #tpu.memory_space<hbm>>
      %dma_wait3A_149 = tpu.memref_squeeze %dma_wait3A_148 : memref<1x1x625x64xf32, #tpu.memory_space<hbm>> -> memref<625x64xf32, #tpu.memory_space<hbm>>
      %dma_wait3A_150 = arith.constant 375 : i32
      %dma_wait3A_151 = arith.constant 0 : i32
      %dma_wait3A_152 = tpu.memref_slice %dma_wait3A_149[%dma_wait3A_150, %dma_wait3A_151] : memref<625x64xf32, #tpu.memory_space<hbm>> -> memref<125x64xf32, #tpu.memory_space<hbm>>
      %dma_wait3A_153 = arith.constant 0 : i32
      %dma_wait3A_154 = arith.constant 0 : i32
      %dma_wait3A_155 = tpu.memref_slice %arg5[%arg0, %arg1, %dma_wait3A_153, %dma_wait3A_154] : memref<2x16x625x64xf32, #tpu.memory_space<hbm>> -> memref<1x1x625x64xf32, #tpu.memory_space<hbm>>
      %dma_wait3A_156 = tpu.memref_squeeze %dma_wait3A_155 : memref<1x1x625x64xf32, #tpu.memory_space<hbm>> -> memref<625x64xf32, #tpu.memory_space<hbm>>
      %dma_wait3A_157 = arith.constant 375 : i32
      %dma_wait3A_158 = arith.constant 0 : i32
      %dma_wait3A_159 = tpu.memref_slice %dma_wait3A_156[%dma_wait3A_157, %dma_wait3A_158] : memref<625x64xf32, #tpu.memory_space<hbm>> -> memref<125x64xf32, #tpu.memory_space<hbm>>
      %dma_wait3A_160 = arith.constant 0 : i32
      %dma_wait3A_161 = arith.constant 0 : i32
      %dma_wait3A_162 = tpu.memref_slice %arg8[%dma_wait3A_160, %dma_wait3A_161] : memref<125x64xf32, #tpu.memory_space<vmem>> -> memref<125x64xf32, #tpu.memory_space<vmem>>
      tpu.wait_dma2 semaphore(%run_scoped3A : memref<!tpu.dma_semaphore, #tpu.memory_space<semaphore_mem>>) src(%dma_wait3A_162 : memref<125x64xf32, #tpu.memory_space<vmem>>) dst(%dma_wait3A_159 : memref<125x64xf32, #tpu.memory_space<hbm>>)
      tpu.yield
    }) : () -> ()
    %add3A_121 = arith.constant 500 : i32
    %add3A_122 = arith.addi %mul3A_112, %add3A_121 : i32
    "tpu.region"() ({
      %run_scoped3A = tpu.sem_alloc : memref<!tpu.dma_semaphore, #tpu.memory_space<semaphore_mem>>
      %dma_start3A_123 = arith.constant 0 : i32
      %dma_start3A_124 = arith.constant 0 : i32
      %dma_start3A_125 = tpu.memref_slice %arg8[%dma_start3A_123, %dma_start3A_124] : memref<125x64xf32, #tpu.memory_space<vmem>> -> memref<125x64xf32, #tpu.memory_space<vmem>>
      %dma_start3A_126 = arith.constant 0 : i32
      %dma_start3A_127 = tpu.memref_slice %arg23[%add3A_122, %dma_start3A_126] : memref<10000x64xf32, #tpu.memory_space<vmem_shared>> -> memref<125x64xf32, #tpu.memory_space<vmem_shared>>
      %dma_start3A_128 = arith.constant 0 : i32
      %dma_start3A_129 = arith.constant 0 : i32
      %dma_start3A_130 = tpu.memref_slice %arg8[%dma_start3A_128, %dma_start3A_129] : memref<125x64xf32, #tpu.memory_space<vmem>> -> memref<125x64xf32, #tpu.memory_space<vmem>>
      %dma_start3A_131 = arith.constant 0 : i32
      %dma_start3A_132 = tpu.memref_slice %arg23[%add3A_122, %dma_start3A_131] : memref<10000x64xf32, #tpu.memory_space<vmem_shared>> -> memref<125x64xf32, #tpu.memory_space<vmem_shared>>
      tpu.enqueue_dma source(%dma_start3A_132 : memref<125x64xf32, #tpu.memory_space<vmem_shared>>) target(%dma_start3A_130 : memref<125x64xf32, #tpu.memory_space<vmem>>) target_semaphore(%run_scoped3A : memref<!tpu.dma_semaphore, #tpu.memory_space<semaphore_mem>>)
      %dma_wait3A_133 = arith.constant 0 : i32
      %dma_wait3A_134 = arith.constant 0 : i32
      %dma_wait3A_135 = tpu.memref_slice %arg8[%dma_wait3A_133, %dma_wait3A_134] : memref<125x64xf32, #tpu.memory_space<vmem>> -> memref<125x64xf32, #tpu.memory_space<vmem>>
      %dma_wait3A_136 = arith.constant 0 : i32
      %dma_wait3A_137 = tpu.memref_slice %arg23[%add3A_122, %dma_wait3A_136] : memref<10000x64xf32, #tpu.memory_space<vmem_shared>> -> memref<125x64xf32, #tpu.memory_space<vmem_shared>>
      %dma_wait3A_138 = arith.constant 0 : i32
      %dma_wait3A_139 = arith.constant 0 : i32
      %dma_wait3A_140 = tpu.memref_slice %arg8[%dma_wait3A_138, %dma_wait3A_139] : memref<125x64xf32, #tpu.memory_space<vmem>> -> memref<125x64xf32, #tpu.memory_space<vmem>>
      %dma_wait3A_141 = arith.constant 0 : i32
      %dma_wait3A_142 = tpu.memref_slice %arg23[%add3A_122, %dma_wait3A_141] : memref<10000x64xf32, #tpu.memory_space<vmem_shared>> -> memref<125x64xf32, #tpu.memory_space<vmem_shared>>
      tpu.wait_dma2 semaphore(%run_scoped3A : memref<!tpu.dma_semaphore, #tpu.memory_space<semaphore_mem>>) src(%dma_wait3A_142 : memref<125x64xf32, #tpu.memory_space<vmem_shared>>) dst(%dma_wait3A_140 : memref<125x64xf32, #tpu.memory_space<vmem>>)
      tpu.yield
    }) : () -> ()
    "tpu.region"() ({
      %run_scoped3A = tpu.sem_alloc : memref<!tpu.dma_semaphore, #tpu.memory_space<semaphore_mem>>
      %dma_start3A_123 = arith.constant 0 : i32
      %dma_start3A_124 = arith.constant 0 : i32
      %dma_start3A_125 = tpu.memref_slice %arg8[%dma_start3A_123, %dma_start3A_124] : memref<125x64xf32, #tpu.memory_space<vmem>> -> memref<125x64xf32, #tpu.memory_space<vmem>>
      %dma_start3A_126 = arith.constant 0 : i32
      %dma_start3A_127 = arith.constant 0 : i32
      %dma_start3A_128 = tpu.memref_slice %arg5[%arg0, %arg1, %dma_start3A_126, %dma_start3A_127] : memref<2x16x625x64xf32, #tpu.memory_space<hbm>> -> memref<1x1x625x64xf32, #tpu.memory_space<hbm>>
      %dma_start3A_129 = tpu.memref_squeeze %dma_start3A_128 : memref<1x1x625x64xf32, #tpu.memory_space<hbm>> -> memref<625x64xf32, #tpu.memory_space<hbm>>
      %dma_start3A_130 = arith.constant 500 : i32
      %dma_start3A_131 = arith.constant 0 : i32
      %dma_start3A_132 = tpu.memref_slice %dma_start3A_129[%dma_start3A_130, %dma_start3A_131] : memref<625x64xf32, #tpu.memory_space<hbm>> -> memref<125x64xf32, #tpu.memory_space<hbm>>
      %dma_start3A_133 = arith.constant 0 : i32
      %dma_start3A_134 = arith.constant 0 : i32
      %dma_start3A_135 = tpu.memref_slice %arg5[%arg0, %arg1, %dma_start3A_133, %dma_start3A_134] : memref<2x16x625x64xf32, #tpu.memory_space<hbm>> -> memref<1x1x625x64xf32, #tpu.memory_space<hbm>>
      %dma_start3A_136 = tpu.memref_squeeze %dma_start3A_135 : memref<1x1x625x64xf32, #tpu.memory_space<hbm>> -> memref<625x64xf32, #tpu.memory_space<hbm>>
      %dma_start3A_137 = arith.constant 500 : i32
      %dma_start3A_138 = arith.constant 0 : i32
      %dma_start3A_139 = tpu.memref_slice %dma_start3A_136[%dma_start3A_137, %dma_start3A_138] : memref<625x64xf32, #tpu.memory_space<hbm>> -> memref<125x64xf32, #tpu.memory_space<hbm>>
      %dma_start3A_140 = arith.constant 0 : i32
      %dma_start3A_141 = arith.constant 0 : i32
      %dma_start3A_142 = tpu.memref_slice %arg8[%dma_start3A_140, %dma_start3A_141] : memref<125x64xf32, #tpu.memory_space<vmem>> -> memref<125x64xf32, #tpu.memory_space<vmem>>
      tpu.enqueue_dma source(%dma_start3A_142 : memref<125x64xf32, #tpu.memory_space<vmem>>) target(%dma_start3A_139 : memref<125x64xf32, #tpu.memory_space<hbm>>) target_semaphore(%run_scoped3A : memref<!tpu.dma_semaphore, #tpu.memory_space<semaphore_mem>>)
      %dma_wait3A_143 = arith.constant 0 : i32
      %dma_wait3A_144 = arith.constant 0 : i32
      %dma_wait3A_145 = tpu.memref_slice %arg8[%dma_wait3A_143, %dma_wait3A_144] : memref<125x64xf32, #tpu.memory_space<vmem>> -> memref<125x64xf32, #tpu.memory_space<vmem>>
      %dma_wait3A_146 = arith.constant 0 : i32
      %dma_wait3A_147 = arith.constant 0 : i32
      %dma_wait3A_148 = tpu.memref_slice %arg5[%arg0, %arg1, %dma_wait3A_146, %dma_wait3A_147] : memref<2x16x625x64xf32, #tpu.memory_space<hbm>> -> memref<1x1x625x64xf32, #tpu.memory_space<hbm>>
      %dma_wait3A_149 = tpu.memref_squeeze %dma_wait3A_148 : memref<1x1x625x64xf32, #tpu.memory_space<hbm>> -> memref<625x64xf32, #tpu.memory_space<hbm>>
      %dma_wait3A_150 = arith.constant 500 : i32
      %dma_wait3A_151 = arith.constant 0 : i32
      %dma_wait3A_152 = tpu.memref_slice %dma_wait3A_149[%dma_wait3A_150, %dma_wait3A_151] : memref<625x64xf32, #tpu.memory_space<hbm>> -> memref<125x64xf32, #tpu.memory_space<hbm>>
      %dma_wait3A_153 = arith.constant 0 : i32
      %dma_wait3A_154 = arith.constant 0 : i32
      %dma_wait3A_155 = tpu.memref_slice %arg5[%arg0, %arg1, %dma_wait3A_153, %dma_wait3A_154] : memref<2x16x625x64xf32, #tpu.memory_space<hbm>> -> memref<1x1x625x64xf32, #tpu.memory_space<hbm>>
      %dma_wait3A_156 = tpu.memref_squeeze %dma_wait3A_155 : memref<1x1x625x64xf32, #tpu.memory_space<hbm>> -> memref<625x64xf32, #tpu.memory_space<hbm>>
      %dma_wait3A_157 = arith.constant 500 : i32
      %dma_wait3A_158 = arith.constant 0 : i32
      %dma_wait3A_159 = tpu.memref_slice %dma_wait3A_156[%dma_wait3A_157, %dma_wait3A_158] : memref<625x64xf32, #tpu.memory_space<hbm>> -> memref<125x64xf32, #tpu.memory_space<hbm>>
      %dma_wait3A_160 = arith.constant 0 : i32
      %dma_wait3A_161 = arith.constant 0 : i32
      %dma_wait3A_162 = tpu.memref_slice %arg8[%dma_wait3A_160, %dma_wait3A_161] : memref<125x64xf32, #tpu.memory_space<vmem>> -> memref<125x64xf32, #tpu.memory_space<vmem>>
      tpu.wait_dma2 semaphore(%run_scoped3A : memref<!tpu.dma_semaphore, #tpu.memory_space<semaphore_mem>>) src(%dma_wait3A_162 : memref<125x64xf32, #tpu.memory_space<vmem>>) dst(%dma_wait3A_159 : memref<125x64xf32, #tpu.memory_space<hbm>>)
      tpu.yield
    }) : () -> ()
    return
  }
}

module attributes {stable_mosaic.version = 14 : i64} {
  func.func @_tc_linear_body(%arg0: i32, %arg1: i32, %arg2: memref<2000x128xf32, #tpu.memory_space<vmem>>, %arg3: memref<1x128x64xf32, #tpu.memory_space<vmem>>, %arg4: memref<1x1x64xf32, #tpu.memory_space<vmem>>, %arg5: memref<1x2000x64xf32, #tpu.memory_space<vmem>>) attributes {dimension_semantics = [#tpu.dimension_semantics<arbitrary>, #tpu.dimension_semantics<arbitrary>], iteration_bounds = array<i64: 5, 2>, scalar_prefetch = 0 : i64, scratch_operands = 0 : i64, tpu.core_type = #tpu.core_type<tc>, window_params = [{transform_indices = @transform_0, window_bounds = array<i64: 2000, 128>}, {transform_indices = @transform_1, window_bounds = array<i64: 1, 128, 64>}, {transform_indices = @transform_2, window_bounds = array<i64: 1, 1, 64>}, {transform_indices = @transform_3, window_bounds = array<i64: 1, 2000, 64>}]} {
    %get3A = arith.constant 0 : index
    %get3A_0 = arith.constant 0 : index
    %get3A_1 = vector.load %arg2[%get3A, %get3A_0] : memref<2000x128xf32, #tpu.memory_space<vmem>>, vector<2000x128xf32>
    %get3A_2 = arith.constant 0 : index
    %get3A_3 = arith.constant 0 : index
    %get3A_4 = arith.constant 0 : index
    %get3A_5 = vector.load %arg3[%get3A_2, %get3A_3, %get3A_4] : memref<1x128x64xf32, #tpu.memory_space<vmem>>, vector<1x128x64xf32>
    %get3A_6 = vector.shape_cast %get3A_5 : vector<1x128x64xf32> to vector<128x64xf32>
    %dot_general3A = arith.constant dense<0.000000e+00> : vector<2000x64xf32>
    %dot_general3A_7 = tpu.matmul %get3A_1, %get3A_6, %dot_general3A {dimension_numbers = #tpu.dot_dimension_numbers<[1], [0], [0], [1], [0, 0, 1, 1], [], []>, transpose_lhs_hint = false} : vector<2000x128xf32>, vector<128x64xf32>, vector<2000x64xf32> -> vector<2000x64xf32>
    %get3A_8 = arith.constant 0 : index
    %get3A_9 = arith.constant 0 : index
    %get3A_10 = arith.constant 0 : index
    %get3A_11 = vector.load %arg4[%get3A_8, %get3A_9, %get3A_10] : memref<1x1x64xf32, #tpu.memory_space<vmem>>, vector<1x1x64xf32>
    %get3A_12 = vector.shape_cast %get3A_11 : vector<1x1x64xf32> to vector<1x64xf32>
    %add3A = vector.broadcast %get3A_12 : vector<1x64xf32> to vector<2000x64xf32>
    %add3A_13 = arith.addf %dot_general3A_7, %add3A : vector<2000x64xf32>
    %swap3A = arith.constant 0 : index
    %swap3A_14 = arith.constant 0 : index
    %swap3A_15 = arith.constant 0 : index
    %swap3A_16 = vector.load %arg5[%swap3A, %swap3A_14, %swap3A_15] : memref<1x2000x64xf32, #tpu.memory_space<vmem>>, vector<1x2000x64xf32>
    %swap3A_17 = vector.shape_cast %swap3A_16 : vector<1x2000x64xf32> to vector<2000x64xf32>
    %swap3A_18 = vector.shape_cast %add3A_13 : vector<2000x64xf32> to vector<1x2000x64xf32>
    tpu.vector_store %arg5[%swap3A, %swap3A_14, %swap3A_15], %swap3A_18 {strides = array<i32>} : memref<1x2000x64xf32, #tpu.memory_space<vmem>>, vector<1x2000x64xf32>,
    return
  }
  func.func @transform_0(%arg0: i32, %arg1: i32) -> (i32, i32) {
    %c0_i32 = arith.constant 0 : i32
    %c0_i32_0 = arith.constant 0 : i32
    return %arg0, %c0_i32 : i32, i32
  }
  func.func @transform_1(%arg0: i32, %arg1: i32) -> (i32, i32, i32) {
    %c0_i32 = arith.constant 0 : i32
    %c0_i32_0 = arith.constant 0 : i32
    %c0_i32_1 = arith.constant 0 : i32
    return %arg1, %c0_i32, %c0_i32_0 : i32, i32, i32
  }
  func.func @transform_2(%arg0: i32, %arg1: i32) -> (i32, i32, i32) {
    %c0_i32 = arith.constant 0 : i32
    %c0_i32_0 = arith.constant 0 : i32
    %c0_i32_1 = arith.constant 0 : i32
    return %arg1, %c0_i32, %c0_i32_0 : i32, i32, i32
  }
  func.func @transform_3(%arg0: i32, %arg1: i32) -> (i32, i32, i32) {
    %c0_i32 = arith.constant 0 : i32
    %c0_i32_0 = arith.constant 0 : i32
    return %arg1, %arg0, %c0_i32 : i32, i32, i32
  }
}

module attributes {stable_mosaic.version = 14 : i64} {
  func.func @_tc_count_sum_body(%arg0: memref<16x1x10000xi32, #tpu.memory_space<vmem>>, %arg1: memref<16x1x10000xi32, #tpu.memory_space<vmem>>, %arg2: memref<10000x128xf32, #tpu.memory_space<vmem>>, %arg3: memref<10000x128xf32, #tpu.memory_space<vmem>>) attributes {dimension_semantics = [], scalar_prefetch = 0 : i64, scratch_operands = 0 : i64, tpu.core_type = #tpu.core_type<tc>} {
    %get3A = arith.constant 0 : index
    %get3A_0 = arith.constant 0 : index
    %get3A_1 = arith.constant 0 : index
    %get3A_2 = vector.load %arg0[%get3A, %get3A_0, %get3A_1] : memref<16x1x10000xi32, #tpu.memory_space<vmem>>, vector<16x1x10000xi32>
    %get3A_3 = vector.shape_cast %get3A_2 : vector<16x1x10000xi32> to vector<16x10000xi32>
    %convert_element_type3A = arith.sitofp %get3A_3 : vector<16x10000xi32> to vector<16x10000xf32>
    %reduce_sum3A = arith.constant dense<0.000000e+00> : vector<10000xf32>
    %reduce_sum3A_4 = vector.multi_reduction <add>, %convert_element_type3A, %reduce_sum3A [0] : vector<16x10000xf32> to vector<10000xf32>
    %reshape3A = vector.shape_cast %reduce_sum3A_4 : vector<10000xf32> to vector<1x10000xf32>
    %max3A = arith.constant 1.000000e+00 : f32
    %max3A_5 = vector.broadcast %max3A : f32 to vector<1x10000xf32>
    %max3A_6 = arith.maximumf %reshape3A, %max3A_5 : vector<1x10000xf32>
    %div3A = arith.constant 1.000000e+00 : f32
    %div3A_7 = vector.broadcast %div3A : f32 to vector<1x10000xf32>
    %div3A_8 = arith.divf %div3A_7, %max3A_6 : vector<1x10000xf32>
    %transpose3A = tpu.transpose %div3A_8, [1, 0] : vector<1x10000xf32> -> vector<10000x1xf32>
    %broadcast_in_dim3A = vector.shape_cast %transpose3A : vector<10000x1xf32> to vector<10000x1xf32>
    %broadcast_in_dim3A_9 = vector.broadcast %broadcast_in_dim3A : vector<10000x1xf32> to vector<10000x128xf32>
    %swap3A = arith.constant 0 : index
    %swap3A_10 = arith.constant 0 : index
    %swap3A_11 = vector.load %arg2[%swap3A, %swap3A_10] : memref<10000x128xf32, #tpu.memory_space<vmem>>, vector<10000x128xf32>
    tpu.vector_store %arg2[%swap3A, %swap3A_10], %broadcast_in_dim3A_9 {strides = array<i32>} : memref<10000x128xf32, #tpu.memory_space<vmem>>, vector<10000x128xf32>,
    %get3A_12 = arith.constant 0 : index
    %get3A_13 = arith.constant 0 : index
    %get3A_14 = arith.constant 0 : index
    %get3A_15 = vector.load %arg1[%get3A_12, %get3A_13, %get3A_14] : memref<16x1x10000xi32, #tpu.memory_space<vmem>>, vector<16x1x10000xi32>
    %get3A_16 = vector.shape_cast %get3A_15 : vector<16x1x10000xi32> to vector<16x10000xi32>
    %convert_element_type3A_17 = arith.sitofp %get3A_16 : vector<16x10000xi32> to vector<16x10000xf32>
    %reduce_sum3A_18 = arith.constant dense<0.000000e+00> : vector<10000xf32>
    %reduce_sum3A_19 = vector.multi_reduction <add>, %convert_element_type3A_17, %reduce_sum3A_18 [0] : vector<16x10000xf32> to vector<10000xf32>
    %reshape3A_20 = vector.shape_cast %reduce_sum3A_19 : vector<10000xf32> to vector<1x10000xf32>
    %max3A_21 = arith.constant 1.000000e+00 : f32
    %max3A_22 = vector.broadcast %max3A_21 : f32 to vector<1x10000xf32>
    %max3A_23 = arith.maximumf %reshape3A_20, %max3A_22 : vector<1x10000xf32>
    %div3A_24 = arith.constant 1.000000e+00 : f32
    %div3A_25 = vector.broadcast %div3A_24 : f32 to vector<1x10000xf32>
    %div3A_26 = arith.divf %div3A_25, %max3A_23 : vector<1x10000xf32>
    %transpose3A_27 = tpu.transpose %div3A_26, [1, 0] : vector<1x10000xf32> -> vector<10000x1xf32>
    %broadcast_in_dim3A_28 = vector.shape_cast %transpose3A_27 : vector<10000x1xf32> to vector<10000x1xf32>
    %broadcast_in_dim3A_29 = vector.broadcast %broadcast_in_dim3A_28 : vector<10000x1xf32> to vector<10000x128xf32>
    %swap3A_30 = arith.constant 0 : index
    %swap3A_31 = arith.constant 0 : index
    %swap3A_32 = vector.load %arg3[%swap3A_30, %swap3A_31] : memref<10000x128xf32, #tpu.memory_space<vmem>>, vector<10000x128xf32>
    tpu.vector_store %arg3[%swap3A_30, %swap3A_31], %broadcast_in_dim3A_29 {strides = array<i32>} : memref<10000x128xf32, #tpu.memory_space<vmem>>, vector<10000x128xf32>,
    return
  }
}

module attributes {stable_mosaic.version = 14 : i64} {
  func.func @_tc_mean_relu_linear_body(%arg0: i32, %arg1: memref<2x2000x64xf32, #tpu.memory_space<vmem>>, %arg2: memref<2000x128xf32, #tpu.memory_space<vmem>>, %arg3: memref<128x128xf32, #tpu.memory_space<vmem>>, %arg4: memref<1x128xf32, #tpu.memory_space<vmem>>, %arg5: memref<2x2000x64xf32, #tpu.memory_space<vmem>>) attributes {dimension_semantics = [#tpu.dimension_semantics<arbitrary>], iteration_bounds = array<i64: 5>, scalar_prefetch = 0 : i64, scratch_operands = 0 : i64, tpu.core_type = #tpu.core_type<tc>, window_params = [{transform_indices = @transform_0, window_bounds = array<i64: 2, 2000, 64>}, {transform_indices = @transform_1, window_bounds = array<i64: 2000, 128>}, {pipeline_mode = #tpu.pipeline_mode<synchronous>, transform_indices = @transform_2, window_bounds = array<i64: 128, 128>}, {pipeline_mode = #tpu.pipeline_mode<synchronous>, transform_indices = @transform_3, window_bounds = array<i64: 1, 128>}, {transform_indices = @transform_4, window_bounds = array<i64: 2, 2000, 64>}]} {
    %get3A = arith.constant 0 : index
    %get3A_0 = arith.constant 0 : index
    %get3A_1 = arith.constant 0 : index
    %get3A_2 = vector.load %arg1[%get3A, %get3A_0, %get3A_1] : memref<2x2000x64xf32, #tpu.memory_space<vmem>>, vector<1x2000x64xf32>
    %get3A_3 = vector.shape_cast %get3A_2 : vector<1x2000x64xf32> to vector<2000x64xf32>
    %get3A_4 = arith.constant 1 : index
    %get3A_5 = arith.constant 0 : index
    %get3A_6 = arith.constant 0 : index
    %get3A_7 = vector.load %arg1[%get3A_4, %get3A_5, %get3A_6] : memref<2x2000x64xf32, #tpu.memory_space<vmem>>, vector<1x2000x64xf32>
    %get3A_8 = vector.shape_cast %get3A_7 : vector<1x2000x64xf32> to vector<2000x64xf32>
    %concatenate3A = tpu.concatenate %get3A_3, %get3A_8 in 1 : vector<2000x64xf32>, vector<2000x64xf32> -> vector<2000x128xf32>
    %get3A_9 = arith.constant 0 : index
    %get3A_10 = arith.constant 0 : index
    %get3A_11 = vector.load %arg2[%get3A_9, %get3A_10] : memref<2000x128xf32, #tpu.memory_space<vmem>>, vector<2000x128xf32>
    %mul3A = arith.mulf %concatenate3A, %get3A_11 : vector<2000x128xf32>
    %max3A = arith.constant 0.000000e+00 : f32
    %max3A_12 = vector.broadcast %max3A : f32 to vector<2000x128xf32>
    %max3A_13 = arith.maximumf %mul3A, %max3A_12 : vector<2000x128xf32>
    %get3A_14 = arith.constant 0 : index
    %get3A_15 = arith.constant 0 : index
    %get3A_16 = vector.load %arg3[%get3A_14, %get3A_15] : memref<128x128xf32, #tpu.memory_space<vmem>>, vector<128x128xf32>
    %dot_general3A = arith.constant dense<0.000000e+00> : vector<2000x128xf32>
    %dot_general3A_17 = tpu.matmul %max3A_13, %get3A_16, %dot_general3A {dimension_numbers = #tpu.dot_dimension_numbers<[1], [0], [0], [1], [0, 0, 1, 1], [], []>, transpose_lhs_hint = false} : vector<2000x128xf32>, vector<128x128xf32>, vector<2000x128xf32> -> vector<2000x128xf32>
    %get3A_18 = arith.constant 0 : index
    %get3A_19 = arith.constant 0 : index
    %get3A_20 = vector.load %arg4[%get3A_18, %get3A_19] : memref<1x128xf32, #tpu.memory_space<vmem>>, vector<1x128xf32>
    %add3A = vector.broadcast %get3A_20 : vector<1x128xf32> to vector<2000x128xf32>
    %add3A_21 = arith.addf %dot_general3A_17, %add3A : vector<2000x128xf32>
    %slice3A = vector.extract_strided_slice %add3A_21 {offsets = [0, 0], sizes = [2000, 64], strides = [1, 1]} : vector<2000x128xf32> to vector<2000x64xf32>
    %slice3A_22 = vector.extract_strided_slice %add3A_21 {offsets = [0, 64], sizes = [2000, 64], strides = [1, 1]} : vector<2000x128xf32> to vector<2000x64xf32>
    %stack3A = vector.shape_cast %slice3A : vector<2000x64xf32> to vector<1x2000x64xf32>
    %stack3A_23 = vector.shape_cast %slice3A_22 : vector<2000x64xf32> to vector<1x2000x64xf32>
    %stack3A_24 = tpu.concatenate %stack3A, %stack3A_23 in 0 : vector<1x2000x64xf32>, vector<1x2000x64xf32> -> vector<2x2000x64xf32>
    %swap3A = arith.constant 0 : index
    %swap3A_25 = arith.constant 0 : index
    %swap3A_26 = arith.constant 0 : index
    %swap3A_27 = vector.load %arg5[%swap3A, %swap3A_25, %swap3A_26] : memref<2x2000x64xf32, #tpu.memory_space<vmem>>, vector<2x2000x64xf32>
    tpu.vector_store %arg5[%swap3A, %swap3A_25, %swap3A_26], %stack3A_24 {strides = array<i32>} : memref<2x2000x64xf32, #tpu.memory_space<vmem>>, vector<2x2000x64xf32>,
    return
  }
  func.func @transform_0(%arg0: i32) -> (i32, i32, i32) {
    %c0_i32 = arith.constant 0 : i32
    %c0_i32_0 = arith.constant 0 : i32
    %c0_i32_1 = arith.constant 0 : i32
    return %c0_i32, %arg0, %c0_i32_0 : i32, i32, i32
  }
  func.func @transform_1(%arg0: i32) -> (i32, i32) {
    %c0_i32 = arith.constant 0 : i32
    %c0_i32_0 = arith.constant 0 : i32
    return %arg0, %c0_i32 : i32, i32
  }
  func.func @transform_2(%arg0: i32) -> (i32, i32) {
    %c0_i32 = arith.constant 0 : i32
    %c0_i32_0 = arith.constant 0 : i32
    %c0_i32_1 = arith.constant 0 : i32
    return %c0_i32, %c0_i32_0 : i32, i32
  }
  func.func @transform_3(%arg0: i32) -> (i32, i32) {
    %c0_i32 = arith.constant 0 : i32
    %c0_i32_0 = arith.constant 0 : i32
    %c0_i32_1 = arith.constant 0 : i32
    return %c0_i32, %c0_i32_0 : i32, i32
  }
  func.func @transform_4(%arg0: i32) -> (i32, i32, i32) {
    %c0_i32 = arith.constant 0 : i32
    %c0_i32_0 = arith.constant 0 : i32
    %c0_i32_1 = arith.constant 0 : i32
    return %c0_i32, %arg0, %c0_i32_0 : i32, i32, i32
  }
}

module attributes {stable_mosaic.version = 14 : i64} {
  func.func @_tc_mean_relu_body(%arg0: i32, %arg1: memref<2x2000x64xf32, #tpu.memory_space<vmem>>, %arg2: memref<2000x128xf32, #tpu.memory_space<vmem>>, %arg3: memref<2000x128xf32, #tpu.memory_space<vmem>>) attributes {dimension_semantics = [#tpu.dimension_semantics<arbitrary>], iteration_bounds = array<i64: 5>, scalar_prefetch = 0 : i64, scratch_operands = 0 : i64, tpu.core_type = #tpu.core_type<tc>, window_params = [{transform_indices = @transform_0, window_bounds = array<i64: 2, 2000, 64>}, {transform_indices = @transform_1, window_bounds = array<i64: 2000, 128>}, {transform_indices = @transform_2, window_bounds = array<i64: 2000, 128>}]} {
    %get3A = arith.constant 0 : index
    %get3A_0 = arith.constant 0 : index
    %get3A_1 = arith.constant 0 : index
    %get3A_2 = vector.load %arg1[%get3A, %get3A_0, %get3A_1] : memref<2x2000x64xf32, #tpu.memory_space<vmem>>, vector<1x2000x64xf32>
    %get3A_3 = vector.shape_cast %get3A_2 : vector<1x2000x64xf32> to vector<2000x64xf32>
    %get3A_4 = arith.constant 1 : index
    %get3A_5 = arith.constant 0 : index
    %get3A_6 = arith.constant 0 : index
    %get3A_7 = vector.load %arg1[%get3A_4, %get3A_5, %get3A_6] : memref<2x2000x64xf32, #tpu.memory_space<vmem>>, vector<1x2000x64xf32>
    %get3A_8 = vector.shape_cast %get3A_7 : vector<1x2000x64xf32> to vector<2000x64xf32>
    %concatenate3A = tpu.concatenate %get3A_3, %get3A_8 in 1 : vector<2000x64xf32>, vector<2000x64xf32> -> vector<2000x128xf32>
    %get3A_9 = arith.constant 0 : index
    %get3A_10 = arith.constant 0 : index
    %get3A_11 = vector.load %arg2[%get3A_9, %get3A_10] : memref<2000x128xf32, #tpu.memory_space<vmem>>, vector<2000x128xf32>
    %mul3A = arith.mulf %concatenate3A, %get3A_11 : vector<2000x128xf32>
    %max3A = arith.constant 0.000000e+00 : f32
    %max3A_12 = vector.broadcast %max3A : f32 to vector<2000x128xf32>
    %max3A_13 = arith.maximumf %mul3A, %max3A_12 : vector<2000x128xf32>
    %swap3A = arith.constant 0 : index
    %swap3A_14 = arith.constant 0 : index
    %swap3A_15 = vector.load %arg3[%swap3A, %swap3A_14] : memref<2000x128xf32, #tpu.memory_space<vmem>>, vector<2000x128xf32>
    tpu.vector_store %arg3[%swap3A, %swap3A_14], %max3A_13 {strides = array<i32>} : memref<2000x128xf32, #tpu.memory_space<vmem>>, vector<2000x128xf32>,
    return
  }
  func.func @transform_0(%arg0: i32) -> (i32, i32, i32) {
    %c0_i32 = arith.constant 0 : i32
    %c0_i32_0 = arith.constant 0 : i32
    %c0_i32_1 = arith.constant 0 : i32
    return %c0_i32, %arg0, %c0_i32_0 : i32, i32, i32
  }
  func.func @transform_1(%arg0: i32) -> (i32, i32) {
    %c0_i32 = arith.constant 0 : i32
    %c0_i32_0 = arith.constant 0 : i32
    return %arg0, %c0_i32 : i32, i32
  }
  func.func @transform_2(%arg0: i32) -> (i32, i32) {
    %c0_i32 = arith.constant 0 : i32
    %c0_i32_0 = arith.constant 0 : i32
    return %arg0, %c0_i32 : i32, i32
  }
}

</mosaic_0001>

<sc_bundles>
// kernel: kernel.11.cloned.1.call-start
scs
__scs_entry_jumppad:
0x0: {  	(pc) =	sbr.rel $0x88, $3  }
0x1: {  	(tag) =	ssettag $0x0;
	lr =	simm.s32 $0x1  }
0x2: {  	[smem:$0x3F9B] =	sst lr;
	_ =	strace $0xD0000000  }
0x3: {  	_ = 	snop  }
0x4: {  	_ = 	snop  }
0x5: {  	_ = 	snop  }
0x6: {  	_ = 	snop  }
0x7: {  	_ = 	snop  }
__scs_overlays_trampoline_lowered:
0x8: {  	[smem:$0x3FAA] =	sst s0  }
0x9: {  	[smem:$0x3FAB] =	sst s1  }
0xa: {  	[smem:$0x3FAC] =	sst s2  }
0xb: {  	[smem:$0x3FAD] =	sst s3  }
0xc: {  	[smem:$0x3FAE] =	sst s4  }
0xd: {  	[smem:$0x3FAF] =	sst s5  }
0xe: {  	[smem:$0x3FB0] =	sst s6  }
0xf: {  	[smem:$0x3FB1] =	sst s7  }
0x10: {  	[smem:$0x3FB2] =	sst s8  }
0x11: {  	[smem:$0x3FB3] =	sst s9;
	s0 =	simm.s32 @!p0 $0x0  }
0x12: {  	s1 =	sld [smem:$0x3F99];
	s0 =	simm.s32 @p0 $0x1  }
0x13: {  	[smem:$0x3FB4] =	sst s0;
	s0 =	simm.s32 @!p1 $0x0  }
0x14: {  	s2 =	sld [smem:$0x3F98];
	s0 =	simm.s32 @p1 $0x1  }
0x15: {  	[smem:$0x3FB5] =	sst s0;
	s0 =	simm.s32 @!p2 $0x0  }
0x16: {  	s3 =	sld [smem:$0x3FDB];
	s0 =	simm.s32 @p2 $0x1  }
0x17: {  	s4 =	simm.s32 $0x1BF5;
	[smem:$0x3FB7] =	sst s0  }
0x18: {  	s0 =	sld [smem:$0x3F9A];
	_ =	swait.ge [sflag:s4], $0x0  }
0x19: {  	s7 =	sld [smem:$0x3F9B]  }
0x1a: {  	s8 =	sadd.s32 $0xFFFFE003, lr  }
0x1b: {  	s9 =	sadd.s32 $0xFFFFFEF7, lr;
	s5 =	simm.s32 $0xFFFFFFFF;
	p2 =	slt.u32 s8, $0xFFFFF086  }
0x1c: {  	p1 =	slt.u32 s9, $0xF7A;
	s5 =	simm.s32 @!p2 $0x0  }
0x1d: {  	s5 =	simm.s32 @p1 $0x1;
	p0 =	seq.s32 s7, s2  }
0x1e: {  	s7 =	smul.u32 @!p0 $0xF7A, s2;
	p2 =	seq.s32 @!p0 s5, $0x0  }
0x1f: {  	s9 =	smul.u32 $0xF7A, s1;
	s8 =	simm.s32 @!p0 $0x1BF5;
	p2 =	por !p2, p0  }
0x20: {  	[sflag:s8] =	ssyncset.s32 @!p0 $0xFFFFF086;
	s6 =	sadd.s32 @!p0 s3, s7;
	s7 =	simm.s32 @!p0 $0x108  }
0x21: {  	s3 =	sadd.s32 s3, s9;
	s6 =	sadd.s32 @!p0 $0x88, s6;
	s7 =	simm.s32 @p2 $0x1082  }
0x22: {  	[simem:s7], [sflag:s8] =	dma.local @!p0 [hbm:s6], $0xF7A  }
0x23: {  	s9 =	sor.u32 $0xD0000000, s2;
	s6 =	simm.s32 $0x108;
	_ =	swait.ge @!p0 [sflag:s8], $0x0  }
0x24: {  	s3 =	sadd.s32 $0x88, s3;
	s6 =	simm.s32 @!p1 $0x1082;
	[sflag:s4] =	ssyncset.s32 $0xFFFFF086  }
0x25: {  	[simem:s6], [sflag:s4] =	dma.local [hbm:s3], $0xF7A  }
0x26: {  	[smem:$0x3F9B] =	sst s1;
	(tag) =	ssettag s2;
	_ =	strace s9  }
0x27: {  	s1 =	sld [smem:$0x3FAB]  }
0x28: {  	s2 =	sld [smem:$0x3FAC]  }
0x29: {  	s4 =	sld [smem:$0x3FAE]  }
0x2a: {  	p0 =	seq.s32 s5, $0x0;
	s5 =	sld [smem:$0x3FAF]  }
0x2b: {  	s6 =	sld [smem:$0x3FB0]  }
0x2c: {  	s7 =	sld [smem:$0x3FB1]  }
0x2d: {  	s3 =	simm.s32 $0x108;
	s8 =	sld [smem:$0x3FB2]  }
0x2e: {  	s3 =	simm.s32 @!p0 $0x1082;
	s9 =	sld [smem:$0x3FB3]  }
0x2f: {  	lr =	sadd.s32 s0, s3;
	s0 =	sld [smem:$0x3FAA]  }
0x30: {  	s3 =	sld [smem:$0x3FAD]  }
0x31: {  	[smem:$0x3FB6] =	sst s10  }
0x32: {  	s10 =	sld [smem:$0x3FB4];
	_ =	sdelay $0x3  }
0x33: {  	p0 =	seq.s32 s10, $0x1;
	s10 =	sld [smem:$0x3FB6];
	_ =	sdelay $0x3  }
0x34: {  	[smem:$0x3FB6] =	sst s10  }
0x35: {  	s10 =	sld [smem:$0x3FB5];
	_ =	sdelay $0x3  }
0x36: {  	p1 =	seq.s32 s10, $0x1;
	s10 =	sld [smem:$0x3FB6];
	_ =	sdelay $0x3  }
0x37: {  	[smem:$0x3FB6] =	sst s10  }
0x38: {  	s10 =	sld [smem:$0x3FB7]  }
0x39: {  	_ = 	snop;
	(pc) =	sbr.ind lr, $3  }
0x3a: {  	_ = 	snop  }
0x3b: {  	_ = 	snop  }
0x3c: {  	p2 =	seq.s32 s10, $0x1;
	s10 =	sld [smem:$0x3FB6]  }
0x3d: {  	_ =	shalt  }
0x3e: {  	_ =	shalt  }
0x3f: {  	_ =	shalt  }
0x40: {  	_ =	shalt  }
0x41: {  	_ =	shalt  }
0x42: {  	_ =	shalt  }
0x43: {  	_ =	shalt  }
0x44: {  	_ =	shalt  }
0x45: {  	_ =	shalt  }
0x46: {  	_ =	shalt  }
0x47: {  	_ =	shalt  }
0x48: {  	_ =	shalt  }
0x49: {  	_ =	shalt  }
0x4a: {  	_ =	shalt  }
0x4b: {  	_ =	shalt  }
0x4c: {  	_ =	shalt  }
0x4d: {  	_ =	shalt  }
0x4e: {  	_ =	shalt  }
0x4f: {  	_ =	shalt  }
0x50: {  	_ =	shalt  }
0x51: {  	_ =	shalt  }
0x52: {  	_ =	shalt  }
0x53: {  	_ =	shalt  }
0x54: {  	_ =	shalt  }
0x55: {  	_ =	shalt  }
0x56: {  	_ =	shalt  }
0x57: {  	_ =	shalt  }
0x58: {  	_ =	shalt  }
0x59: {  	_ =	shalt  }
0x5a: {  	_ =	shalt  }
0x5b: {  	_ =	shalt  }
0x5c: {  	_ =	shalt  }
0x5d: {  	_ =	shalt  }
0x5e: {  	_ =	shalt  }
0x5f: {  	_ =	shalt  }
0x60: {  	_ =	shalt  }
0x61: {  	_ =	shalt  }
0x62: {  	_ =	shalt  }
0x63: {  	_ =	shalt  }
0x64: {  	_ =	shalt  }
0x65: {  	_ =	shalt  }
0x66: {  	_ =	shalt  }
0x67: {  	_ =	shalt  }
0x68: {  	_ =	shalt  }
0x69: {  	_ =	shalt  }
0x6a: {  	_ =	shalt  }
0x6b: {  	_ =	shalt  }
0x6c: {  	_ =	shalt  }
0x6d: {  	_ =	shalt  }
0x6e: {  	_ =	shalt  }
0x6f: {  	_ =	shalt  }
0x70: {  	_ =	shalt  }
0x71: {  	_ =	shalt  }
0x72: {  	_ =	shalt  }
0x73: {  	_ =	shalt  }
0x74: {  	_ =	shalt  }
0x75: {  	_ =	shalt  }
0x76: {  	_ =	shalt  }
0x77: {  	_ =	shalt  }
0x78: {  	_ =	shalt  }
0x79: {  	_ =	shalt  }
0x7a: {  	_ =	shalt  }
0x7b: {  	_ =	shalt  }
0x7c: {  	_ =	shalt  }
0x7d: {  	_ =	shalt  }
0x7e: {  	_ =	shalt  }
0x7f: {  	_ =	shalt  }
0x80: {  	_ =	shalt  }
0x81: {  	_ =	shalt  }
0x82: {  	_ =	shalt  }
0x83: {  	_ =	shalt  }
0x84: {  	_ =	shalt  }
0x85: {  	_ =	shalt  }
0x86: {  	_ =	shalt  }
0x87: {  	_ =	shalt  }
.Lfunc_end0:
.L_simem_size_0:
called_computation.1_lowered:
.L_overlay_start_0:
0x88: {  	s2 =	sld [smem:$0x3FD9]  }
0x89: {  	s3 =	sld [smem:$0x3FFE];
	_ =	sdelay $0x1  }
0x8a: {  	s1 =	srdreg.scid  }
0x8b: {  	s0 =	sand.u32 $0x1, s1  }
0x8c: {  	s17 =	sshll.u32 s0, $0xA;
	s2 =	sadd.s32 s3, s2  }
0x8d: {  	s2 =	sadd.s32 s2, s17  }
0x8e: {  	[smem:$0x3FC2] =	sst s2  }
0x8f: {  	_ = 	snop  }
0x90: {  	s2 =	sld [smem:$0x3FD0];
	(tm) =	ssettm $0x1  }
0x91: {  	s18 =	sld [smem:$0x3FFB];
	_ =	sdelay $0x3  }
0x92: {  	_ =	strace s18  }
0x93: {  	s3 =	sld [smem:$0x3FFC];
	_ =	sdelay $0x3  }
0x94: {  	_ =	strace s3  }
0x95: {  	s3 =	sld [smem:$0x3FFD];
	_ =	sdelay $0x3  }
0x96: {  	_ =	strace s3  }
0x97: {  	_ =	strace $0x8FFFFFFF  }
0x98: {  	s19 =	sld [smem:$0x3FDB];
	_ =	sdelay $0x1  }
0x99: {  	s4 =	simm.s32 $_scs_section_size  }
0x9a: {  	s5 =	simm.s32 $_size__tile_overlayer_lowered;
	s6 =	simm.s32 $_tile_overlayer_lowered  }
0x9b: {  	s22 =	simm.s32 $0x1BFF;
	s21 =	sshll.u32 s6, $0x1;
	s3 =	sadd.s32 s4, s19  }
0x9c: {  	s7 =	simm.s32 $0x0;
	s20 =	sshll.u32 s5, $0x1;
	s5 =	sadd.s32 s21, s3  }
0x9d: {  	[timem:s7], [sflag:s22] =	dma.local [hbm:s5], s20  }
0x9e: {  	_ =	swait.ge [sflag:s22], s20  }
0x9f: {  	s4 =	ssub.s32 $0x0, s20;
	[sflag:s22] =	ssyncset.done $0x0  }
0xa0: {  	[sflag:s22] =	ssyncadd.s32 s4;
	_ =	sdelay $0x1  }
0xa1: {  	s23 =	simm.s32 $0x1B8B  }
0xa2: {  	_ =	swait.ge [sflag:s23], $0x1  }
0xa3: {  	[sflag:s23] =	ssyncset.done $0x0  }
0xa4: {  	s25 =	simm.s32 $0x1B8E;
	s24 =	sld [smem:$0x3FFE];
	[sflag:s23] =	ssyncadd.s32 $0xFFFFFFFF  }
0xa5: {  	s26 =	simm.s32 $execute0_lowered;
	[smem:$0x3FD2] =	sst s25  }
0xa6: {  	s5 =	sshll.u32 s26, $0x1;
	_ =	strace $0x80000049;
	[dreg:$0x1] =	wrdreg $0xFFFFFFFF  }
0xa7: {  	s28 =	simm.s32 $_size_execute0_lowered;
	s3 =	sadd.s32 s3, s5;
	[dreg:$0x0] =	wrdreg $0x0  }
0xa8: {  	s5 =	sshll.u32 s28, $0x1;
	[dreg:$0x2] =	wrdreg s3  }
0xa9: {  	[dreg:$0x3] =	wrdreg s5  }
0xaa: {  	[dreg:$0x4] =	wrdreg $0xC0  }
0xab: {  	_ =	task [dreg:s7], $0x5FFFF  }
0xac: {  	[dreg:$0x1] =	wrdreg $0xFFFFFFFF  }
0xad: {  	[dreg:$0x0] =	wrdreg $0x60  }
0xae: {  	[dreg:$0x2] =	wrdreg s2  }
0xaf: {  	[dreg:$0x3] =	wrdreg s24  }
0xb0: {  	[dreg:$0x4] =	wrdreg $0x13C400  }
0xb1: {  	[dreg:$0x5] =	wrdreg $0x9  }
0xb2: {  	_ =	task.clear_ibuf [dreg:s7], $0x6FFFF;
	_ =	strace $0x90000049  }
0xb3: {  	s29 =	simm.s32 $0x9;
	_ =	strace $0x8000004B  }
0xb4: {  	_ =	swait.ge [sflag:s29], $0x1  }
0xb5: {  	[sflag:s29] =	ssyncadd.s32 $0xFFFFFFFF  }
0xb6: {  	_ =	strace $0x9000004B  }
0xb7: {  	_ =	sfence  }
0xb8: {  	s30 =	sld [smem:$0x0];
	_ =	sdelay $0x2  }
0xb9: {  	s31 =	sshll.u32 s1, $0xD;
	s1 =	sshrl.u32 s1, $0x2  }
0xba: {  	s3 =	sand.u32 $0x4000, s31;
	s1 =	sadd.s32 s1, s30  }
0xbb: {  	s0 =	sor.u32 s3, s0;
	s1 =	sshll.u32 s1, $0x11  }
0xbc: {  	s0 =	sor.u32 s1, s0  }
0xbd: {  	s0 =	sadd.s32 $0x8F2B, s0  }
0xbe: {  	[sflag:s0] =	ssyncadd.remote.s32 $0x1  }
0xbf: {  	_ =	sfence.sel $0xFFFF  }
0xc0: {  	[dreg:$0x0] =	wrdreg $0xFFFFFFFF;
	(pc) =	sbr.abs _section_cstart, $3  }
0xc1: {  	[dreg:$0x1] =	wrdreg $0xFFFFFFFF  }
0xc2: {  	_ =	task.clear_ibuf [dreg:s7], $0x2FFFF;
	_ =	strace $0x9FFFFFFF  }
0xc3: {  	(tm) =	ssettm $0x7FFFFFFF  }
tec
execute0_lowered:
.L_overlay_start_1:
0x0: {  	(tag) =	ssettag $0x1  }
0x1: {  	s0 =	rddreg [dreg:$0x0];
	s7 =	stileid.u32  }
0x2: {  	s1 =	srdreg.scid;
	s4 =	rddreg [dreg:$0x1]  }
0x3: {  	s2 =	rddreg [dreg:$0x2];
	s3 =	simm.s32 $0x0;
	s14 =	simm.s32 $0xA000  }
0x4: {  	s15 =	simm.s32 $0xB;
	s17 =	simm.s32 $0x7D;
	s19 =	simm.s32 $0xBF40  }
0x5: {  	s21 =	simm.s32 $0xDE80;
	s23 =	simm.s32 $0xFDC0;
	s28 =	simm.s32 $0x2  }
0x6: {  	s29 =	simm.s32 $0x3;
	s30 =	simm.s32 $0x4;
	s5 =	smul.u32 $0xA00, s7  }
0x7: {  	s31 =	simm.s32 $0x5;
	s16 =	simm.s32 $0x8;
	s6 =	smul.u32 $0x9C40, s7  }
0x8: {  	s18 =	simm.s32 $0x9;
	s1 =	sand.u32 $0x1, s1;
	s7 =	smul.u32 $0x27100, s7  }
0x9: {  	s20 =	simm.s32 $0xA;
	[smem:$0x7FF] =	sst s3;
	s9 =	smul.u32 $0x9C400, s1  }
0xa: {  	_ =	strace $0x8000004A;
	s1 =	ssub.s32 $0x2, s1;
	s10 =	sadd.s32 s5, s4  }
0xb: {  	s25 =	sshrl.u32 s7, $0x2;
	s26 =	sshrl.u32 s1, $0x1;
	s24 =	sadd.s32 s6, s9  }
0xc: {  	s1 =	ssub.s32 s1, s26;
	s9 =	sshrl.u32 s9, $0x3;
	s11 =	sadd.s32 $0x50200, s10  }
0xd: {  	s10 =	sadd.s32 $0x46200, s10;
	s26 =	simm.s32 $0x1;
	[dreg:$0x4] =	wrdreg s11  }
0xe: {  	s5 =	sshrl.u32 s24, $0x3;
	[dreg:$0x5] =	wrdreg s10;
	s11 =	sadd.s32 s0, s9  }
0xf: {  	s13 =	smax.u32 s1, $0x1;
	s1 =	simm.s32 $0x6;
	s0 =	simm.s32 $0x7  }
0x10: {  	s24 =	simm.s32 $0x0;
	s12 =	sadd.s32 s5, s4;
	s4 =	sadd.s32 s25, s2  }
0x11: {  	s25 =	simm.s32 $0x11D00;
	s5 =	sadd.s32 $0x1F40, s4;
	s6 =	sadd.s32 $0x3E80, s4  }
0x12: {  	v0 =	vimm.f32 $0.0e+00;
	s7 =	sadd.s32 $0x5DC0, s4;
	s8 =	sadd.s32 $0x7D00, s4;
	s12 =	sadd.s32 $0x1400, s12  }
.LBB2_1:
0x13: {  	s22 =	simm.s32 $0x100;
	s9 =	simm.s32 $0x0  }
.LBB2_2:
0x14: {  	p0 =	sne.s32 s22, $0x7C00;
	[tilespmem:s9+$0xA030] =	vst v0;
	s10 =	smov.u32 s22;
	s22 =	sadd.s32 $0x100, s22  }
.Ltmp0:
0x15: {  	[tilespmem:s9+$0xA020] =	vst v0;
	(pc) =	sbr.rel @p0 .LBB2_2-.Ltmp0, $3  }
0x16: {  	[tilespmem:s9+$0xA000] =	vst v0  }
0x17: {  	[tilespmem:s9+$0xA010] =	vst v0;
	_ =	sdelay $0x1  }
0x18: {  	s9 =	sshra.s32 s10, $0x2  }
0x19: {  	[tilespmem:s9+$0xA030] =	vst v0  }
0x1a: {  	[tilespmem:s9+$0xA020] =	vst v0  }
0x1b: {  	[tilespmem:s9+$0xA000] =	vst v0  }
0x1c: {  	[tilespmem:s9+$0xA010] =	vst v0  }
0x1d: {  	[spmem:s4] =	stream.linear.scatter [tilespmem:s14], [sflag:$0xB], $0x1F40, $0x38;
	[tilespmem:$0x1D880] =	vst v63  }
0x1e: {  	_ =	swait.ge [sflag:s15], $0x1F40  }
0x1f: {  	[sflag:s15] =	ssyncset.done $0x0  }
0x20: {  	[sflag:s15] =	ssyncadd.s32 $0xFFFFE0C0  }
0x21: {  	[spmem:s5] =	stream.linear.scatter [tilespmem:s14], [sflag:$0xB], $0x1F40, $0x38;
	[tilespmem:$0x1D880] =	vst v63  }
0x22: {  	_ =	swait.ge [sflag:s15], $0x1F40  }
0x23: {  	[sflag:s15] =	ssyncset.done $0x0  }
0x24: {  	[sflag:s15] =	ssyncadd.s32 $0xFFFFE0C0  }
0x25: {  	[spmem:s6] =	stream.linear.scatter [tilespmem:s14], [sflag:$0xB], $0x1F40, $0x38;
	[tilespmem:$0x1D880] =	vst v63  }
0x26: {  	_ =	swait.ge [sflag:s15], $0x1F40  }
0x27: {  	[sflag:s15] =	ssyncset.done $0x0  }
0x28: {  	[sflag:s15] =	ssyncadd.s32 $0xFFFFE0C0  }
0x29: {  	[spmem:s7] =	stream.linear.scatter [tilespmem:s14], [sflag:$0xB], $0x1F40, $0x38;
	[tilespmem:$0x1D880] =	vst v63  }
0x2a: {  	_ =	swait.ge [sflag:s15], $0x1F40  }
0x2b: {  	[sflag:s15] =	ssyncset.done $0x0  }
0x2c: {  	[sflag:s15] =	ssyncadd.s32 $0xFFFFE0C0  }
0x2d: {  	[spmem:s8] =	stream.linear.scatter [tilespmem:s14], [sflag:$0xB], $0x1F40, $0x38;
	[tilespmem:$0x1D880] =	vst v63  }
0x2e: {  	_ =	swait.ge [sflag:s15], $0x1F40  }
0x2f: {  	[sflag:s15] =	ssyncset.done $0x0  }
0x30: {  	s9 =	simm.s32 $0x0;
	s10 =	rddreg [dreg:$0x4];
	[sflag:s15] =	ssyncadd.s32 $0xFFFFE0C0  }
0x31: {  	[tilespmem:s9], [sflag:$0xB] =	stream.linear.gather [hbm4b:s10+s9], $0x5000, $0x38;
	[tilespmem:$0x1D880] =	vst v63  }
0x32: {  	_ =	swait.ge [sflag:s15], $0x5000  }
0x33: {  	[sflag:s15] =	ssyncset.done $0x0  }
0x34: {  	s22 =	simm.s32 $0x5000;
	s10 =	rddreg [dreg:$0x5];
	[sflag:s15] =	ssyncadd.s32 $0xFFFFB000  }
0x35: {  	[tilespmem:s22], [sflag:$0xB] =	stream.linear.gather [hbm4b:s10+s9], $0x5000, $0x38;
	[tilespmem:$0x1D880] =	vst v63  }
0x36: {  	_ =	swait.ge [sflag:s15], $0x5000  }
0x37: {  	[sflag:s15] =	ssyncset.done $0x0  }
0x38: {  	[sflag:s15] =	ssyncadd.s32 $0xFFFFB000  }
0x39: {  	[bflag:$0x0] =	sbarrier.arrive $0xFFFF  }
0x3a: {  	[tilespmem:s14], [sflag:$0x1] =	stream.indirect.gather [hbm4b:s11+s17], $0x40, s9, s17, $0xb8;
	[tilespmem:$0x1D880] =	vst v63  }
0x3b: {  	s22 =	simm.s32 $0x80  }
0x3c: {  	[tilespmem:s19], [sflag:$0x2] =	stream.indirect.gather [hbm4b:s11+s17], $0x40, s22, s17, $0xb8;
	[tilespmem:$0x1D880] =	vst v63  }
0x3d: {  	s10 =	simm.s32 $0x100  }
0x3e: {  	[tilespmem:s21], [sflag:$0x3] =	stream.indirect.gather [hbm4b:s11+s17], $0x40, s10, s17, $0xb8;
	[tilespmem:$0x1D880] =	vst v63  }
0x3f: {  	s22 =	simm.s32 $0x180  }
0x40: {  	[tilespmem:s23], [sflag:$0x4] =	stream.indirect.gather [hbm4b:s11+s17], $0x40, s22, s17, $0xb8;
	[tilespmem:$0x1D880] =	vst v63  }
0x41: {  	s10 =	simm.s32 $0x200  }
0x42: {  	[tilespmem:s25], [sflag:$0x5] =	stream.indirect.gather [hbm4b:s11+s17], $0x40, s10, s17, $0xb8;
	[tilespmem:$0x1D880] =	vst v63  }
0x43: {  	_ =	swait.ge [sflag:s26], $0x1F40  }
0x44: {  	[sflag:s26] =	ssyncset.done $0x0  }
0x45: {  	s22 =	simm.s32 $0x5000;
	[sflag:s26] =	ssyncadd.s32 $0xFFFFE0C0  }
0x46: {  	[spmem:s2] =	stream.indirect.scatter.add.f32 [tilespmem:s14], [sflag:$0x6], $0x40, s22, s17, $0xb8;
	[tilespmem:$0x1D880] =	vst v63  }
0x47: {  	_ =	swait.ge [sflag:s28], $0x1F40  }
0x48: {  	[sflag:s28] =	ssyncset.done $0x0  }
0x49: {  	s10 =	simm.s32 $0x5080;
	[sflag:s28] =	ssyncadd.s32 $0xFFFFE0C0  }
0x4a: {  	[spmem:s2] =	stream.indirect.scatter.add.f32 [tilespmem:s19], [sflag:$0x7], $0x40, s10, s17, $0xb8;
	[tilespmem:$0x1D880] =	vst v63  }
0x4b: {  	_ =	swait.ge [sflag:s29], $0x1F40  }
0x4c: {  	[sflag:s29] =	ssyncset.done $0x0  }
0x4d: {  	s22 =	simm.s32 $0x5100;
	[sflag:s29] =	ssyncadd.s32 $0xFFFFE0C0  }
0x4e: {  	[spmem:s2] =	stream.indirect.scatter.add.f32 [tilespmem:s21], [sflag:$0x8], $0x40, s22, s17, $0xb8;
	[tilespmem:$0x1D880] =	vst v63  }
0x4f: {  	_ =	swait.ge [sflag:s30], $0x1F40  }
0x50: {  	[sflag:s30] =	ssyncset.done $0x0  }
0x51: {  	s10 =	simm.s32 $0x5180;
	[sflag:s30] =	ssyncadd.s32 $0xFFFFE0C0  }
0x52: {  	[spmem:s2] =	stream.indirect.scatter.add.f32 [tilespmem:s23], [sflag:$0x9], $0x40, s10, s17, $0xb8;
	[tilespmem:$0x1D880] =	vst v63  }
0x53: {  	_ =	swait.ge [sflag:s31], $0x1F40  }
0x54: {  	[sflag:s31] =	ssyncset.done $0x0  }
0x55: {  	s22 =	simm.s32 $0x5200;
	[sflag:s31] =	ssyncadd.s32 $0xFFFFE0C0  }
0x56: {  	[spmem:s2] =	stream.indirect.scatter.add.f32 [tilespmem:s25], [sflag:$0xA], $0x40, s22, s17, $0xb8;
	[tilespmem:$0x1D880] =	vst v63  }
0x57: {  	_ =	swait.ge [sflag:s1], $0x1F40  }
0x58: {  	[sflag:s1] =	ssyncset.done $0x0  }
0x59: {  	s10 =	simm.s32 $0x280;
	[sflag:s1] =	ssyncadd.s32 $0xFFFFE0C0  }
0x5a: {  	[tilespmem:s14], [sflag:$0x1] =	stream.indirect.gather [hbm4b:s11+s17], $0x40, s10, s17, $0xb8;
	[tilespmem:$0x1D880] =	vst v63  }
0x5b: {  	_ =	swait.ge [sflag:s0], $0x1F40  }
0x5c: {  	[sflag:s0] =	ssyncset.done $0x0  }
0x5d: {  	s22 =	simm.s32 $0x300;
	[sflag:s0] =	ssyncadd.s32 $0xFFFFE0C0  }
0x5e: {  	[tilespmem:s19], [sflag:$0x2] =	stream.indirect.gather [hbm4b:s11+s17], $0x40, s22, s17, $0xb8;
	[tilespmem:$0x1D880] =	vst v63  }
0x5f: {  	_ =	swait.ge [sflag:s16], $0x1F40  }
0x60: {  	[sflag:s16] =	ssyncset.done $0x0  }
0x61: {  	s10 =	simm.s32 $0x380;
	[sflag:s16] =	ssyncadd.s32 $0xFFFFE0C0  }
0x62: {  	[tilespmem:s21], [sflag:$0x3] =	stream.indirect.gather [hbm4b:s11+s17], $0x40, s10, s17, $0xb8;
	[tilespmem:$0x1D880] =	vst v63  }
0x63: {  	_ =	swait.ge [sflag:s18], $0x1F40  }
0x64: {  	[sflag:s18] =	ssyncset.done $0x0  }
0x65: {  	s22 =	simm.s32 $0x400;
	[sflag:s18] =	ssyncadd.s32 $0xFFFFE0C0  }
0x66: {  	[tilespmem:s23], [sflag:$0x4] =	stream.indirect.gather [hbm4b:s11+s17], $0x40, s22, s17, $0xb8;
	[tilespmem:$0x1D880] =	vst v63  }
0x67: {  	_ =	swait.ge [sflag:s20], $0x1F40  }
0x68: {  	[sflag:s20] =	ssyncset.done $0x0  }
0x69: {  	s9 =	simm.s32 $0x480;
	s22 =	simm.s32 $0xA00;
	[sflag:s20] =	ssyncadd.s32 $0xFFFFE0C0  }
.LBB2_4:
0x6a: {  	[tilespmem:s25], [sflag:$0x5] =	stream.indirect.gather [hbm4b:s11+s17], $0x40, s9, s17, $0xb8;
	[tilespmem:$0x1D880] =	vst v63  }
0x6b: {  	s9 =	smov.u32 s22  }
0x6c: {  	p0 =	sne.s32 s22, $0x12C00;
	s22 =	sadd.s32 $0xA00, s22;
	_ =	swait.ge [sflag:s26], $0x1F40  }
0x6d: {  	s9 =	sshra.s32 s9, $0x2;
	[sflag:s26] =	ssyncset.done $0x0  }
0x6e: {  	s10 =	sadd.s32 $0x5000, s9;
	[sflag:s26] =	ssyncadd.s32 $0xFFFFE0C0  }
0x6f: {  	[spmem:s2] =	stream.indirect.scatter.add.f32 [tilespmem:s14], [sflag:$0x6], $0x40, s10, s17, $0xb8;
	[tilespmem:$0x1D880] =	vst v63  }
0x70: {  	_ =	swait.ge [sflag:s28], $0x1F40  }
0x71: {  	[sflag:s28] =	ssyncset.done $0x0  }
0x72: {  	s10 =	sadd.s32 $0x5080, s9;
	[sflag:s28] =	ssyncadd.s32 $0xFFFFE0C0  }
0x73: {  	[spmem:s2] =	stream.indirect.scatter.add.f32 [tilespmem:s19], [sflag:$0x7], $0x40, s10, s17, $0xb8;
	[tilespmem:$0x1D880] =	vst v63  }
0x74: {  	_ =	swait.ge [sflag:s29], $0x1F40  }
0x75: {  	[sflag:s29] =	ssyncset.done $0x0  }
0x76: {  	s10 =	sadd.s32 $0x5100, s9;
	[sflag:s29] =	ssyncadd.s32 $0xFFFFE0C0  }
0x77: {  	[spmem:s2] =	stream.indirect.scatter.add.f32 [tilespmem:s21], [sflag:$0x8], $0x40, s10, s17, $0xb8;
	[tilespmem:$0x1D880] =	vst v63  }
0x78: {  	_ =	swait.ge [sflag:s30], $0x1F40  }
0x79: {  	[sflag:s30] =	ssyncset.done $0x0  }
0x7a: {  	s10 =	sadd.s32 $0x5180, s9;
	[sflag:s30] =	ssyncadd.s32 $0xFFFFE0C0  }
0x7b: {  	[spmem:s2] =	stream.indirect.scatter.add.f32 [tilespmem:s23], [sflag:$0x9], $0x40, s10, s17, $0xb8;
	[tilespmem:$0x1D880] =	vst v63  }
0x7c: {  	_ =	swait.ge [sflag:s31], $0x1F40  }
0x7d: {  	[sflag:s31] =	ssyncset.done $0x0  }
0x7e: {  	s10 =	sadd.s32 $0x5200, s9;
	[sflag:s31] =	ssyncadd.s32 $0xFFFFE0C0  }
0x7f: {  	[spmem:s2] =	stream.indirect.scatter.add.f32 [tilespmem:s25], [sflag:$0xA], $0x40, s10, s17, $0xb8;
	[tilespmem:$0x1D880] =	vst v63  }
0x80: {  	_ =	swait.ge [sflag:s1], $0x1F40  }
0x81: {  	[sflag:s1] =	ssyncset.done $0x0  }
0x82: {  	s10 =	sadd.s32 $0x280, s9;
	[sflag:s1] =	ssyncadd.s32 $0xFFFFE0C0  }
0x83: {  	[tilespmem:s14], [sflag:$0x1] =	stream.indirect.gather [hbm4b:s11+s17], $0x40, s10, s17, $0xb8;
	[tilespmem:$0x1D880] =	vst v63  }
0x84: {  	_ =	swait.ge [sflag:s0], $0x1F40  }
0x85: {  	[sflag:s0] =	ssyncset.done $0x0  }
0x86: {  	s10 =	sadd.s32 $0x300, s9;
	[sflag:s0] =	ssyncadd.s32 $0xFFFFE0C0  }
0x87: {  	[tilespmem:s19], [sflag:$0x2] =	stream.indirect.gather [hbm4b:s11+s17], $0x40, s10, s17, $0xb8;
	[tilespmem:$0x1D880] =	vst v63  }
0x88: {  	_ =	swait.ge [sflag:s16], $0x1F40  }
0x89: {  	[sflag:s16] =	ssyncset.done $0x0  }
0x8a: {  	s10 =	sadd.s32 $0x380, s9;
	[sflag:s16] =	ssyncadd.s32 $0xFFFFE0C0  }
0x8b: {  	[tilespmem:s21], [sflag:$0x3] =	stream.indirect.gather [hbm4b:s11+s17], $0x40, s10, s17, $0xb8;
	[tilespmem:$0x1D880] =	vst v63  }
0x8c: {  	_ =	swait.ge [sflag:s18], $0x1F40  }
0x8d: {  	[sflag:s18] =	ssyncset.done $0x0  }
.Ltmp1:
0x8e: {  	s10 =	sadd.s32 $0x400, s9;
	[sflag:s18] =	ssyncadd.s32 $0xFFFFE0C0;
	(pc) =	sbr.rel @p0 .LBB2_4-.Ltmp1, $4  }
0x8f: {  	[tilespmem:s23], [sflag:$0x4] =	stream.indirect.gather [hbm4b:s11+s17], $0x40, s10, s17, $0xb8;
	[tilespmem:$0x1D880] =	vst v63  }
0x90: {  	_ =	swait.ge [sflag:s20], $0x1F40  }
0x91: {  	[sflag:s20] =	ssyncset.done $0x0  }
0x92: {  	s9 =	sadd.s32 $0x480, s9;
	[sflag:s20] =	ssyncadd.s32 $0xFFFFE0C0  }
0x93: {  	[tilespmem:s25], [sflag:$0x5] =	stream.indirect.gather [hbm4b:s11+s17], $0x40, s9, s17, $0xb8;
	[tilespmem:$0x1D880] =	vst v63  }
0x94: {  	_ =	swait.ge [sflag:s26], $0x1F40  }
0x95: {  	[sflag:s26] =	ssyncset.done $0x0  }
0x96: {  	s22 =	simm.s32 $0x9D80;
	[sflag:s26] =	ssyncadd.s32 $0xFFFFE0C0  }
0x97: {  	[spmem:s2] =	stream.indirect.scatter.add.f32 [tilespmem:s14], [sflag:$0x6], $0x40, s22, s17, $0xb8;
	[tilespmem:$0x1D880] =	vst v63  }
0x98: {  	_ =	swait.ge [sflag:s28], $0x1F40  }
0x99: {  	[sflag:s28] =	ssyncset.done $0x0  }
0x9a: {  	s10 =	simm.s32 $0x9E00;
	[sflag:s28] =	ssyncadd.s32 $0xFFFFE0C0  }
0x9b: {  	[spmem:s2] =	stream.indirect.scatter.add.f32 [tilespmem:s19], [sflag:$0x7], $0x40, s10, s17, $0xb8;
	[tilespmem:$0x1D880] =	vst v63  }
0x9c: {  	_ =	swait.ge [sflag:s29], $0x1F40  }
0x9d: {  	[sflag:s29] =	ssyncset.done $0x0  }
0x9e: {  	s22 =	simm.s32 $0x9E80;
	[sflag:s29] =	ssyncadd.s32 $0xFFFFE0C0  }
0x9f: {  	[spmem:s2] =	stream.indirect.scatter.add.f32 [tilespmem:s21], [sflag:$0x8], $0x40, s22, s17, $0xb8;
	[tilespmem:$0x1D880] =	vst v63  }
0xa0: {  	_ =	swait.ge [sflag:s30], $0x1F40  }
0xa1: {  	[sflag:s30] =	ssyncset.done $0x0  }
0xa2: {  	s10 =	simm.s32 $0x9F00;
	[sflag:s30] =	ssyncadd.s32 $0xFFFFE0C0  }
0xa3: {  	[spmem:s2] =	stream.indirect.scatter.add.f32 [tilespmem:s23], [sflag:$0x9], $0x40, s10, s17, $0xb8;
	[tilespmem:$0x1D880] =	vst v63  }
0xa4: {  	_ =	swait.ge [sflag:s31], $0x1F40  }
0xa5: {  	[sflag:s31] =	ssyncset.done $0x0  }
0xa6: {  	s22 =	simm.s32 $0x9F80;
	[sflag:s31] =	ssyncadd.s32 $0xFFFFE0C0  }
0xa7: {  	[spmem:s2] =	stream.indirect.scatter.add.f32 [tilespmem:s25], [sflag:$0xA], $0x40, s22, s17, $0xb8;
	[tilespmem:$0x1D880] =	vst v63  }
0xa8: {  	_ =	swait.ge [sflag:s1], $0x1F40  }
0xa9: {  	[sflag:s1] =	ssyncset.done $0x0  }
0xaa: {  	[sflag:s1] =	ssyncadd.s32 $0xFFFFE0C0  }
0xab: {  	_ =	swait.ge [sflag:s0], $0x1F40  }
0xac: {  	[sflag:s0] =	ssyncset.done $0x0  }
0xad: {  	[sflag:s0] =	ssyncadd.s32 $0xFFFFE0C0  }
0xae: {  	_ =	swait.ge [sflag:s16], $0x1F40  }
0xaf: {  	[sflag:s16] =	ssyncset.done $0x0  }
0xb0: {  	[sflag:s16] =	ssyncadd.s32 $0xFFFFE0C0  }
0xb1: {  	_ =	swait.ge [sflag:s18], $0x1F40  }
0xb2: {  	[sflag:s18] =	ssyncset.done $0x0  }
0xb3: {  	[sflag:s18] =	ssyncadd.s32 $0xFFFFE0C0  }
0xb4: {  	_ =	swait.ge [sflag:s20], $0x1F40  }
0xb5: {  	[sflag:s20] =	ssyncset.done $0x0  }
0xb6: {  	[sflag:s20] =	ssyncadd.s32 $0xFFFFE0C0  }
0xb7: {  	[bflag:$0x0] =	sbarrier.arrive $0xFFFF  }
0xb8: {  	[tilespmem:s14], [sflag:$0xB] =	stream.linear.gather [spmem:s4], $0x1F40, $0x38;
	[tilespmem:$0x1D880] =	vst v63  }
0xb9: {  	_ =	swait.ge [sflag:s15], $0x1F40  }
0xba: {  	[sflag:s15] =	ssyncset.done $0x0  }
0xbb: {  	[sflag:s15] =	ssyncadd.s32 $0xFFFFE0C0  }
0xbc: {  	[hbm4b:s12+s3] =	stream.linear.scatter [tilespmem:s14], [sflag:$0xB], $0x1F40, $0x38;
	[tilespmem:$0x1D880] =	vst v63  }
0xbd: {  	_ =	swait.ge [sflag:s15], $0x1F40  }
0xbe: {  	[sflag:s15] =	ssyncset.done $0x0  }
0xbf: {  	[sflag:s15] =	ssyncadd.s32 $0xFFFFE0C0  }
0xc0: {  	[tilespmem:s14], [sflag:$0xB] =	stream.linear.gather [spmem:s5], $0x1F40, $0x38;
	[tilespmem:$0x1D880] =	vst v63  }
0xc1: {  	_ =	swait.ge [sflag:s15], $0x1F40  }
0xc2: {  	[sflag:s15] =	ssyncset.done $0x0  }
0xc3: {  	s10 =	sadd.s32 $0x3E8, s12;
	[sflag:s15] =	ssyncadd.s32 $0xFFFFE0C0  }
0xc4: {  	[hbm4b:s10+s3] =	stream.linear.scatter [tilespmem:s14], [sflag:$0xB], $0x1F40, $0x38;
	[tilespmem:$0x1D880] =	vst v63  }
0xc5: {  	_ =	swait.ge [sflag:s15], $0x1F40  }
0xc6: {  	[sflag:s15] =	ssyncset.done $0x0  }
0xc7: {  	[sflag:s15] =	ssyncadd.s32 $0xFFFFE0C0  }
0xc8: {  	[tilespmem:s14], [sflag:$0xB] =	stream.linear.gather [spmem:s6], $0x1F40, $0x38;
	[tilespmem:$0x1D880] =	vst v63  }
0xc9: {  	_ =	swait.ge [sflag:s15], $0x1F40  }
0xca: {  	[sflag:s15] =	ssyncset.done $0x0  }
0xcb: {  	s22 =	sadd.s32 $0x7D0, s12;
	[sflag:s15] =	ssyncadd.s32 $0xFFFFE0C0  }
0xcc: {  	[hbm4b:s22+s3] =	stream.linear.scatter [tilespmem:s14], [sflag:$0xB], $0x1F40, $0x38;
	[tilespmem:$0x1D880] =	vst v63  }
0xcd: {  	_ =	swait.ge [sflag:s15], $0x1F40  }
0xce: {  	[sflag:s15] =	ssyncset.done $0x0  }
0xcf: {  	[sflag:s15] =	ssyncadd.s32 $0xFFFFE0C0  }
0xd0: {  	[tilespmem:s14], [sflag:$0xB] =	stream.linear.gather [spmem:s7], $0x1F40, $0x38;
	[tilespmem:$0x1D880] =	vst v63  }
0xd1: {  	_ =	swait.ge [sflag:s15], $0x1F40  }
0xd2: {  	[sflag:s15] =	ssyncset.done $0x0  }
0xd3: {  	s10 =	sadd.s32 $0xBB8, s12;
	[sflag:s15] =	ssyncadd.s32 $0xFFFFE0C0  }
0xd4: {  	[hbm4b:s10+s3] =	stream.linear.scatter [tilespmem:s14], [sflag:$0xB], $0x1F40, $0x38;
	[tilespmem:$0x1D880] =	vst v63  }
0xd5: {  	_ =	swait.ge [sflag:s15], $0x1F40  }
0xd6: {  	[sflag:s15] =	ssyncset.done $0x0  }
0xd7: {  	[sflag:s15] =	ssyncadd.s32 $0xFFFFE0C0  }
0xd8: {  	[tilespmem:s14], [sflag:$0xB] =	stream.linear.gather [spmem:s8], $0x1F40, $0x38;
	[tilespmem:$0x1D880] =	vst v63  }
0xd9: {  	s24 =	sadd.s32 $0x1, s24;
	_ =	swait.ge [sflag:s15], $0x1F40  }
0xda: {  	p0 =	sne.s32 s24, s13;
	[sflag:s15] =	ssyncset.done $0x0  }
.Ltmp2:
0xdb: {  	s22 =	sadd.s32 $0xFA0, s12;
	[sflag:s15] =	ssyncadd.s32 $0xFFFFE0C0;
	(pc) =	sbr.rel @p0 .LBB2_1-.Ltmp2, $4  }
0xdc: {  	[hbm4b:s22+s3] =	stream.linear.scatter [tilespmem:s14], [sflag:$0xB], $0x1F40, $0x38;
	[tilespmem:$0x1D880] =	vst v63  }
0xdd: {  	_ =	swait.ge [sflag:s15], $0x1F40  }
0xde: {  	[sflag:s15] =	ssyncset.done $0x0  }
0xdf: {  	[sflag:s15] =	ssyncadd.s32 $0xFFFFE0C0  }
0xe0: {  	_ =	sfence.sel $0x180000  }
0xe1: {  	[bflag:$0x0] =	sbarrier.arrive $0xFFFF  }
0xe2: {  	_ =	strace $0x9000004A  }
0xe3: {  	s0 =	stileid.u32;
	[bflag:$0x2] =	sbarrier.arrive $0xFFFF  }
0xe4: {  	p0 =	sne.s32 s0, $0x0;
	s0 =	rddreg [dreg:$0x3]  }
0xe5: {  	s0 =	sadd.s32 @!p0 $0x100000, s0  }
0xe6: {  	[sflag:s0] =	ssyncadd.tile.s32 @!p0 $0x1;
	_ =	shalt  }
.Lfunc_end2:
_tile_overlayer_lowered:
.L_overlay_start_2:
0xe7: {  	(tag) =	ssettag $0x2  }
0xe8: {  	s0 =	rddreg [dreg:$0x0];
	s2 =	stileid.u32  }
0xe9: {  	s1 =	rddreg [dreg:$0x1];
	p0 =	sne.s32 s2, $0x0  }
0xea: {  	s3 =	rddreg [dreg:$0x2];
	[bflag:$0x3] =	sbarrier.arrive $0xFFFF;
	s2 =	simm.s32 @!p0 $0x1C0B  }
0xeb: {  	[timem:s3], [sflag:s2] =	dma.local @!p0 [hbm:s0], s1  }
0xec: {  	s0 =	simm.s32 @!p0 $0xB  }
0xed: {  	_ =	swait.ge @!p0 [sflag:s0], s1  }
0xee: {  	s1 =	ssub.s32 @!p0 $0x0, s1;
	[sflag:s0] =	ssyncset.done @!p0 $0x0  }
0xef: {  	[sflag:s0] =	ssyncadd.s32 @!p0 s1  }
0xf0: {  	[bflag:$0x3] =	sbarrier.arrive $0xFFFF  }
0xf1: {  	_ =	shalt  }

// kernel: kernel.8.cloned.1.call-start
scs
__scs_entry_jumppad:
0x0: {  	(pc) =	sbr.rel $0x88, $3  }
0x1: {  	(tag) =	ssettag $0x0;
	lr =	simm.s32 $0x1  }
0x2: {  	[smem:$0x3F9B] =	sst lr;
	_ =	strace $0xD0000000  }
0x3: {  	_ = 	snop  }
0x4: {  	_ = 	snop  }
0x5: {  	_ = 	snop  }
0x6: {  	_ = 	snop  }
0x7: {  	_ = 	snop  }
__scs_overlays_trampoline_lowered:
0x8: {  	[smem:$0x3FAA] =	sst s0  }
0x9: {  	[smem:$0x3FAB] =	sst s1  }
0xa: {  	[smem:$0x3FAC] =	sst s2  }
0xb: {  	[smem:$0x3FAD] =	sst s3  }
0xc: {  	[smem:$0x3FAE] =	sst s4  }
0xd: {  	[smem:$0x3FAF] =	sst s5  }
0xe: {  	[smem:$0x3FB0] =	sst s6  }
0xf: {  	[smem:$0x3FB1] =	sst s7  }
0x10: {  	[smem:$0x3FB2] =	sst s8  }
0x11: {  	[smem:$0x3FB3] =	sst s9;
	s0 =	simm.s32 @!p0 $0x0  }
0x12: {  	s1 =	sld [smem:$0x3F99];
	s0 =	simm.s32 @p0 $0x1  }
0x13: {  	[smem:$0x3FB4] =	sst s0;
	s0 =	simm.s32 @!p1 $0x0  }
0x14: {  	s2 =	sld [smem:$0x3F98];
	s0 =	simm.s32 @p1 $0x1  }
0x15: {  	[smem:$0x3FB5] =	sst s0;
	s0 =	simm.s32 @!p2 $0x0  }
0x16: {  	s3 =	sld [smem:$0x3FDB];
	s0 =	simm.s32 @p2 $0x1  }
0x17: {  	s4 =	simm.s32 $0x1BF5;
	[smem:$0x3FB7] =	sst s0  }
0x18: {  	s0 =	sld [smem:$0x3F9A];
	_ =	swait.ge [sflag:s4], $0x0  }
0x19: {  	s7 =	sld [smem:$0x3F9B]  }
0x1a: {  	s8 =	sadd.s32 $0xFFFFE003, lr  }
0x1b: {  	s9 =	sadd.s32 $0xFFFFFEF7, lr;
	s5 =	simm.s32 $0xFFFFFFFF;
	p2 =	slt.u32 s8, $0xFFFFF086  }
0x1c: {  	p1 =	slt.u32 s9, $0xF7A;
	s5 =	simm.s32 @!p2 $0x0  }
0x1d: {  	s5 =	simm.s32 @p1 $0x1;
	p0 =	seq.s32 s7, s2  }
0x1e: {  	s7 =	smul.u32 @!p0 $0xF7A, s2;
	p2 =	seq.s32 @!p0 s5, $0x0  }
0x1f: {  	s9 =	smul.u32 $0xF7A, s1;
	s8 =	simm.s32 @!p0 $0x1BF5;
	p2 =	por !p2, p0  }
0x20: {  	[sflag:s8] =	ssyncset.s32 @!p0 $0xFFFFF086;
	s6 =	sadd.s32 @!p0 s3, s7;
	s7 =	simm.s32 @!p0 $0x108  }
0x21: {  	s3 =	sadd.s32 s3, s9;
	s6 =	sadd.s32 @!p0 $0x88, s6;
	s7 =	simm.s32 @p2 $0x1082  }
0x22: {  	[simem:s7], [sflag:s8] =	dma.local @!p0 [hbm:s6], $0xF7A  }
0x23: {  	s9 =	sor.u32 $0xD0000000, s2;
	s6 =	simm.s32 $0x108;
	_ =	swait.ge @!p0 [sflag:s8], $0x0  }
0x24: {  	s3 =	sadd.s32 $0x88, s3;
	s6 =	simm.s32 @!p1 $0x1082;
	[sflag:s4] =	ssyncset.s32 $0xFFFFF086  }
0x25: {  	[simem:s6], [sflag:s4] =	dma.local [hbm:s3], $0xF7A  }
0x26: {  	[smem:$0x3F9B] =	sst s1;
	(tag) =	ssettag s2;
	_ =	strace s9  }
0x27: {  	s1 =	sld [smem:$0x3FAB]  }
0x28: {  	s2 =	sld [smem:$0x3FAC]  }
0x29: {  	s4 =	sld [smem:$0x3FAE]  }
0x2a: {  	p0 =	seq.s32 s5, $0x0;
	s5 =	sld [smem:$0x3FAF]  }
0x2b: {  	s6 =	sld [smem:$0x3FB0]  }
0x2c: {  	s7 =	sld [smem:$0x3FB1]  }
0x2d: {  	s3 =	simm.s32 $0x108;
	s8 =	sld [smem:$0x3FB2]  }
0x2e: {  	s3 =	simm.s32 @!p0 $0x1082;
	s9 =	sld [smem:$0x3FB3]  }
0x2f: {  	lr =	sadd.s32 s0, s3;
	s0 =	sld [smem:$0x3FAA]  }
0x30: {  	s3 =	sld [smem:$0x3FAD]  }
0x31: {  	[smem:$0x3FB6] =	sst s10  }
0x32: {  	s10 =	sld [smem:$0x3FB4];
	_ =	sdelay $0x3  }
0x33: {  	p0 =	seq.s32 s10, $0x1;
	s10 =	sld [smem:$0x3FB6];
	_ =	sdelay $0x3  }
0x34: {  	[smem:$0x3FB6] =	sst s10  }
0x35: {  	s10 =	sld [smem:$0x3FB5];
	_ =	sdelay $0x3  }
0x36: {  	p1 =	seq.s32 s10, $0x1;
	s10 =	sld [smem:$0x3FB6];
	_ =	sdelay $0x3  }
0x37: {  	[smem:$0x3FB6] =	sst s10  }
0x38: {  	s10 =	sld [smem:$0x3FB7]  }
0x39: {  	_ = 	snop;
	(pc) =	sbr.ind lr, $3  }
0x3a: {  	_ = 	snop  }
0x3b: {  	_ = 	snop  }
0x3c: {  	p2 =	seq.s32 s10, $0x1;
	s10 =	sld [smem:$0x3FB6]  }
0x3d: {  	_ =	shalt  }
0x3e: {  	_ =	shalt  }
0x3f: {  	_ =	shalt  }
0x40: {  	_ =	shalt  }
0x41: {  	_ =	shalt  }
0x42: {  	_ =	shalt  }
0x43: {  	_ =	shalt  }
0x44: {  	_ =	shalt  }
0x45: {  	_ =	shalt  }
0x46: {  	_ =	shalt  }
0x47: {  	_ =	shalt  }
0x48: {  	_ =	shalt  }
0x49: {  	_ =	shalt  }
0x4a: {  	_ =	shalt  }
0x4b: {  	_ =	shalt  }
0x4c: {  	_ =	shalt  }
0x4d: {  	_ =	shalt  }
0x4e: {  	_ =	shalt  }
0x4f: {  	_ =	shalt  }
0x50: {  	_ =	shalt  }
0x51: {  	_ =	shalt  }
0x52: {  	_ =	shalt  }
0x53: {  	_ =	shalt  }
0x54: {  	_ =	shalt  }
0x55: {  	_ =	shalt  }
0x56: {  	_ =	shalt  }
0x57: {  	_ =	shalt  }
0x58: {  	_ =	shalt  }
0x59: {  	_ =	shalt  }
0x5a: {  	_ =	shalt  }
0x5b: {  	_ =	shalt  }
0x5c: {  	_ =	shalt  }
0x5d: {  	_ =	shalt  }
0x5e: {  	_ =	shalt  }
0x5f: {  	_ =	shalt  }
0x60: {  	_ =	shalt  }
0x61: {  	_ =	shalt  }
0x62: {  	_ =	shalt  }
0x63: {  	_ =	shalt  }
0x64: {  	_ =	shalt  }
0x65: {  	_ =	shalt  }
0x66: {  	_ =	shalt  }
0x67: {  	_ =	shalt  }
0x68: {  	_ =	shalt  }
0x69: {  	_ =	shalt  }
0x6a: {  	_ =	shalt  }
0x6b: {  	_ =	shalt  }
0x6c: {  	_ =	shalt  }
0x6d: {  	_ =	shalt  }
0x6e: {  	_ =	shalt  }
0x6f: {  	_ =	shalt  }
0x70: {  	_ =	shalt  }
0x71: {  	_ =	shalt  }
0x72: {  	_ =	shalt  }
0x73: {  	_ =	shalt  }
0x74: {  	_ =	shalt  }
0x75: {  	_ =	shalt  }
0x76: {  	_ =	shalt  }
0x77: {  	_ =	shalt  }
0x78: {  	_ =	shalt  }
0x79: {  	_ =	shalt  }
0x7a: {  	_ =	shalt  }
0x7b: {  	_ =	shalt  }
0x7c: {  	_ =	shalt  }
0x7d: {  	_ =	shalt  }
0x7e: {  	_ =	shalt  }
0x7f: {  	_ =	shalt  }
0x80: {  	_ =	shalt  }
0x81: {  	_ =	shalt  }
0x82: {  	_ =	shalt  }
0x83: {  	_ =	shalt  }
0x84: {  	_ =	shalt  }
0x85: {  	_ =	shalt  }
0x86: {  	_ =	shalt  }
0x87: {  	_ =	shalt  }
.Lfunc_end0:
.L_simem_size_0:
called_computation_lowered:
.L_overlay_start_0:
0x88: {  	s2 =	sld [smem:$0x3FD9]  }
0x89: {  	s3 =	sld [smem:$0x3FFE];
	_ =	sdelay $0x1  }
0x8a: {  	s1 =	srdreg.scid  }
0x8b: {  	s0 =	sand.u32 $0x1, s1  }
0x8c: {  	s17 =	sshll.u32 s0, $0xA;
	s2 =	sadd.s32 s3, s2  }
0x8d: {  	s2 =	sadd.s32 s2, s17  }
0x8e: {  	[smem:$0x3FC2] =	sst s2  }
0x8f: {  	_ = 	snop  }
0x90: {  	s2 =	sld [smem:$0x3FD0];
	(tm) =	ssettm $0x1  }
0x91: {  	s18 =	sld [smem:$0x3FFB];
	_ =	sdelay $0x3  }
0x92: {  	_ =	strace s18  }
0x93: {  	s3 =	sld [smem:$0x3FFC];
	_ =	sdelay $0x3  }
0x94: {  	_ =	strace s3  }
0x95: {  	s3 =	sld [smem:$0x3FFD];
	_ =	sdelay $0x3  }
0x96: {  	_ =	strace s3  }
0x97: {  	_ =	strace $0x8FFFFFFF  }
0x98: {  	s19 =	sld [smem:$0x3FDB];
	_ =	sdelay $0x1  }
0x99: {  	s4 =	simm.s32 $_scs_section_size  }
0x9a: {  	s5 =	simm.s32 $_size__tile_overlayer_lowered;
	s6 =	simm.s32 $_tile_overlayer_lowered  }
0x9b: {  	s22 =	simm.s32 $0x1BFF;
	s21 =	sshll.u32 s6, $0x1;
	s3 =	sadd.s32 s4, s19  }
0x9c: {  	s7 =	simm.s32 $0x0;
	s20 =	sshll.u32 s5, $0x1;
	s5 =	sadd.s32 s21, s3  }
0x9d: {  	[timem:s7], [sflag:s22] =	dma.local [hbm:s5], s20  }
0x9e: {  	_ =	swait.ge [sflag:s22], s20  }
0x9f: {  	s4 =	ssub.s32 $0x0, s20;
	[sflag:s22] =	ssyncset.done $0x0  }
0xa0: {  	[sflag:s22] =	ssyncadd.s32 s4;
	_ =	sdelay $0x1  }
0xa1: {  	s23 =	simm.s32 $0x1B8B  }
0xa2: {  	_ =	swait.ge [sflag:s23], $0x1  }
0xa3: {  	[sflag:s23] =	ssyncset.done $0x0  }
0xa4: {  	s25 =	simm.s32 $0x1B8E;
	s24 =	sld [smem:$0x3FFE];
	[sflag:s23] =	ssyncadd.s32 $0xFFFFFFFF  }
0xa5: {  	s26 =	simm.s32 $execute0_lowered;
	[smem:$0x3FD2] =	sst s25  }
0xa6: {  	s5 =	sshll.u32 s26, $0x1;
	_ =	strace $0x80000046;
	[dreg:$0x1] =	wrdreg $0xFFFFFFFF  }
0xa7: {  	s28 =	simm.s32 $_size_execute0_lowered;
	s3 =	sadd.s32 s3, s5;
	[dreg:$0x0] =	wrdreg $0x0  }
0xa8: {  	s5 =	sshll.u32 s28, $0x1;
	[dreg:$0x2] =	wrdreg s3  }
0xa9: {  	[dreg:$0x3] =	wrdreg s5  }
0xaa: {  	[dreg:$0x4] =	wrdreg $0xC0  }
0xab: {  	_ =	task [dreg:s7], $0x5FFFF  }
0xac: {  	[dreg:$0x1] =	wrdreg $0xFFFFFFFF  }
0xad: {  	[dreg:$0x0] =	wrdreg $0x60  }
0xae: {  	[dreg:$0x2] =	wrdreg s2  }
0xaf: {  	[dreg:$0x3] =	wrdreg s24  }
0xb0: {  	[dreg:$0x4] =	wrdreg $0x127500  }
0xb1: {  	[dreg:$0x5] =	wrdreg $0x9  }
0xb2: {  	_ =	task.clear_ibuf [dreg:s7], $0x6FFFF;
	_ =	strace $0x90000046  }
0xb3: {  	s29 =	simm.s32 $0x9;
	_ =	strace $0x80000048  }
0xb4: {  	_ =	swait.ge [sflag:s29], $0x1  }
0xb5: {  	[sflag:s29] =	ssyncadd.s32 $0xFFFFFFFF  }
0xb6: {  	_ =	strace $0x90000048  }
0xb7: {  	_ =	sfence  }
0xb8: {  	s30 =	sld [smem:$0x0];
	_ =	sdelay $0x2  }
0xb9: {  	s31 =	sshll.u32 s1, $0xD;
	s1 =	sshrl.u32 s1, $0x2  }
0xba: {  	s3 =	sand.u32 $0x4000, s31;
	s1 =	sadd.s32 s1, s30  }
0xbb: {  	s0 =	sor.u32 s3, s0;
	s1 =	sshll.u32 s1, $0x11  }
0xbc: {  	s0 =	sor.u32 s1, s0  }
0xbd: {  	s0 =	sadd.s32 $0x8F2B, s0  }
0xbe: {  	[sflag:s0] =	ssyncadd.remote.s32 $0x1  }
0xbf: {  	_ =	sfence.sel $0xFFFF  }
0xc0: {  	[dreg:$0x0] =	wrdreg $0xFFFFFFFF;
	(pc) =	sbr.abs _section_cstart, $3  }
0xc1: {  	[dreg:$0x1] =	wrdreg $0xFFFFFFFF  }
0xc2: {  	_ =	task.clear_ibuf [dreg:s7], $0x2FFFF;
	_ =	strace $0x9FFFFFFF  }
0xc3: {  	(tm) =	ssettm $0x7FFFFFFF  }
tec
execute0_lowered:
.L_overlay_start_1:
0x0: {  	(tag) =	ssettag $0x1  }
0x1: {  	s0 =	rddreg [dreg:$0x0]  }
0x2: {  	s12 =	stileid.u32;
	s5 =	rddreg [dreg:$0x1]  }
0x3: {  	s1 =	srdreg.scid;
	s2 =	rddreg [dreg:$0x2];
	s3 =	simm.s32 $0x0  }
0x4: {  	s29 =	simm.s32 $0xEC40;
	s30 =	simm.s32 $0x1;
	s4 =	smul.u32 $0x9C4, s12  }
0x5: {  	s31 =	simm.s32 $0x10040;
	s28 =	simm.s32 $0x7;
	s7 =	smul.u32 $0x9C40, s12  }
0x6: {  	s13 =	simm.s32 $0x9;
	s1 =	sand.u32 $0x1, s1;
	s8 =	smul.u32 $0x27100, s12  }
0x7: {  	[smem:$0x7FF] =	sst s3;
	s24 =	smul.u32 $0x4E2, s12;
	s12 =	simm.s32 $0x8  }
0x8: {  	s6 =	smul.u32 $0x9C400, s1;
	_ =	strace $0x80000047;
	s16 =	ssub.s32 $0x2, s1  }
0x9: {  	p0 =	seq.s32 s1, $0x1;
	p1 =	seq.s32 s1, $0x0;
	s9 =	sadd.s32 s4, s5  }
0xa: {  	s8 =	sshrl.u32 s8, $0x2;
	s11 =	sshrl.u32 s16, $0x1;
	s15 =	sadd.s32 s7, s6  }
0xb: {  	s17 =	sadd.s32 s8, s2;
	s7 =	ssub.s32 s16, s11;
	s22 =	sadd.s32 $0xB200, s9  }
0xc: {  	s23 =	sadd.s32 $0x1400, s9;
	s6 =	sshrl.u32 s6, $0x3;
	[dreg:$0x4] =	wrdreg s17  }
0xd: {  	s16 =	simm.s32 $0xA;
	s4 =	sshrl.u32 s15, $0x3;
	[dreg:$0xc] =	wrdreg s22  }
0xe: {  	s11 =	sadd.s32 $0x1400, s17;
	s8 =	sadd.s32 $0x2800, s17;
	[dreg:$0xd] =	wrdreg s23  }
0xf: {  	s18 =	sadd.s32 $0x3C00, s17;
	s19 =	sadd.s32 $0x5000, s17;
	[dreg:$0x6] =	wrdreg s8  }
0x10: {  	s20 =	sadd.s32 $0x6400, s17;
	s21 =	sadd.s32 $0x7800, s17;
	[dreg:$0x7] =	wrdreg s18  }
0x11: {  	s14 =	sadd.s32 s0, s6;
	s26 =	smax.u32 s7, $0x1;
	[dreg:$0x8] =	wrdreg s19  }
0x12: {  	s22 =	simm.s32 $0xB040;
	s23 =	simm.s32 $0x5;
	[dreg:$0x9] =	wrdreg s20  }
0x13: {  	s10 =	sadd.s32 s4, s5;
	[dreg:$0xa] =	wrdreg s21;
	s4 =	sadd.s32 $0x8C00, s17  }
0x14: {  	s8 =	simm.s32 $0x1A000;
	[dreg:$0xe] =	wrdreg s26;
	s18 =	simm.s32 $0x9C40  }
0x15: {  	s19 =	simm.s32 $0xB;
	s21 =	simm.s32 $0x50;
	s26 =	simm.s32 $0xD840  }
.Ltmp0:
0x16: {  	s20 =	simm.s32 $0x4;
	[dreg:$0x5] =	wrdreg s11;
	(pc) =	sbr.rel .LBB2_1-.Ltmp0, $4  }
0x17: {  	s17 =	simm.s32 $0x0;
	[dreg:$0xb] =	wrdreg s4;
	s8 =	simm.s32 @!p0 $0x15000  }
0x18: {  	s15 =	sadd.s32 $0x1F000, s10;
	p0 =	sne.s32 s1, $0x0;
	s25 =	sadd.s32 s8, s5  }
0x19: {  	s1 =	simm.s32 $0x2;
	s0 =	sadd.s32 s25, s24;
	s24 =	simm.s32 $0xC440  }
0x1a: {  	v0 =	vimm.f32 $0.0e+00;
	v1 =	vimm.s32 $0x0;
	s25 =	simm.s32 $0x6;
	[dreg:$0xf] =	wrdreg s0;
	s0 =	simm.s32 $0x3  }
.LBB2_8:
0x1b: {  	_ =	swait.ge [sflag:s28], $0x1400  }
0x1c: {  	[sflag:s28] =	ssyncset.done $0x0  }
0x1d: {  	[sflag:s28] =	ssyncadd.s32 $0xFFFFEC00  }
0x1e: {  	_ =	swait.ge [sflag:s12], $0x1400  }
0x1f: {  	[sflag:s12] =	ssyncset.done $0x0  }
0x20: {  	[sflag:s12] =	ssyncadd.s32 $0xFFFFEC00  }
0x21: {  	_ =	swait.ge [sflag:s13], $0x1400  }
0x22: {  	[sflag:s13] =	ssyncset.done $0x0  }
0x23: {  	[sflag:s13] =	ssyncadd.s32 $0xFFFFEC00  }
0x24: {  	_ =	swait.ge [sflag:s16], $0x1400  }
0x25: {  	[sflag:s16] =	ssyncset.done $0x0  }
0x26: {  	[sflag:s16] =	ssyncadd.s32 $0xFFFFEC00  }
0x27: {  	[bflag:$0x0] =	sbarrier.arrive $0xFFFF  }
0x28: {  	s4 =	rddreg [dreg:$0x4]  }
0x29: {  	[tilespmem:s18], [sflag:$0xB] =	stream.linear.gather [spmem:s4], $0x1400, $0x38;
	[tilespmem:$0x1C390] =	vst v63  }
0x2a: {  	_ =	swait.ge [sflag:s19], $0x1400  }
0x2b: {  	[sflag:s19] =	ssyncset.done $0x0  }
0x2c: {  	[sflag:s19] =	ssyncadd.s32 $0xFFFFEC00  }
0x2d: {  	[hbm4b:s15+s3] =	stream.linear.scatter [tilespmem:s18], [sflag:$0xB], $0x1400, $0x38;
	[tilespmem:$0x1C390] =	vst v63  }
0x2e: {  	_ =	swait.ge [sflag:s19], $0x1400  }
0x2f: {  	[sflag:s19] =	ssyncset.done $0x0  }
0x30: {  	s11 =	rddreg [dreg:$0x5];
	[sflag:s19] =	ssyncadd.s32 $0xFFFFEC00  }
0x31: {  	[tilespmem:s18], [sflag:$0xB] =	stream.linear.gather [spmem:s11], $0x1400, $0x38;
	[tilespmem:$0x1C390] =	vst v63  }
0x32: {  	_ =	swait.ge [sflag:s19], $0x1400  }
0x33: {  	[sflag:s19] =	ssyncset.done $0x0  }
0x34: {  	s8 =	sadd.s32 $0x280, s15;
	[sflag:s19] =	ssyncadd.s32 $0xFFFFEC00  }
0x35: {  	[hbm4b:s8+s3] =	stream.linear.scatter [tilespmem:s18], [sflag:$0xB], $0x1400, $0x38;
	[tilespmem:$0x1C390] =	vst v63  }
0x36: {  	_ =	swait.ge [sflag:s19], $0x1400  }
0x37: {  	[sflag:s19] =	ssyncset.done $0x0  }
0x38: {  	s9 =	rddreg [dreg:$0x6];
	[sflag:s19] =	ssyncadd.s32 $0xFFFFEC00  }
0x39: {  	[tilespmem:s18], [sflag:$0xB] =	stream.linear.gather [spmem:s9], $0x1400, $0x38;
	[tilespmem:$0x1C390] =	vst v63  }
0x3a: {  	_ =	swait.ge [sflag:s19], $0x1400  }
0x3b: {  	[sflag:s19] =	ssyncset.done $0x0  }
0x3c: {  	s10 =	sadd.s32 $0x500, s15;
	[sflag:s19] =	ssyncadd.s32 $0xFFFFEC00  }
0x3d: {  	[hbm4b:s10+s3] =	stream.linear.scatter [tilespmem:s18], [sflag:$0xB], $0x1400, $0x38;
	[tilespmem:$0x1C390] =	vst v63  }
0x3e: {  	_ =	swait.ge [sflag:s19], $0x1400  }
0x3f: {  	[sflag:s19] =	ssyncset.done $0x0  }
0x40: {  	s5 =	rddreg [dreg:$0x7];
	[sflag:s19] =	ssyncadd.s32 $0xFFFFEC00  }
0x41: {  	[tilespmem:s18], [sflag:$0xB] =	stream.linear.gather [spmem:s5], $0x1400, $0x38;
	[tilespmem:$0x1C390] =	vst v63  }
0x42: {  	_ =	swait.ge [sflag:s19], $0x1400  }
0x43: {  	[sflag:s19] =	ssyncset.done $0x0  }
0x44: {  	s6 =	sadd.s32 $0x780, s15;
	[sflag:s19] =	ssyncadd.s32 $0xFFFFEC00  }
0x45: {  	[hbm4b:s6+s3] =	stream.linear.scatter [tilespmem:s18], [sflag:$0xB], $0x1400, $0x38;
	[tilespmem:$0x1C390] =	vst v63  }
0x46: {  	_ =	swait.ge [sflag:s19], $0x1400  }
0x47: {  	[sflag:s19] =	ssyncset.done $0x0  }
0x48: {  	s7 =	rddreg [dreg:$0x8];
	[sflag:s19] =	ssyncadd.s32 $0xFFFFEC00  }
0x49: {  	[tilespmem:s18], [sflag:$0xB] =	stream.linear.gather [spmem:s7], $0x1400, $0x38;
	[tilespmem:$0x1C390] =	vst v63  }
0x4a: {  	_ =	swait.ge [sflag:s19], $0x1400  }
0x4b: {  	[sflag:s19] =	ssyncset.done $0x0  }
0x4c: {  	s8 =	sadd.s32 $0xA00, s15;
	[sflag:s19] =	ssyncadd.s32 $0xFFFFEC00  }
0x4d: {  	[hbm4b:s8+s3] =	stream.linear.scatter [tilespmem:s18], [sflag:$0xB], $0x1400, $0x38;
	[tilespmem:$0x1C390] =	vst v63  }
0x4e: {  	_ =	swait.ge [sflag:s19], $0x1400  }
0x4f: {  	[sflag:s19] =	ssyncset.done $0x0  }
0x50: {  	s9 =	rddreg [dreg:$0x9];
	[sflag:s19] =	ssyncadd.s32 $0xFFFFEC00  }
0x51: {  	[tilespmem:s18], [sflag:$0xB] =	stream.linear.gather [spmem:s9], $0x1400, $0x38;
	[tilespmem:$0x1C390] =	vst v63  }
0x52: {  	_ =	swait.ge [sflag:s19], $0x1400  }
0x53: {  	[sflag:s19] =	ssyncset.done $0x0  }
0x54: {  	s10 =	sadd.s32 $0xC80, s15;
	[sflag:s19] =	ssyncadd.s32 $0xFFFFEC00  }
0x55: {  	[hbm4b:s10+s3] =	stream.linear.scatter [tilespmem:s18], [sflag:$0xB], $0x1400, $0x38;
	[tilespmem:$0x1C390] =	vst v63  }
0x56: {  	_ =	swait.ge [sflag:s19], $0x1400  }
0x57: {  	[sflag:s19] =	ssyncset.done $0x0  }
0x58: {  	s5 =	rddreg [dreg:$0xa];
	[sflag:s19] =	ssyncadd.s32 $0xFFFFEC00  }
0x59: {  	[tilespmem:s18], [sflag:$0xB] =	stream.linear.gather [spmem:s5], $0x1400, $0x38;
	[tilespmem:$0x1C390] =	vst v63  }
0x5a: {  	_ =	swait.ge [sflag:s19], $0x1400  }
0x5b: {  	[sflag:s19] =	ssyncset.done $0x0  }
0x5c: {  	s6 =	sadd.s32 $0xF00, s15;
	[sflag:s19] =	ssyncadd.s32 $0xFFFFEC00  }
0x5d: {  	[hbm4b:s6+s3] =	stream.linear.scatter [tilespmem:s18], [sflag:$0xB], $0x1400, $0x38;
	[tilespmem:$0x1C390] =	vst v63  }
0x5e: {  	_ =	swait.ge [sflag:s19], $0x1400  }
0x5f: {  	[sflag:s19] =	ssyncset.done $0x0  }
0x60: {  	s7 =	rddreg [dreg:$0xb];
	[sflag:s19] =	ssyncadd.s32 $0xFFFFEC00  }
0x61: {  	[tilespmem:s18], [sflag:$0xB] =	stream.linear.gather [spmem:s7], $0x1040, $0x38;
	[tilespmem:$0x1C390] =	vst v63  }
0x62: {  	_ =	swait.ge [sflag:s19], $0x1040  }
0x63: {  	[sflag:s19] =	ssyncset.done $0x0  }
0x64: {  	s8 =	sadd.s32 $0x1180, s15;
	[sflag:s19] =	ssyncadd.s32 $0xFFFFEFC0  }
0x65: {  	[hbm4b:s8+s3] =	stream.linear.scatter [tilespmem:s18], [sflag:$0xB], $0x1040, $0x38;
	[tilespmem:$0x1C390] =	vst v63  }
0x66: {  	_ =	swait.ge [sflag:s19], $0x1040  }
0x67: {  	[sflag:s19] =	ssyncset.done $0x0  }
0x68: {  	s9 =	rddreg [dreg:$0xf];
	[sflag:s19] =	ssyncadd.s32 $0xFFFFEFC0  }
0x69: {  	[hbm4b:s9+s3] =	stream.linear.scatter [tilespmem:s31], [sflag:$0xB], $0x2710, $0x38;
	[tilespmem:$0x1C390] =	vst v63  }
0x6a: {  	_ =	swait.ge [sflag:s19], $0x2710  }
0x6b: {  	s17 =	sadd.s32 $0x1, s17;
	s10 =	rddreg [dreg:$0xe]  }
0x6c: {  	p2 =	sne.s32 s17, s10  }
.Ltmp1:
0x6d: {  	_ = 	snop;
	(pc) =	sbr.rel @!p2 .LBB2_9-.Ltmp1, $3  }
0x6e: {  	_ =	sdelay $0x1  }
0x6f: {  	[sflag:s19] =	ssyncset.done $0x0  }
0x70: {  	[sflag:s19] =	ssyncadd.s32 $0xFFFFD8F0  }
.LBB2_1:
0x71: {  	s6 =	simm.s32 $0x100;
	s5 =	simm.s32 $0x0  }
.LBB2_2:
0x72: {  	p2 =	sne.s32 s6, $0x4F00;
	[tilespmem:s5+$0x9C70] =	vst v0;
	s7 =	smov.u32 s6;
	s6 =	sadd.s32 $0x100, s6  }
.Ltmp2:
0x73: {  	[tilespmem:s5+$0x9C60] =	vst v0;
	(pc) =	sbr.rel @p2 .LBB2_2-.Ltmp2, $3  }
0x74: {  	[tilespmem:s5+$0x9C40] =	vst v0  }
0x75: {  	[tilespmem:s5+$0x9C50] =	vst v0;
	_ =	sdelay $0x1  }
0x76: {  	s5 =	sshra.s32 s7, $0x2  }
0x77: {  	[tilespmem:s5+$0x9C70] =	vst v0  }
0x78: {  	[tilespmem:s5+$0x9C60] =	vst v0  }
0x79: {  	[tilespmem:s5+$0x9C40] =	vst v0  }
0x7a: {  	[tilespmem:s5+$0x9C50] =	vst v0;
	s4 =	rddreg [dreg:$0x4]  }
0x7b: {  	[spmem:s4] =	stream.linear.scatter [tilespmem:s18], [sflag:$0xB], $0x1400, $0x38;
	[tilespmem:$0x1C390] =	vst v63  }
0x7c: {  	_ =	swait.ge [sflag:s19], $0x1400  }
0x7d: {  	[sflag:s19] =	ssyncset.done $0x0  }
0x7e: {  	[sflag:s19] =	ssyncadd.s32 $0xFFFFEC00  }
0x7f: {  	[spmem:s11] =	stream.linear.scatter [tilespmem:s18], [sflag:$0xB], $0x1400, $0x38;
	[tilespmem:$0x1C390] =	vst v63  }
0x80: {  	_ =	swait.ge [sflag:s19], $0x1400  }
0x81: {  	[sflag:s19] =	ssyncset.done $0x0  }
0x82: {  	s6 =	rddreg [dreg:$0x6];
	[sflag:s19] =	ssyncadd.s32 $0xFFFFEC00  }
0x83: {  	[spmem:s6] =	stream.linear.scatter [tilespmem:s18], [sflag:$0xB], $0x1400, $0x38;
	[tilespmem:$0x1C390] =	vst v63  }
0x84: {  	_ =	swait.ge [sflag:s19], $0x1400  }
0x85: {  	[sflag:s19] =	ssyncset.done $0x0  }
0x86: {  	s7 =	rddreg [dreg:$0x7];
	[sflag:s19] =	ssyncadd.s32 $0xFFFFEC00  }
0x87: {  	[spmem:s7] =	stream.linear.scatter [tilespmem:s18], [sflag:$0xB], $0x1400, $0x38;
	[tilespmem:$0x1C390] =	vst v63  }
0x88: {  	_ =	swait.ge [sflag:s19], $0x1400  }
0x89: {  	[sflag:s19] =	ssyncset.done $0x0  }
0x8a: {  	s8 =	rddreg [dreg:$0x8];
	[sflag:s19] =	ssyncadd.s32 $0xFFFFEC00  }
0x8b: {  	[spmem:s8] =	stream.linear.scatter [tilespmem:s18], [sflag:$0xB], $0x1400, $0x38;
	[tilespmem:$0x1C390] =	vst v63  }
0x8c: {  	_ =	swait.ge [sflag:s19], $0x1400  }
0x8d: {  	[sflag:s19] =	ssyncset.done $0x0  }
0x8e: {  	s9 =	rddreg [dreg:$0x9];
	[sflag:s19] =	ssyncadd.s32 $0xFFFFEC00  }
0x8f: {  	[spmem:s9] =	stream.linear.scatter [tilespmem:s18], [sflag:$0xB], $0x1400, $0x38;
	[tilespmem:$0x1C390] =	vst v63  }
0x90: {  	_ =	swait.ge [sflag:s19], $0x1400  }
0x91: {  	[sflag:s19] =	ssyncset.done $0x0  }
0x92: {  	s10 =	rddreg [dreg:$0xa];
	[sflag:s19] =	ssyncadd.s32 $0xFFFFEC00  }
0x93: {  	[spmem:s10] =	stream.linear.scatter [tilespmem:s18], [sflag:$0xB], $0x1400, $0x38;
	[tilespmem:$0x1C390] =	vst v63  }
0x94: {  	_ =	swait.ge [sflag:s19], $0x1400  }
0x95: {  	[sflag:s19] =	ssyncset.done $0x0  }
0x96: {  	s11 =	rddreg [dreg:$0xb];
	[sflag:s19] =	ssyncadd.s32 $0xFFFFEC00  }
0x97: {  	[spmem:s11] =	stream.linear.scatter [tilespmem:s18], [sflag:$0xB], $0x1040, $0x38;
	[tilespmem:$0x1C390] =	vst v63  }
0x98: {  	_ =	swait.ge [sflag:s19], $0x1040  }
0x99: {  	[sflag:s19] =	ssyncset.done $0x0  }
0x9a: {  	s5 =	simm.s32 $0x40;
	s6 =	simm.s32 $0x0;
	[sflag:s19] =	ssyncadd.s32 $0xFFFFEFC0  }
.LBB2_4:
0x9b: {  	p2 =	sne.s32 s5, $0x9C00;
	[tilespmem:s6+$0x10040] =	vst v1;
	s6 =	smov.u32 s5;
	s5 =	sadd.s32 $0x40, s5  }
.Ltmp3:
0x9c: {  	(pc) =	sbr.rel @p2 .LBB2_4-.Ltmp3, $2  }
0x9d: {  	_ =	sdelay $0x2  }
0x9e: {  	s6 =	sshra.s32 s6, $0x2  }
0x9f: {  	[tilespmem:s6+$0x10040] =	vst v1;
	s5 =	simm.s32 $0x0;
	s4 =	rddreg [dreg:$0xc]  }
0xa0: {  	[tilespmem:s5], [sflag:$0xB] =	stream.linear.gather [hbm4b:s4+s5], $0x4E20, $0x38;
	[tilespmem:$0x1C390] =	vst v63  }
0xa1: {  	_ =	swait.ge [sflag:s19], $0x4E20  }
0xa2: {  	[sflag:s19] =	ssyncset.done $0x0  }
0xa3: {  	s8 =	simm.s32 $0x4E20;
	s7 =	rddreg [dreg:$0xd];
	[sflag:s19] =	ssyncadd.s32 $0xFFFFB1E0  }
0xa4: {  	[tilespmem:s8], [sflag:$0xB] =	stream.linear.gather [hbm4b:s7+s5], $0x4E20, $0x38;
	[tilespmem:$0x1C390] =	vst v63  }
0xa5: {  	_ =	swait.ge [sflag:s19], $0x4E20  }
0xa6: {  	[sflag:s19] =	ssyncset.done $0x0  }
0xa7: {  	[sflag:s19] =	ssyncadd.s32 $0xFFFFB1E0  }
0xa8: {  	[bflag:$0x0] =	sbarrier.arrive $0xFFFF  }
0xa9: {  	[tilespmem:s18], [sflag:$0x1] =	stream.indirect.gather [hbm4b:s14+s21], $0x40, s5, s21, $0xb8;
	[tilespmem:$0x1C390] =	vst v63  }
0xaa: {  	_ = 	snop  }
0xab: {  	[tilespmem:s22], [sflag:$0x2] =	stream.indirect.gather [hbm4b:s14+s21], $0x40, s21, s21, $0xb8;
	[tilespmem:$0x1C390] =	vst v63  }
0xac: {  	s9 =	simm.s32 $0xA0  }
0xad: {  	[tilespmem:s24], [sflag:$0x3] =	stream.indirect.gather [hbm4b:s14+s21], $0x40, s9, s21, $0xb8;
	[tilespmem:$0x1C390] =	vst v63  }
0xae: {  	s10 =	simm.s32 $0xF0  }
0xaf: {  	[tilespmem:s26], [sflag:$0x4] =	stream.indirect.gather [hbm4b:s14+s21], $0x40, s10, s21, $0xb8;
	[tilespmem:$0x1C390] =	vst v63  }
0xb0: {  	s11 =	simm.s32 $0x140;
	s6 =	simm.s32 $0x0  }
0xb1: {  	[tilespmem:s29], [sflag:$0x5] =	stream.indirect.gather [hbm4b:s14+s21], $0x40, s11, s21, $0xb8;
	[tilespmem:$0x1C390] =	vst v63  }
.LBB2_6:
0xb2: {  	_ =	swait.ge [sflag:s30], $0x1400;
	s9 =	simm.s32 $0x4E20  }
0xb3: {  	s7 =	sshra.s32 s5, $0x2;
	[sflag:s30] =	ssyncset.done $0x0;
	s9 =	simm.s32 @!p1 $0x0  }
0xb4: {  	s8 =	sadd.s32 $0x4E20, s7;
	[sflag:s30] =	ssyncadd.s32 $0xFFFFEC00;
	s9 =	sadd.s32 s7, s9  }
0xb5: {  	[spmem:s2] =	stream.indirect.scatter.add.f32 [tilespmem:s18], [sflag:$0x6], $0x40, s8, s21, $0xb8;
	[tilespmem:$0x1C390] =	vst v63  }
0xb6: {  	v2 =	vld [tilespmem:s9+$0x0];
	_ =	sdelay $0x4  }
0xb7: {  	(xrf1) =	vunique.msk.u32 $0xffff, v2;
	_ =	sdelay $0xd  }
0xb8: {  	_, v3, vm0 =	vpop (xrf1);
	_ =	sdelay $0x4  }
0xb9: {  	s9 =	smov.u32 s7  }
0xba: {  	s9 =	smov.u32 @p1 s8;
	[tilespmem:v2+s31+$0x0] =	vst.idx.add.s32.msk vm0, v3  }
0xbb: {  	v2 =	vld [tilespmem:s9+$0x10];
	_ =	sdelay $0x4  }
0xbc: {  	(xrf1) =	vunique.msk.u32 $0xffff, v2;
	_ =	sdelay $0xd  }
0xbd: {  	_, v3, vm0 =	vpop (xrf1);
	_ =	sdelay $0x5  }
0xbe: {  	[tilespmem:v2+s31+$0x0] =	vst.idx.add.s32.msk vm0, v3  }
0xbf: {  	v2 =	vld [tilespmem:s9+$0x20];
	_ =	sdelay $0x4  }
0xc0: {  	(xrf1) =	vunique.msk.u32 $0xffff, v2;
	_ =	sdelay $0xd  }
0xc1: {  	_, v3, vm0 =	vpop (xrf1);
	_ =	sdelay $0x5  }
0xc2: {  	[tilespmem:v2+s31+$0x0] =	vst.idx.add.s32.msk vm0, v3  }
0xc3: {  	v2 =	vld [tilespmem:s9+$0x30];
	_ =	sdelay $0x4  }
0xc4: {  	(xrf1) =	vunique.msk.u32 $0xffff, v2;
	_ =	sdelay $0xd  }
0xc5: {  	_, v3, vm0 =	vpop (xrf1);
	_ =	sdelay $0x5  }
0xc6: {  	[tilespmem:v2+s31+$0x0] =	vst.idx.add.s32.msk vm0, v3  }
0xc7: {  	v2 =	vld [tilespmem:s9+$0x40];
	_ =	sdelay $0x4  }
0xc8: {  	(xrf1) =	vunique.msk.u32 $0xffff, v2;
	_ =	sdelay $0xd  }
0xc9: {  	_, v3, vm0 =	vpop (xrf1);
	_ =	sdelay $0x5  }
0xca: {  	[tilespmem:v2+s31+$0x0] =	vst.idx.add.s32.msk vm0, v3  }
0xcb: {  	_ =	swait.ge [sflag:s1], $0x1400  }
0xcc: {  	[sflag:s1] =	ssyncset.done $0x0  }
0xcd: {  	s10 =	sadd.s32 $0x4E70, s7;
	s9 =	sshra.s32 @p0 s5, $0x2;
	[sflag:s1] =	ssyncadd.s32 $0xFFFFEC00  }
0xce: {  	[spmem:s2] =	stream.indirect.scatter.add.f32 [tilespmem:s22], [sflag:$0x7], $0x40, s10, s21, $0xb8;
	[tilespmem:$0x1C390] =	vst v63  }
0xcf: {  	v2 =	vld @p0 [tilespmem:s9+$0x50];
	_ =	sdelay $0x4  }
0xd0: {  	(xrf1) =	vunique.msk.u32 @p0 $0xffff, v2;
	_ =	sdelay $0xd  }
0xd1: {  	_, v3, vm0 =	vpop @p0 (xrf1);
	_ =	sdelay $0x4  }
0xd2: {  	s10 =	simm.s32 @p0 $0x10040  }
0xd3: {  	[tilespmem:v2+s10+$0x0] =	vst.idx.add.s32.msk @p0 vm0, v3  }
0xd4: {  	v2 =	vld @!p0 [tilespmem:s7+$0x4E70];
	_ =	sdelay $0x4  }
0xd5: {  	(xrf1) =	vunique.msk.u32 @!p0 $0xffff, v2;
	_ =	sdelay $0xd  }
0xd6: {  	_, v3, vm0 =	vpop @!p0 (xrf1);
	_ =	sdelay $0x2  }
0xd7: {  	s11 =	smul.u32 $0x190, s6;
	_ =	sdelay $0x1  }
0xd8: {  	s8 =	sadd.s32 $0x4E20, s11;
	s11 =	simm.s32 @!p0 $0x10040  }
0xd9: {  	s8 =	smov.u32 @p0 s7;
	[tilespmem:v2+s11+$0x0] =	vst.idx.add.s32.msk @!p0 vm0, v3  }
0xda: {  	v2 =	vld [tilespmem:s8+$0x60];
	_ =	sdelay $0x4  }
0xdb: {  	(xrf1) =	vunique.msk.u32 $0xffff, v2;
	_ =	sdelay $0xd  }
0xdc: {  	_, v3, vm0 =	vpop (xrf1);
	_ =	sdelay $0x5  }
0xdd: {  	[tilespmem:v2+s31+$0x0] =	vst.idx.add.s32.msk vm0, v3  }
0xde: {  	v2 =	vld [tilespmem:s8+$0x70];
	_ =	sdelay $0x4  }
0xdf: {  	(xrf1) =	vunique.msk.u32 $0xffff, v2;
	_ =	sdelay $0xd  }
0xe0: {  	_, v3, vm0 =	vpop (xrf1);
	_ =	sdelay $0x5  }
0xe1: {  	[tilespmem:v2+s31+$0x0] =	vst.idx.add.s32.msk vm0, v3  }
0xe2: {  	v2 =	vld [tilespmem:s8+$0x80];
	_ =	sdelay $0x4  }
0xe3: {  	(xrf1) =	vunique.msk.u32 $0xffff, v2;
	_ =	sdelay $0xd  }
0xe4: {  	_, v3, vm0 =	vpop (xrf1);
	_ =	sdelay $0x5  }
0xe5: {  	[tilespmem:v2+s31+$0x0] =	vst.idx.add.s32.msk vm0, v3  }
0xe6: {  	v2 =	vld [tilespmem:s8+$0x90];
	_ =	sdelay $0x4  }
0xe7: {  	(xrf1) =	vunique.msk.u32 $0xffff, v2;
	_ =	sdelay $0xd  }
0xe8: {  	_, v3, vm0 =	vpop (xrf1);
	_ =	sdelay $0x5  }
0xe9: {  	[tilespmem:v2+s31+$0x0] =	vst.idx.add.s32.msk vm0, v3  }
0xea: {  	_ =	swait.ge [sflag:s0], $0x1400  }
0xeb: {  	[sflag:s0] =	ssyncset.done $0x0  }
0xec: {  	s4 =	sadd.s32 $0x4EC0, s7;
	[sflag:s0] =	ssyncadd.s32 $0xFFFFEC00  }
0xed: {  	[spmem:s2] =	stream.indirect.scatter.add.f32 [tilespmem:s24], [sflag:$0x8], $0x40, s4, s21, $0xb8;
	[tilespmem:$0x1C390] =	vst v63  }
0xee: {  	v2 =	vld @p0 [tilespmem:s9+$0xA0];
	_ =	sdelay $0x4  }
0xef: {  	(xrf1) =	vunique.msk.u32 @p0 $0xffff, v2;
	_ =	sdelay $0xd  }
0xf0: {  	_, v3, vm0 =	vpop @p0 (xrf1);
	_ =	sdelay $0x5  }
0xf1: {  	[tilespmem:v2+s10+$0x0] =	vst.idx.add.s32.msk @p0 vm0, v3  }
0xf2: {  	v2 =	vld @!p0 [tilespmem:s7+$0x4EC0];
	_ =	sdelay $0x4  }
0xf3: {  	(xrf1) =	vunique.msk.u32 @!p0 $0xffff, v2;
	_ =	sdelay $0xd  }
0xf4: {  	_, v3, vm0 =	vpop @!p0 (xrf1);
	_ =	sdelay $0x5  }
0xf5: {  	[tilespmem:v2+s11+$0x0] =	vst.idx.add.s32.msk @!p0 vm0, v3  }
0xf6: {  	v2 =	vld [tilespmem:s8+$0xB0];
	_ =	sdelay $0x4  }
0xf7: {  	(xrf1) =	vunique.msk.u32 $0xffff, v2;
	_ =	sdelay $0xd  }
0xf8: {  	_, v3, vm0 =	vpop (xrf1);
	_ =	sdelay $0x5  }
0xf9: {  	[tilespmem:v2+s31+$0x0] =	vst.idx.add.s32.msk vm0, v3  }
0xfa: {  	v2 =	vld [tilespmem:s8+$0xC0];
	_ =	sdelay $0x4  }
0xfb: {  	(xrf1) =	vunique.msk.u32 $0xffff, v2;
	_ =	sdelay $0xd  }
0xfc: {  	_, v3, vm0 =	vpop (xrf1);
	_ =	sdelay $0x5  }
0xfd: {  	[tilespmem:v2+s31+$0x0] =	vst.idx.add.s32.msk vm0, v3  }
0xfe: {  	v2 =	vld [tilespmem:s8+$0xD0];
	_ =	sdelay $0x4  }
0xff: {  	(xrf1) =	vunique.msk.u32 $0xffff, v2;
	_ =	sdelay $0xd  }
0x100: {  	_, v3, vm0 =	vpop (xrf1);
	_ =	sdelay $0x5  }
0x101: {  	[tilespmem:v2+s31+$0x0] =	vst.idx.add.s32.msk vm0, v3  }
0x102: {  	v2 =	vld [tilespmem:s8+$0xE0];
	_ =	sdelay $0x4  }
0x103: {  	(xrf1) =	vunique.msk.u32 $0xffff, v2;
	_ =	sdelay $0xd  }
0x104: {  	_, v3, vm0 =	vpop (xrf1);
	_ =	sdelay $0x5  }
0x105: {  	[tilespmem:v2+s31+$0x0] =	vst.idx.add.s32.msk vm0, v3  }
0x106: {  	_ =	swait.ge [sflag:s20], $0x1400  }
0x107: {  	[sflag:s20] =	ssyncset.done $0x0  }
0x108: {  	s4 =	sadd.s32 $0x4F10, s7;
	[sflag:s20] =	ssyncadd.s32 $0xFFFFEC00  }
0x109: {  	[spmem:s2] =	stream.indirect.scatter.add.f32 [tilespmem:s26], [sflag:$0x9], $0x40, s4, s21, $0xb8;
	[tilespmem:$0x1C390] =	vst v63  }
0x10a: {  	v2 =	vld @p0 [tilespmem:s9+$0xF0];
	_ =	sdelay $0x4  }
0x10b: {  	(xrf1) =	vunique.msk.u32 @p0 $0xffff, v2;
	_ =	sdelay $0xd  }
0x10c: {  	_, v3, vm0 =	vpop @p0 (xrf1);
	_ =	sdelay $0x5  }
0x10d: {  	[tilespmem:v2+s10+$0x0] =	vst.idx.add.s32.msk @p0 vm0, v3  }
0x10e: {  	v2 =	vld @!p0 [tilespmem:s7+$0x4F10];
	_ =	sdelay $0x4  }
0x10f: {  	(xrf1) =	vunique.msk.u32 @!p0 $0xffff, v2;
	_ =	sdelay $0xd  }
0x110: {  	_, v3, vm0 =	vpop @!p0 (xrf1);
	_ =	sdelay $0x5  }
0x111: {  	[tilespmem:v2+s11+$0x0] =	vst.idx.add.s32.msk @!p0 vm0, v3  }
0x112: {  	v2 =	vld [tilespmem:s8+$0x100];
	_ =	sdelay $0x4  }
0x113: {  	(xrf1) =	vunique.msk.u32 $0xffff, v2;
	_ =	sdelay $0xd  }
0x114: {  	_, v3, vm0 =	vpop (xrf1);
	_ =	sdelay $0x5  }
0x115: {  	[tilespmem:v2+s31+$0x0] =	vst.idx.add.s32.msk vm0, v3  }
0x116: {  	v2 =	vld [tilespmem:s8+$0x110];
	_ =	sdelay $0x4  }
0x117: {  	(xrf1) =	vunique.msk.u32 $0xffff, v2;
	_ =	sdelay $0xd  }
0x118: {  	_, v3, vm0 =	vpop (xrf1);
	_ =	sdelay $0x5  }
0x119: {  	[tilespmem:v2+s31+$0x0] =	vst.idx.add.s32.msk vm0, v3  }
0x11a: {  	v2 =	vld [tilespmem:s8+$0x120];
	_ =	sdelay $0x4  }
0x11b: {  	(xrf1) =	vunique.msk.u32 $0xffff, v2;
	_ =	sdelay $0xd  }
0x11c: {  	_, v3, vm0 =	vpop (xrf1);
	_ =	sdelay $0x5  }
0x11d: {  	[tilespmem:v2+s31+$0x0] =	vst.idx.add.s32.msk vm0, v3  }
0x11e: {  	v2 =	vld [tilespmem:s8+$0x130];
	_ =	sdelay $0x4  }
0x11f: {  	(xrf1) =	vunique.msk.u32 $0xffff, v2;
	_ =	sdelay $0xd  }
0x120: {  	_, v3, vm0 =	vpop (xrf1);
	_ =	sdelay $0x5  }
0x121: {  	[tilespmem:v2+s31+$0x0] =	vst.idx.add.s32.msk vm0, v3  }
0x122: {  	_ =	swait.ge [sflag:s23], $0x1400  }
0x123: {  	[sflag:s23] =	ssyncset.done $0x0  }
0x124: {  	s4 =	sadd.s32 $0x4F60, s7;
	[sflag:s23] =	ssyncadd.s32 $0xFFFFEC00  }
0x125: {  	[spmem:s2] =	stream.indirect.scatter.add.f32 [tilespmem:s29], [sflag:$0xA], $0x40, s4, s21, $0xb8;
	[tilespmem:$0x1C390] =	vst v63  }
0x126: {  	v2 =	vld @p0 [tilespmem:s9+$0x140];
	_ =	sdelay $0x4  }
0x127: {  	(xrf1) =	vunique.msk.u32 @p0 $0xffff, v2;
	_ =	sdelay $0xd  }
0x128: {  	_, v3, vm0 =	vpop @p0 (xrf1);
	_ =	sdelay $0x5  }
0x129: {  	[tilespmem:v2+s10+$0x0] =	vst.idx.add.s32.msk @p0 vm0, v3  }
0x12a: {  	v2 =	vld @!p0 [tilespmem:s7+$0x4F60];
	_ =	sdelay $0x4  }
0x12b: {  	(xrf1) =	vunique.msk.u32 @!p0 $0xffff, v2;
	_ =	sdelay $0xd  }
0x12c: {  	_, v3, vm0 =	vpop @!p0 (xrf1);
	_ =	sdelay $0x5  }
0x12d: {  	[tilespmem:v2+s11+$0x0] =	vst.idx.add.s32.msk @!p0 vm0, v3  }
0x12e: {  	v2 =	vld [tilespmem:s8+$0x150];
	_ =	sdelay $0x4  }
0x12f: {  	(xrf1) =	vunique.msk.u32 $0xffff, v2;
	_ =	sdelay $0xd  }
0x130: {  	_, v3, vm0 =	vpop (xrf1);
	_ =	sdelay $0x5  }
0x131: {  	[tilespmem:v2+s31+$0x0] =	vst.idx.add.s32.msk vm0, v3  }
0x132: {  	v2 =	vld [tilespmem:s8+$0x160];
	_ =	sdelay $0x4  }
0x133: {  	(xrf1) =	vunique.msk.u32 $0xffff, v2;
	_ =	sdelay $0xd  }
0x134: {  	_, v3, vm0 =	vpop (xrf1);
	_ =	sdelay $0x5  }
0x135: {  	[tilespmem:v2+s31+$0x0] =	vst.idx.add.s32.msk vm0, v3  }
0x136: {  	v2 =	vld [tilespmem:s8+$0x170];
	_ =	sdelay $0x4  }
0x137: {  	(xrf1) =	vunique.msk.u32 $0xffff, v2;
	_ =	sdelay $0xd  }
0x138: {  	_, v3, vm0 =	vpop (xrf1);
	_ =	sdelay $0x5  }
0x139: {  	[tilespmem:v2+s31+$0x0] =	vst.idx.add.s32.msk vm0, v3  }
0x13a: {  	v2 =	vld [tilespmem:s8+$0x180];
	_ =	sdelay $0x4  }
0x13b: {  	(xrf1) =	vunique.msk.u32 $0xffff, v2;
	_ =	sdelay $0xd  }
0x13c: {  	_, v3, vm0 =	vpop (xrf1);
	_ =	sdelay $0x3  }
0x13d: {  	p2 =	seq.s32 s5, $0x13240  }
.Ltmp4:
0x13e: {  	_ = 	snop;
	(pc) =	sbr.rel @p2 .LBB2_8-.Ltmp4, $4  }
0x13f: {  	[tilespmem:v2+s31+$0x0] =	vst.idx.add.s32.msk vm0, v3  }
0x140: {  	_ =	swait.ge [sflag:s25], $0x1400  }
0x141: {  	[sflag:s25] =	ssyncset.done $0x0  }
0x142: {  	[sflag:s25] =	ssyncadd.s32 $0xFFFFEC00  }
0x143: {  	s4 =	sadd.s32 $0x190, s7  }
0x144: {  	[tilespmem:s18], [sflag:$0x1] =	stream.indirect.gather [hbm4b:s14+s21], $0x40, s4, s21, $0xb8;
	[tilespmem:$0x1C390] =	vst v63  }
0x145: {  	_ =	swait.ge [sflag:s28], $0x1400  }
0x146: {  	[sflag:s28] =	ssyncset.done $0x0  }
0x147: {  	s8 =	sadd.s32 $0x1E0, s7;
	[sflag:s28] =	ssyncadd.s32 $0xFFFFEC00  }
0x148: {  	[tilespmem:s22], [sflag:$0x2] =	stream.indirect.gather [hbm4b:s14+s21], $0x40, s8, s21, $0xb8;
	[tilespmem:$0x1C390] =	vst v63  }
0x149: {  	_ =	swait.ge [sflag:s12], $0x1400  }
0x14a: {  	[sflag:s12] =	ssyncset.done $0x0  }
0x14b: {  	s9 =	sadd.s32 $0x230, s7;
	[sflag:s12] =	ssyncadd.s32 $0xFFFFEC00  }
0x14c: {  	[tilespmem:s24], [sflag:$0x3] =	stream.indirect.gather [hbm4b:s14+s21], $0x40, s9, s21, $0xb8;
	[tilespmem:$0x1C390] =	vst v63  }
0x14d: {  	_ =	swait.ge [sflag:s13], $0x1400  }
0x14e: {  	[sflag:s13] =	ssyncset.done $0x0  }
0x14f: {  	s10 =	sadd.s32 $0x280, s7;
	[sflag:s13] =	ssyncadd.s32 $0xFFFFEC00  }
0x150: {  	[tilespmem:s26], [sflag:$0x4] =	stream.indirect.gather [hbm4b:s14+s21], $0x40, s10, s21, $0xb8;
	[tilespmem:$0x1C390] =	vst v63  }
.Ltmp5:
0x151: {  	_ = 	snop;
	(pc) =	sbr.rel .LBB2_6-.Ltmp5, $4  }
0x152: {  	_ =	swait.ge [sflag:s16], $0x1400  }
0x153: {  	s11 =	sadd.s32 $0x2D0, s7;
	[sflag:s16] =	ssyncset.done $0x0  }
0x154: {  	s6 =	sadd.s32 $0x1, s6;
	s5 =	sadd.s32 $0x640, s5;
	[sflag:s16] =	ssyncadd.s32 $0xFFFFEC00  }
0x155: {  	[tilespmem:s29], [sflag:$0x5] =	stream.indirect.gather [hbm4b:s14+s21], $0x40, s11, s21, $0xb8;
	[tilespmem:$0x1C390] =	vst v63  }
.LBB2_9:
0x156: {  	_ =	sfence.sel $0x180000  }
0x157: {  	[bflag:$0x0] =	sbarrier.arrive $0xFFFF  }
0x158: {  	_ =	strace $0x90000047  }
0x159: {  	s0 =	stileid.u32;
	[bflag:$0x2] =	sbarrier.arrive $0xFFFF  }
0x15a: {  	p0 =	sne.s32 s0, $0x0;
	s0 =	rddreg [dreg:$0x3]  }
0x15b: {  	s0 =	sadd.s32 @!p0 $0x100000, s0  }
0x15c: {  	[sflag:s0] =	ssyncadd.tile.s32 @!p0 $0x1;
	_ =	shalt  }
.Lfunc_end2:
_tile_overlayer_lowered:
.L_overlay_start_2:
0x15d: {  	(tag) =	ssettag $0x2  }
0x15e: {  	s0 =	rddreg [dreg:$0x0];
	s2 =	stileid.u32  }
0x15f: {  	s1 =	rddreg [dreg:$0x1];
	p0 =	sne.s32 s2, $0x0  }
0x160: {  	s3 =	rddreg [dreg:$0x2];
	[bflag:$0x3] =	sbarrier.arrive $0xFFFF;
	s2 =	simm.s32 @!p0 $0x1C0B  }
0x161: {  	[timem:s3], [sflag:s2] =	dma.local @!p0 [hbm:s0], s1  }
0x162: {  	s0 =	simm.s32 @!p0 $0xB  }
0x163: {  	_ =	swait.ge @!p0 [sflag:s0], s1  }
0x164: {  	s1 =	ssub.s32 @!p0 $0x0, s1;
	[sflag:s0] =	ssyncset.done @!p0 $0x0  }
0x165: {  	[sflag:s0] =	ssyncadd.s32 @!p0 s1  }
0x166: {  	[bflag:$0x3] =	sbarrier.arrive $0xFFFF  }
0x167: {  	_ =	shalt  }

</sc_bundles>
